<compile_context>
chip_gen: v7x
topology: tpu7x:2x2x1
jax: 0.10.2.dev20260603
libtpu: 0.0.44.dev20260713+nightly
codegen_flags: <defaults>
</compile_context>

<pallas_src>
import functools

import jax
import jax.numpy as jnp
from jax import lax
from jax.experimental import pallas as pl
from jax.experimental.pallas import tpu as pltpu
from jax.experimental.pallas import tpu_sc as plsc

N_ROWS = 1_000_000
NW = 32
ROWS_W = 31_248
TAIL_ROW0 = NW * ROWS_W
TAIL_ROWS = N_ROWS - TAIL_ROW0
CHUNK = 4_000
NFULL = 7
LAST = ROWS_W - NFULL * CHUNK
EPS = 1e-7

_mesh = plsc.VectorSubcoreMesh(core_axis_name="c", subcore_axis_name="s")


def _sc_body(d0_hbm, d1_hbm, d2_hbm, d3_hbm, lab_hbm, out_hbm,
             dv, labv, part_v, sem0, sem1):
    wid = lax.axis_index("s") * 2 + lax.axis_index("c")
    base_row = pl.multiple_of(wid * ROWS_W, 8)
    d_hbms = (d0_hbm, d1_hbm, d2_hbm, d3_hbm)
    sems = (sem0, sem1)

    zero = jnp.zeros((16,), jnp.float32)
    acc = (zero, zero, zero)

    schedule = [(base_row + i * CHUNK, CHUNK, False) for i in range(NFULL)]
    schedule.append((base_row + NFULL * CHUNK, LAST, False))
    schedule.append((TAIL_ROW0, TAIL_ROWS, True))

    def start_chunk(slot, row0, nrows):
        handles = []
        for c in range(4):
            h = pltpu.make_async_copy(
                d_hbms[c].at[pl.ds(row0, nrows)],
                dv.at[slot, c, pl.ds(0, nrows)],
                sems[slot])
            h.start()
            handles.append(h)
        h = pltpu.make_async_copy(
            lab_hbm.at[pl.ds(row0, nrows)],
            labv.at[slot, pl.ds(0, nrows)],
            sems[slot])
        h.start()
        handles.append(h)
        return handles

    tail_scale = jnp.where(wid == NW - 1, 1.0, 0.0)

    def compute_chunk(slot, nrows, acc, is_tail):
        def body(u, acc):
            aa, av, ap = acc
            u16 = u * 16
            lab16 = labv[slot, pl.ds(u16, 16)]
            one = tail_scale if is_tail else 1.0
            av = av + jnp.where(lab16 != -1, one, 0.0)
            ap = ap + jnp.where(lab16 == 1, one, 0.0)
            ysum = None
            for c in range(4):
                x = dv[slot, c, pl.ds(u16, 16)]
                ax = jnp.abs(x)
                m = jnp.minimum(ax, 1.0)
                y = m * (ax - 0.5 * m)
                ysum = y if ysum is None else ysum + y
            if is_tail:
                ysum = ysum * tail_scale
            aa = aa + jnp.where(lab16 == 1, ysum, 0.0)
            return aa, av, ap

        return plsc.parallel_loop(0, nrows // 16, carry=acc, unroll=4)(body)

    inflight = start_chunk(0, *schedule[0][:2])
    for i, (row0, nrows, is_tail) in enumerate(schedule):
        slot = i % 2
        nxt = schedule[i + 1] if i + 1 < len(schedule) else None
        if nxt is not None:
            nxt_handles = start_chunk(1 - slot, *nxt[:2])
        for h in inflight:
            h.wait()
        acc = compute_chunk(slot, nrows, acc, is_tail)
        if nxt is not None:
            inflight = nxt_handles

    part_v[0, :] = acc[0]
    part_v[1, :] = acc[1]
    part_v[2, :] = acc[2]
    pltpu.sync_copy(part_v, out_hbm.at[wid])


_sc_partials = pl.kernel(
    _sc_body,
    out_type=jax.ShapeDtypeStruct((NW, 3, 16), jnp.float32),
    mesh=_mesh,
    compiler_params=pltpu.CompilerParams(
        needs_layout_passes=False, use_tc_tiling_on_sc=False),
    scratch_types=[
        pltpu.VMEM((2, 4, CHUNK), jnp.float32),
        pltpu.VMEM((2, CHUNK), jnp.int32),
        pltpu.VMEM((3, 16), jnp.float32),
        pltpu.SemaphoreType.DMA,
        pltpu.SemaphoreType.DMA,
    ],
)


def _combine_body(p_ref, o_ref):
    p = p_ref[...]
    a = jnp.sum(p[:, 0, :])
    nv = jnp.sum(p[:, 1, :])
    npos = jnp.sum(p[:, 2, :])
    o_ref[0, 0] = a / (EPS * nv + npos)


_combine = pl.pallas_call(
    _combine_body,
    out_shape=jax.ShapeDtypeStruct((1, 1), jnp.float32),
    out_specs=pl.BlockSpec(memory_space=pltpu.SMEM),
)


@jax.jit
def kernel(rpn_bbox_targets, rpn_regression, rpn_labels):
    lab = rpn_labels.astype(jnp.int32)
    ds = [rpn_bbox_targets[:, c] - rpn_regression[:, c] for c in range(4)]
    partials = _sc_partials(ds[0], ds[1], ds[2], ds[3], lab)
    loss = _combine(partials)[0, 0]
    reg_out = rpn_regression + 0.0 * rpn_regression
    return reg_out, loss

# --- scband reference (transcript-rebuilt; emitter-appended) ---
"""Pipeline reference for scband-regression-loss-1013612282231 (READ-ONLY COPY).

The authoritative reference and input builder live on the scoring server;
editing this copy changes nothing except your own understanding.
"""

import jax, jax.numpy as jnp
import numpy as np

N = 1000000

def setup_inputs(seed: int = 0) -> dict:
    key = jax.random.key(seed)
    k1, k2, k3 = jax.random.split(key, 3)
    rpn_bbox_targets = jax.random.normal(k1, (N, 4), dtype=jnp.float32)
    rpn_regression = jax.random.normal(k2, (N, 4), dtype=jnp.float32)
    # labels in {-1 (ignore), 0 (negative), 1 (positive)}
    rpn_labels = jax.random.randint(k3, (N,), -1, 2).astype(jnp.int64)
    return {
        "rpn_bbox_targets": rpn_bbox_targets,
        "rpn_regression": rpn_regression,
        "rpn_labels": rpn_labels,
    }


def compute_loss(rpn_bbox_targets, rpn_regression, rpn_labels):
    eps = 1e-7
    reg = jnp.reshape(rpn_regression, (-1, 4))
    valid = rpn_labels != -1
    x = rpn_bbox_targets - reg
    mask = (jnp.abs(x) <= 1.0).astype(jnp.float32)
    a_x = (valid & (rpn_labels != 0)).astype(jnp.float32)
    a_y = mask * (0.5 * x * x) + (1.0 - mask) * (jnp.abs(x) - 0.5)
    a = jnp.matmul(a_x[None, :], a_y)
    a = jnp.sum(a)
    b = jnp.sum(jnp.where(valid, eps + a_x, jnp.zeros_like(a_x)))
    return 1.0 * (a / b)


def reference(rpn_bbox_targets, rpn_regression, rpn_labels):
    loss = compute_loss(rpn_bbox_targets, rpn_regression, rpn_labels)
    # Keras layer returns inputs[1] (pass-through) and registers loss via add_loss;
    # we return both so the loss value is observable.
    return rpn_regression, loss

if __name__ == "__main__":
    import jax
    _d = setup_inputs()
    print(jax.jit(kernel)(*tuple(_d.values())))

</pallas_src>

<mosaic_0001>
#map = affine_map<(d0, d1) -> (0)>
#map1 = affine_map<(d0, d1) -> (0, 0, 0)>
module attributes {stable_mosaic.version = 14 : i64} {
  func.func @_sc_body(%arg0: i32, %arg1: i32, %arg2: memref<1000000xf32, #tpu.memory_space<hbm>>, %arg3: memref<1000000xf32, #tpu.memory_space<hbm>>, %arg4: memref<1000000xf32, #tpu.memory_space<hbm>>, %arg5: memref<1000000xf32, #tpu.memory_space<hbm>>, %arg6: memref<1000000xi32, #tpu.memory_space<hbm>>, %arg7: memref<32x3x16xf32, #tpu.memory_space<hbm>>, %arg8: memref<2x4x4000xf32, #tpu.memory_space<vmem>>, %arg9: memref<2x4000xi32, #tpu.memory_space<vmem>>, %arg10: memref<3x16xf32, #tpu.memory_space<vmem>>, %arg11: memref<!tpu.dma_semaphore, #tpu.memory_space<semaphore_mem>>, %arg12: memref<!tpu.dma_semaphore, #tpu.memory_space<semaphore_mem>>) attributes {dimension_semantics = [#tpu.dimension_semantics<core_parallel>, #tpu.dimension_semantics<subcore_parallel>], iteration_bounds = array<i64: 2, 16>, scalar_prefetch = 0 : i64, scratch_operands = 5 : i64, tpu.core_type = #tpu.core_type<sc_vector_subcore>, window_params = [{transform_indices = #map}, {transform_indices = #map}, {transform_indices = #map}, {transform_indices = #map}, {transform_indices = #map}, {transform_indices = #map1}]} {
    %mul3A = arith.constant 2 : i32
    %mul3A_0 = arith.muli %arg1, %mul3A : i32
    %add3A = arith.addi %mul3A_0, %arg0 : i32
    %mul3A_1 = arith.constant 31248 : i32
    %mul3A_2 = arith.muli %add3A, %mul3A_1 : i32
    %multiple_of3A = tpu.assume_multiple %mul3A_2, 8 : i32
    %broadcast_in_dim3A = arith.constant 0.000000e+00 : f32
    %broadcast_in_dim3A_3 = vector.broadcast %broadcast_in_dim3A : f32 to vector<16xf32>
    %add3A_4 = arith.constant 0 : i32
    %add3A_5 = arith.addi %multiple_of3A, %add3A_4 : i32
    %add3A_6 = arith.constant 4000 : i32
    %add3A_7 = arith.addi %multiple_of3A, %add3A_6 : i32
    %add3A_8 = arith.constant 8000 : i32
    %add3A_9 = arith.addi %multiple_of3A, %add3A_8 : i32
    %add3A_10 = arith.constant 12000 : i32
    %add3A_11 = arith.addi %multiple_of3A, %add3A_10 : i32
    %add3A_12 = arith.constant 16000 : i32
    %add3A_13 = arith.addi %multiple_of3A, %add3A_12 : i32
    %add3A_14 = arith.constant 20000 : i32
    %add3A_15 = arith.addi %multiple_of3A, %add3A_14 : i32
    %add3A_16 = arith.constant 24000 : i32
    %add3A_17 = arith.addi %multiple_of3A, %add3A_16 : i32
    %add3A_18 = arith.constant 28000 : i32
    %add3A_19 = arith.addi %multiple_of3A, %add3A_18 : i32
    %eq3A = arith.constant 31 : i32
    %eq3A_20 = arith.cmpi eq, %add3A, %eq3A : i32
    %jit3A = arith.constant 1.000000e+00 : f32
    %jit3A_21 = arith.constant 0.000000e+00 : f32
    %select_n3A = arith.select %eq3A_20, %jit3A, %jit3A_21 : f32
    %dma_start3A = arith.constant 0 : i32
    %dma_start3A_22 = arith.constant 0 : i32
    %dma_start3A_23 = arith.constant 0 : i32
    %dma_start3A_24 = tpu.memref_slice %arg8[%dma_start3A, %dma_start3A_22, %dma_start3A_23] : memref<2x4x4000xf32, #tpu.memory_space<vmem>> -> memref<1x1x4000xf32, #tpu.memory_space<vmem>>
    %dma_start3A_25 = tpu.memref_squeeze %dma_start3A_24 : memref<1x1x4000xf32, #tpu.memory_space<vmem>> -> memref<4000xf32, #tpu.memory_space<vmem>>
    %dma_start3A_26 = tpu.memref_slice %arg2[%add3A_5] : memref<1000000xf32, #tpu.memory_space<hbm>> -> memref<4000xf32, #tpu.memory_space<hbm>>
    %dma_start3A_27 = arith.constant 0 : i32
    %dma_start3A_28 = tpu.memref_slice %arg8[%dma_start3A, %dma_start3A_22, %dma_start3A_27] : memref<2x4x4000xf32, #tpu.memory_space<vmem>> -> memref<1x1x4000xf32, #tpu.memory_space<vmem>>
    %dma_start3A_29 = tpu.memref_squeeze %dma_start3A_28 : memref<1x1x4000xf32, #tpu.memory_space<vmem>> -> memref<4000xf32, #tpu.memory_space<vmem>>
    %dma_start3A_30 = tpu.memref_slice %arg2[%add3A_5] : memref<1000000xf32, #tpu.memory_space<hbm>> -> memref<4000xf32, #tpu.memory_space<hbm>>
    tpu.enqueue_dma source(%dma_start3A_30 : memref<4000xf32, #tpu.memory_space<hbm>>) target(%dma_start3A_29 : memref<4000xf32, #tpu.memory_space<vmem>>) target_semaphore(%arg11 : memref<!tpu.dma_semaphore, #tpu.memory_space<semaphore_mem>>)
    %dma_start3A_31 = arith.constant 0 : i32
    %dma_start3A_32 = arith.constant 1 : i32
    %dma_start3A_33 = arith.constant 0 : i32
    %dma_start3A_34 = tpu.memref_slice %arg8[%dma_start3A_31, %dma_start3A_32, %dma_start3A_33] : memref<2x4x4000xf32, #tpu.memory_space<vmem>> -> memref<1x1x4000xf32, #tpu.memory_space<vmem>>
    %dma_start3A_35 = tpu.memref_squeeze %dma_start3A_34 : memref<1x1x4000xf32, #tpu.memory_space<vmem>> -> memref<4000xf32, #tpu.memory_space<vmem>>
    %dma_start3A_36 = tpu.memref_slice %arg3[%add3A_5] : memref<1000000xf32, #tpu.memory_space<hbm>> -> memref<4000xf32, #tpu.memory_space<hbm>>
    %dma_start3A_37 = arith.constant 0 : i32
    %dma_start3A_38 = tpu.memref_slice %arg8[%dma_start3A_31, %dma_start3A_32, %dma_start3A_37] : memref<2x4x4000xf32, #tpu.memory_space<vmem>> -> memref<1x1x4000xf32, #tpu.memory_space<vmem>>
    %dma_start3A_39 = tpu.memref_squeeze %dma_start3A_38 : memref<1x1x4000xf32, #tpu.memory_space<vmem>> -> memref<4000xf32, #tpu.memory_space<vmem>>
    %dma_start3A_40 = tpu.memref_slice %arg3[%add3A_5] : memref<1000000xf32, #tpu.memory_space<hbm>> -> memref<4000xf32, #tpu.memory_space<hbm>>
    tpu.enqueue_dma source(%dma_start3A_40 : memref<4000xf32, #tpu.memory_space<hbm>>) target(%dma_start3A_39 : memref<4000xf32, #tpu.memory_space<vmem>>) target_semaphore(%arg11 : memref<!tpu.dma_semaphore, #tpu.memory_space<semaphore_mem>>)
    %dma_start3A_41 = arith.constant 0 : i32
    %dma_start3A_42 = arith.constant 2 : i32
    %dma_start3A_43 = arith.constant 0 : i32
    %dma_start3A_44 = tpu.memref_slice %arg8[%dma_start3A_41, %dma_start3A_42, %dma_start3A_43] : memref<2x4x4000xf32, #tpu.memory_space<vmem>> -> memref<1x1x4000xf32, #tpu.memory_space<vmem>>
    %dma_start3A_45 = tpu.memref_squeeze %dma_start3A_44 : memref<1x1x4000xf32, #tpu.memory_space<vmem>> -> memref<4000xf32, #tpu.memory_space<vmem>>
    %dma_start3A_46 = tpu.memref_slice %arg4[%add3A_5] : memref<1000000xf32, #tpu.memory_space<hbm>> -> memref<4000xf32, #tpu.memory_space<hbm>>
    %dma_start3A_47 = arith.constant 0 : i32
    %dma_start3A_48 = tpu.memref_slice %arg8[%dma_start3A_41, %dma_start3A_42, %dma_start3A_47] : memref<2x4x4000xf32, #tpu.memory_space<vmem>> -> memref<1x1x4000xf32, #tpu.memory_space<vmem>>
    %dma_start3A_49 = tpu.memref_squeeze %dma_start3A_48 : memref<1x1x4000xf32, #tpu.memory_space<vmem>> -> memref<4000xf32, #tpu.memory_space<vmem>>
    %dma_start3A_50 = tpu.memref_slice %arg4[%add3A_5] : memref<1000000xf32, #tpu.memory_space<hbm>> -> memref<4000xf32, #tpu.memory_space<hbm>>
    tpu.enqueue_dma source(%dma_start3A_50 : memref<4000xf32, #tpu.memory_space<hbm>>) target(%dma_start3A_49 : memref<4000xf32, #tpu.memory_space<vmem>>) target_semaphore(%arg11 : memref<!tpu.dma_semaphore, #tpu.memory_space<semaphore_mem>>)
    %dma_start3A_51 = arith.constant 0 : i32
    %dma_start3A_52 = arith.constant 3 : i32
    %dma_start3A_53 = arith.constant 0 : i32
    %dma_start3A_54 = tpu.memref_slice %arg8[%dma_start3A_51, %dma_start3A_52, %dma_start3A_53] : memref<2x4x4000xf32, #tpu.memory_space<vmem>> -> memref<1x1x4000xf32, #tpu.memory_space<vmem>>
    %dma_start3A_55 = tpu.memref_squeeze %dma_start3A_54 : memref<1x1x4000xf32, #tpu.memory_space<vmem>> -> memref<4000xf32, #tpu.memory_space<vmem>>
    %dma_start3A_56 = tpu.memref_slice %arg5[%add3A_5] : memref<1000000xf32, #tpu.memory_space<hbm>> -> memref<4000xf32, #tpu.memory_space<hbm>>
    %dma_start3A_57 = arith.constant 0 : i32
    %dma_start3A_58 = tpu.memref_slice %arg8[%dma_start3A_51, %dma_start3A_52, %dma_start3A_57] : memref<2x4x4000xf32, #tpu.memory_space<vmem>> -> memref<1x1x4000xf32, #tpu.memory_space<vmem>>
    %dma_start3A_59 = tpu.memref_squeeze %dma_start3A_58 : memref<1x1x4000xf32, #tpu.memory_space<vmem>> -> memref<4000xf32, #tpu.memory_space<vmem>>
    %dma_start3A_60 = tpu.memref_slice %arg5[%add3A_5] : memref<1000000xf32, #tpu.memory_space<hbm>> -> memref<4000xf32, #tpu.memory_space<hbm>>
    tpu.enqueue_dma source(%dma_start3A_60 : memref<4000xf32, #tpu.memory_space<hbm>>) target(%dma_start3A_59 : memref<4000xf32, #tpu.memory_space<vmem>>) target_semaphore(%arg11 : memref<!tpu.dma_semaphore, #tpu.memory_space<semaphore_mem>>)
    %dma_start3A_61 = arith.constant 0 : i32
    %dma_start3A_62 = arith.constant 0 : i32
    %dma_start3A_63 = tpu.memref_slice %arg9[%dma_start3A_61, %dma_start3A_62] : memref<2x4000xi32, #tpu.memory_space<vmem>> -> memref<1x4000xi32, #tpu.memory_space<vmem>>
    %dma_start3A_64 = tpu.memref_squeeze %dma_start3A_63 : memref<1x4000xi32, #tpu.memory_space<vmem>> -> memref<4000xi32, #tpu.memory_space<vmem>>
    %dma_start3A_65 = tpu.memref_slice %arg6[%add3A_5] : memref<1000000xi32, #tpu.memory_space<hbm>> -> memref<4000xi32, #tpu.memory_space<hbm>>
    %dma_start3A_66 = arith.constant 0 : i32
    %dma_start3A_67 = tpu.memref_slice %arg9[%dma_start3A_61, %dma_start3A_66] : memref<2x4000xi32, #tpu.memory_space<vmem>> -> memref<1x4000xi32, #tpu.memory_space<vmem>>
    %dma_start3A_68 = tpu.memref_squeeze %dma_start3A_67 : memref<1x4000xi32, #tpu.memory_space<vmem>> -> memref<4000xi32, #tpu.memory_space<vmem>>
    %dma_start3A_69 = tpu.memref_slice %arg6[%add3A_5] : memref<1000000xi32, #tpu.memory_space<hbm>> -> memref<4000xi32, #tpu.memory_space<hbm>>
    tpu.enqueue_dma source(%dma_start3A_69 : memref<4000xi32, #tpu.memory_space<hbm>>) target(%dma_start3A_68 : memref<4000xi32, #tpu.memory_space<vmem>>) target_semaphore(%arg11 : memref<!tpu.dma_semaphore, #tpu.memory_space<semaphore_mem>>)
    %dma_start3A_70 = arith.constant 1 : i32
    %dma_start3A_71 = arith.constant 0 : i32
    %dma_start3A_72 = arith.constant 0 : i32
    %dma_start3A_73 = tpu.memref_slice %arg8[%dma_start3A_70, %dma_start3A_71, %dma_start3A_72] : memref<2x4x4000xf32, #tpu.memory_space<vmem>> -> memref<1x1x4000xf32, #tpu.memory_space<vmem>>
    %dma_start3A_74 = tpu.memref_squeeze %dma_start3A_73 : memref<1x1x4000xf32, #tpu.memory_space<vmem>> -> memref<4000xf32, #tpu.memory_space<vmem>>
    %dma_start3A_75 = tpu.memref_slice %arg2[%add3A_7] : memref<1000000xf32, #tpu.memory_space<hbm>> -> memref<4000xf32, #tpu.memory_space<hbm>>
    %dma_start3A_76 = arith.constant 0 : i32
    %dma_start3A_77 = tpu.memref_slice %arg8[%dma_start3A_70, %dma_start3A_71, %dma_start3A_76] : memref<2x4x4000xf32, #tpu.memory_space<vmem>> -> memref<1x1x4000xf32, #tpu.memory_space<vmem>>
    %dma_start3A_78 = tpu.memref_squeeze %dma_start3A_77 : memref<1x1x4000xf32, #tpu.memory_space<vmem>> -> memref<4000xf32, #tpu.memory_space<vmem>>
    %dma_start3A_79 = tpu.memref_slice %arg2[%add3A_7] : memref<1000000xf32, #tpu.memory_space<hbm>> -> memref<4000xf32, #tpu.memory_space<hbm>>
    tpu.enqueue_dma source(%dma_start3A_79 : memref<4000xf32, #tpu.memory_space<hbm>>) target(%dma_start3A_78 : memref<4000xf32, #tpu.memory_space<vmem>>) target_semaphore(%arg12 : memref<!tpu.dma_semaphore, #tpu.memory_space<semaphore_mem>>)
    %dma_start3A_80 = arith.constant 1 : i32
    %dma_start3A_81 = arith.constant 1 : i32
    %dma_start3A_82 = arith.constant 0 : i32
    %dma_start3A_83 = tpu.memref_slice %arg8[%dma_start3A_80, %dma_start3A_81, %dma_start3A_82] : memref<2x4x4000xf32, #tpu.memory_space<vmem>> -> memref<1x1x4000xf32, #tpu.memory_space<vmem>>
    %dma_start3A_84 = tpu.memref_squeeze %dma_start3A_83 : memref<1x1x4000xf32, #tpu.memory_space<vmem>> -> memref<4000xf32, #tpu.memory_space<vmem>>
    %dma_start3A_85 = tpu.memref_slice %arg3[%add3A_7] : memref<1000000xf32, #tpu.memory_space<hbm>> -> memref<4000xf32, #tpu.memory_space<hbm>>
    %dma_start3A_86 = arith.constant 0 : i32
    %dma_start3A_87 = tpu.memref_slice %arg8[%dma_start3A_80, %dma_start3A_81, %dma_start3A_86] : memref<2x4x4000xf32, #tpu.memory_space<vmem>> -> memref<1x1x4000xf32, #tpu.memory_space<vmem>>
    %dma_start3A_88 = tpu.memref_squeeze %dma_start3A_87 : memref<1x1x4000xf32, #tpu.memory_space<vmem>> -> memref<4000xf32, #tpu.memory_space<vmem>>
    %dma_start3A_89 = tpu.memref_slice %arg3[%add3A_7] : memref<1000000xf32, #tpu.memory_space<hbm>> -> memref<4000xf32, #tpu.memory_space<hbm>>
    tpu.enqueue_dma source(%dma_start3A_89 : memref<4000xf32, #tpu.memory_space<hbm>>) target(%dma_start3A_88 : memref<4000xf32, #tpu.memory_space<vmem>>) target_semaphore(%arg12 : memref<!tpu.dma_semaphore, #tpu.memory_space<semaphore_mem>>)
    %dma_start3A_90 = arith.constant 1 : i32
    %dma_start3A_91 = arith.constant 2 : i32
    %dma_start3A_92 = arith.constant 0 : i32
    %dma_start3A_93 = tpu.memref_slice %arg8[%dma_start3A_90, %dma_start3A_91, %dma_start3A_92] : memref<2x4x4000xf32, #tpu.memory_space<vmem>> -> memref<1x1x4000xf32, #tpu.memory_space<vmem>>
    %dma_start3A_94 = tpu.memref_squeeze %dma_start3A_93 : memref<1x1x4000xf32, #tpu.memory_space<vmem>> -> memref<4000xf32, #tpu.memory_space<vmem>>
    %dma_start3A_95 = tpu.memref_slice %arg4[%add3A_7] : memref<1000000xf32, #tpu.memory_space<hbm>> -> memref<4000xf32, #tpu.memory_space<hbm>>
    %dma_start3A_96 = arith.constant 0 : i32
    %dma_start3A_97 = tpu.memref_slice %arg8[%dma_start3A_90, %dma_start3A_91, %dma_start3A_96] : memref<2x4x4000xf32, #tpu.memory_space<vmem>> -> memref<1x1x4000xf32, #tpu.memory_space<vmem>>
    %dma_start3A_98 = tpu.memref_squeeze %dma_start3A_97 : memref<1x1x4000xf32, #tpu.memory_space<vmem>> -> memref<4000xf32, #tpu.memory_space<vmem>>
    %dma_start3A_99 = tpu.memref_slice %arg4[%add3A_7] : memref<1000000xf32, #tpu.memory_space<hbm>> -> memref<4000xf32, #tpu.memory_space<hbm>>
    tpu.enqueue_dma source(%dma_start3A_99 : memref<4000xf32, #tpu.memory_space<hbm>>) target(%dma_start3A_98 : memref<4000xf32, #tpu.memory_space<vmem>>) target_semaphore(%arg12 : memref<!tpu.dma_semaphore, #tpu.memory_space<semaphore_mem>>)
    %dma_start3A_100 = arith.constant 1 : i32
    %dma_start3A_101 = arith.constant 3 : i32
    %dma_start3A_102 = arith.constant 0 : i32
    %dma_start3A_103 = tpu.memref_slice %arg8[%dma_start3A_100, %dma_start3A_101, %dma_start3A_102] : memref<2x4x4000xf32, #tpu.memory_space<vmem>> -> memref<1x1x4000xf32, #tpu.memory_space<vmem>>
    %dma_start3A_104 = tpu.memref_squeeze %dma_start3A_103 : memref<1x1x4000xf32, #tpu.memory_space<vmem>> -> memref<4000xf32, #tpu.memory_space<vmem>>
    %dma_start3A_105 = tpu.memref_slice %arg5[%add3A_7] : memref<1000000xf32, #tpu.memory_space<hbm>> -> memref<4000xf32, #tpu.memory_space<hbm>>
    %dma_start3A_106 = arith.constant 0 : i32
    %dma_start3A_107 = tpu.memref_slice %arg8[%dma_start3A_100, %dma_start3A_101, %dma_start3A_106] : memref<2x4x4000xf32, #tpu.memory_space<vmem>> -> memref<1x1x4000xf32, #tpu.memory_space<vmem>>
    %dma_start3A_108 = tpu.memref_squeeze %dma_start3A_107 : memref<1x1x4000xf32, #tpu.memory_space<vmem>> -> memref<4000xf32, #tpu.memory_space<vmem>>
    %dma_start3A_109 = tpu.memref_slice %arg5[%add3A_7] : memref<1000000xf32, #tpu.memory_space<hbm>> -> memref<4000xf32, #tpu.memory_space<hbm>>
    tpu.enqueue_dma source(%dma_start3A_109 : memref<4000xf32, #tpu.memory_space<hbm>>) target(%dma_start3A_108 : memref<4000xf32, #tpu.memory_space<vmem>>) target_semaphore(%arg12 : memref<!tpu.dma_semaphore, #tpu.memory_space<semaphore_mem>>)
    %dma_start3A_110 = arith.constant 1 : i32
    %dma_start3A_111 = arith.constant 0 : i32
    %dma_start3A_112 = tpu.memref_slice %arg9[%dma_start3A_110, %dma_start3A_111] : memref<2x4000xi32, #tpu.memory_space<vmem>> -> memref<1x4000xi32, #tpu.memory_space<vmem>>
    %dma_start3A_113 = tpu.memref_squeeze %dma_start3A_112 : memref<1x4000xi32, #tpu.memory_space<vmem>> -> memref<4000xi32, #tpu.memory_space<vmem>>
    %dma_start3A_114 = tpu.memref_slice %arg6[%add3A_7] : memref<1000000xi32, #tpu.memory_space<hbm>> -> memref<4000xi32, #tpu.memory_space<hbm>>
    %dma_start3A_115 = arith.constant 0 : i32
    %dma_start3A_116 = tpu.memref_slice %arg9[%dma_start3A_110, %dma_start3A_115] : memref<2x4000xi32, #tpu.memory_space<vmem>> -> memref<1x4000xi32, #tpu.memory_space<vmem>>
    %dma_start3A_117 = tpu.memref_squeeze %dma_start3A_116 : memref<1x4000xi32, #tpu.memory_space<vmem>> -> memref<4000xi32, #tpu.memory_space<vmem>>
    %dma_start3A_118 = tpu.memref_slice %arg6[%add3A_7] : memref<1000000xi32, #tpu.memory_space<hbm>> -> memref<4000xi32, #tpu.memory_space<hbm>>
    tpu.enqueue_dma source(%dma_start3A_118 : memref<4000xi32, #tpu.memory_space<hbm>>) target(%dma_start3A_117 : memref<4000xi32, #tpu.memory_space<vmem>>) target_semaphore(%arg12 : memref<!tpu.dma_semaphore, #tpu.memory_space<semaphore_mem>>)
    %dma_wait3A = arith.constant 0 : i32
    %dma_wait3A_119 = arith.constant 0 : i32
    %dma_wait3A_120 = arith.constant 0 : i32
    %dma_wait3A_121 = tpu.memref_slice %arg8[%dma_wait3A, %dma_wait3A_119, %dma_wait3A_120] : memref<2x4x4000xf32, #tpu.memory_space<vmem>> -> memref<1x1x4000xf32, #tpu.memory_space<vmem>>
    %dma_wait3A_122 = tpu.memref_squeeze %dma_wait3A_121 : memref<1x1x4000xf32, #tpu.memory_space<vmem>> -> memref<4000xf32, #tpu.memory_space<vmem>>
    %dma_wait3A_123 = tpu.memref_slice %arg2[%add3A_5] : memref<1000000xf32, #tpu.memory_space<hbm>> -> memref<4000xf32, #tpu.memory_space<hbm>>
    %dma_wait3A_124 = arith.constant 0 : i32
    %dma_wait3A_125 = tpu.memref_slice %arg8[%dma_wait3A, %dma_wait3A_119, %dma_wait3A_124] : memref<2x4x4000xf32, #tpu.memory_space<vmem>> -> memref<1x1x4000xf32, #tpu.memory_space<vmem>>
    %dma_wait3A_126 = tpu.memref_squeeze %dma_wait3A_125 : memref<1x1x4000xf32, #tpu.memory_space<vmem>> -> memref<4000xf32, #tpu.memory_space<vmem>>
    %dma_wait3A_127 = tpu.memref_slice %arg2[%add3A_5] : memref<1000000xf32, #tpu.memory_space<hbm>> -> memref<4000xf32, #tpu.memory_space<hbm>>
    tpu.wait_dma2 semaphore(%arg11 : memref<!tpu.dma_semaphore, #tpu.memory_space<semaphore_mem>>) src(%dma_wait3A_127 : memref<4000xf32, #tpu.memory_space<hbm>>) dst(%dma_wait3A_126 : memref<4000xf32, #tpu.memory_space<vmem>>)
    %dma_wait3A_128 = arith.constant 0 : i32
    %dma_wait3A_129 = arith.constant 1 : i32
    %dma_wait3A_130 = arith.constant 0 : i32
    %dma_wait3A_131 = tpu.memref_slice %arg8[%dma_wait3A_128, %dma_wait3A_129, %dma_wait3A_130] : memref<2x4x4000xf32, #tpu.memory_space<vmem>> -> memref<1x1x4000xf32, #tpu.memory_space<vmem>>
    %dma_wait3A_132 = tpu.memref_squeeze %dma_wait3A_131 : memref<1x1x4000xf32, #tpu.memory_space<vmem>> -> memref<4000xf32, #tpu.memory_space<vmem>>
    %dma_wait3A_133 = tpu.memref_slice %arg3[%add3A_5] : memref<1000000xf32, #tpu.memory_space<hbm>> -> memref<4000xf32, #tpu.memory_space<hbm>>
    %dma_wait3A_134 = arith.constant 0 : i32
    %dma_wait3A_135 = tpu.memref_slice %arg8[%dma_wait3A_128, %dma_wait3A_129, %dma_wait3A_134] : memref<2x4x4000xf32, #tpu.memory_space<vmem>> -> memref<1x1x4000xf32, #tpu.memory_space<vmem>>
    %dma_wait3A_136 = tpu.memref_squeeze %dma_wait3A_135 : memref<1x1x4000xf32, #tpu.memory_space<vmem>> -> memref<4000xf32, #tpu.memory_space<vmem>>
    %dma_wait3A_137 = tpu.memref_slice %arg3[%add3A_5] : memref<1000000xf32, #tpu.memory_space<hbm>> -> memref<4000xf32, #tpu.memory_space<hbm>>
    tpu.wait_dma2 semaphore(%arg11 : memref<!tpu.dma_semaphore, #tpu.memory_space<semaphore_mem>>) src(%dma_wait3A_137 : memref<4000xf32, #tpu.memory_space<hbm>>) dst(%dma_wait3A_136 : memref<4000xf32, #tpu.memory_space<vmem>>)
    %dma_wait3A_138 = arith.constant 0 : i32
    %dma_wait3A_139 = arith.constant 2 : i32
    %dma_wait3A_140 = arith.constant 0 : i32
    %dma_wait3A_141 = tpu.memref_slice %arg8[%dma_wait3A_138, %dma_wait3A_139, %dma_wait3A_140] : memref<2x4x4000xf32, #tpu.memory_space<vmem>> -> memref<1x1x4000xf32, #tpu.memory_space<vmem>>
    %dma_wait3A_142 = tpu.memref_squeeze %dma_wait3A_141 : memref<1x1x4000xf32, #tpu.memory_space<vmem>> -> memref<4000xf32, #tpu.memory_space<vmem>>
    %dma_wait3A_143 = tpu.memref_slice %arg4[%add3A_5] : memref<1000000xf32, #tpu.memory_space<hbm>> -> memref<4000xf32, #tpu.memory_space<hbm>>
    %dma_wait3A_144 = arith.constant 0 : i32
    %dma_wait3A_145 = tpu.memref_slice %arg8[%dma_wait3A_138, %dma_wait3A_139, %dma_wait3A_144] : memref<2x4x4000xf32, #tpu.memory_space<vmem>> -> memref<1x1x4000xf32, #tpu.memory_space<vmem>>
    %dma_wait3A_146 = tpu.memref_squeeze %dma_wait3A_145 : memref<1x1x4000xf32, #tpu.memory_space<vmem>> -> memref<4000xf32, #tpu.memory_space<vmem>>
    %dma_wait3A_147 = tpu.memref_slice %arg4[%add3A_5] : memref<1000000xf32, #tpu.memory_space<hbm>> -> memref<4000xf32, #tpu.memory_space<hbm>>
    tpu.wait_dma2 semaphore(%arg11 : memref<!tpu.dma_semaphore, #tpu.memory_space<semaphore_mem>>) src(%dma_wait3A_147 : memref<4000xf32, #tpu.memory_space<hbm>>) dst(%dma_wait3A_146 : memref<4000xf32, #tpu.memory_space<vmem>>)
    %dma_wait3A_148 = arith.constant 0 : i32
    %dma_wait3A_149 = arith.constant 3 : i32
    %dma_wait3A_150 = arith.constant 0 : i32
    %dma_wait3A_151 = tpu.memref_slice %arg8[%dma_wait3A_148, %dma_wait3A_149, %dma_wait3A_150] : memref<2x4x4000xf32, #tpu.memory_space<vmem>> -> memref<1x1x4000xf32, #tpu.memory_space<vmem>>
    %dma_wait3A_152 = tpu.memref_squeeze %dma_wait3A_151 : memref<1x1x4000xf32, #tpu.memory_space<vmem>> -> memref<4000xf32, #tpu.memory_space<vmem>>
    %dma_wait3A_153 = tpu.memref_slice %arg5[%add3A_5] : memref<1000000xf32, #tpu.memory_space<hbm>> -> memref<4000xf32, #tpu.memory_space<hbm>>
    %dma_wait3A_154 = arith.constant 0 : i32
    %dma_wait3A_155 = tpu.memref_slice %arg8[%dma_wait3A_148, %dma_wait3A_149, %dma_wait3A_154] : memref<2x4x4000xf32, #tpu.memory_space<vmem>> -> memref<1x1x4000xf32, #tpu.memory_space<vmem>>
    %dma_wait3A_156 = tpu.memref_squeeze %dma_wait3A_155 : memref<1x1x4000xf32, #tpu.memory_space<vmem>> -> memref<4000xf32, #tpu.memory_space<vmem>>
    %dma_wait3A_157 = tpu.memref_slice %arg5[%add3A_5] : memref<1000000xf32, #tpu.memory_space<hbm>> -> memref<4000xf32, #tpu.memory_space<hbm>>
    tpu.wait_dma2 semaphore(%arg11 : memref<!tpu.dma_semaphore, #tpu.memory_space<semaphore_mem>>) src(%dma_wait3A_157 : memref<4000xf32, #tpu.memory_space<hbm>>) dst(%dma_wait3A_156 : memref<4000xf32, #tpu.memory_space<vmem>>)
    %dma_wait3A_158 = arith.constant 0 : i32
    %dma_wait3A_159 = arith.constant 0 : i32
    %dma_wait3A_160 = tpu.memref_slice %arg9[%dma_wait3A_158, %dma_wait3A_159] : memref<2x4000xi32, #tpu.memory_space<vmem>> -> memref<1x4000xi32, #tpu.memory_space<vmem>>
    %dma_wait3A_161 = tpu.memref_squeeze %dma_wait3A_160 : memref<1x4000xi32, #tpu.memory_space<vmem>> -> memref<4000xi32, #tpu.memory_space<vmem>>
    %dma_wait3A_162 = tpu.memref_slice %arg6[%add3A_5] : memref<1000000xi32, #tpu.memory_space<hbm>> -> memref<4000xi32, #tpu.memory_space<hbm>>
    %dma_wait3A_163 = arith.constant 0 : i32
    %dma_wait3A_164 = tpu.memref_slice %arg9[%dma_wait3A_158, %dma_wait3A_163] : memref<2x4000xi32, #tpu.memory_space<vmem>> -> memref<1x4000xi32, #tpu.memory_space<vmem>>
    %dma_wait3A_165 = tpu.memref_squeeze %dma_wait3A_164 : memref<1x4000xi32, #tpu.memory_space<vmem>> -> memref<4000xi32, #tpu.memory_space<vmem>>
    %dma_wait3A_166 = tpu.memref_slice %arg6[%add3A_5] : memref<1000000xi32, #tpu.memory_space<hbm>> -> memref<4000xi32, #tpu.memory_space<hbm>>
    tpu.wait_dma2 semaphore(%arg11 : memref<!tpu.dma_semaphore, #tpu.memory_space<semaphore_mem>>) src(%dma_wait3A_166 : memref<4000xi32, #tpu.memory_space<hbm>>) dst(%dma_wait3A_165 : memref<4000xi32, #tpu.memory_space<vmem>>)
    %parallel_loop3A = arith.constant 0 : i32
    %parallel_loop3A_167 = arith.constant 250 : i32
    %parallel_loop3A_168 = arith.constant 1 : i32
    %parallel_loop3A_169:3 = scf.for %parallel_loop3A_968 = %parallel_loop3A to %parallel_loop3A_167 step %parallel_loop3A_168 iter_args(%parallel_loop3A_969 = %broadcast_in_dim3A_3, %parallel_loop3A_970 = %broadcast_in_dim3A_3, %parallel_loop3A_971 = %broadcast_in_dim3A_3) -> (vector<16xf32>, vector<16xf32>, vector<16xf32>)  : i32 {
      %parallel_loop3A_972 = arith.constant 16 : i32
      %parallel_loop3A_973 = arith.muli %parallel_loop3A_968, %parallel_loop3A_972 : i32
      %parallel_loop3A_974 = arith.constant 0 : i32
      %parallel_loop3A_975 = arith.index_cast %parallel_loop3A_974 : i32 to index
      %parallel_loop3A_976 = arith.index_cast %parallel_loop3A_973 : i32 to index
      %parallel_loop3A_977 = tpu.vector_load %arg9[%parallel_loop3A_975, %parallel_loop3A_976] {strides = array<i32>} : memref<2x4000xi32, #tpu.memory_space<vmem>>, vector<16xi32>,
      %parallel_loop3A_978 = arith.constant -1 : i32
      %parallel_loop3A_979 = vector.broadcast %parallel_loop3A_978 : i32 to vector<16xi32>
      %parallel_loop3A_980 = arith.cmpi ne, %parallel_loop3A_977, %parallel_loop3A_979 : vector<16xi32>
      %parallel_loop3A_981 = arith.constant 1.000000e+00 : f32
      %parallel_loop3A_982 = arith.constant 0.000000e+00 : f32
      %parallel_loop3A_983 = vector.broadcast %parallel_loop3A_981 : f32 to vector<16xf32>
      %parallel_loop3A_984 = vector.broadcast %parallel_loop3A_982 : f32 to vector<16xf32>
      %parallel_loop3A_985 = arith.select %parallel_loop3A_980, %parallel_loop3A_983, %parallel_loop3A_984 : vector<16xi1>, vector<16xf32>
      %parallel_loop3A_986 = arith.addf %parallel_loop3A_970, %parallel_loop3A_985 : vector<16xf32>
      %parallel_loop3A_987 = arith.constant 1 : i32
      %parallel_loop3A_988 = vector.broadcast %parallel_loop3A_987 : i32 to vector<16xi32>
      %parallel_loop3A_989 = arith.cmpi eq, %parallel_loop3A_977, %parallel_loop3A_988 : vector<16xi32>
      %parallel_loop3A_990 = arith.constant 1.000000e+00 : f32
      %parallel_loop3A_991 = arith.constant 0.000000e+00 : f32
      %parallel_loop3A_992 = vector.broadcast %parallel_loop3A_990 : f32 to vector<16xf32>
      %parallel_loop3A_993 = vector.broadcast %parallel_loop3A_991 : f32 to vector<16xf32>
      %parallel_loop3A_994 = arith.select %parallel_loop3A_989, %parallel_loop3A_992, %parallel_loop3A_993 : vector<16xi1>, vector<16xf32>
      %parallel_loop3A_995 = arith.addf %parallel_loop3A_971, %parallel_loop3A_994 : vector<16xf32>
      %parallel_loop3A_996 = arith.constant 0 : i32
      %parallel_loop3A_997 = arith.constant 0 : i32
      %parallel_loop3A_998 = arith.index_cast %parallel_loop3A_996 : i32 to index
      %parallel_loop3A_999 = arith.index_cast %parallel_loop3A_997 : i32 to index
      %parallel_loop3A_1000 = arith.index_cast %parallel_loop3A_973 : i32 to index
      %parallel_loop3A_1001 = tpu.vector_load %arg8[%parallel_loop3A_998, %parallel_loop3A_999, %parallel_loop3A_1000] {strides = array<i32>} : memref<2x4x4000xf32, #tpu.memory_space<vmem>>, vector<16xf32>,
      %parallel_loop3A_1002 = math.absf %parallel_loop3A_1001 : vector<16xf32>
      %parallel_loop3A_1003 = arith.constant 1.000000e+00 : f32
      %parallel_loop3A_1004 = vector.broadcast %parallel_loop3A_1003 : f32 to vector<16xf32>
      %parallel_loop3A_1005 = arith.minimumf %parallel_loop3A_1002, %parallel_loop3A_1004 : vector<16xf32>
      %parallel_loop3A_1006 = arith.constant 5.000000e-01 : f32
      %parallel_loop3A_1007 = vector.broadcast %parallel_loop3A_1006 : f32 to vector<16xf32>
      %parallel_loop3A_1008 = arith.mulf %parallel_loop3A_1007, %parallel_loop3A_1005 : vector<16xf32>
      %parallel_loop3A_1009 = arith.subf %parallel_loop3A_1002, %parallel_loop3A_1008 : vector<16xf32>
      %parallel_loop3A_1010 = arith.mulf %parallel_loop3A_1005, %parallel_loop3A_1009 : vector<16xf32>
      %parallel_loop3A_1011 = arith.constant 0 : i32
      %parallel_loop3A_1012 = arith.constant 1 : i32
      %parallel_loop3A_1013 = arith.index_cast %parallel_loop3A_1011 : i32 to index
      %parallel_loop3A_1014 = arith.index_cast %parallel_loop3A_1012 : i32 to index
      %parallel_loop3A_1015 = arith.index_cast %parallel_loop3A_973 : i32 to index
      %parallel_loop3A_1016 = tpu.vector_load %arg8[%parallel_loop3A_1013, %parallel_loop3A_1014, %parallel_loop3A_1015] {strides = array<i32>} : memref<2x4x4000xf32, #tpu.memory_space<vmem>>, vector<16xf32>,
      %parallel_loop3A_1017 = math.absf %parallel_loop3A_1016 : vector<16xf32>
      %parallel_loop3A_1018 = arith.constant 1.000000e+00 : f32
      %parallel_loop3A_1019 = vector.broadcast %parallel_loop3A_1018 : f32 to vector<16xf32>
      %parallel_loop3A_1020 = arith.minimumf %parallel_loop3A_1017, %parallel_loop3A_1019 : vector<16xf32>
      %parallel_loop3A_1021 = arith.constant 5.000000e-01 : f32
      %parallel_loop3A_1022 = vector.broadcast %parallel_loop3A_1021 : f32 to vector<16xf32>
      %parallel_loop3A_1023 = arith.mulf %parallel_loop3A_1022, %parallel_loop3A_1020 : vector<16xf32>
      %parallel_loop3A_1024 = arith.subf %parallel_loop3A_1017, %parallel_loop3A_1023 : vector<16xf32>
      %parallel_loop3A_1025 = arith.mulf %parallel_loop3A_1020, %parallel_loop3A_1024 : vector<16xf32>
      %parallel_loop3A_1026 = arith.addf %parallel_loop3A_1010, %parallel_loop3A_1025 : vector<16xf32>
      %parallel_loop3A_1027 = arith.constant 0 : i32
      %parallel_loop3A_1028 = arith.constant 2 : i32
      %parallel_loop3A_1029 = arith.index_cast %parallel_loop3A_1027 : i32 to index
      %parallel_loop3A_1030 = arith.index_cast %parallel_loop3A_1028 : i32 to index
      %parallel_loop3A_1031 = arith.index_cast %parallel_loop3A_973 : i32 to index
      %parallel_loop3A_1032 = tpu.vector_load %arg8[%parallel_loop3A_1029, %parallel_loop3A_1030, %parallel_loop3A_1031] {strides = array<i32>} : memref<2x4x4000xf32, #tpu.memory_space<vmem>>, vector<16xf32>,
      %parallel_loop3A_1033 = math.absf %parallel_loop3A_1032 : vector<16xf32>
      %parallel_loop3A_1034 = arith.constant 1.000000e+00 : f32
      %parallel_loop3A_1035 = vector.broadcast %parallel_loop3A_1034 : f32 to vector<16xf32>
      %parallel_loop3A_1036 = arith.minimumf %parallel_loop3A_1033, %parallel_loop3A_1035 : vector<16xf32>
      %parallel_loop3A_1037 = arith.constant 5.000000e-01 : f32
      %parallel_loop3A_1038 = vector.broadcast %parallel_loop3A_1037 : f32 to vector<16xf32>
      %parallel_loop3A_1039 = arith.mulf %parallel_loop3A_1038, %parallel_loop3A_1036 : vector<16xf32>
      %parallel_loop3A_1040 = arith.subf %parallel_loop3A_1033, %parallel_loop3A_1039 : vector<16xf32>
      %parallel_loop3A_1041 = arith.mulf %parallel_loop3A_1036, %parallel_loop3A_1040 : vector<16xf32>
      %parallel_loop3A_1042 = arith.addf %parallel_loop3A_1026, %parallel_loop3A_1041 : vector<16xf32>
      %parallel_loop3A_1043 = arith.constant 0 : i32
      %parallel_loop3A_1044 = arith.constant 3 : i32
      %parallel_loop3A_1045 = arith.index_cast %parallel_loop3A_1043 : i32 to index
      %parallel_loop3A_1046 = arith.index_cast %parallel_loop3A_1044 : i32 to index
      %parallel_loop3A_1047 = arith.index_cast %parallel_loop3A_973 : i32 to index
      %parallel_loop3A_1048 = tpu.vector_load %arg8[%parallel_loop3A_1045, %parallel_loop3A_1046, %parallel_loop3A_1047] {strides = array<i32>} : memref<2x4x4000xf32, #tpu.memory_space<vmem>>, vector<16xf32>,
      %parallel_loop3A_1049 = math.absf %parallel_loop3A_1048 : vector<16xf32>
      %parallel_loop3A_1050 = arith.constant 1.000000e+00 : f32
      %parallel_loop3A_1051 = vector.broadcast %parallel_loop3A_1050 : f32 to vector<16xf32>
      %parallel_loop3A_1052 = arith.minimumf %parallel_loop3A_1049, %parallel_loop3A_1051 : vector<16xf32>
      %parallel_loop3A_1053 = arith.constant 5.000000e-01 : f32
      %parallel_loop3A_1054 = vector.broadcast %parallel_loop3A_1053 : f32 to vector<16xf32>
      %parallel_loop3A_1055 = arith.mulf %parallel_loop3A_1054, %parallel_loop3A_1052 : vector<16xf32>
      %parallel_loop3A_1056 = arith.subf %parallel_loop3A_1049, %parallel_loop3A_1055 : vector<16xf32>
      %parallel_loop3A_1057 = arith.mulf %parallel_loop3A_1052, %parallel_loop3A_1056 : vector<16xf32>
      %parallel_loop3A_1058 = arith.addf %parallel_loop3A_1042, %parallel_loop3A_1057 : vector<16xf32>
      %parallel_loop3A_1059 = arith.constant 1 : i32
      %parallel_loop3A_1060 = vector.broadcast %parallel_loop3A_1059 : i32 to vector<16xi32>
      %parallel_loop3A_1061 = arith.cmpi eq, %parallel_loop3A_977, %parallel_loop3A_1060 : vector<16xi32>
      %parallel_loop3A_1062 = arith.constant 0.000000e+00 : f32
      %parallel_loop3A_1063 = vector.broadcast %parallel_loop3A_1062 : f32 to vector<16xf32>
      %parallel_loop3A_1064 = arith.select %parallel_loop3A_1061, %parallel_loop3A_1058, %parallel_loop3A_1063 : vector<16xi1>, vector<16xf32>
      %parallel_loop3A_1065 = arith.addf %parallel_loop3A_969, %parallel_loop3A_1064 : vector<16xf32>
      scf.yield %parallel_loop3A_1065, %parallel_loop3A_986, %parallel_loop3A_995 : vector<16xf32>, vector<16xf32>, vector<16xf32>
    } {sc.loop_unroll_factor = 4 : i64, sc.parallel_access}
    %dma_start3A_170 = arith.constant 0 : i32
    %dma_start3A_171 = arith.constant 0 : i32
    %dma_start3A_172 = arith.constant 0 : i32
    %dma_start3A_173 = tpu.memref_slice %arg8[%dma_start3A_170, %dma_start3A_171, %dma_start3A_172] : memref<2x4x4000xf32, #tpu.memory_space<vmem>> -> memref<1x1x4000xf32, #tpu.memory_space<vmem>>
    %dma_start3A_174 = tpu.memref_squeeze %dma_start3A_173 : memref<1x1x4000xf32, #tpu.memory_space<vmem>> -> memref<4000xf32, #tpu.memory_space<vmem>>
    %dma_start3A_175 = tpu.memref_slice %arg2[%add3A_9] : memref<1000000xf32, #tpu.memory_space<hbm>> -> memref<4000xf32, #tpu.memory_space<hbm>>
    %dma_start3A_176 = arith.constant 0 : i32
    %dma_start3A_177 = tpu.memref_slice %arg8[%dma_start3A_170, %dma_start3A_171, %dma_start3A_176] : memref<2x4x4000xf32, #tpu.memory_space<vmem>> -> memref<1x1x4000xf32, #tpu.memory_space<vmem>>
    %dma_start3A_178 = tpu.memref_squeeze %dma_start3A_177 : memref<1x1x4000xf32, #tpu.memory_space<vmem>> -> memref<4000xf32, #tpu.memory_space<vmem>>
    %dma_start3A_179 = tpu.memref_slice %arg2[%add3A_9] : memref<1000000xf32, #tpu.memory_space<hbm>> -> memref<4000xf32, #tpu.memory_space<hbm>>
    tpu.enqueue_dma source(%dma_start3A_179 : memref<4000xf32, #tpu.memory_space<hbm>>) target(%dma_start3A_178 : memref<4000xf32, #tpu.memory_space<vmem>>) target_semaphore(%arg11 : memref<!tpu.dma_semaphore, #tpu.memory_space<semaphore_mem>>)
    %dma_start3A_180 = arith.constant 0 : i32
    %dma_start3A_181 = arith.constant 1 : i32
    %dma_start3A_182 = arith.constant 0 : i32
    %dma_start3A_183 = tpu.memref_slice %arg8[%dma_start3A_180, %dma_start3A_181, %dma_start3A_182] : memref<2x4x4000xf32, #tpu.memory_space<vmem>> -> memref<1x1x4000xf32, #tpu.memory_space<vmem>>
    %dma_start3A_184 = tpu.memref_squeeze %dma_start3A_183 : memref<1x1x4000xf32, #tpu.memory_space<vmem>> -> memref<4000xf32, #tpu.memory_space<vmem>>
    %dma_start3A_185 = tpu.memref_slice %arg3[%add3A_9] : memref<1000000xf32, #tpu.memory_space<hbm>> -> memref<4000xf32, #tpu.memory_space<hbm>>
    %dma_start3A_186 = arith.constant 0 : i32
    %dma_start3A_187 = tpu.memref_slice %arg8[%dma_start3A_180, %dma_start3A_181, %dma_start3A_186] : memref<2x4x4000xf32, #tpu.memory_space<vmem>> -> memref<1x1x4000xf32, #tpu.memory_space<vmem>>
    %dma_start3A_188 = tpu.memref_squeeze %dma_start3A_187 : memref<1x1x4000xf32, #tpu.memory_space<vmem>> -> memref<4000xf32, #tpu.memory_space<vmem>>
    %dma_start3A_189 = tpu.memref_slice %arg3[%add3A_9] : memref<1000000xf32, #tpu.memory_space<hbm>> -> memref<4000xf32, #tpu.memory_space<hbm>>
    tpu.enqueue_dma source(%dma_start3A_189 : memref<4000xf32, #tpu.memory_space<hbm>>) target(%dma_start3A_188 : memref<4000xf32, #tpu.memory_space<vmem>>) target_semaphore(%arg11 : memref<!tpu.dma_semaphore, #tpu.memory_space<semaphore_mem>>)
    %dma_start3A_190 = arith.constant 0 : i32
    %dma_start3A_191 = arith.constant 2 : i32
    %dma_start3A_192 = arith.constant 0 : i32
    %dma_start3A_193 = tpu.memref_slice %arg8[%dma_start3A_190, %dma_start3A_191, %dma_start3A_192] : memref<2x4x4000xf32, #tpu.memory_space<vmem>> -> memref<1x1x4000xf32, #tpu.memory_space<vmem>>
    %dma_start3A_194 = tpu.memref_squeeze %dma_start3A_193 : memref<1x1x4000xf32, #tpu.memory_space<vmem>> -> memref<4000xf32, #tpu.memory_space<vmem>>
    %dma_start3A_195 = tpu.memref_slice %arg4[%add3A_9] : memref<1000000xf32, #tpu.memory_space<hbm>> -> memref<4000xf32, #tpu.memory_space<hbm>>
    %dma_start3A_196 = arith.constant 0 : i32
    %dma_start3A_197 = tpu.memref_slice %arg8[%dma_start3A_190, %dma_start3A_191, %dma_start3A_196] : memref<2x4x4000xf32, #tpu.memory_space<vmem>> -> memref<1x1x4000xf32, #tpu.memory_space<vmem>>
    %dma_start3A_198 = tpu.memref_squeeze %dma_start3A_197 : memref<1x1x4000xf32, #tpu.memory_space<vmem>> -> memref<4000xf32, #tpu.memory_space<vmem>>
    %dma_start3A_199 = tpu.memref_slice %arg4[%add3A_9] : memref<1000000xf32, #tpu.memory_space<hbm>> -> memref<4000xf32, #tpu.memory_space<hbm>>
    tpu.enqueue_dma source(%dma_start3A_199 : memref<4000xf32, #tpu.memory_space<hbm>>) target(%dma_start3A_198 : memref<4000xf32, #tpu.memory_space<vmem>>) target_semaphore(%arg11 : memref<!tpu.dma_semaphore, #tpu.memory_space<semaphore_mem>>)
    %dma_start3A_200 = arith.constant 0 : i32
    %dma_start3A_201 = arith.constant 3 : i32
    %dma_start3A_202 = arith.constant 0 : i32
    %dma_start3A_203 = tpu.memref_slice %arg8[%dma_start3A_200, %dma_start3A_201, %dma_start3A_202] : memref<2x4x4000xf32, #tpu.memory_space<vmem>> -> memref<1x1x4000xf32, #tpu.memory_space<vmem>>
    %dma_start3A_204 = tpu.memref_squeeze %dma_start3A_203 : memref<1x1x4000xf32, #tpu.memory_space<vmem>> -> memref<4000xf32, #tpu.memory_space<vmem>>
    %dma_start3A_205 = tpu.memref_slice %arg5[%add3A_9] : memref<1000000xf32, #tpu.memory_space<hbm>> -> memref<4000xf32, #tpu.memory_space<hbm>>
    %dma_start3A_206 = arith.constant 0 : i32
    %dma_start3A_207 = tpu.memref_slice %arg8[%dma_start3A_200, %dma_start3A_201, %dma_start3A_206] : memref<2x4x4000xf32, #tpu.memory_space<vmem>> -> memref<1x1x4000xf32, #tpu.memory_space<vmem>>
    %dma_start3A_208 = tpu.memref_squeeze %dma_start3A_207 : memref<1x1x4000xf32, #tpu.memory_space<vmem>> -> memref<4000xf32, #tpu.memory_space<vmem>>
    %dma_start3A_209 = tpu.memref_slice %arg5[%add3A_9] : memref<1000000xf32, #tpu.memory_space<hbm>> -> memref<4000xf32, #tpu.memory_space<hbm>>
    tpu.enqueue_dma source(%dma_start3A_209 : memref<4000xf32, #tpu.memory_space<hbm>>) target(%dma_start3A_208 : memref<4000xf32, #tpu.memory_space<vmem>>) target_semaphore(%arg11 : memref<!tpu.dma_semaphore, #tpu.memory_space<semaphore_mem>>)
    %dma_start3A_210 = arith.constant 0 : i32
    %dma_start3A_211 = arith.constant 0 : i32
    %dma_start3A_212 = tpu.memref_slice %arg9[%dma_start3A_210, %dma_start3A_211] : memref<2x4000xi32, #tpu.memory_space<vmem>> -> memref<1x4000xi32, #tpu.memory_space<vmem>>
    %dma_start3A_213 = tpu.memref_squeeze %dma_start3A_212 : memref<1x4000xi32, #tpu.memory_space<vmem>> -> memref<4000xi32, #tpu.memory_space<vmem>>
    %dma_start3A_214 = tpu.memref_slice %arg6[%add3A_9] : memref<1000000xi32, #tpu.memory_space<hbm>> -> memref<4000xi32, #tpu.memory_space<hbm>>
    %dma_start3A_215 = arith.constant 0 : i32
    %dma_start3A_216 = tpu.memref_slice %arg9[%dma_start3A_210, %dma_start3A_215] : memref<2x4000xi32, #tpu.memory_space<vmem>> -> memref<1x4000xi32, #tpu.memory_space<vmem>>
    %dma_start3A_217 = tpu.memref_squeeze %dma_start3A_216 : memref<1x4000xi32, #tpu.memory_space<vmem>> -> memref<4000xi32, #tpu.memory_space<vmem>>
    %dma_start3A_218 = tpu.memref_slice %arg6[%add3A_9] : memref<1000000xi32, #tpu.memory_space<hbm>> -> memref<4000xi32, #tpu.memory_space<hbm>>
    tpu.enqueue_dma source(%dma_start3A_218 : memref<4000xi32, #tpu.memory_space<hbm>>) target(%dma_start3A_217 : memref<4000xi32, #tpu.memory_space<vmem>>) target_semaphore(%arg11 : memref<!tpu.dma_semaphore, #tpu.memory_space<semaphore_mem>>)
    %dma_wait3A_219 = arith.constant 1 : i32
    %dma_wait3A_220 = arith.constant 0 : i32
    %dma_wait3A_221 = arith.constant 0 : i32
    %dma_wait3A_222 = tpu.memref_slice %arg8[%dma_wait3A_219, %dma_wait3A_220, %dma_wait3A_221] : memref<2x4x4000xf32, #tpu.memory_space<vmem>> -> memref<1x1x4000xf32, #tpu.memory_space<vmem>>
    %dma_wait3A_223 = tpu.memref_squeeze %dma_wait3A_222 : memref<1x1x4000xf32, #tpu.memory_space<vmem>> -> memref<4000xf32, #tpu.memory_space<vmem>>
    %dma_wait3A_224 = tpu.memref_slice %arg2[%add3A_7] : memref<1000000xf32, #tpu.memory_space<hbm>> -> memref<4000xf32, #tpu.memory_space<hbm>>
    %dma_wait3A_225 = arith.constant 0 : i32
    %dma_wait3A_226 = tpu.memref_slice %arg8[%dma_wait3A_219, %dma_wait3A_220, %dma_wait3A_225] : memref<2x4x4000xf32, #tpu.memory_space<vmem>> -> memref<1x1x4000xf32, #tpu.memory_space<vmem>>
    %dma_wait3A_227 = tpu.memref_squeeze %dma_wait3A_226 : memref<1x1x4000xf32, #tpu.memory_space<vmem>> -> memref<4000xf32, #tpu.memory_space<vmem>>
    %dma_wait3A_228 = tpu.memref_slice %arg2[%add3A_7] : memref<1000000xf32, #tpu.memory_space<hbm>> -> memref<4000xf32, #tpu.memory_space<hbm>>
    tpu.wait_dma2 semaphore(%arg12 : memref<!tpu.dma_semaphore, #tpu.memory_space<semaphore_mem>>) src(%dma_wait3A_228 : memref<4000xf32, #tpu.memory_space<hbm>>) dst(%dma_wait3A_227 : memref<4000xf32, #tpu.memory_space<vmem>>)
    %dma_wait3A_229 = arith.constant 1 : i32
    %dma_wait3A_230 = arith.constant 1 : i32
    %dma_wait3A_231 = arith.constant 0 : i32
    %dma_wait3A_232 = tpu.memref_slice %arg8[%dma_wait3A_229, %dma_wait3A_230, %dma_wait3A_231] : memref<2x4x4000xf32, #tpu.memory_space<vmem>> -> memref<1x1x4000xf32, #tpu.memory_space<vmem>>
    %dma_wait3A_233 = tpu.memref_squeeze %dma_wait3A_232 : memref<1x1x4000xf32, #tpu.memory_space<vmem>> -> memref<4000xf32, #tpu.memory_space<vmem>>
    %dma_wait3A_234 = tpu.memref_slice %arg3[%add3A_7] : memref<1000000xf32, #tpu.memory_space<hbm>> -> memref<4000xf32, #tpu.memory_space<hbm>>
    %dma_wait3A_235 = arith.constant 0 : i32
    %dma_wait3A_236 = tpu.memref_slice %arg8[%dma_wait3A_229, %dma_wait3A_230, %dma_wait3A_235] : memref<2x4x4000xf32, #tpu.memory_space<vmem>> -> memref<1x1x4000xf32, #tpu.memory_space<vmem>>
    %dma_wait3A_237 = tpu.memref_squeeze %dma_wait3A_236 : memref<1x1x4000xf32, #tpu.memory_space<vmem>> -> memref<4000xf32, #tpu.memory_space<vmem>>
    %dma_wait3A_238 = tpu.memref_slice %arg3[%add3A_7] : memref<1000000xf32, #tpu.memory_space<hbm>> -> memref<4000xf32, #tpu.memory_space<hbm>>
    tpu.wait_dma2 semaphore(%arg12 : memref<!tpu.dma_semaphore, #tpu.memory_space<semaphore_mem>>) src(%dma_wait3A_238 : memref<4000xf32, #tpu.memory_space<hbm>>) dst(%dma_wait3A_237 : memref<4000xf32, #tpu.memory_space<vmem>>)
    %dma_wait3A_239 = arith.constant 1 : i32
    %dma_wait3A_240 = arith.constant 2 : i32
    %dma_wait3A_241 = arith.constant 0 : i32
    %dma_wait3A_242 = tpu.memref_slice %arg8[%dma_wait3A_239, %dma_wait3A_240, %dma_wait3A_241] : memref<2x4x4000xf32, #tpu.memory_space<vmem>> -> memref<1x1x4000xf32, #tpu.memory_space<vmem>>
    %dma_wait3A_243 = tpu.memref_squeeze %dma_wait3A_242 : memref<1x1x4000xf32, #tpu.memory_space<vmem>> -> memref<4000xf32, #tpu.memory_space<vmem>>
    %dma_wait3A_244 = tpu.memref_slice %arg4[%add3A_7] : memref<1000000xf32, #tpu.memory_space<hbm>> -> memref<4000xf32, #tpu.memory_space<hbm>>
    %dma_wait3A_245 = arith.constant 0 : i32
    %dma_wait3A_246 = tpu.memref_slice %arg8[%dma_wait3A_239, %dma_wait3A_240, %dma_wait3A_245] : memref<2x4x4000xf32, #tpu.memory_space<vmem>> -> memref<1x1x4000xf32, #tpu.memory_space<vmem>>
    %dma_wait3A_247 = tpu.memref_squeeze %dma_wait3A_246 : memref<1x1x4000xf32, #tpu.memory_space<vmem>> -> memref<4000xf32, #tpu.memory_space<vmem>>
    %dma_wait3A_248 = tpu.memref_slice %arg4[%add3A_7] : memref<1000000xf32, #tpu.memory_space<hbm>> -> memref<4000xf32, #tpu.memory_space<hbm>>
    tpu.wait_dma2 semaphore(%arg12 : memref<!tpu.dma_semaphore, #tpu.memory_space<semaphore_mem>>) src(%dma_wait3A_248 : memref<4000xf32, #tpu.memory_space<hbm>>) dst(%dma_wait3A_247 : memref<4000xf32, #tpu.memory_space<vmem>>)
    %dma_wait3A_249 = arith.constant 1 : i32
    %dma_wait3A_250 = arith.constant 3 : i32
    %dma_wait3A_251 = arith.constant 0 : i32
    %dma_wait3A_252 = tpu.memref_slice %arg8[%dma_wait3A_249, %dma_wait3A_250, %dma_wait3A_251] : memref<2x4x4000xf32, #tpu.memory_space<vmem>> -> memref<1x1x4000xf32, #tpu.memory_space<vmem>>
    %dma_wait3A_253 = tpu.memref_squeeze %dma_wait3A_252 : memref<1x1x4000xf32, #tpu.memory_space<vmem>> -> memref<4000xf32, #tpu.memory_space<vmem>>
    %dma_wait3A_254 = tpu.memref_slice %arg5[%add3A_7] : memref<1000000xf32, #tpu.memory_space<hbm>> -> memref<4000xf32, #tpu.memory_space<hbm>>
    %dma_wait3A_255 = arith.constant 0 : i32
    %dma_wait3A_256 = tpu.memref_slice %arg8[%dma_wait3A_249, %dma_wait3A_250, %dma_wait3A_255] : memref<2x4x4000xf32, #tpu.memory_space<vmem>> -> memref<1x1x4000xf32, #tpu.memory_space<vmem>>
    %dma_wait3A_257 = tpu.memref_squeeze %dma_wait3A_256 : memref<1x1x4000xf32, #tpu.memory_space<vmem>> -> memref<4000xf32, #tpu.memory_space<vmem>>
    %dma_wait3A_258 = tpu.memref_slice %arg5[%add3A_7] : memref<1000000xf32, #tpu.memory_space<hbm>> -> memref<4000xf32, #tpu.memory_space<hbm>>
    tpu.wait_dma2 semaphore(%arg12 : memref<!tpu.dma_semaphore, #tpu.memory_space<semaphore_mem>>) src(%dma_wait3A_258 : memref<4000xf32, #tpu.memory_space<hbm>>) dst(%dma_wait3A_257 : memref<4000xf32, #tpu.memory_space<vmem>>)
    %dma_wait3A_259 = arith.constant 1 : i32
    %dma_wait3A_260 = arith.constant 0 : i32
    %dma_wait3A_261 = tpu.memref_slice %arg9[%dma_wait3A_259, %dma_wait3A_260] : memref<2x4000xi32, #tpu.memory_space<vmem>> -> memref<1x4000xi32, #tpu.memory_space<vmem>>
    %dma_wait3A_262 = tpu.memref_squeeze %dma_wait3A_261 : memref<1x4000xi32, #tpu.memory_space<vmem>> -> memref<4000xi32, #tpu.memory_space<vmem>>
    %dma_wait3A_263 = tpu.memref_slice %arg6[%add3A_7] : memref<1000000xi32, #tpu.memory_space<hbm>> -> memref<4000xi32, #tpu.memory_space<hbm>>
    %dma_wait3A_264 = arith.constant 0 : i32
    %dma_wait3A_265 = tpu.memref_slice %arg9[%dma_wait3A_259, %dma_wait3A_264] : memref<2x4000xi32, #tpu.memory_space<vmem>> -> memref<1x4000xi32, #tpu.memory_space<vmem>>
    %dma_wait3A_266 = tpu.memref_squeeze %dma_wait3A_265 : memref<1x4000xi32, #tpu.memory_space<vmem>> -> memref<4000xi32, #tpu.memory_space<vmem>>
    %dma_wait3A_267 = tpu.memref_slice %arg6[%add3A_7] : memref<1000000xi32, #tpu.memory_space<hbm>> -> memref<4000xi32, #tpu.memory_space<hbm>>
    tpu.wait_dma2 semaphore(%arg12 : memref<!tpu.dma_semaphore, #tpu.memory_space<semaphore_mem>>) src(%dma_wait3A_267 : memref<4000xi32, #tpu.memory_space<hbm>>) dst(%dma_wait3A_266 : memref<4000xi32, #tpu.memory_space<vmem>>)
    %parallel_loop3A_268 = arith.constant 0 : i32
    %parallel_loop3A_269 = arith.constant 250 : i32
    %parallel_loop3A_270 = arith.constant 1 : i32
    %parallel_loop3A_271:3 = scf.for %parallel_loop3A_968 = %parallel_loop3A_268 to %parallel_loop3A_269 step %parallel_loop3A_270 iter_args(%parallel_loop3A_969 = %parallel_loop3A_169#0, %parallel_loop3A_970 = %parallel_loop3A_169#1, %parallel_loop3A_971 = %parallel_loop3A_169#2) -> (vector<16xf32>, vector<16xf32>, vector<16xf32>)  : i32 {
      %parallel_loop3A_972 = arith.constant 16 : i32
      %parallel_loop3A_973 = arith.muli %parallel_loop3A_968, %parallel_loop3A_972 : i32
      %parallel_loop3A_974 = arith.constant 1 : i32
      %parallel_loop3A_975 = arith.index_cast %parallel_loop3A_974 : i32 to index
      %parallel_loop3A_976 = arith.index_cast %parallel_loop3A_973 : i32 to index
      %parallel_loop3A_977 = tpu.vector_load %arg9[%parallel_loop3A_975, %parallel_loop3A_976] {strides = array<i32>} : memref<2x4000xi32, #tpu.memory_space<vmem>>, vector<16xi32>,
      %parallel_loop3A_978 = arith.constant -1 : i32
      %parallel_loop3A_979 = vector.broadcast %parallel_loop3A_978 : i32 to vector<16xi32>
      %parallel_loop3A_980 = arith.cmpi ne, %parallel_loop3A_977, %parallel_loop3A_979 : vector<16xi32>
      %parallel_loop3A_981 = arith.constant 1.000000e+00 : f32
      %parallel_loop3A_982 = arith.constant 0.000000e+00 : f32
      %parallel_loop3A_983 = vector.broadcast %parallel_loop3A_981 : f32 to vector<16xf32>
      %parallel_loop3A_984 = vector.broadcast %parallel_loop3A_982 : f32 to vector<16xf32>
      %parallel_loop3A_985 = arith.select %parallel_loop3A_980, %parallel_loop3A_983, %parallel_loop3A_984 : vector<16xi1>, vector<16xf32>
      %parallel_loop3A_986 = arith.addf %parallel_loop3A_970, %parallel_loop3A_985 : vector<16xf32>
      %parallel_loop3A_987 = arith.constant 1 : i32
      %parallel_loop3A_988 = vector.broadcast %parallel_loop3A_987 : i32 to vector<16xi32>
      %parallel_loop3A_989 = arith.cmpi eq, %parallel_loop3A_977, %parallel_loop3A_988 : vector<16xi32>
      %parallel_loop3A_990 = arith.constant 1.000000e+00 : f32
      %parallel_loop3A_991 = arith.constant 0.000000e+00 : f32
      %parallel_loop3A_992 = vector.broadcast %parallel_loop3A_990 : f32 to vector<16xf32>
      %parallel_loop3A_993 = vector.broadcast %parallel_loop3A_991 : f32 to vector<16xf32>
      %parallel_loop3A_994 = arith.select %parallel_loop3A_989, %parallel_loop3A_992, %parallel_loop3A_993 : vector<16xi1>, vector<16xf32>
      %parallel_loop3A_995 = arith.addf %parallel_loop3A_971, %parallel_loop3A_994 : vector<16xf32>
      %parallel_loop3A_996 = arith.constant 1 : i32
      %parallel_loop3A_997 = arith.constant 0 : i32
      %parallel_loop3A_998 = arith.index_cast %parallel_loop3A_996 : i32 to index
      %parallel_loop3A_999 = arith.index_cast %parallel_loop3A_997 : i32 to index
      %parallel_loop3A_1000 = arith.index_cast %parallel_loop3A_973 : i32 to index
      %parallel_loop3A_1001 = tpu.vector_load %arg8[%parallel_loop3A_998, %parallel_loop3A_999, %parallel_loop3A_1000] {strides = array<i32>} : memref<2x4x4000xf32, #tpu.memory_space<vmem>>, vector<16xf32>,
      %parallel_loop3A_1002 = math.absf %parallel_loop3A_1001 : vector<16xf32>
      %parallel_loop3A_1003 = arith.constant 1.000000e+00 : f32
      %parallel_loop3A_1004 = vector.broadcast %parallel_loop3A_1003 : f32 to vector<16xf32>
      %parallel_loop3A_1005 = arith.minimumf %parallel_loop3A_1002, %parallel_loop3A_1004 : vector<16xf32>
      %parallel_loop3A_1006 = arith.constant 5.000000e-01 : f32
      %parallel_loop3A_1007 = vector.broadcast %parallel_loop3A_1006 : f32 to vector<16xf32>
      %parallel_loop3A_1008 = arith.mulf %parallel_loop3A_1007, %parallel_loop3A_1005 : vector<16xf32>
      %parallel_loop3A_1009 = arith.subf %parallel_loop3A_1002, %parallel_loop3A_1008 : vector<16xf32>
      %parallel_loop3A_1010 = arith.mulf %parallel_loop3A_1005, %parallel_loop3A_1009 : vector<16xf32>
      %parallel_loop3A_1011 = arith.constant 1 : i32
      %parallel_loop3A_1012 = arith.constant 1 : i32
      %parallel_loop3A_1013 = arith.index_cast %parallel_loop3A_1011 : i32 to index
      %parallel_loop3A_1014 = arith.index_cast %parallel_loop3A_1012 : i32 to index
      %parallel_loop3A_1015 = arith.index_cast %parallel_loop3A_973 : i32 to index
      %parallel_loop3A_1016 = tpu.vector_load %arg8[%parallel_loop3A_1013, %parallel_loop3A_1014, %parallel_loop3A_1015] {strides = array<i32>} : memref<2x4x4000xf32, #tpu.memory_space<vmem>>, vector<16xf32>,
      %parallel_loop3A_1017 = math.absf %parallel_loop3A_1016 : vector<16xf32>
      %parallel_loop3A_1018 = arith.constant 1.000000e+00 : f32
      %parallel_loop3A_1019 = vector.broadcast %parallel_loop3A_1018 : f32 to vector<16xf32>
      %parallel_loop3A_1020 = arith.minimumf %parallel_loop3A_1017, %parallel_loop3A_1019 : vector<16xf32>
      %parallel_loop3A_1021 = arith.constant 5.000000e-01 : f32
      %parallel_loop3A_1022 = vector.broadcast %parallel_loop3A_1021 : f32 to vector<16xf32>
      %parallel_loop3A_1023 = arith.mulf %parallel_loop3A_1022, %parallel_loop3A_1020 : vector<16xf32>
      %parallel_loop3A_1024 = arith.subf %parallel_loop3A_1017, %parallel_loop3A_1023 : vector<16xf32>
      %parallel_loop3A_1025 = arith.mulf %parallel_loop3A_1020, %parallel_loop3A_1024 : vector<16xf32>
      %parallel_loop3A_1026 = arith.addf %parallel_loop3A_1010, %parallel_loop3A_1025 : vector<16xf32>
      %parallel_loop3A_1027 = arith.constant 1 : i32
      %parallel_loop3A_1028 = arith.constant 2 : i32
      %parallel_loop3A_1029 = arith.index_cast %parallel_loop3A_1027 : i32 to index
      %parallel_loop3A_1030 = arith.index_cast %parallel_loop3A_1028 : i32 to index
      %parallel_loop3A_1031 = arith.index_cast %parallel_loop3A_973 : i32 to index
      %parallel_loop3A_1032 = tpu.vector_load %arg8[%parallel_loop3A_1029, %parallel_loop3A_1030, %parallel_loop3A_1031] {strides = array<i32>} : memref<2x4x4000xf32, #tpu.memory_space<vmem>>, vector<16xf32>,
      %parallel_loop3A_1033 = math.absf %parallel_loop3A_1032 : vector<16xf32>
      %parallel_loop3A_1034 = arith.constant 1.000000e+00 : f32
      %parallel_loop3A_1035 = vector.broadcast %parallel_loop3A_1034 : f32 to vector<16xf32>
      %parallel_loop3A_1036 = arith.minimumf %parallel_loop3A_1033, %parallel_loop3A_1035 : vector<16xf32>
      %parallel_loop3A_1037 = arith.constant 5.000000e-01 : f32
      %parallel_loop3A_1038 = vector.broadcast %parallel_loop3A_1037 : f32 to vector<16xf32>
      %parallel_loop3A_1039 = arith.mulf %parallel_loop3A_1038, %parallel_loop3A_1036 : vector<16xf32>
      %parallel_loop3A_1040 = arith.subf %parallel_loop3A_1033, %parallel_loop3A_1039 : vector<16xf32>
      %parallel_loop3A_1041 = arith.mulf %parallel_loop3A_1036, %parallel_loop3A_1040 : vector<16xf32>
      %parallel_loop3A_1042 = arith.addf %parallel_loop3A_1026, %parallel_loop3A_1041 : vector<16xf32>
      %parallel_loop3A_1043 = arith.constant 1 : i32
      %parallel_loop3A_1044 = arith.constant 3 : i32
      %parallel_loop3A_1045 = arith.index_cast %parallel_loop3A_1043 : i32 to index
      %parallel_loop3A_1046 = arith.index_cast %parallel_loop3A_1044 : i32 to index
      %parallel_loop3A_1047 = arith.index_cast %parallel_loop3A_973 : i32 to index
      %parallel_loop3A_1048 = tpu.vector_load %arg8[%parallel_loop3A_1045, %parallel_loop3A_1046, %parallel_loop3A_1047] {strides = array<i32>} : memref<2x4x4000xf32, #tpu.memory_space<vmem>>, vector<16xf32>,
      %parallel_loop3A_1049 = math.absf %parallel_loop3A_1048 : vector<16xf32>
      %parallel_loop3A_1050 = arith.constant 1.000000e+00 : f32
      %parallel_loop3A_1051 = vector.broadcast %parallel_loop3A_1050 : f32 to vector<16xf32>
      %parallel_loop3A_1052 = arith.minimumf %parallel_loop3A_1049, %parallel_loop3A_1051 : vector<16xf32>
      %parallel_loop3A_1053 = arith.constant 5.000000e-01 : f32
      %parallel_loop3A_1054 = vector.broadcast %parallel_loop3A_1053 : f32 to vector<16xf32>
      %parallel_loop3A_1055 = arith.mulf %parallel_loop3A_1054, %parallel_loop3A_1052 : vector<16xf32>
      %parallel_loop3A_1056 = arith.subf %parallel_loop3A_1049, %parallel_loop3A_1055 : vector<16xf32>
      %parallel_loop3A_1057 = arith.mulf %parallel_loop3A_1052, %parallel_loop3A_1056 : vector<16xf32>
      %parallel_loop3A_1058 = arith.addf %parallel_loop3A_1042, %parallel_loop3A_1057 : vector<16xf32>
      %parallel_loop3A_1059 = arith.constant 1 : i32
      %parallel_loop3A_1060 = vector.broadcast %parallel_loop3A_1059 : i32 to vector<16xi32>
      %parallel_loop3A_1061 = arith.cmpi eq, %parallel_loop3A_977, %parallel_loop3A_1060 : vector<16xi32>
      %parallel_loop3A_1062 = arith.constant 0.000000e+00 : f32
      %parallel_loop3A_1063 = vector.broadcast %parallel_loop3A_1062 : f32 to vector<16xf32>
      %parallel_loop3A_1064 = arith.select %parallel_loop3A_1061, %parallel_loop3A_1058, %parallel_loop3A_1063 : vector<16xi1>, vector<16xf32>
      %parallel_loop3A_1065 = arith.addf %parallel_loop3A_969, %parallel_loop3A_1064 : vector<16xf32>
      scf.yield %parallel_loop3A_1065, %parallel_loop3A_986, %parallel_loop3A_995 : vector<16xf32>, vector<16xf32>, vector<16xf32>
    } {sc.loop_unroll_factor = 4 : i64, sc.parallel_access}
    %dma_start3A_272 = arith.constant 1 : i32
    %dma_start3A_273 = arith.constant 0 : i32
    %dma_start3A_274 = arith.constant 0 : i32
    %dma_start3A_275 = tpu.memref_slice %arg8[%dma_start3A_272, %dma_start3A_273, %dma_start3A_274] : memref<2x4x4000xf32, #tpu.memory_space<vmem>> -> memref<1x1x4000xf32, #tpu.memory_space<vmem>>
    %dma_start3A_276 = tpu.memref_squeeze %dma_start3A_275 : memref<1x1x4000xf32, #tpu.memory_space<vmem>> -> memref<4000xf32, #tpu.memory_space<vmem>>
    %dma_start3A_277 = tpu.memref_slice %arg2[%add3A_11] : memref<1000000xf32, #tpu.memory_space<hbm>> -> memref<4000xf32, #tpu.memory_space<hbm>>
    %dma_start3A_278 = arith.constant 0 : i32
    %dma_start3A_279 = tpu.memref_slice %arg8[%dma_start3A_272, %dma_start3A_273, %dma_start3A_278] : memref<2x4x4000xf32, #tpu.memory_space<vmem>> -> memref<1x1x4000xf32, #tpu.memory_space<vmem>>
    %dma_start3A_280 = tpu.memref_squeeze %dma_start3A_279 : memref<1x1x4000xf32, #tpu.memory_space<vmem>> -> memref<4000xf32, #tpu.memory_space<vmem>>
    %dma_start3A_281 = tpu.memref_slice %arg2[%add3A_11] : memref<1000000xf32, #tpu.memory_space<hbm>> -> memref<4000xf32, #tpu.memory_space<hbm>>
    tpu.enqueue_dma source(%dma_start3A_281 : memref<4000xf32, #tpu.memory_space<hbm>>) target(%dma_start3A_280 : memref<4000xf32, #tpu.memory_space<vmem>>) target_semaphore(%arg12 : memref<!tpu.dma_semaphore, #tpu.memory_space<semaphore_mem>>)
    %dma_start3A_282 = arith.constant 1 : i32
    %dma_start3A_283 = arith.constant 1 : i32
    %dma_start3A_284 = arith.constant 0 : i32
    %dma_start3A_285 = tpu.memref_slice %arg8[%dma_start3A_282, %dma_start3A_283, %dma_start3A_284] : memref<2x4x4000xf32, #tpu.memory_space<vmem>> -> memref<1x1x4000xf32, #tpu.memory_space<vmem>>
    %dma_start3A_286 = tpu.memref_squeeze %dma_start3A_285 : memref<1x1x4000xf32, #tpu.memory_space<vmem>> -> memref<4000xf32, #tpu.memory_space<vmem>>
    %dma_start3A_287 = tpu.memref_slice %arg3[%add3A_11] : memref<1000000xf32, #tpu.memory_space<hbm>> -> memref<4000xf32, #tpu.memory_space<hbm>>
    %dma_start3A_288 = arith.constant 0 : i32
    %dma_start3A_289 = tpu.memref_slice %arg8[%dma_start3A_282, %dma_start3A_283, %dma_start3A_288] : memref<2x4x4000xf32, #tpu.memory_space<vmem>> -> memref<1x1x4000xf32, #tpu.memory_space<vmem>>
    %dma_start3A_290 = tpu.memref_squeeze %dma_start3A_289 : memref<1x1x4000xf32, #tpu.memory_space<vmem>> -> memref<4000xf32, #tpu.memory_space<vmem>>
    %dma_start3A_291 = tpu.memref_slice %arg3[%add3A_11] : memref<1000000xf32, #tpu.memory_space<hbm>> -> memref<4000xf32, #tpu.memory_space<hbm>>
    tpu.enqueue_dma source(%dma_start3A_291 : memref<4000xf32, #tpu.memory_space<hbm>>) target(%dma_start3A_290 : memref<4000xf32, #tpu.memory_space<vmem>>) target_semaphore(%arg12 : memref<!tpu.dma_semaphore, #tpu.memory_space<semaphore_mem>>)
    %dma_start3A_292 = arith.constant 1 : i32
    %dma_start3A_293 = arith.constant 2 : i32
    %dma_start3A_294 = arith.constant 0 : i32
    %dma_start3A_295 = tpu.memref_slice %arg8[%dma_start3A_292, %dma_start3A_293, %dma_start3A_294] : memref<2x4x4000xf32, #tpu.memory_space<vmem>> -> memref<1x1x4000xf32, #tpu.memory_space<vmem>>
    %dma_start3A_296 = tpu.memref_squeeze %dma_start3A_295 : memref<1x1x4000xf32, #tpu.memory_space<vmem>> -> memref<4000xf32, #tpu.memory_space<vmem>>
    %dma_start3A_297 = tpu.memref_slice %arg4[%add3A_11] : memref<1000000xf32, #tpu.memory_space<hbm>> -> memref<4000xf32, #tpu.memory_space<hbm>>
    %dma_start3A_298 = arith.constant 0 : i32
    %dma_start3A_299 = tpu.memref_slice %arg8[%dma_start3A_292, %dma_start3A_293, %dma_start3A_298] : memref<2x4x4000xf32, #tpu.memory_space<vmem>> -> memref<1x1x4000xf32, #tpu.memory_space<vmem>>
    %dma_start3A_300 = tpu.memref_squeeze %dma_start3A_299 : memref<1x1x4000xf32, #tpu.memory_space<vmem>> -> memref<4000xf32, #tpu.memory_space<vmem>>
    %dma_start3A_301 = tpu.memref_slice %arg4[%add3A_11] : memref<1000000xf32, #tpu.memory_space<hbm>> -> memref<4000xf32, #tpu.memory_space<hbm>>
    tpu.enqueue_dma source(%dma_start3A_301 : memref<4000xf32, #tpu.memory_space<hbm>>) target(%dma_start3A_300 : memref<4000xf32, #tpu.memory_space<vmem>>) target_semaphore(%arg12 : memref<!tpu.dma_semaphore, #tpu.memory_space<semaphore_mem>>)
    %dma_start3A_302 = arith.constant 1 : i32
    %dma_start3A_303 = arith.constant 3 : i32
    %dma_start3A_304 = arith.constant 0 : i32
    %dma_start3A_305 = tpu.memref_slice %arg8[%dma_start3A_302, %dma_start3A_303, %dma_start3A_304] : memref<2x4x4000xf32, #tpu.memory_space<vmem>> -> memref<1x1x4000xf32, #tpu.memory_space<vmem>>
    %dma_start3A_306 = tpu.memref_squeeze %dma_start3A_305 : memref<1x1x4000xf32, #tpu.memory_space<vmem>> -> memref<4000xf32, #tpu.memory_space<vmem>>
    %dma_start3A_307 = tpu.memref_slice %arg5[%add3A_11] : memref<1000000xf32, #tpu.memory_space<hbm>> -> memref<4000xf32, #tpu.memory_space<hbm>>
    %dma_start3A_308 = arith.constant 0 : i32
    %dma_start3A_309 = tpu.memref_slice %arg8[%dma_start3A_302, %dma_start3A_303, %dma_start3A_308] : memref<2x4x4000xf32, #tpu.memory_space<vmem>> -> memref<1x1x4000xf32, #tpu.memory_space<vmem>>
    %dma_start3A_310 = tpu.memref_squeeze %dma_start3A_309 : memref<1x1x4000xf32, #tpu.memory_space<vmem>> -> memref<4000xf32, #tpu.memory_space<vmem>>
    %dma_start3A_311 = tpu.memref_slice %arg5[%add3A_11] : memref<1000000xf32, #tpu.memory_space<hbm>> -> memref<4000xf32, #tpu.memory_space<hbm>>
    tpu.enqueue_dma source(%dma_start3A_311 : memref<4000xf32, #tpu.memory_space<hbm>>) target(%dma_start3A_310 : memref<4000xf32, #tpu.memory_space<vmem>>) target_semaphore(%arg12 : memref<!tpu.dma_semaphore, #tpu.memory_space<semaphore_mem>>)
    %dma_start3A_312 = arith.constant 1 : i32
    %dma_start3A_313 = arith.constant 0 : i32
    %dma_start3A_314 = tpu.memref_slice %arg9[%dma_start3A_312, %dma_start3A_313] : memref<2x4000xi32, #tpu.memory_space<vmem>> -> memref<1x4000xi32, #tpu.memory_space<vmem>>
    %dma_start3A_315 = tpu.memref_squeeze %dma_start3A_314 : memref<1x4000xi32, #tpu.memory_space<vmem>> -> memref<4000xi32, #tpu.memory_space<vmem>>
    %dma_start3A_316 = tpu.memref_slice %arg6[%add3A_11] : memref<1000000xi32, #tpu.memory_space<hbm>> -> memref<4000xi32, #tpu.memory_space<hbm>>
    %dma_start3A_317 = arith.constant 0 : i32
    %dma_start3A_318 = tpu.memref_slice %arg9[%dma_start3A_312, %dma_start3A_317] : memref<2x4000xi32, #tpu.memory_space<vmem>> -> memref<1x4000xi32, #tpu.memory_space<vmem>>
    %dma_start3A_319 = tpu.memref_squeeze %dma_start3A_318 : memref<1x4000xi32, #tpu.memory_space<vmem>> -> memref<4000xi32, #tpu.memory_space<vmem>>
    %dma_start3A_320 = tpu.memref_slice %arg6[%add3A_11] : memref<1000000xi32, #tpu.memory_space<hbm>> -> memref<4000xi32, #tpu.memory_space<hbm>>
    tpu.enqueue_dma source(%dma_start3A_320 : memref<4000xi32, #tpu.memory_space<hbm>>) target(%dma_start3A_319 : memref<4000xi32, #tpu.memory_space<vmem>>) target_semaphore(%arg12 : memref<!tpu.dma_semaphore, #tpu.memory_space<semaphore_mem>>)
    %dma_wait3A_321 = arith.constant 0 : i32
    %dma_wait3A_322 = arith.constant 0 : i32
    %dma_wait3A_323 = arith.constant 0 : i32
    %dma_wait3A_324 = tpu.memref_slice %arg8[%dma_wait3A_321, %dma_wait3A_322, %dma_wait3A_323] : memref<2x4x4000xf32, #tpu.memory_space<vmem>> -> memref<1x1x4000xf32, #tpu.memory_space<vmem>>
    %dma_wait3A_325 = tpu.memref_squeeze %dma_wait3A_324 : memref<1x1x4000xf32, #tpu.memory_space<vmem>> -> memref<4000xf32, #tpu.memory_space<vmem>>
    %dma_wait3A_326 = tpu.memref_slice %arg2[%add3A_9] : memref<1000000xf32, #tpu.memory_space<hbm>> -> memref<4000xf32, #tpu.memory_space<hbm>>
    %dma_wait3A_327 = arith.constant 0 : i32
    %dma_wait3A_328 = tpu.memref_slice %arg8[%dma_wait3A_321, %dma_wait3A_322, %dma_wait3A_327] : memref<2x4x4000xf32, #tpu.memory_space<vmem>> -> memref<1x1x4000xf32, #tpu.memory_space<vmem>>
    %dma_wait3A_329 = tpu.memref_squeeze %dma_wait3A_328 : memref<1x1x4000xf32, #tpu.memory_space<vmem>> -> memref<4000xf32, #tpu.memory_space<vmem>>
    %dma_wait3A_330 = tpu.memref_slice %arg2[%add3A_9] : memref<1000000xf32, #tpu.memory_space<hbm>> -> memref<4000xf32, #tpu.memory_space<hbm>>
    tpu.wait_dma2 semaphore(%arg11 : memref<!tpu.dma_semaphore, #tpu.memory_space<semaphore_mem>>) src(%dma_wait3A_330 : memref<4000xf32, #tpu.memory_space<hbm>>) dst(%dma_wait3A_329 : memref<4000xf32, #tpu.memory_space<vmem>>)
    %dma_wait3A_331 = arith.constant 0 : i32
    %dma_wait3A_332 = arith.constant 1 : i32
    %dma_wait3A_333 = arith.constant 0 : i32
    %dma_wait3A_334 = tpu.memref_slice %arg8[%dma_wait3A_331, %dma_wait3A_332, %dma_wait3A_333] : memref<2x4x4000xf32, #tpu.memory_space<vmem>> -> memref<1x1x4000xf32, #tpu.memory_space<vmem>>
    %dma_wait3A_335 = tpu.memref_squeeze %dma_wait3A_334 : memref<1x1x4000xf32, #tpu.memory_space<vmem>> -> memref<4000xf32, #tpu.memory_space<vmem>>
    %dma_wait3A_336 = tpu.memref_slice %arg3[%add3A_9] : memref<1000000xf32, #tpu.memory_space<hbm>> -> memref<4000xf32, #tpu.memory_space<hbm>>
    %dma_wait3A_337 = arith.constant 0 : i32
    %dma_wait3A_338 = tpu.memref_slice %arg8[%dma_wait3A_331, %dma_wait3A_332, %dma_wait3A_337] : memref<2x4x4000xf32, #tpu.memory_space<vmem>> -> memref<1x1x4000xf32, #tpu.memory_space<vmem>>
    %dma_wait3A_339 = tpu.memref_squeeze %dma_wait3A_338 : memref<1x1x4000xf32, #tpu.memory_space<vmem>> -> memref<4000xf32, #tpu.memory_space<vmem>>
    %dma_wait3A_340 = tpu.memref_slice %arg3[%add3A_9] : memref<1000000xf32, #tpu.memory_space<hbm>> -> memref<4000xf32, #tpu.memory_space<hbm>>
    tpu.wait_dma2 semaphore(%arg11 : memref<!tpu.dma_semaphore, #tpu.memory_space<semaphore_mem>>) src(%dma_wait3A_340 : memref<4000xf32, #tpu.memory_space<hbm>>) dst(%dma_wait3A_339 : memref<4000xf32, #tpu.memory_space<vmem>>)
    %dma_wait3A_341 = arith.constant 0 : i32
    %dma_wait3A_342 = arith.constant 2 : i32
    %dma_wait3A_343 = arith.constant 0 : i32
    %dma_wait3A_344 = tpu.memref_slice %arg8[%dma_wait3A_341, %dma_wait3A_342, %dma_wait3A_343] : memref<2x4x4000xf32, #tpu.memory_space<vmem>> -> memref<1x1x4000xf32, #tpu.memory_space<vmem>>
    %dma_wait3A_345 = tpu.memref_squeeze %dma_wait3A_344 : memref<1x1x4000xf32, #tpu.memory_space<vmem>> -> memref<4000xf32, #tpu.memory_space<vmem>>
    %dma_wait3A_346 = tpu.memref_slice %arg4[%add3A_9] : memref<1000000xf32, #tpu.memory_space<hbm>> -> memref<4000xf32, #tpu.memory_space<hbm>>
    %dma_wait3A_347 = arith.constant 0 : i32
    %dma_wait3A_348 = tpu.memref_slice %arg8[%dma_wait3A_341, %dma_wait3A_342, %dma_wait3A_347] : memref<2x4x4000xf32, #tpu.memory_space<vmem>> -> memref<1x1x4000xf32, #tpu.memory_space<vmem>>
    %dma_wait3A_349 = tpu.memref_squeeze %dma_wait3A_348 : memref<1x1x4000xf32, #tpu.memory_space<vmem>> -> memref<4000xf32, #tpu.memory_space<vmem>>
    %dma_wait3A_350 = tpu.memref_slice %arg4[%add3A_9] : memref<1000000xf32, #tpu.memory_space<hbm>> -> memref<4000xf32, #tpu.memory_space<hbm>>
    tpu.wait_dma2 semaphore(%arg11 : memref<!tpu.dma_semaphore, #tpu.memory_space<semaphore_mem>>) src(%dma_wait3A_350 : memref<4000xf32, #tpu.memory_space<hbm>>) dst(%dma_wait3A_349 : memref<4000xf32, #tpu.memory_space<vmem>>)
    %dma_wait3A_351 = arith.constant 0 : i32
    %dma_wait3A_352 = arith.constant 3 : i32
    %dma_wait3A_353 = arith.constant 0 : i32
    %dma_wait3A_354 = tpu.memref_slice %arg8[%dma_wait3A_351, %dma_wait3A_352, %dma_wait3A_353] : memref<2x4x4000xf32, #tpu.memory_space<vmem>> -> memref<1x1x4000xf32, #tpu.memory_space<vmem>>
    %dma_wait3A_355 = tpu.memref_squeeze %dma_wait3A_354 : memref<1x1x4000xf32, #tpu.memory_space<vmem>> -> memref<4000xf32, #tpu.memory_space<vmem>>
    %dma_wait3A_356 = tpu.memref_slice %arg5[%add3A_9] : memref<1000000xf32, #tpu.memory_space<hbm>> -> memref<4000xf32, #tpu.memory_space<hbm>>
    %dma_wait3A_357 = arith.constant 0 : i32
    %dma_wait3A_358 = tpu.memref_slice %arg8[%dma_wait3A_351, %dma_wait3A_352, %dma_wait3A_357] : memref<2x4x4000xf32, #tpu.memory_space<vmem>> -> memref<1x1x4000xf32, #tpu.memory_space<vmem>>
    %dma_wait3A_359 = tpu.memref_squeeze %dma_wait3A_358 : memref<1x1x4000xf32, #tpu.memory_space<vmem>> -> memref<4000xf32, #tpu.memory_space<vmem>>
    %dma_wait3A_360 = tpu.memref_slice %arg5[%add3A_9] : memref<1000000xf32, #tpu.memory_space<hbm>> -> memref<4000xf32, #tpu.memory_space<hbm>>
    tpu.wait_dma2 semaphore(%arg11 : memref<!tpu.dma_semaphore, #tpu.memory_space<semaphore_mem>>) src(%dma_wait3A_360 : memref<4000xf32, #tpu.memory_space<hbm>>) dst(%dma_wait3A_359 : memref<4000xf32, #tpu.memory_space<vmem>>)
    %dma_wait3A_361 = arith.constant 0 : i32
    %dma_wait3A_362 = arith.constant 0 : i32
    %dma_wait3A_363 = tpu.memref_slice %arg9[%dma_wait3A_361, %dma_wait3A_362] : memref<2x4000xi32, #tpu.memory_space<vmem>> -> memref<1x4000xi32, #tpu.memory_space<vmem>>
    %dma_wait3A_364 = tpu.memref_squeeze %dma_wait3A_363 : memref<1x4000xi32, #tpu.memory_space<vmem>> -> memref<4000xi32, #tpu.memory_space<vmem>>
    %dma_wait3A_365 = tpu.memref_slice %arg6[%add3A_9] : memref<1000000xi32, #tpu.memory_space<hbm>> -> memref<4000xi32, #tpu.memory_space<hbm>>
    %dma_wait3A_366 = arith.constant 0 : i32
    %dma_wait3A_367 = tpu.memref_slice %arg9[%dma_wait3A_361, %dma_wait3A_366] : memref<2x4000xi32, #tpu.memory_space<vmem>> -> memref<1x4000xi32, #tpu.memory_space<vmem>>
    %dma_wait3A_368 = tpu.memref_squeeze %dma_wait3A_367 : memref<1x4000xi32, #tpu.memory_space<vmem>> -> memref<4000xi32, #tpu.memory_space<vmem>>
    %dma_wait3A_369 = tpu.memref_slice %arg6[%add3A_9] : memref<1000000xi32, #tpu.memory_space<hbm>> -> memref<4000xi32, #tpu.memory_space<hbm>>
    tpu.wait_dma2 semaphore(%arg11 : memref<!tpu.dma_semaphore, #tpu.memory_space<semaphore_mem>>) src(%dma_wait3A_369 : memref<4000xi32, #tpu.memory_space<hbm>>) dst(%dma_wait3A_368 : memref<4000xi32, #tpu.memory_space<vmem>>)
    %parallel_loop3A_370 = arith.constant 0 : i32
    %parallel_loop3A_371 = arith.constant 250 : i32
    %parallel_loop3A_372 = arith.constant 1 : i32
    %parallel_loop3A_373:3 = scf.for %parallel_loop3A_968 = %parallel_loop3A_370 to %parallel_loop3A_371 step %parallel_loop3A_372 iter_args(%parallel_loop3A_969 = %parallel_loop3A_271#0, %parallel_loop3A_970 = %parallel_loop3A_271#1, %parallel_loop3A_971 = %parallel_loop3A_271#2) -> (vector<16xf32>, vector<16xf32>, vector<16xf32>)  : i32 {
      %parallel_loop3A_972 = arith.constant 16 : i32
      %parallel_loop3A_973 = arith.muli %parallel_loop3A_968, %parallel_loop3A_972 : i32
      %parallel_loop3A_974 = arith.constant 0 : i32
      %parallel_loop3A_975 = arith.index_cast %parallel_loop3A_974 : i32 to index
      %parallel_loop3A_976 = arith.index_cast %parallel_loop3A_973 : i32 to index
      %parallel_loop3A_977 = tpu.vector_load %arg9[%parallel_loop3A_975, %parallel_loop3A_976] {strides = array<i32>} : memref<2x4000xi32, #tpu.memory_space<vmem>>, vector<16xi32>,
      %parallel_loop3A_978 = arith.constant -1 : i32
      %parallel_loop3A_979 = vector.broadcast %parallel_loop3A_978 : i32 to vector<16xi32>
      %parallel_loop3A_980 = arith.cmpi ne, %parallel_loop3A_977, %parallel_loop3A_979 : vector<16xi32>
      %parallel_loop3A_981 = arith.constant 1.000000e+00 : f32
      %parallel_loop3A_982 = arith.constant 0.000000e+00 : f32
      %parallel_loop3A_983 = vector.broadcast %parallel_loop3A_981 : f32 to vector<16xf32>
      %parallel_loop3A_984 = vector.broadcast %parallel_loop3A_982 : f32 to vector<16xf32>
      %parallel_loop3A_985 = arith.select %parallel_loop3A_980, %parallel_loop3A_983, %parallel_loop3A_984 : vector<16xi1>, vector<16xf32>
      %parallel_loop3A_986 = arith.addf %parallel_loop3A_970, %parallel_loop3A_985 : vector<16xf32>
      %parallel_loop3A_987 = arith.constant 1 : i32
      %parallel_loop3A_988 = vector.broadcast %parallel_loop3A_987 : i32 to vector<16xi32>
      %parallel_loop3A_989 = arith.cmpi eq, %parallel_loop3A_977, %parallel_loop3A_988 : vector<16xi32>
      %parallel_loop3A_990 = arith.constant 1.000000e+00 : f32
      %parallel_loop3A_991 = arith.constant 0.000000e+00 : f32
      %parallel_loop3A_992 = vector.broadcast %parallel_loop3A_990 : f32 to vector<16xf32>
      %parallel_loop3A_993 = vector.broadcast %parallel_loop3A_991 : f32 to vector<16xf32>
      %parallel_loop3A_994 = arith.select %parallel_loop3A_989, %parallel_loop3A_992, %parallel_loop3A_993 : vector<16xi1>, vector<16xf32>
      %parallel_loop3A_995 = arith.addf %parallel_loop3A_971, %parallel_loop3A_994 : vector<16xf32>
      %parallel_loop3A_996 = arith.constant 0 : i32
      %parallel_loop3A_997 = arith.constant 0 : i32
      %parallel_loop3A_998 = arith.index_cast %parallel_loop3A_996 : i32 to index
      %parallel_loop3A_999 = arith.index_cast %parallel_loop3A_997 : i32 to index
      %parallel_loop3A_1000 = arith.index_cast %parallel_loop3A_973 : i32 to index
      %parallel_loop3A_1001 = tpu.vector_load %arg8[%parallel_loop3A_998, %parallel_loop3A_999, %parallel_loop3A_1000] {strides = array<i32>} : memref<2x4x4000xf32, #tpu.memory_space<vmem>>, vector<16xf32>,
      %parallel_loop3A_1002 = math.absf %parallel_loop3A_1001 : vector<16xf32>
      %parallel_loop3A_1003 = arith.constant 1.000000e+00 : f32
      %parallel_loop3A_1004 = vector.broadcast %parallel_loop3A_1003 : f32 to vector<16xf32>
      %parallel_loop3A_1005 = arith.minimumf %parallel_loop3A_1002, %parallel_loop3A_1004 : vector<16xf32>
      %parallel_loop3A_1006 = arith.constant 5.000000e-01 : f32
      %parallel_loop3A_1007 = vector.broadcast %parallel_loop3A_1006 : f32 to vector<16xf32>
      %parallel_loop3A_1008 = arith.mulf %parallel_loop3A_1007, %parallel_loop3A_1005 : vector<16xf32>
      %parallel_loop3A_1009 = arith.subf %parallel_loop3A_1002, %parallel_loop3A_1008 : vector<16xf32>
      %parallel_loop3A_1010 = arith.mulf %parallel_loop3A_1005, %parallel_loop3A_1009 : vector<16xf32>
      %parallel_loop3A_1011 = arith.constant 0 : i32
      %parallel_loop3A_1012 = arith.constant 1 : i32
      %parallel_loop3A_1013 = arith.index_cast %parallel_loop3A_1011 : i32 to index
      %parallel_loop3A_1014 = arith.index_cast %parallel_loop3A_1012 : i32 to index
      %parallel_loop3A_1015 = arith.index_cast %parallel_loop3A_973 : i32 to index
      %parallel_loop3A_1016 = tpu.vector_load %arg8[%parallel_loop3A_1013, %parallel_loop3A_1014, %parallel_loop3A_1015] {strides = array<i32>} : memref<2x4x4000xf32, #tpu.memory_space<vmem>>, vector<16xf32>,
      %parallel_loop3A_1017 = math.absf %parallel_loop3A_1016 : vector<16xf32>
      %parallel_loop3A_1018 = arith.constant 1.000000e+00 : f32
      %parallel_loop3A_1019 = vector.broadcast %parallel_loop3A_1018 : f32 to vector<16xf32>
      %parallel_loop3A_1020 = arith.minimumf %parallel_loop3A_1017, %parallel_loop3A_1019 : vector<16xf32>
      %parallel_loop3A_1021 = arith.constant 5.000000e-01 : f32
      %parallel_loop3A_1022 = vector.broadcast %parallel_loop3A_1021 : f32 to vector<16xf32>
      %parallel_loop3A_1023 = arith.mulf %parallel_loop3A_1022, %parallel_loop3A_1020 : vector<16xf32>
      %parallel_loop3A_1024 = arith.subf %parallel_loop3A_1017, %parallel_loop3A_1023 : vector<16xf32>
      %parallel_loop3A_1025 = arith.mulf %parallel_loop3A_1020, %parallel_loop3A_1024 : vector<16xf32>
      %parallel_loop3A_1026 = arith.addf %parallel_loop3A_1010, %parallel_loop3A_1025 : vector<16xf32>
      %parallel_loop3A_1027 = arith.constant 0 : i32
      %parallel_loop3A_1028 = arith.constant 2 : i32
      %parallel_loop3A_1029 = arith.index_cast %parallel_loop3A_1027 : i32 to index
      %parallel_loop3A_1030 = arith.index_cast %parallel_loop3A_1028 : i32 to index
      %parallel_loop3A_1031 = arith.index_cast %parallel_loop3A_973 : i32 to index
      %parallel_loop3A_1032 = tpu.vector_load %arg8[%parallel_loop3A_1029, %parallel_loop3A_1030, %parallel_loop3A_1031] {strides = array<i32>} : memref<2x4x4000xf32, #tpu.memory_space<vmem>>, vector<16xf32>,
      %parallel_loop3A_1033 = math.absf %parallel_loop3A_1032 : vector<16xf32>
      %parallel_loop3A_1034 = arith.constant 1.000000e+00 : f32
      %parallel_loop3A_1035 = vector.broadcast %parallel_loop3A_1034 : f32 to vector<16xf32>
      %parallel_loop3A_1036 = arith.minimumf %parallel_loop3A_1033, %parallel_loop3A_1035 : vector<16xf32>
      %parallel_loop3A_1037 = arith.constant 5.000000e-01 : f32
      %parallel_loop3A_1038 = vector.broadcast %parallel_loop3A_1037 : f32 to vector<16xf32>
      %parallel_loop3A_1039 = arith.mulf %parallel_loop3A_1038, %parallel_loop3A_1036 : vector<16xf32>
      %parallel_loop3A_1040 = arith.subf %parallel_loop3A_1033, %parallel_loop3A_1039 : vector<16xf32>
      %parallel_loop3A_1041 = arith.mulf %parallel_loop3A_1036, %parallel_loop3A_1040 : vector<16xf32>
      %parallel_loop3A_1042 = arith.addf %parallel_loop3A_1026, %parallel_loop3A_1041 : vector<16xf32>
      %parallel_loop3A_1043 = arith.constant 0 : i32
      %parallel_loop3A_1044 = arith.constant 3 : i32
      %parallel_loop3A_1045 = arith.index_cast %parallel_loop3A_1043 : i32 to index
      %parallel_loop3A_1046 = arith.index_cast %parallel_loop3A_1044 : i32 to index
      %parallel_loop3A_1047 = arith.index_cast %parallel_loop3A_973 : i32 to index
      %parallel_loop3A_1048 = tpu.vector_load %arg8[%parallel_loop3A_1045, %parallel_loop3A_1046, %parallel_loop3A_1047] {strides = array<i32>} : memref<2x4x4000xf32, #tpu.memory_space<vmem>>, vector<16xf32>,
      %parallel_loop3A_1049 = math.absf %parallel_loop3A_1048 : vector<16xf32>
      %parallel_loop3A_1050 = arith.constant 1.000000e+00 : f32
      %parallel_loop3A_1051 = vector.broadcast %parallel_loop3A_1050 : f32 to vector<16xf32>
      %parallel_loop3A_1052 = arith.minimumf %parallel_loop3A_1049, %parallel_loop3A_1051 : vector<16xf32>
      %parallel_loop3A_1053 = arith.constant 5.000000e-01 : f32
      %parallel_loop3A_1054 = vector.broadcast %parallel_loop3A_1053 : f32 to vector<16xf32>
      %parallel_loop3A_1055 = arith.mulf %parallel_loop3A_1054, %parallel_loop3A_1052 : vector<16xf32>
      %parallel_loop3A_1056 = arith.subf %parallel_loop3A_1049, %parallel_loop3A_1055 : vector<16xf32>
      %parallel_loop3A_1057 = arith.mulf %parallel_loop3A_1052, %parallel_loop3A_1056 : vector<16xf32>
      %parallel_loop3A_1058 = arith.addf %parallel_loop3A_1042, %parallel_loop3A_1057 : vector<16xf32>
      %parallel_loop3A_1059 = arith.constant 1 : i32
      %parallel_loop3A_1060 = vector.broadcast %parallel_loop3A_1059 : i32 to vector<16xi32>
      %parallel_loop3A_1061 = arith.cmpi eq, %parallel_loop3A_977, %parallel_loop3A_1060 : vector<16xi32>
      %parallel_loop3A_1062 = arith.constant 0.000000e+00 : f32
      %parallel_loop3A_1063 = vector.broadcast %parallel_loop3A_1062 : f32 to vector<16xf32>
      %parallel_loop3A_1064 = arith.select %parallel_loop3A_1061, %parallel_loop3A_1058, %parallel_loop3A_1063 : vector<16xi1>, vector<16xf32>
      %parallel_loop3A_1065 = arith.addf %parallel_loop3A_969, %parallel_loop3A_1064 : vector<16xf32>
      scf.yield %parallel_loop3A_1065, %parallel_loop3A_986, %parallel_loop3A_995 : vector<16xf32>, vector<16xf32>, vector<16xf32>
    } {sc.loop_unroll_factor = 4 : i64, sc.parallel_access}
    %dma_start3A_374 = arith.constant 0 : i32
    %dma_start3A_375 = arith.constant 0 : i32
    %dma_start3A_376 = arith.constant 0 : i32
    %dma_start3A_377 = tpu.memref_slice %arg8[%dma_start3A_374, %dma_start3A_375, %dma_start3A_376] : memref<2x4x4000xf32, #tpu.memory_space<vmem>> -> memref<1x1x4000xf32, #tpu.memory_space<vmem>>
    %dma_start3A_378 = tpu.memref_squeeze %dma_start3A_377 : memref<1x1x4000xf32, #tpu.memory_space<vmem>> -> memref<4000xf32, #tpu.memory_space<vmem>>
    %dma_start3A_379 = tpu.memref_slice %arg2[%add3A_13] : memref<1000000xf32, #tpu.memory_space<hbm>> -> memref<4000xf32, #tpu.memory_space<hbm>>
    %dma_start3A_380 = arith.constant 0 : i32
    %dma_start3A_381 = tpu.memref_slice %arg8[%dma_start3A_374, %dma_start3A_375, %dma_start3A_380] : memref<2x4x4000xf32, #tpu.memory_space<vmem>> -> memref<1x1x4000xf32, #tpu.memory_space<vmem>>
    %dma_start3A_382 = tpu.memref_squeeze %dma_start3A_381 : memref<1x1x4000xf32, #tpu.memory_space<vmem>> -> memref<4000xf32, #tpu.memory_space<vmem>>
    %dma_start3A_383 = tpu.memref_slice %arg2[%add3A_13] : memref<1000000xf32, #tpu.memory_space<hbm>> -> memref<4000xf32, #tpu.memory_space<hbm>>
    tpu.enqueue_dma source(%dma_start3A_383 : memref<4000xf32, #tpu.memory_space<hbm>>) target(%dma_start3A_382 : memref<4000xf32, #tpu.memory_space<vmem>>) target_semaphore(%arg11 : memref<!tpu.dma_semaphore, #tpu.memory_space<semaphore_mem>>)
    %dma_start3A_384 = arith.constant 0 : i32
    %dma_start3A_385 = arith.constant 1 : i32
    %dma_start3A_386 = arith.constant 0 : i32
    %dma_start3A_387 = tpu.memref_slice %arg8[%dma_start3A_384, %dma_start3A_385, %dma_start3A_386] : memref<2x4x4000xf32, #tpu.memory_space<vmem>> -> memref<1x1x4000xf32, #tpu.memory_space<vmem>>
    %dma_start3A_388 = tpu.memref_squeeze %dma_start3A_387 : memref<1x1x4000xf32, #tpu.memory_space<vmem>> -> memref<4000xf32, #tpu.memory_space<vmem>>
    %dma_start3A_389 = tpu.memref_slice %arg3[%add3A_13] : memref<1000000xf32, #tpu.memory_space<hbm>> -> memref<4000xf32, #tpu.memory_space<hbm>>
    %dma_start3A_390 = arith.constant 0 : i32
    %dma_start3A_391 = tpu.memref_slice %arg8[%dma_start3A_384, %dma_start3A_385, %dma_start3A_390] : memref<2x4x4000xf32, #tpu.memory_space<vmem>> -> memref<1x1x4000xf32, #tpu.memory_space<vmem>>
    %dma_start3A_392 = tpu.memref_squeeze %dma_start3A_391 : memref<1x1x4000xf32, #tpu.memory_space<vmem>> -> memref<4000xf32, #tpu.memory_space<vmem>>
    %dma_start3A_393 = tpu.memref_slice %arg3[%add3A_13] : memref<1000000xf32, #tpu.memory_space<hbm>> -> memref<4000xf32, #tpu.memory_space<hbm>>
    tpu.enqueue_dma source(%dma_start3A_393 : memref<4000xf32, #tpu.memory_space<hbm>>) target(%dma_start3A_392 : memref<4000xf32, #tpu.memory_space<vmem>>) target_semaphore(%arg11 : memref<!tpu.dma_semaphore, #tpu.memory_space<semaphore_mem>>)
    %dma_start3A_394 = arith.constant 0 : i32
    %dma_start3A_395 = arith.constant 2 : i32
    %dma_start3A_396 = arith.constant 0 : i32
    %dma_start3A_397 = tpu.memref_slice %arg8[%dma_start3A_394, %dma_start3A_395, %dma_start3A_396] : memref<2x4x4000xf32, #tpu.memory_space<vmem>> -> memref<1x1x4000xf32, #tpu.memory_space<vmem>>
    %dma_start3A_398 = tpu.memref_squeeze %dma_start3A_397 : memref<1x1x4000xf32, #tpu.memory_space<vmem>> -> memref<4000xf32, #tpu.memory_space<vmem>>
    %dma_start3A_399 = tpu.memref_slice %arg4[%add3A_13] : memref<1000000xf32, #tpu.memory_space<hbm>> -> memref<4000xf32, #tpu.memory_space<hbm>>
    %dma_start3A_400 = arith.constant 0 : i32
    %dma_start3A_401 = tpu.memref_slice %arg8[%dma_start3A_394, %dma_start3A_395, %dma_start3A_400] : memref<2x4x4000xf32, #tpu.memory_space<vmem>> -> memref<1x1x4000xf32, #tpu.memory_space<vmem>>
    %dma_start3A_402 = tpu.memref_squeeze %dma_start3A_401 : memref<1x1x4000xf32, #tpu.memory_space<vmem>> -> memref<4000xf32, #tpu.memory_space<vmem>>
    %dma_start3A_403 = tpu.memref_slice %arg4[%add3A_13] : memref<1000000xf32, #tpu.memory_space<hbm>> -> memref<4000xf32, #tpu.memory_space<hbm>>
    tpu.enqueue_dma source(%dma_start3A_403 : memref<4000xf32, #tpu.memory_space<hbm>>) target(%dma_start3A_402 : memref<4000xf32, #tpu.memory_space<vmem>>) target_semaphore(%arg11 : memref<!tpu.dma_semaphore, #tpu.memory_space<semaphore_mem>>)
    %dma_start3A_404 = arith.constant 0 : i32
    %dma_start3A_405 = arith.constant 3 : i32
    %dma_start3A_406 = arith.constant 0 : i32
    %dma_start3A_407 = tpu.memref_slice %arg8[%dma_start3A_404, %dma_start3A_405, %dma_start3A_406] : memref<2x4x4000xf32, #tpu.memory_space<vmem>> -> memref<1x1x4000xf32, #tpu.memory_space<vmem>>
    %dma_start3A_408 = tpu.memref_squeeze %dma_start3A_407 : memref<1x1x4000xf32, #tpu.memory_space<vmem>> -> memref<4000xf32, #tpu.memory_space<vmem>>
    %dma_start3A_409 = tpu.memref_slice %arg5[%add3A_13] : memref<1000000xf32, #tpu.memory_space<hbm>> -> memref<4000xf32, #tpu.memory_space<hbm>>
    %dma_start3A_410 = arith.constant 0 : i32
    %dma_start3A_411 = tpu.memref_slice %arg8[%dma_start3A_404, %dma_start3A_405, %dma_start3A_410] : memref<2x4x4000xf32, #tpu.memory_space<vmem>> -> memref<1x1x4000xf32, #tpu.memory_space<vmem>>
    %dma_start3A_412 = tpu.memref_squeeze %dma_start3A_411 : memref<1x1x4000xf32, #tpu.memory_space<vmem>> -> memref<4000xf32, #tpu.memory_space<vmem>>
    %dma_start3A_413 = tpu.memref_slice %arg5[%add3A_13] : memref<1000000xf32, #tpu.memory_space<hbm>> -> memref<4000xf32, #tpu.memory_space<hbm>>
    tpu.enqueue_dma source(%dma_start3A_413 : memref<4000xf32, #tpu.memory_space<hbm>>) target(%dma_start3A_412 : memref<4000xf32, #tpu.memory_space<vmem>>) target_semaphore(%arg11 : memref<!tpu.dma_semaphore, #tpu.memory_space<semaphore_mem>>)
    %dma_start3A_414 = arith.constant 0 : i32
    %dma_start3A_415 = arith.constant 0 : i32
    %dma_start3A_416 = tpu.memref_slice %arg9[%dma_start3A_414, %dma_start3A_415] : memref<2x4000xi32, #tpu.memory_space<vmem>> -> memref<1x4000xi32, #tpu.memory_space<vmem>>
    %dma_start3A_417 = tpu.memref_squeeze %dma_start3A_416 : memref<1x4000xi32, #tpu.memory_space<vmem>> -> memref<4000xi32, #tpu.memory_space<vmem>>
    %dma_start3A_418 = tpu.memref_slice %arg6[%add3A_13] : memref<1000000xi32, #tpu.memory_space<hbm>> -> memref<4000xi32, #tpu.memory_space<hbm>>
    %dma_start3A_419 = arith.constant 0 : i32
    %dma_start3A_420 = tpu.memref_slice %arg9[%dma_start3A_414, %dma_start3A_419] : memref<2x4000xi32, #tpu.memory_space<vmem>> -> memref<1x4000xi32, #tpu.memory_space<vmem>>
    %dma_start3A_421 = tpu.memref_squeeze %dma_start3A_420 : memref<1x4000xi32, #tpu.memory_space<vmem>> -> memref<4000xi32, #tpu.memory_space<vmem>>
    %dma_start3A_422 = tpu.memref_slice %arg6[%add3A_13] : memref<1000000xi32, #tpu.memory_space<hbm>> -> memref<4000xi32, #tpu.memory_space<hbm>>
    tpu.enqueue_dma source(%dma_start3A_422 : memref<4000xi32, #tpu.memory_space<hbm>>) target(%dma_start3A_421 : memref<4000xi32, #tpu.memory_space<vmem>>) target_semaphore(%arg11 : memref<!tpu.dma_semaphore, #tpu.memory_space<semaphore_mem>>)
    %dma_wait3A_423 = arith.constant 1 : i32
    %dma_wait3A_424 = arith.constant 0 : i32
    %dma_wait3A_425 = arith.constant 0 : i32
    %dma_wait3A_426 = tpu.memref_slice %arg8[%dma_wait3A_423, %dma_wait3A_424, %dma_wait3A_425] : memref<2x4x4000xf32, #tpu.memory_space<vmem>> -> memref<1x1x4000xf32, #tpu.memory_space<vmem>>
    %dma_wait3A_427 = tpu.memref_squeeze %dma_wait3A_426 : memref<1x1x4000xf32, #tpu.memory_space<vmem>> -> memref<4000xf32, #tpu.memory_space<vmem>>
    %dma_wait3A_428 = tpu.memref_slice %arg2[%add3A_11] : memref<1000000xf32, #tpu.memory_space<hbm>> -> memref<4000xf32, #tpu.memory_space<hbm>>
    %dma_wait3A_429 = arith.constant 0 : i32
    %dma_wait3A_430 = tpu.memref_slice %arg8[%dma_wait3A_423, %dma_wait3A_424, %dma_wait3A_429] : memref<2x4x4000xf32, #tpu.memory_space<vmem>> -> memref<1x1x4000xf32, #tpu.memory_space<vmem>>
    %dma_wait3A_431 = tpu.memref_squeeze %dma_wait3A_430 : memref<1x1x4000xf32, #tpu.memory_space<vmem>> -> memref<4000xf32, #tpu.memory_space<vmem>>
    %dma_wait3A_432 = tpu.memref_slice %arg2[%add3A_11] : memref<1000000xf32, #tpu.memory_space<hbm>> -> memref<4000xf32, #tpu.memory_space<hbm>>
    tpu.wait_dma2 semaphore(%arg12 : memref<!tpu.dma_semaphore, #tpu.memory_space<semaphore_mem>>) src(%dma_wait3A_432 : memref<4000xf32, #tpu.memory_space<hbm>>) dst(%dma_wait3A_431 : memref<4000xf32, #tpu.memory_space<vmem>>)
    %dma_wait3A_433 = arith.constant 1 : i32
    %dma_wait3A_434 = arith.constant 1 : i32
    %dma_wait3A_435 = arith.constant 0 : i32
    %dma_wait3A_436 = tpu.memref_slice %arg8[%dma_wait3A_433, %dma_wait3A_434, %dma_wait3A_435] : memref<2x4x4000xf32, #tpu.memory_space<vmem>> -> memref<1x1x4000xf32, #tpu.memory_space<vmem>>
    %dma_wait3A_437 = tpu.memref_squeeze %dma_wait3A_436 : memref<1x1x4000xf32, #tpu.memory_space<vmem>> -> memref<4000xf32, #tpu.memory_space<vmem>>
    %dma_wait3A_438 = tpu.memref_slice %arg3[%add3A_11] : memref<1000000xf32, #tpu.memory_space<hbm>> -> memref<4000xf32, #tpu.memory_space<hbm>>
    %dma_wait3A_439 = arith.constant 0 : i32
    %dma_wait3A_440 = tpu.memref_slice %arg8[%dma_wait3A_433, %dma_wait3A_434, %dma_wait3A_439] : memref<2x4x4000xf32, #tpu.memory_space<vmem>> -> memref<1x1x4000xf32, #tpu.memory_space<vmem>>
    %dma_wait3A_441 = tpu.memref_squeeze %dma_wait3A_440 : memref<1x1x4000xf32, #tpu.memory_space<vmem>> -> memref<4000xf32, #tpu.memory_space<vmem>>
    %dma_wait3A_442 = tpu.memref_slice %arg3[%add3A_11] : memref<1000000xf32, #tpu.memory_space<hbm>> -> memref<4000xf32, #tpu.memory_space<hbm>>
    tpu.wait_dma2 semaphore(%arg12 : memref<!tpu.dma_semaphore, #tpu.memory_space<semaphore_mem>>) src(%dma_wait3A_442 : memref<4000xf32, #tpu.memory_space<hbm>>) dst(%dma_wait3A_441 : memref<4000xf32, #tpu.memory_space<vmem>>)
    %dma_wait3A_443 = arith.constant 1 : i32
    %dma_wait3A_444 = arith.constant 2 : i32
    %dma_wait3A_445 = arith.constant 0 : i32
    %dma_wait3A_446 = tpu.memref_slice %arg8[%dma_wait3A_443, %dma_wait3A_444, %dma_wait3A_445] : memref<2x4x4000xf32, #tpu.memory_space<vmem>> -> memref<1x1x4000xf32, #tpu.memory_space<vmem>>
    %dma_wait3A_447 = tpu.memref_squeeze %dma_wait3A_446 : memref<1x1x4000xf32, #tpu.memory_space<vmem>> -> memref<4000xf32, #tpu.memory_space<vmem>>
    %dma_wait3A_448 = tpu.memref_slice %arg4[%add3A_11] : memref<1000000xf32, #tpu.memory_space<hbm>> -> memref<4000xf32, #tpu.memory_space<hbm>>
    %dma_wait3A_449 = arith.constant 0 : i32
    %dma_wait3A_450 = tpu.memref_slice %arg8[%dma_wait3A_443, %dma_wait3A_444, %dma_wait3A_449] : memref<2x4x4000xf32, #tpu.memory_space<vmem>> -> memref<1x1x4000xf32, #tpu.memory_space<vmem>>
    %dma_wait3A_451 = tpu.memref_squeeze %dma_wait3A_450 : memref<1x1x4000xf32, #tpu.memory_space<vmem>> -> memref<4000xf32, #tpu.memory_space<vmem>>
    %dma_wait3A_452 = tpu.memref_slice %arg4[%add3A_11] : memref<1000000xf32, #tpu.memory_space<hbm>> -> memref<4000xf32, #tpu.memory_space<hbm>>
    tpu.wait_dma2 semaphore(%arg12 : memref<!tpu.dma_semaphore, #tpu.memory_space<semaphore_mem>>) src(%dma_wait3A_452 : memref<4000xf32, #tpu.memory_space<hbm>>) dst(%dma_wait3A_451 : memref<4000xf32, #tpu.memory_space<vmem>>)
    %dma_wait3A_453 = arith.constant 1 : i32
    %dma_wait3A_454 = arith.constant 3 : i32
    %dma_wait3A_455 = arith.constant 0 : i32
    %dma_wait3A_456 = tpu.memref_slice %arg8[%dma_wait3A_453, %dma_wait3A_454, %dma_wait3A_455] : memref<2x4x4000xf32, #tpu.memory_space<vmem>> -> memref<1x1x4000xf32, #tpu.memory_space<vmem>>
    %dma_wait3A_457 = tpu.memref_squeeze %dma_wait3A_456 : memref<1x1x4000xf32, #tpu.memory_space<vmem>> -> memref<4000xf32, #tpu.memory_space<vmem>>
    %dma_wait3A_458 = tpu.memref_slice %arg5[%add3A_11] : memref<1000000xf32, #tpu.memory_space<hbm>> -> memref<4000xf32, #tpu.memory_space<hbm>>
    %dma_wait3A_459 = arith.constant 0 : i32
    %dma_wait3A_460 = tpu.memref_slice %arg8[%dma_wait3A_453, %dma_wait3A_454, %dma_wait3A_459] : memref<2x4x4000xf32, #tpu.memory_space<vmem>> -> memref<1x1x4000xf32, #tpu.memory_space<vmem>>
    %dma_wait3A_461 = tpu.memref_squeeze %dma_wait3A_460 : memref<1x1x4000xf32, #tpu.memory_space<vmem>> -> memref<4000xf32, #tpu.memory_space<vmem>>
    %dma_wait3A_462 = tpu.memref_slice %arg5[%add3A_11] : memref<1000000xf32, #tpu.memory_space<hbm>> -> memref<4000xf32, #tpu.memory_space<hbm>>
    tpu.wait_dma2 semaphore(%arg12 : memref<!tpu.dma_semaphore, #tpu.memory_space<semaphore_mem>>) src(%dma_wait3A_462 : memref<4000xf32, #tpu.memory_space<hbm>>) dst(%dma_wait3A_461 : memref<4000xf32, #tpu.memory_space<vmem>>)
    %dma_wait3A_463 = arith.constant 1 : i32
    %dma_wait3A_464 = arith.constant 0 : i32
    %dma_wait3A_465 = tpu.memref_slice %arg9[%dma_wait3A_463, %dma_wait3A_464] : memref<2x4000xi32, #tpu.memory_space<vmem>> -> memref<1x4000xi32, #tpu.memory_space<vmem>>
    %dma_wait3A_466 = tpu.memref_squeeze %dma_wait3A_465 : memref<1x4000xi32, #tpu.memory_space<vmem>> -> memref<4000xi32, #tpu.memory_space<vmem>>
    %dma_wait3A_467 = tpu.memref_slice %arg6[%add3A_11] : memref<1000000xi32, #tpu.memory_space<hbm>> -> memref<4000xi32, #tpu.memory_space<hbm>>
    %dma_wait3A_468 = arith.constant 0 : i32
    %dma_wait3A_469 = tpu.memref_slice %arg9[%dma_wait3A_463, %dma_wait3A_468] : memref<2x4000xi32, #tpu.memory_space<vmem>> -> memref<1x4000xi32, #tpu.memory_space<vmem>>
    %dma_wait3A_470 = tpu.memref_squeeze %dma_wait3A_469 : memref<1x4000xi32, #tpu.memory_space<vmem>> -> memref<4000xi32, #tpu.memory_space<vmem>>
    %dma_wait3A_471 = tpu.memref_slice %arg6[%add3A_11] : memref<1000000xi32, #tpu.memory_space<hbm>> -> memref<4000xi32, #tpu.memory_space<hbm>>
    tpu.wait_dma2 semaphore(%arg12 : memref<!tpu.dma_semaphore, #tpu.memory_space<semaphore_mem>>) src(%dma_wait3A_471 : memref<4000xi32, #tpu.memory_space<hbm>>) dst(%dma_wait3A_470 : memref<4000xi32, #tpu.memory_space<vmem>>)
    %parallel_loop3A_472 = arith.constant 0 : i32
    %parallel_loop3A_473 = arith.constant 250 : i32
    %parallel_loop3A_474 = arith.constant 1 : i32
    %parallel_loop3A_475:3 = scf.for %parallel_loop3A_968 = %parallel_loop3A_472 to %parallel_loop3A_473 step %parallel_loop3A_474 iter_args(%parallel_loop3A_969 = %parallel_loop3A_373#0, %parallel_loop3A_970 = %parallel_loop3A_373#1, %parallel_loop3A_971 = %parallel_loop3A_373#2) -> (vector<16xf32>, vector<16xf32>, vector<16xf32>)  : i32 {
      %parallel_loop3A_972 = arith.constant 16 : i32
      %parallel_loop3A_973 = arith.muli %parallel_loop3A_968, %parallel_loop3A_972 : i32
      %parallel_loop3A_974 = arith.constant 1 : i32
      %parallel_loop3A_975 = arith.index_cast %parallel_loop3A_974 : i32 to index
      %parallel_loop3A_976 = arith.index_cast %parallel_loop3A_973 : i32 to index
      %parallel_loop3A_977 = tpu.vector_load %arg9[%parallel_loop3A_975, %parallel_loop3A_976] {strides = array<i32>} : memref<2x4000xi32, #tpu.memory_space<vmem>>, vector<16xi32>,
      %parallel_loop3A_978 = arith.constant -1 : i32
      %parallel_loop3A_979 = vector.broadcast %parallel_loop3A_978 : i32 to vector<16xi32>
      %parallel_loop3A_980 = arith.cmpi ne, %parallel_loop3A_977, %parallel_loop3A_979 : vector<16xi32>
      %parallel_loop3A_981 = arith.constant 1.000000e+00 : f32
      %parallel_loop3A_982 = arith.constant 0.000000e+00 : f32
      %parallel_loop3A_983 = vector.broadcast %parallel_loop3A_981 : f32 to vector<16xf32>
      %parallel_loop3A_984 = vector.broadcast %parallel_loop3A_982 : f32 to vector<16xf32>
      %parallel_loop3A_985 = arith.select %parallel_loop3A_980, %parallel_loop3A_983, %parallel_loop3A_984 : vector<16xi1>, vector<16xf32>
      %parallel_loop3A_986 = arith.addf %parallel_loop3A_970, %parallel_loop3A_985 : vector<16xf32>
      %parallel_loop3A_987 = arith.constant 1 : i32
      %parallel_loop3A_988 = vector.broadcast %parallel_loop3A_987 : i32 to vector<16xi32>
      %parallel_loop3A_989 = arith.cmpi eq, %parallel_loop3A_977, %parallel_loop3A_988 : vector<16xi32>
      %parallel_loop3A_990 = arith.constant 1.000000e+00 : f32
      %parallel_loop3A_991 = arith.constant 0.000000e+00 : f32
      %parallel_loop3A_992 = vector.broadcast %parallel_loop3A_990 : f32 to vector<16xf32>
      %parallel_loop3A_993 = vector.broadcast %parallel_loop3A_991 : f32 to vector<16xf32>
      %parallel_loop3A_994 = arith.select %parallel_loop3A_989, %parallel_loop3A_992, %parallel_loop3A_993 : vector<16xi1>, vector<16xf32>
      %parallel_loop3A_995 = arith.addf %parallel_loop3A_971, %parallel_loop3A_994 : vector<16xf32>
      %parallel_loop3A_996 = arith.constant 1 : i32
      %parallel_loop3A_997 = arith.constant 0 : i32
      %parallel_loop3A_998 = arith.index_cast %parallel_loop3A_996 : i32 to index
      %parallel_loop3A_999 = arith.index_cast %parallel_loop3A_997 : i32 to index
      %parallel_loop3A_1000 = arith.index_cast %parallel_loop3A_973 : i32 to index
      %parallel_loop3A_1001 = tpu.vector_load %arg8[%parallel_loop3A_998, %parallel_loop3A_999, %parallel_loop3A_1000] {strides = array<i32>} : memref<2x4x4000xf32, #tpu.memory_space<vmem>>, vector<16xf32>,
      %parallel_loop3A_1002 = math.absf %parallel_loop3A_1001 : vector<16xf32>
      %parallel_loop3A_1003 = arith.constant 1.000000e+00 : f32
      %parallel_loop3A_1004 = vector.broadcast %parallel_loop3A_1003 : f32 to vector<16xf32>
      %parallel_loop3A_1005 = arith.minimumf %parallel_loop3A_1002, %parallel_loop3A_1004 : vector<16xf32>
      %parallel_loop3A_1006 = arith.constant 5.000000e-01 : f32
      %parallel_loop3A_1007 = vector.broadcast %parallel_loop3A_1006 : f32 to vector<16xf32>
      %parallel_loop3A_1008 = arith.mulf %parallel_loop3A_1007, %parallel_loop3A_1005 : vector<16xf32>
      %parallel_loop3A_1009 = arith.subf %parallel_loop3A_1002, %parallel_loop3A_1008 : vector<16xf32>
      %parallel_loop3A_1010 = arith.mulf %parallel_loop3A_1005, %parallel_loop3A_1009 : vector<16xf32>
      %parallel_loop3A_1011 = arith.constant 1 : i32
      %parallel_loop3A_1012 = arith.constant 1 : i32
      %parallel_loop3A_1013 = arith.index_cast %parallel_loop3A_1011 : i32 to index
      %parallel_loop3A_1014 = arith.index_cast %parallel_loop3A_1012 : i32 to index
      %parallel_loop3A_1015 = arith.index_cast %parallel_loop3A_973 : i32 to index
      %parallel_loop3A_1016 = tpu.vector_load %arg8[%parallel_loop3A_1013, %parallel_loop3A_1014, %parallel_loop3A_1015] {strides = array<i32>} : memref<2x4x4000xf32, #tpu.memory_space<vmem>>, vector<16xf32>,
      %parallel_loop3A_1017 = math.absf %parallel_loop3A_1016 : vector<16xf32>
      %parallel_loop3A_1018 = arith.constant 1.000000e+00 : f32
      %parallel_loop3A_1019 = vector.broadcast %parallel_loop3A_1018 : f32 to vector<16xf32>
      %parallel_loop3A_1020 = arith.minimumf %parallel_loop3A_1017, %parallel_loop3A_1019 : vector<16xf32>
      %parallel_loop3A_1021 = arith.constant 5.000000e-01 : f32
      %parallel_loop3A_1022 = vector.broadcast %parallel_loop3A_1021 : f32 to vector<16xf32>
      %parallel_loop3A_1023 = arith.mulf %parallel_loop3A_1022, %parallel_loop3A_1020 : vector<16xf32>
      %parallel_loop3A_1024 = arith.subf %parallel_loop3A_1017, %parallel_loop3A_1023 : vector<16xf32>
      %parallel_loop3A_1025 = arith.mulf %parallel_loop3A_1020, %parallel_loop3A_1024 : vector<16xf32>
      %parallel_loop3A_1026 = arith.addf %parallel_loop3A_1010, %parallel_loop3A_1025 : vector<16xf32>
      %parallel_loop3A_1027 = arith.constant 1 : i32
      %parallel_loop3A_1028 = arith.constant 2 : i32
      %parallel_loop3A_1029 = arith.index_cast %parallel_loop3A_1027 : i32 to index
      %parallel_loop3A_1030 = arith.index_cast %parallel_loop3A_1028 : i32 to index
      %parallel_loop3A_1031 = arith.index_cast %parallel_loop3A_973 : i32 to index
      %parallel_loop3A_1032 = tpu.vector_load %arg8[%parallel_loop3A_1029, %parallel_loop3A_1030, %parallel_loop3A_1031] {strides = array<i32>} : memref<2x4x4000xf32, #tpu.memory_space<vmem>>, vector<16xf32>,
      %parallel_loop3A_1033 = math.absf %parallel_loop3A_1032 : vector<16xf32>
      %parallel_loop3A_1034 = arith.constant 1.000000e+00 : f32
      %parallel_loop3A_1035 = vector.broadcast %parallel_loop3A_1034 : f32 to vector<16xf32>
      %parallel_loop3A_1036 = arith.minimumf %parallel_loop3A_1033, %parallel_loop3A_1035 : vector<16xf32>
      %parallel_loop3A_1037 = arith.constant 5.000000e-01 : f32
      %parallel_loop3A_1038 = vector.broadcast %parallel_loop3A_1037 : f32 to vector<16xf32>
      %parallel_loop3A_1039 = arith.mulf %parallel_loop3A_1038, %parallel_loop3A_1036 : vector<16xf32>
      %parallel_loop3A_1040 = arith.subf %parallel_loop3A_1033, %parallel_loop3A_1039 : vector<16xf32>
      %parallel_loop3A_1041 = arith.mulf %parallel_loop3A_1036, %parallel_loop3A_1040 : vector<16xf32>
      %parallel_loop3A_1042 = arith.addf %parallel_loop3A_1026, %parallel_loop3A_1041 : vector<16xf32>
      %parallel_loop3A_1043 = arith.constant 1 : i32
      %parallel_loop3A_1044 = arith.constant 3 : i32
      %parallel_loop3A_1045 = arith.index_cast %parallel_loop3A_1043 : i32 to index
      %parallel_loop3A_1046 = arith.index_cast %parallel_loop3A_1044 : i32 to index
      %parallel_loop3A_1047 = arith.index_cast %parallel_loop3A_973 : i32 to index
      %parallel_loop3A_1048 = tpu.vector_load %arg8[%parallel_loop3A_1045, %parallel_loop3A_1046, %parallel_loop3A_1047] {strides = array<i32>} : memref<2x4x4000xf32, #tpu.memory_space<vmem>>, vector<16xf32>,
      %parallel_loop3A_1049 = math.absf %parallel_loop3A_1048 : vector<16xf32>
      %parallel_loop3A_1050 = arith.constant 1.000000e+00 : f32
      %parallel_loop3A_1051 = vector.broadcast %parallel_loop3A_1050 : f32 to vector<16xf32>
      %parallel_loop3A_1052 = arith.minimumf %parallel_loop3A_1049, %parallel_loop3A_1051 : vector<16xf32>
      %parallel_loop3A_1053 = arith.constant 5.000000e-01 : f32
      %parallel_loop3A_1054 = vector.broadcast %parallel_loop3A_1053 : f32 to vector<16xf32>
      %parallel_loop3A_1055 = arith.mulf %parallel_loop3A_1054, %parallel_loop3A_1052 : vector<16xf32>
      %parallel_loop3A_1056 = arith.subf %parallel_loop3A_1049, %parallel_loop3A_1055 : vector<16xf32>
      %parallel_loop3A_1057 = arith.mulf %parallel_loop3A_1052, %parallel_loop3A_1056 : vector<16xf32>
      %parallel_loop3A_1058 = arith.addf %parallel_loop3A_1042, %parallel_loop3A_1057 : vector<16xf32>
      %parallel_loop3A_1059 = arith.constant 1 : i32
      %parallel_loop3A_1060 = vector.broadcast %parallel_loop3A_1059 : i32 to vector<16xi32>
      %parallel_loop3A_1061 = arith.cmpi eq, %parallel_loop3A_977, %parallel_loop3A_1060 : vector<16xi32>
      %parallel_loop3A_1062 = arith.constant 0.000000e+00 : f32
      %parallel_loop3A_1063 = vector.broadcast %parallel_loop3A_1062 : f32 to vector<16xf32>
      %parallel_loop3A_1064 = arith.select %parallel_loop3A_1061, %parallel_loop3A_1058, %parallel_loop3A_1063 : vector<16xi1>, vector<16xf32>
      %parallel_loop3A_1065 = arith.addf %parallel_loop3A_969, %parallel_loop3A_1064 : vector<16xf32>
      scf.yield %parallel_loop3A_1065, %parallel_loop3A_986, %parallel_loop3A_995 : vector<16xf32>, vector<16xf32>, vector<16xf32>
    } {sc.loop_unroll_factor = 4 : i64, sc.parallel_access}
    %dma_start3A_476 = arith.constant 1 : i32
    %dma_start3A_477 = arith.constant 0 : i32
    %dma_start3A_478 = arith.constant 0 : i32
    %dma_start3A_479 = tpu.memref_slice %arg8[%dma_start3A_476, %dma_start3A_477, %dma_start3A_478] : memref<2x4x4000xf32, #tpu.memory_space<vmem>> -> memref<1x1x4000xf32, #tpu.memory_space<vmem>>
    %dma_start3A_480 = tpu.memref_squeeze %dma_start3A_479 : memref<1x1x4000xf32, #tpu.memory_space<vmem>> -> memref<4000xf32, #tpu.memory_space<vmem>>
    %dma_start3A_481 = tpu.memref_slice %arg2[%add3A_15] : memref<1000000xf32, #tpu.memory_space<hbm>> -> memref<4000xf32, #tpu.memory_space<hbm>>
    %dma_start3A_482 = arith.constant 0 : i32
    %dma_start3A_483 = tpu.memref_slice %arg8[%dma_start3A_476, %dma_start3A_477, %dma_start3A_482] : memref<2x4x4000xf32, #tpu.memory_space<vmem>> -> memref<1x1x4000xf32, #tpu.memory_space<vmem>>
    %dma_start3A_484 = tpu.memref_squeeze %dma_start3A_483 : memref<1x1x4000xf32, #tpu.memory_space<vmem>> -> memref<4000xf32, #tpu.memory_space<vmem>>
    %dma_start3A_485 = tpu.memref_slice %arg2[%add3A_15] : memref<1000000xf32, #tpu.memory_space<hbm>> -> memref<4000xf32, #tpu.memory_space<hbm>>
    tpu.enqueue_dma source(%dma_start3A_485 : memref<4000xf32, #tpu.memory_space<hbm>>) target(%dma_start3A_484 : memref<4000xf32, #tpu.memory_space<vmem>>) target_semaphore(%arg12 : memref<!tpu.dma_semaphore, #tpu.memory_space<semaphore_mem>>)
    %dma_start3A_486 = arith.constant 1 : i32
    %dma_start3A_487 = arith.constant 1 : i32
    %dma_start3A_488 = arith.constant 0 : i32
    %dma_start3A_489 = tpu.memref_slice %arg8[%dma_start3A_486, %dma_start3A_487, %dma_start3A_488] : memref<2x4x4000xf32, #tpu.memory_space<vmem>> -> memref<1x1x4000xf32, #tpu.memory_space<vmem>>
    %dma_start3A_490 = tpu.memref_squeeze %dma_start3A_489 : memref<1x1x4000xf32, #tpu.memory_space<vmem>> -> memref<4000xf32, #tpu.memory_space<vmem>>
    %dma_start3A_491 = tpu.memref_slice %arg3[%add3A_15] : memref<1000000xf32, #tpu.memory_space<hbm>> -> memref<4000xf32, #tpu.memory_space<hbm>>
    %dma_start3A_492 = arith.constant 0 : i32
    %dma_start3A_493 = tpu.memref_slice %arg8[%dma_start3A_486, %dma_start3A_487, %dma_start3A_492] : memref<2x4x4000xf32, #tpu.memory_space<vmem>> -> memref<1x1x4000xf32, #tpu.memory_space<vmem>>
    %dma_start3A_494 = tpu.memref_squeeze %dma_start3A_493 : memref<1x1x4000xf32, #tpu.memory_space<vmem>> -> memref<4000xf32, #tpu.memory_space<vmem>>
    %dma_start3A_495 = tpu.memref_slice %arg3[%add3A_15] : memref<1000000xf32, #tpu.memory_space<hbm>> -> memref<4000xf32, #tpu.memory_space<hbm>>
    tpu.enqueue_dma source(%dma_start3A_495 : memref<4000xf32, #tpu.memory_space<hbm>>) target(%dma_start3A_494 : memref<4000xf32, #tpu.memory_space<vmem>>) target_semaphore(%arg12 : memref<!tpu.dma_semaphore, #tpu.memory_space<semaphore_mem>>)
    %dma_start3A_496 = arith.constant 1 : i32
    %dma_start3A_497 = arith.constant 2 : i32
    %dma_start3A_498 = arith.constant 0 : i32
    %dma_start3A_499 = tpu.memref_slice %arg8[%dma_start3A_496, %dma_start3A_497, %dma_start3A_498] : memref<2x4x4000xf32, #tpu.memory_space<vmem>> -> memref<1x1x4000xf32, #tpu.memory_space<vmem>>
    %dma_start3A_500 = tpu.memref_squeeze %dma_start3A_499 : memref<1x1x4000xf32, #tpu.memory_space<vmem>> -> memref<4000xf32, #tpu.memory_space<vmem>>
    %dma_start3A_501 = tpu.memref_slice %arg4[%add3A_15] : memref<1000000xf32, #tpu.memory_space<hbm>> -> memref<4000xf32, #tpu.memory_space<hbm>>
    %dma_start3A_502 = arith.constant 0 : i32
    %dma_start3A_503 = tpu.memref_slice %arg8[%dma_start3A_496, %dma_start3A_497, %dma_start3A_502] : memref<2x4x4000xf32, #tpu.memory_space<vmem>> -> memref<1x1x4000xf32, #tpu.memory_space<vmem>>
    %dma_start3A_504 = tpu.memref_squeeze %dma_start3A_503 : memref<1x1x4000xf32, #tpu.memory_space<vmem>> -> memref<4000xf32, #tpu.memory_space<vmem>>
    %dma_start3A_505 = tpu.memref_slice %arg4[%add3A_15] : memref<1000000xf32, #tpu.memory_space<hbm>> -> memref<4000xf32, #tpu.memory_space<hbm>>
    tpu.enqueue_dma source(%dma_start3A_505 : memref<4000xf32, #tpu.memory_space<hbm>>) target(%dma_start3A_504 : memref<4000xf32, #tpu.memory_space<vmem>>) target_semaphore(%arg12 : memref<!tpu.dma_semaphore, #tpu.memory_space<semaphore_mem>>)
    %dma_start3A_506 = arith.constant 1 : i32
    %dma_start3A_507 = arith.constant 3 : i32
    %dma_start3A_508 = arith.constant 0 : i32
    %dma_start3A_509 = tpu.memref_slice %arg8[%dma_start3A_506, %dma_start3A_507, %dma_start3A_508] : memref<2x4x4000xf32, #tpu.memory_space<vmem>> -> memref<1x1x4000xf32, #tpu.memory_space<vmem>>
    %dma_start3A_510 = tpu.memref_squeeze %dma_start3A_509 : memref<1x1x4000xf32, #tpu.memory_space<vmem>> -> memref<4000xf32, #tpu.memory_space<vmem>>
    %dma_start3A_511 = tpu.memref_slice %arg5[%add3A_15] : memref<1000000xf32, #tpu.memory_space<hbm>> -> memref<4000xf32, #tpu.memory_space<hbm>>
    %dma_start3A_512 = arith.constant 0 : i32
    %dma_start3A_513 = tpu.memref_slice %arg8[%dma_start3A_506, %dma_start3A_507, %dma_start3A_512] : memref<2x4x4000xf32, #tpu.memory_space<vmem>> -> memref<1x1x4000xf32, #tpu.memory_space<vmem>>
    %dma_start3A_514 = tpu.memref_squeeze %dma_start3A_513 : memref<1x1x4000xf32, #tpu.memory_space<vmem>> -> memref<4000xf32, #tpu.memory_space<vmem>>
    %dma_start3A_515 = tpu.memref_slice %arg5[%add3A_15] : memref<1000000xf32, #tpu.memory_space<hbm>> -> memref<4000xf32, #tpu.memory_space<hbm>>
    tpu.enqueue_dma source(%dma_start3A_515 : memref<4000xf32, #tpu.memory_space<hbm>>) target(%dma_start3A_514 : memref<4000xf32, #tpu.memory_space<vmem>>) target_semaphore(%arg12 : memref<!tpu.dma_semaphore, #tpu.memory_space<semaphore_mem>>)
    %dma_start3A_516 = arith.constant 1 : i32
    %dma_start3A_517 = arith.constant 0 : i32
    %dma_start3A_518 = tpu.memref_slice %arg9[%dma_start3A_516, %dma_start3A_517] : memref<2x4000xi32, #tpu.memory_space<vmem>> -> memref<1x4000xi32, #tpu.memory_space<vmem>>
    %dma_start3A_519 = tpu.memref_squeeze %dma_start3A_518 : memref<1x4000xi32, #tpu.memory_space<vmem>> -> memref<4000xi32, #tpu.memory_space<vmem>>
    %dma_start3A_520 = tpu.memref_slice %arg6[%add3A_15] : memref<1000000xi32, #tpu.memory_space<hbm>> -> memref<4000xi32, #tpu.memory_space<hbm>>
    %dma_start3A_521 = arith.constant 0 : i32
    %dma_start3A_522 = tpu.memref_slice %arg9[%dma_start3A_516, %dma_start3A_521] : memref<2x4000xi32, #tpu.memory_space<vmem>> -> memref<1x4000xi32, #tpu.memory_space<vmem>>
    %dma_start3A_523 = tpu.memref_squeeze %dma_start3A_522 : memref<1x4000xi32, #tpu.memory_space<vmem>> -> memref<4000xi32, #tpu.memory_space<vmem>>
    %dma_start3A_524 = tpu.memref_slice %arg6[%add3A_15] : memref<1000000xi32, #tpu.memory_space<hbm>> -> memref<4000xi32, #tpu.memory_space<hbm>>
    tpu.enqueue_dma source(%dma_start3A_524 : memref<4000xi32, #tpu.memory_space<hbm>>) target(%dma_start3A_523 : memref<4000xi32, #tpu.memory_space<vmem>>) target_semaphore(%arg12 : memref<!tpu.dma_semaphore, #tpu.memory_space<semaphore_mem>>)
    %dma_wait3A_525 = arith.constant 0 : i32
    %dma_wait3A_526 = arith.constant 0 : i32
    %dma_wait3A_527 = arith.constant 0 : i32
    %dma_wait3A_528 = tpu.memref_slice %arg8[%dma_wait3A_525, %dma_wait3A_526, %dma_wait3A_527] : memref<2x4x4000xf32, #tpu.memory_space<vmem>> -> memref<1x1x4000xf32, #tpu.memory_space<vmem>>
    %dma_wait3A_529 = tpu.memref_squeeze %dma_wait3A_528 : memref<1x1x4000xf32, #tpu.memory_space<vmem>> -> memref<4000xf32, #tpu.memory_space<vmem>>
    %dma_wait3A_530 = tpu.memref_slice %arg2[%add3A_13] : memref<1000000xf32, #tpu.memory_space<hbm>> -> memref<4000xf32, #tpu.memory_space<hbm>>
    %dma_wait3A_531 = arith.constant 0 : i32
    %dma_wait3A_532 = tpu.memref_slice %arg8[%dma_wait3A_525, %dma_wait3A_526, %dma_wait3A_531] : memref<2x4x4000xf32, #tpu.memory_space<vmem>> -> memref<1x1x4000xf32, #tpu.memory_space<vmem>>
    %dma_wait3A_533 = tpu.memref_squeeze %dma_wait3A_532 : memref<1x1x4000xf32, #tpu.memory_space<vmem>> -> memref<4000xf32, #tpu.memory_space<vmem>>
    %dma_wait3A_534 = tpu.memref_slice %arg2[%add3A_13] : memref<1000000xf32, #tpu.memory_space<hbm>> -> memref<4000xf32, #tpu.memory_space<hbm>>
    tpu.wait_dma2 semaphore(%arg11 : memref<!tpu.dma_semaphore, #tpu.memory_space<semaphore_mem>>) src(%dma_wait3A_534 : memref<4000xf32, #tpu.memory_space<hbm>>) dst(%dma_wait3A_533 : memref<4000xf32, #tpu.memory_space<vmem>>)
    %dma_wait3A_535 = arith.constant 0 : i32
    %dma_wait3A_536 = arith.constant 1 : i32
    %dma_wait3A_537 = arith.constant 0 : i32
    %dma_wait3A_538 = tpu.memref_slice %arg8[%dma_wait3A_535, %dma_wait3A_536, %dma_wait3A_537] : memref<2x4x4000xf32, #tpu.memory_space<vmem>> -> memref<1x1x4000xf32, #tpu.memory_space<vmem>>
    %dma_wait3A_539 = tpu.memref_squeeze %dma_wait3A_538 : memref<1x1x4000xf32, #tpu.memory_space<vmem>> -> memref<4000xf32, #tpu.memory_space<vmem>>
    %dma_wait3A_540 = tpu.memref_slice %arg3[%add3A_13] : memref<1000000xf32, #tpu.memory_space<hbm>> -> memref<4000xf32, #tpu.memory_space<hbm>>
    %dma_wait3A_541 = arith.constant 0 : i32
    %dma_wait3A_542 = tpu.memref_slice %arg8[%dma_wait3A_535, %dma_wait3A_536, %dma_wait3A_541] : memref<2x4x4000xf32, #tpu.memory_space<vmem>> -> memref<1x1x4000xf32, #tpu.memory_space<vmem>>
    %dma_wait3A_543 = tpu.memref_squeeze %dma_wait3A_542 : memref<1x1x4000xf32, #tpu.memory_space<vmem>> -> memref<4000xf32, #tpu.memory_space<vmem>>
    %dma_wait3A_544 = tpu.memref_slice %arg3[%add3A_13] : memref<1000000xf32, #tpu.memory_space<hbm>> -> memref<4000xf32, #tpu.memory_space<hbm>>
    tpu.wait_dma2 semaphore(%arg11 : memref<!tpu.dma_semaphore, #tpu.memory_space<semaphore_mem>>) src(%dma_wait3A_544 : memref<4000xf32, #tpu.memory_space<hbm>>) dst(%dma_wait3A_543 : memref<4000xf32, #tpu.memory_space<vmem>>)
    %dma_wait3A_545 = arith.constant 0 : i32
    %dma_wait3A_546 = arith.constant 2 : i32
    %dma_wait3A_547 = arith.constant 0 : i32
    %dma_wait3A_548 = tpu.memref_slice %arg8[%dma_wait3A_545, %dma_wait3A_546, %dma_wait3A_547] : memref<2x4x4000xf32, #tpu.memory_space<vmem>> -> memref<1x1x4000xf32, #tpu.memory_space<vmem>>
    %dma_wait3A_549 = tpu.memref_squeeze %dma_wait3A_548 : memref<1x1x4000xf32, #tpu.memory_space<vmem>> -> memref<4000xf32, #tpu.memory_space<vmem>>
    %dma_wait3A_550 = tpu.memref_slice %arg4[%add3A_13] : memref<1000000xf32, #tpu.memory_space<hbm>> -> memref<4000xf32, #tpu.memory_space<hbm>>
    %dma_wait3A_551 = arith.constant 0 : i32
    %dma_wait3A_552 = tpu.memref_slice %arg8[%dma_wait3A_545, %dma_wait3A_546, %dma_wait3A_551] : memref<2x4x4000xf32, #tpu.memory_space<vmem>> -> memref<1x1x4000xf32, #tpu.memory_space<vmem>>
    %dma_wait3A_553 = tpu.memref_squeeze %dma_wait3A_552 : memref<1x1x4000xf32, #tpu.memory_space<vmem>> -> memref<4000xf32, #tpu.memory_space<vmem>>
    %dma_wait3A_554 = tpu.memref_slice %arg4[%add3A_13] : memref<1000000xf32, #tpu.memory_space<hbm>> -> memref<4000xf32, #tpu.memory_space<hbm>>
    tpu.wait_dma2 semaphore(%arg11 : memref<!tpu.dma_semaphore, #tpu.memory_space<semaphore_mem>>) src(%dma_wait3A_554 : memref<4000xf32, #tpu.memory_space<hbm>>) dst(%dma_wait3A_553 : memref<4000xf32, #tpu.memory_space<vmem>>)
    %dma_wait3A_555 = arith.constant 0 : i32
    %dma_wait3A_556 = arith.constant 3 : i32
    %dma_wait3A_557 = arith.constant 0 : i32
    %dma_wait3A_558 = tpu.memref_slice %arg8[%dma_wait3A_555, %dma_wait3A_556, %dma_wait3A_557] : memref<2x4x4000xf32, #tpu.memory_space<vmem>> -> memref<1x1x4000xf32, #tpu.memory_space<vmem>>
    %dma_wait3A_559 = tpu.memref_squeeze %dma_wait3A_558 : memref<1x1x4000xf32, #tpu.memory_space<vmem>> -> memref<4000xf32, #tpu.memory_space<vmem>>
    %dma_wait3A_560 = tpu.memref_slice %arg5[%add3A_13] : memref<1000000xf32, #tpu.memory_space<hbm>> -> memref<4000xf32, #tpu.memory_space<hbm>>
    %dma_wait3A_561 = arith.constant 0 : i32
    %dma_wait3A_562 = tpu.memref_slice %arg8[%dma_wait3A_555, %dma_wait3A_556, %dma_wait3A_561] : memref<2x4x4000xf32, #tpu.memory_space<vmem>> -> memref<1x1x4000xf32, #tpu.memory_space<vmem>>
    %dma_wait3A_563 = tpu.memref_squeeze %dma_wait3A_562 : memref<1x1x4000xf32, #tpu.memory_space<vmem>> -> memref<4000xf32, #tpu.memory_space<vmem>>
    %dma_wait3A_564 = tpu.memref_slice %arg5[%add3A_13] : memref<1000000xf32, #tpu.memory_space<hbm>> -> memref<4000xf32, #tpu.memory_space<hbm>>
    tpu.wait_dma2 semaphore(%arg11 : memref<!tpu.dma_semaphore, #tpu.memory_space<semaphore_mem>>) src(%dma_wait3A_564 : memref<4000xf32, #tpu.memory_space<hbm>>) dst(%dma_wait3A_563 : memref<4000xf32, #tpu.memory_space<vmem>>)
    %dma_wait3A_565 = arith.constant 0 : i32
    %dma_wait3A_566 = arith.constant 0 : i32
    %dma_wait3A_567 = tpu.memref_slice %arg9[%dma_wait3A_565, %dma_wait3A_566] : memref<2x4000xi32, #tpu.memory_space<vmem>> -> memref<1x4000xi32, #tpu.memory_space<vmem>>
    %dma_wait3A_568 = tpu.memref_squeeze %dma_wait3A_567 : memref<1x4000xi32, #tpu.memory_space<vmem>> -> memref<4000xi32, #tpu.memory_space<vmem>>
    %dma_wait3A_569 = tpu.memref_slice %arg6[%add3A_13] : memref<1000000xi32, #tpu.memory_space<hbm>> -> memref<4000xi32, #tpu.memory_space<hbm>>
    %dma_wait3A_570 = arith.constant 0 : i32
    %dma_wait3A_571 = tpu.memref_slice %arg9[%dma_wait3A_565, %dma_wait3A_570] : memref<2x4000xi32, #tpu.memory_space<vmem>> -> memref<1x4000xi32, #tpu.memory_space<vmem>>
    %dma_wait3A_572 = tpu.memref_squeeze %dma_wait3A_571 : memref<1x4000xi32, #tpu.memory_space<vmem>> -> memref<4000xi32, #tpu.memory_space<vmem>>
    %dma_wait3A_573 = tpu.memref_slice %arg6[%add3A_13] : memref<1000000xi32, #tpu.memory_space<hbm>> -> memref<4000xi32, #tpu.memory_space<hbm>>
    tpu.wait_dma2 semaphore(%arg11 : memref<!tpu.dma_semaphore, #tpu.memory_space<semaphore_mem>>) src(%dma_wait3A_573 : memref<4000xi32, #tpu.memory_space<hbm>>) dst(%dma_wait3A_572 : memref<4000xi32, #tpu.memory_space<vmem>>)
    %parallel_loop3A_574 = arith.constant 0 : i32
    %parallel_loop3A_575 = arith.constant 250 : i32
    %parallel_loop3A_576 = arith.constant 1 : i32
    %parallel_loop3A_577:3 = scf.for %parallel_loop3A_968 = %parallel_loop3A_574 to %parallel_loop3A_575 step %parallel_loop3A_576 iter_args(%parallel_loop3A_969 = %parallel_loop3A_475#0, %parallel_loop3A_970 = %parallel_loop3A_475#1, %parallel_loop3A_971 = %parallel_loop3A_475#2) -> (vector<16xf32>, vector<16xf32>, vector<16xf32>)  : i32 {
      %parallel_loop3A_972 = arith.constant 16 : i32
      %parallel_loop3A_973 = arith.muli %parallel_loop3A_968, %parallel_loop3A_972 : i32
      %parallel_loop3A_974 = arith.constant 0 : i32
      %parallel_loop3A_975 = arith.index_cast %parallel_loop3A_974 : i32 to index
      %parallel_loop3A_976 = arith.index_cast %parallel_loop3A_973 : i32 to index
      %parallel_loop3A_977 = tpu.vector_load %arg9[%parallel_loop3A_975, %parallel_loop3A_976] {strides = array<i32>} : memref<2x4000xi32, #tpu.memory_space<vmem>>, vector<16xi32>,
      %parallel_loop3A_978 = arith.constant -1 : i32
      %parallel_loop3A_979 = vector.broadcast %parallel_loop3A_978 : i32 to vector<16xi32>
      %parallel_loop3A_980 = arith.cmpi ne, %parallel_loop3A_977, %parallel_loop3A_979 : vector<16xi32>
      %parallel_loop3A_981 = arith.constant 1.000000e+00 : f32
      %parallel_loop3A_982 = arith.constant 0.000000e+00 : f32
      %parallel_loop3A_983 = vector.broadcast %parallel_loop3A_981 : f32 to vector<16xf32>
      %parallel_loop3A_984 = vector.broadcast %parallel_loop3A_982 : f32 to vector<16xf32>
      %parallel_loop3A_985 = arith.select %parallel_loop3A_980, %parallel_loop3A_983, %parallel_loop3A_984 : vector<16xi1>, vector<16xf32>
      %parallel_loop3A_986 = arith.addf %parallel_loop3A_970, %parallel_loop3A_985 : vector<16xf32>
      %parallel_loop3A_987 = arith.constant 1 : i32
      %parallel_loop3A_988 = vector.broadcast %parallel_loop3A_987 : i32 to vector<16xi32>
      %parallel_loop3A_989 = arith.cmpi eq, %parallel_loop3A_977, %parallel_loop3A_988 : vector<16xi32>
      %parallel_loop3A_990 = arith.constant 1.000000e+00 : f32
      %parallel_loop3A_991 = arith.constant 0.000000e+00 : f32
      %parallel_loop3A_992 = vector.broadcast %parallel_loop3A_990 : f32 to vector<16xf32>
      %parallel_loop3A_993 = vector.broadcast %parallel_loop3A_991 : f32 to vector<16xf32>
      %parallel_loop3A_994 = arith.select %parallel_loop3A_989, %parallel_loop3A_992, %parallel_loop3A_993 : vector<16xi1>, vector<16xf32>
      %parallel_loop3A_995 = arith.addf %parallel_loop3A_971, %parallel_loop3A_994 : vector<16xf32>
      %parallel_loop3A_996 = arith.constant 0 : i32
      %parallel_loop3A_997 = arith.constant 0 : i32
      %parallel_loop3A_998 = arith.index_cast %parallel_loop3A_996 : i32 to index
      %parallel_loop3A_999 = arith.index_cast %parallel_loop3A_997 : i32 to index
      %parallel_loop3A_1000 = arith.index_cast %parallel_loop3A_973 : i32 to index
      %parallel_loop3A_1001 = tpu.vector_load %arg8[%parallel_loop3A_998, %parallel_loop3A_999, %parallel_loop3A_1000] {strides = array<i32>} : memref<2x4x4000xf32, #tpu.memory_space<vmem>>, vector<16xf32>,
      %parallel_loop3A_1002 = math.absf %parallel_loop3A_1001 : vector<16xf32>
      %parallel_loop3A_1003 = arith.constant 1.000000e+00 : f32
      %parallel_loop3A_1004 = vector.broadcast %parallel_loop3A_1003 : f32 to vector<16xf32>
      %parallel_loop3A_1005 = arith.minimumf %parallel_loop3A_1002, %parallel_loop3A_1004 : vector<16xf32>
      %parallel_loop3A_1006 = arith.constant 5.000000e-01 : f32
      %parallel_loop3A_1007 = vector.broadcast %parallel_loop3A_1006 : f32 to vector<16xf32>
      %parallel_loop3A_1008 = arith.mulf %parallel_loop3A_1007, %parallel_loop3A_1005 : vector<16xf32>
      %parallel_loop3A_1009 = arith.subf %parallel_loop3A_1002, %parallel_loop3A_1008 : vector<16xf32>
      %parallel_loop3A_1010 = arith.mulf %parallel_loop3A_1005, %parallel_loop3A_1009 : vector<16xf32>
      %parallel_loop3A_1011 = arith.constant 0 : i32
      %parallel_loop3A_1012 = arith.constant 1 : i32
      %parallel_loop3A_1013 = arith.index_cast %parallel_loop3A_1011 : i32 to index
      %parallel_loop3A_1014 = arith.index_cast %parallel_loop3A_1012 : i32 to index
      %parallel_loop3A_1015 = arith.index_cast %parallel_loop3A_973 : i32 to index
      %parallel_loop3A_1016 = tpu.vector_load %arg8[%parallel_loop3A_1013, %parallel_loop3A_1014, %parallel_loop3A_1015] {strides = array<i32>} : memref<2x4x4000xf32, #tpu.memory_space<vmem>>, vector<16xf32>,
      %parallel_loop3A_1017 = math.absf %parallel_loop3A_1016 : vector<16xf32>
      %parallel_loop3A_1018 = arith.constant 1.000000e+00 : f32
      %parallel_loop3A_1019 = vector.broadcast %parallel_loop3A_1018 : f32 to vector<16xf32>
      %parallel_loop3A_1020 = arith.minimumf %parallel_loop3A_1017, %parallel_loop3A_1019 : vector<16xf32>
      %parallel_loop3A_1021 = arith.constant 5.000000e-01 : f32
      %parallel_loop3A_1022 = vector.broadcast %parallel_loop3A_1021 : f32 to vector<16xf32>
      %parallel_loop3A_1023 = arith.mulf %parallel_loop3A_1022, %parallel_loop3A_1020 : vector<16xf32>
      %parallel_loop3A_1024 = arith.subf %parallel_loop3A_1017, %parallel_loop3A_1023 : vector<16xf32>
      %parallel_loop3A_1025 = arith.mulf %parallel_loop3A_1020, %parallel_loop3A_1024 : vector<16xf32>
      %parallel_loop3A_1026 = arith.addf %parallel_loop3A_1010, %parallel_loop3A_1025 : vector<16xf32>
      %parallel_loop3A_1027 = arith.constant 0 : i32
      %parallel_loop3A_1028 = arith.constant 2 : i32
      %parallel_loop3A_1029 = arith.index_cast %parallel_loop3A_1027 : i32 to index
      %parallel_loop3A_1030 = arith.index_cast %parallel_loop3A_1028 : i32 to index
      %parallel_loop3A_1031 = arith.index_cast %parallel_loop3A_973 : i32 to index
      %parallel_loop3A_1032 = tpu.vector_load %arg8[%parallel_loop3A_1029, %parallel_loop3A_1030, %parallel_loop3A_1031] {strides = array<i32>} : memref<2x4x4000xf32, #tpu.memory_space<vmem>>, vector<16xf32>,
      %parallel_loop3A_1033 = math.absf %parallel_loop3A_1032 : vector<16xf32>
      %parallel_loop3A_1034 = arith.constant 1.000000e+00 : f32
      %parallel_loop3A_1035 = vector.broadcast %parallel_loop3A_1034 : f32 to vector<16xf32>
      %parallel_loop3A_1036 = arith.minimumf %parallel_loop3A_1033, %parallel_loop3A_1035 : vector<16xf32>
      %parallel_loop3A_1037 = arith.constant 5.000000e-01 : f32
      %parallel_loop3A_1038 = vector.broadcast %parallel_loop3A_1037 : f32 to vector<16xf32>
      %parallel_loop3A_1039 = arith.mulf %parallel_loop3A_1038, %parallel_loop3A_1036 : vector<16xf32>
      %parallel_loop3A_1040 = arith.subf %parallel_loop3A_1033, %parallel_loop3A_1039 : vector<16xf32>
      %parallel_loop3A_1041 = arith.mulf %parallel_loop3A_1036, %parallel_loop3A_1040 : vector<16xf32>
      %parallel_loop3A_1042 = arith.addf %parallel_loop3A_1026, %parallel_loop3A_1041 : vector<16xf32>
      %parallel_loop3A_1043 = arith.constant 0 : i32
      %parallel_loop3A_1044 = arith.constant 3 : i32
      %parallel_loop3A_1045 = arith.index_cast %parallel_loop3A_1043 : i32 to index
      %parallel_loop3A_1046 = arith.index_cast %parallel_loop3A_1044 : i32 to index
      %parallel_loop3A_1047 = arith.index_cast %parallel_loop3A_973 : i32 to index
      %parallel_loop3A_1048 = tpu.vector_load %arg8[%parallel_loop3A_1045, %parallel_loop3A_1046, %parallel_loop3A_1047] {strides = array<i32>} : memref<2x4x4000xf32, #tpu.memory_space<vmem>>, vector<16xf32>,
      %parallel_loop3A_1049 = math.absf %parallel_loop3A_1048 : vector<16xf32>
      %parallel_loop3A_1050 = arith.constant 1.000000e+00 : f32
      %parallel_loop3A_1051 = vector.broadcast %parallel_loop3A_1050 : f32 to vector<16xf32>
      %parallel_loop3A_1052 = arith.minimumf %parallel_loop3A_1049, %parallel_loop3A_1051 : vector<16xf32>
      %parallel_loop3A_1053 = arith.constant 5.000000e-01 : f32
      %parallel_loop3A_1054 = vector.broadcast %parallel_loop3A_1053 : f32 to vector<16xf32>
      %parallel_loop3A_1055 = arith.mulf %parallel_loop3A_1054, %parallel_loop3A_1052 : vector<16xf32>
      %parallel_loop3A_1056 = arith.subf %parallel_loop3A_1049, %parallel_loop3A_1055 : vector<16xf32>
      %parallel_loop3A_1057 = arith.mulf %parallel_loop3A_1052, %parallel_loop3A_1056 : vector<16xf32>
      %parallel_loop3A_1058 = arith.addf %parallel_loop3A_1042, %parallel_loop3A_1057 : vector<16xf32>
      %parallel_loop3A_1059 = arith.constant 1 : i32
      %parallel_loop3A_1060 = vector.broadcast %parallel_loop3A_1059 : i32 to vector<16xi32>
      %parallel_loop3A_1061 = arith.cmpi eq, %parallel_loop3A_977, %parallel_loop3A_1060 : vector<16xi32>
      %parallel_loop3A_1062 = arith.constant 0.000000e+00 : f32
      %parallel_loop3A_1063 = vector.broadcast %parallel_loop3A_1062 : f32 to vector<16xf32>
      %parallel_loop3A_1064 = arith.select %parallel_loop3A_1061, %parallel_loop3A_1058, %parallel_loop3A_1063 : vector<16xi1>, vector<16xf32>
      %parallel_loop3A_1065 = arith.addf %parallel_loop3A_969, %parallel_loop3A_1064 : vector<16xf32>
      scf.yield %parallel_loop3A_1065, %parallel_loop3A_986, %parallel_loop3A_995 : vector<16xf32>, vector<16xf32>, vector<16xf32>
    } {sc.loop_unroll_factor = 4 : i64, sc.parallel_access}
    %dma_start3A_578 = arith.constant 0 : i32
    %dma_start3A_579 = arith.constant 0 : i32
    %dma_start3A_580 = arith.constant 0 : i32
    %dma_start3A_581 = tpu.memref_slice %arg8[%dma_start3A_578, %dma_start3A_579, %dma_start3A_580] : memref<2x4x4000xf32, #tpu.memory_space<vmem>> -> memref<1x1x4000xf32, #tpu.memory_space<vmem>>
    %dma_start3A_582 = tpu.memref_squeeze %dma_start3A_581 : memref<1x1x4000xf32, #tpu.memory_space<vmem>> -> memref<4000xf32, #tpu.memory_space<vmem>>
    %dma_start3A_583 = tpu.memref_slice %arg2[%add3A_17] : memref<1000000xf32, #tpu.memory_space<hbm>> -> memref<4000xf32, #tpu.memory_space<hbm>>
    %dma_start3A_584 = arith.constant 0 : i32
    %dma_start3A_585 = tpu.memref_slice %arg8[%dma_start3A_578, %dma_start3A_579, %dma_start3A_584] : memref<2x4x4000xf32, #tpu.memory_space<vmem>> -> memref<1x1x4000xf32, #tpu.memory_space<vmem>>
    %dma_start3A_586 = tpu.memref_squeeze %dma_start3A_585 : memref<1x1x4000xf32, #tpu.memory_space<vmem>> -> memref<4000xf32, #tpu.memory_space<vmem>>
    %dma_start3A_587 = tpu.memref_slice %arg2[%add3A_17] : memref<1000000xf32, #tpu.memory_space<hbm>> -> memref<4000xf32, #tpu.memory_space<hbm>>
    tpu.enqueue_dma source(%dma_start3A_587 : memref<4000xf32, #tpu.memory_space<hbm>>) target(%dma_start3A_586 : memref<4000xf32, #tpu.memory_space<vmem>>) target_semaphore(%arg11 : memref<!tpu.dma_semaphore, #tpu.memory_space<semaphore_mem>>)
    %dma_start3A_588 = arith.constant 0 : i32
    %dma_start3A_589 = arith.constant 1 : i32
    %dma_start3A_590 = arith.constant 0 : i32
    %dma_start3A_591 = tpu.memref_slice %arg8[%dma_start3A_588, %dma_start3A_589, %dma_start3A_590] : memref<2x4x4000xf32, #tpu.memory_space<vmem>> -> memref<1x1x4000xf32, #tpu.memory_space<vmem>>
    %dma_start3A_592 = tpu.memref_squeeze %dma_start3A_591 : memref<1x1x4000xf32, #tpu.memory_space<vmem>> -> memref<4000xf32, #tpu.memory_space<vmem>>
    %dma_start3A_593 = tpu.memref_slice %arg3[%add3A_17] : memref<1000000xf32, #tpu.memory_space<hbm>> -> memref<4000xf32, #tpu.memory_space<hbm>>
    %dma_start3A_594 = arith.constant 0 : i32
    %dma_start3A_595 = tpu.memref_slice %arg8[%dma_start3A_588, %dma_start3A_589, %dma_start3A_594] : memref<2x4x4000xf32, #tpu.memory_space<vmem>> -> memref<1x1x4000xf32, #tpu.memory_space<vmem>>
    %dma_start3A_596 = tpu.memref_squeeze %dma_start3A_595 : memref<1x1x4000xf32, #tpu.memory_space<vmem>> -> memref<4000xf32, #tpu.memory_space<vmem>>
    %dma_start3A_597 = tpu.memref_slice %arg3[%add3A_17] : memref<1000000xf32, #tpu.memory_space<hbm>> -> memref<4000xf32, #tpu.memory_space<hbm>>
    tpu.enqueue_dma source(%dma_start3A_597 : memref<4000xf32, #tpu.memory_space<hbm>>) target(%dma_start3A_596 : memref<4000xf32, #tpu.memory_space<vmem>>) target_semaphore(%arg11 : memref<!tpu.dma_semaphore, #tpu.memory_space<semaphore_mem>>)
    %dma_start3A_598 = arith.constant 0 : i32
    %dma_start3A_599 = arith.constant 2 : i32
    %dma_start3A_600 = arith.constant 0 : i32
    %dma_start3A_601 = tpu.memref_slice %arg8[%dma_start3A_598, %dma_start3A_599, %dma_start3A_600] : memref<2x4x4000xf32, #tpu.memory_space<vmem>> -> memref<1x1x4000xf32, #tpu.memory_space<vmem>>
    %dma_start3A_602 = tpu.memref_squeeze %dma_start3A_601 : memref<1x1x4000xf32, #tpu.memory_space<vmem>> -> memref<4000xf32, #tpu.memory_space<vmem>>
    %dma_start3A_603 = tpu.memref_slice %arg4[%add3A_17] : memref<1000000xf32, #tpu.memory_space<hbm>> -> memref<4000xf32, #tpu.memory_space<hbm>>
    %dma_start3A_604 = arith.constant 0 : i32
    %dma_start3A_605 = tpu.memref_slice %arg8[%dma_start3A_598, %dma_start3A_599, %dma_start3A_604] : memref<2x4x4000xf32, #tpu.memory_space<vmem>> -> memref<1x1x4000xf32, #tpu.memory_space<vmem>>
    %dma_start3A_606 = tpu.memref_squeeze %dma_start3A_605 : memref<1x1x4000xf32, #tpu.memory_space<vmem>> -> memref<4000xf32, #tpu.memory_space<vmem>>
    %dma_start3A_607 = tpu.memref_slice %arg4[%add3A_17] : memref<1000000xf32, #tpu.memory_space<hbm>> -> memref<4000xf32, #tpu.memory_space<hbm>>
    tpu.enqueue_dma source(%dma_start3A_607 : memref<4000xf32, #tpu.memory_space<hbm>>) target(%dma_start3A_606 : memref<4000xf32, #tpu.memory_space<vmem>>) target_semaphore(%arg11 : memref<!tpu.dma_semaphore, #tpu.memory_space<semaphore_mem>>)
    %dma_start3A_608 = arith.constant 0 : i32
    %dma_start3A_609 = arith.constant 3 : i32
    %dma_start3A_610 = arith.constant 0 : i32
    %dma_start3A_611 = tpu.memref_slice %arg8[%dma_start3A_608, %dma_start3A_609, %dma_start3A_610] : memref<2x4x4000xf32, #tpu.memory_space<vmem>> -> memref<1x1x4000xf32, #tpu.memory_space<vmem>>
    %dma_start3A_612 = tpu.memref_squeeze %dma_start3A_611 : memref<1x1x4000xf32, #tpu.memory_space<vmem>> -> memref<4000xf32, #tpu.memory_space<vmem>>
    %dma_start3A_613 = tpu.memref_slice %arg5[%add3A_17] : memref<1000000xf32, #tpu.memory_space<hbm>> -> memref<4000xf32, #tpu.memory_space<hbm>>
    %dma_start3A_614 = arith.constant 0 : i32
    %dma_start3A_615 = tpu.memref_slice %arg8[%dma_start3A_608, %dma_start3A_609, %dma_start3A_614] : memref<2x4x4000xf32, #tpu.memory_space<vmem>> -> memref<1x1x4000xf32, #tpu.memory_space<vmem>>
    %dma_start3A_616 = tpu.memref_squeeze %dma_start3A_615 : memref<1x1x4000xf32, #tpu.memory_space<vmem>> -> memref<4000xf32, #tpu.memory_space<vmem>>
    %dma_start3A_617 = tpu.memref_slice %arg5[%add3A_17] : memref<1000000xf32, #tpu.memory_space<hbm>> -> memref<4000xf32, #tpu.memory_space<hbm>>
    tpu.enqueue_dma source(%dma_start3A_617 : memref<4000xf32, #tpu.memory_space<hbm>>) target(%dma_start3A_616 : memref<4000xf32, #tpu.memory_space<vmem>>) target_semaphore(%arg11 : memref<!tpu.dma_semaphore, #tpu.memory_space<semaphore_mem>>)
    %dma_start3A_618 = arith.constant 0 : i32
    %dma_start3A_619 = arith.constant 0 : i32
    %dma_start3A_620 = tpu.memref_slice %arg9[%dma_start3A_618, %dma_start3A_619] : memref<2x4000xi32, #tpu.memory_space<vmem>> -> memref<1x4000xi32, #tpu.memory_space<vmem>>
    %dma_start3A_621 = tpu.memref_squeeze %dma_start3A_620 : memref<1x4000xi32, #tpu.memory_space<vmem>> -> memref<4000xi32, #tpu.memory_space<vmem>>
    %dma_start3A_622 = tpu.memref_slice %arg6[%add3A_17] : memref<1000000xi32, #tpu.memory_space<hbm>> -> memref<4000xi32, #tpu.memory_space<hbm>>
    %dma_start3A_623 = arith.constant 0 : i32
    %dma_start3A_624 = tpu.memref_slice %arg9[%dma_start3A_618, %dma_start3A_623] : memref<2x4000xi32, #tpu.memory_space<vmem>> -> memref<1x4000xi32, #tpu.memory_space<vmem>>
    %dma_start3A_625 = tpu.memref_squeeze %dma_start3A_624 : memref<1x4000xi32, #tpu.memory_space<vmem>> -> memref<4000xi32, #tpu.memory_space<vmem>>
    %dma_start3A_626 = tpu.memref_slice %arg6[%add3A_17] : memref<1000000xi32, #tpu.memory_space<hbm>> -> memref<4000xi32, #tpu.memory_space<hbm>>
    tpu.enqueue_dma source(%dma_start3A_626 : memref<4000xi32, #tpu.memory_space<hbm>>) target(%dma_start3A_625 : memref<4000xi32, #tpu.memory_space<vmem>>) target_semaphore(%arg11 : memref<!tpu.dma_semaphore, #tpu.memory_space<semaphore_mem>>)
    %dma_wait3A_627 = arith.constant 1 : i32
    %dma_wait3A_628 = arith.constant 0 : i32
    %dma_wait3A_629 = arith.constant 0 : i32
    %dma_wait3A_630 = tpu.memref_slice %arg8[%dma_wait3A_627, %dma_wait3A_628, %dma_wait3A_629] : memref<2x4x4000xf32, #tpu.memory_space<vmem>> -> memref<1x1x4000xf32, #tpu.memory_space<vmem>>
    %dma_wait3A_631 = tpu.memref_squeeze %dma_wait3A_630 : memref<1x1x4000xf32, #tpu.memory_space<vmem>> -> memref<4000xf32, #tpu.memory_space<vmem>>
    %dma_wait3A_632 = tpu.memref_slice %arg2[%add3A_15] : memref<1000000xf32, #tpu.memory_space<hbm>> -> memref<4000xf32, #tpu.memory_space<hbm>>
    %dma_wait3A_633 = arith.constant 0 : i32
    %dma_wait3A_634 = tpu.memref_slice %arg8[%dma_wait3A_627, %dma_wait3A_628, %dma_wait3A_633] : memref<2x4x4000xf32, #tpu.memory_space<vmem>> -> memref<1x1x4000xf32, #tpu.memory_space<vmem>>
    %dma_wait3A_635 = tpu.memref_squeeze %dma_wait3A_634 : memref<1x1x4000xf32, #tpu.memory_space<vmem>> -> memref<4000xf32, #tpu.memory_space<vmem>>
    %dma_wait3A_636 = tpu.memref_slice %arg2[%add3A_15] : memref<1000000xf32, #tpu.memory_space<hbm>> -> memref<4000xf32, #tpu.memory_space<hbm>>
    tpu.wait_dma2 semaphore(%arg12 : memref<!tpu.dma_semaphore, #tpu.memory_space<semaphore_mem>>) src(%dma_wait3A_636 : memref<4000xf32, #tpu.memory_space<hbm>>) dst(%dma_wait3A_635 : memref<4000xf32, #tpu.memory_space<vmem>>)
    %dma_wait3A_637 = arith.constant 1 : i32
    %dma_wait3A_638 = arith.constant 1 : i32
    %dma_wait3A_639 = arith.constant 0 : i32
    %dma_wait3A_640 = tpu.memref_slice %arg8[%dma_wait3A_637, %dma_wait3A_638, %dma_wait3A_639] : memref<2x4x4000xf32, #tpu.memory_space<vmem>> -> memref<1x1x4000xf32, #tpu.memory_space<vmem>>
    %dma_wait3A_641 = tpu.memref_squeeze %dma_wait3A_640 : memref<1x1x4000xf32, #tpu.memory_space<vmem>> -> memref<4000xf32, #tpu.memory_space<vmem>>
    %dma_wait3A_642 = tpu.memref_slice %arg3[%add3A_15] : memref<1000000xf32, #tpu.memory_space<hbm>> -> memref<4000xf32, #tpu.memory_space<hbm>>
    %dma_wait3A_643 = arith.constant 0 : i32
    %dma_wait3A_644 = tpu.memref_slice %arg8[%dma_wait3A_637, %dma_wait3A_638, %dma_wait3A_643] : memref<2x4x4000xf32, #tpu.memory_space<vmem>> -> memref<1x1x4000xf32, #tpu.memory_space<vmem>>
    %dma_wait3A_645 = tpu.memref_squeeze %dma_wait3A_644 : memref<1x1x4000xf32, #tpu.memory_space<vmem>> -> memref<4000xf32, #tpu.memory_space<vmem>>
    %dma_wait3A_646 = tpu.memref_slice %arg3[%add3A_15] : memref<1000000xf32, #tpu.memory_space<hbm>> -> memref<4000xf32, #tpu.memory_space<hbm>>
    tpu.wait_dma2 semaphore(%arg12 : memref<!tpu.dma_semaphore, #tpu.memory_space<semaphore_mem>>) src(%dma_wait3A_646 : memref<4000xf32, #tpu.memory_space<hbm>>) dst(%dma_wait3A_645 : memref<4000xf32, #tpu.memory_space<vmem>>)
    %dma_wait3A_647 = arith.constant 1 : i32
    %dma_wait3A_648 = arith.constant 2 : i32
    %dma_wait3A_649 = arith.constant 0 : i32
    %dma_wait3A_650 = tpu.memref_slice %arg8[%dma_wait3A_647, %dma_wait3A_648, %dma_wait3A_649] : memref<2x4x4000xf32, #tpu.memory_space<vmem>> -> memref<1x1x4000xf32, #tpu.memory_space<vmem>>
    %dma_wait3A_651 = tpu.memref_squeeze %dma_wait3A_650 : memref<1x1x4000xf32, #tpu.memory_space<vmem>> -> memref<4000xf32, #tpu.memory_space<vmem>>
    %dma_wait3A_652 = tpu.memref_slice %arg4[%add3A_15] : memref<1000000xf32, #tpu.memory_space<hbm>> -> memref<4000xf32, #tpu.memory_space<hbm>>
    %dma_wait3A_653 = arith.constant 0 : i32
    %dma_wait3A_654 = tpu.memref_slice %arg8[%dma_wait3A_647, %dma_wait3A_648, %dma_wait3A_653] : memref<2x4x4000xf32, #tpu.memory_space<vmem>> -> memref<1x1x4000xf32, #tpu.memory_space<vmem>>
    %dma_wait3A_655 = tpu.memref_squeeze %dma_wait3A_654 : memref<1x1x4000xf32, #tpu.memory_space<vmem>> -> memref<4000xf32, #tpu.memory_space<vmem>>
    %dma_wait3A_656 = tpu.memref_slice %arg4[%add3A_15] : memref<1000000xf32, #tpu.memory_space<hbm>> -> memref<4000xf32, #tpu.memory_space<hbm>>
    tpu.wait_dma2 semaphore(%arg12 : memref<!tpu.dma_semaphore, #tpu.memory_space<semaphore_mem>>) src(%dma_wait3A_656 : memref<4000xf32, #tpu.memory_space<hbm>>) dst(%dma_wait3A_655 : memref<4000xf32, #tpu.memory_space<vmem>>)
    %dma_wait3A_657 = arith.constant 1 : i32
    %dma_wait3A_658 = arith.constant 3 : i32
    %dma_wait3A_659 = arith.constant 0 : i32
    %dma_wait3A_660 = tpu.memref_slice %arg8[%dma_wait3A_657, %dma_wait3A_658, %dma_wait3A_659] : memref<2x4x4000xf32, #tpu.memory_space<vmem>> -> memref<1x1x4000xf32, #tpu.memory_space<vmem>>
    %dma_wait3A_661 = tpu.memref_squeeze %dma_wait3A_660 : memref<1x1x4000xf32, #tpu.memory_space<vmem>> -> memref<4000xf32, #tpu.memory_space<vmem>>
    %dma_wait3A_662 = tpu.memref_slice %arg5[%add3A_15] : memref<1000000xf32, #tpu.memory_space<hbm>> -> memref<4000xf32, #tpu.memory_space<hbm>>
    %dma_wait3A_663 = arith.constant 0 : i32
    %dma_wait3A_664 = tpu.memref_slice %arg8[%dma_wait3A_657, %dma_wait3A_658, %dma_wait3A_663] : memref<2x4x4000xf32, #tpu.memory_space<vmem>> -> memref<1x1x4000xf32, #tpu.memory_space<vmem>>
    %dma_wait3A_665 = tpu.memref_squeeze %dma_wait3A_664 : memref<1x1x4000xf32, #tpu.memory_space<vmem>> -> memref<4000xf32, #tpu.memory_space<vmem>>
    %dma_wait3A_666 = tpu.memref_slice %arg5[%add3A_15] : memref<1000000xf32, #tpu.memory_space<hbm>> -> memref<4000xf32, #tpu.memory_space<hbm>>
    tpu.wait_dma2 semaphore(%arg12 : memref<!tpu.dma_semaphore, #tpu.memory_space<semaphore_mem>>) src(%dma_wait3A_666 : memref<4000xf32, #tpu.memory_space<hbm>>) dst(%dma_wait3A_665 : memref<4000xf32, #tpu.memory_space<vmem>>)
    %dma_wait3A_667 = arith.constant 1 : i32
    %dma_wait3A_668 = arith.constant 0 : i32
    %dma_wait3A_669 = tpu.memref_slice %arg9[%dma_wait3A_667, %dma_wait3A_668] : memref<2x4000xi32, #tpu.memory_space<vmem>> -> memref<1x4000xi32, #tpu.memory_space<vmem>>
    %dma_wait3A_670 = tpu.memref_squeeze %dma_wait3A_669 : memref<1x4000xi32, #tpu.memory_space<vmem>> -> memref<4000xi32, #tpu.memory_space<vmem>>
    %dma_wait3A_671 = tpu.memref_slice %arg6[%add3A_15] : memref<1000000xi32, #tpu.memory_space<hbm>> -> memref<4000xi32, #tpu.memory_space<hbm>>
    %dma_wait3A_672 = arith.constant 0 : i32
    %dma_wait3A_673 = tpu.memref_slice %arg9[%dma_wait3A_667, %dma_wait3A_672] : memref<2x4000xi32, #tpu.memory_space<vmem>> -> memref<1x4000xi32, #tpu.memory_space<vmem>>
    %dma_wait3A_674 = tpu.memref_squeeze %dma_wait3A_673 : memref<1x4000xi32, #tpu.memory_space<vmem>> -> memref<4000xi32, #tpu.memory_space<vmem>>
    %dma_wait3A_675 = tpu.memref_slice %arg6[%add3A_15] : memref<1000000xi32, #tpu.memory_space<hbm>> -> memref<4000xi32, #tpu.memory_space<hbm>>
    tpu.wait_dma2 semaphore(%arg12 : memref<!tpu.dma_semaphore, #tpu.memory_space<semaphore_mem>>) src(%dma_wait3A_675 : memref<4000xi32, #tpu.memory_space<hbm>>) dst(%dma_wait3A_674 : memref<4000xi32, #tpu.memory_space<vmem>>)
    %parallel_loop3A_676 = arith.constant 0 : i32
    %parallel_loop3A_677 = arith.constant 250 : i32
    %parallel_loop3A_678 = arith.constant 1 : i32
    %parallel_loop3A_679:3 = scf.for %parallel_loop3A_968 = %parallel_loop3A_676 to %parallel_loop3A_677 step %parallel_loop3A_678 iter_args(%parallel_loop3A_969 = %parallel_loop3A_577#0, %parallel_loop3A_970 = %parallel_loop3A_577#1, %parallel_loop3A_971 = %parallel_loop3A_577#2) -> (vector<16xf32>, vector<16xf32>, vector<16xf32>)  : i32 {
      %parallel_loop3A_972 = arith.constant 16 : i32
      %parallel_loop3A_973 = arith.muli %parallel_loop3A_968, %parallel_loop3A_972 : i32
      %parallel_loop3A_974 = arith.constant 1 : i32
      %parallel_loop3A_975 = arith.index_cast %parallel_loop3A_974 : i32 to index
      %parallel_loop3A_976 = arith.index_cast %parallel_loop3A_973 : i32 to index
      %parallel_loop3A_977 = tpu.vector_load %arg9[%parallel_loop3A_975, %parallel_loop3A_976] {strides = array<i32>} : memref<2x4000xi32, #tpu.memory_space<vmem>>, vector<16xi32>,
      %parallel_loop3A_978 = arith.constant -1 : i32
      %parallel_loop3A_979 = vector.broadcast %parallel_loop3A_978 : i32 to vector<16xi32>
      %parallel_loop3A_980 = arith.cmpi ne, %parallel_loop3A_977, %parallel_loop3A_979 : vector<16xi32>
      %parallel_loop3A_981 = arith.constant 1.000000e+00 : f32
      %parallel_loop3A_982 = arith.constant 0.000000e+00 : f32
      %parallel_loop3A_983 = vector.broadcast %parallel_loop3A_981 : f32 to vector<16xf32>
      %parallel_loop3A_984 = vector.broadcast %parallel_loop3A_982 : f32 to vector<16xf32>
      %parallel_loop3A_985 = arith.select %parallel_loop3A_980, %parallel_loop3A_983, %parallel_loop3A_984 : vector<16xi1>, vector<16xf32>
      %parallel_loop3A_986 = arith.addf %parallel_loop3A_970, %parallel_loop3A_985 : vector<16xf32>
      %parallel_loop3A_987 = arith.constant 1 : i32
      %parallel_loop3A_988 = vector.broadcast %parallel_loop3A_987 : i32 to vector<16xi32>
      %parallel_loop3A_989 = arith.cmpi eq, %parallel_loop3A_977, %parallel_loop3A_988 : vector<16xi32>
      %parallel_loop3A_990 = arith.constant 1.000000e+00 : f32
      %parallel_loop3A_991 = arith.constant 0.000000e+00 : f32
      %parallel_loop3A_992 = vector.broadcast %parallel_loop3A_990 : f32 to vector<16xf32>
      %parallel_loop3A_993 = vector.broadcast %parallel_loop3A_991 : f32 to vector<16xf32>
      %parallel_loop3A_994 = arith.select %parallel_loop3A_989, %parallel_loop3A_992, %parallel_loop3A_993 : vector<16xi1>, vector<16xf32>
      %parallel_loop3A_995 = arith.addf %parallel_loop3A_971, %parallel_loop3A_994 : vector<16xf32>
      %parallel_loop3A_996 = arith.constant 1 : i32
      %parallel_loop3A_997 = arith.constant 0 : i32
      %parallel_loop3A_998 = arith.index_cast %parallel_loop3A_996 : i32 to index
      %parallel_loop3A_999 = arith.index_cast %parallel_loop3A_997 : i32 to index
      %parallel_loop3A_1000 = arith.index_cast %parallel_loop3A_973 : i32 to index
      %parallel_loop3A_1001 = tpu.vector_load %arg8[%parallel_loop3A_998, %parallel_loop3A_999, %parallel_loop3A_1000] {strides = array<i32>} : memref<2x4x4000xf32, #tpu.memory_space<vmem>>, vector<16xf32>,
      %parallel_loop3A_1002 = math.absf %parallel_loop3A_1001 : vector<16xf32>
      %parallel_loop3A_1003 = arith.constant 1.000000e+00 : f32
      %parallel_loop3A_1004 = vector.broadcast %parallel_loop3A_1003 : f32 to vector<16xf32>
      %parallel_loop3A_1005 = arith.minimumf %parallel_loop3A_1002, %parallel_loop3A_1004 : vector<16xf32>
      %parallel_loop3A_1006 = arith.constant 5.000000e-01 : f32
      %parallel_loop3A_1007 = vector.broadcast %parallel_loop3A_1006 : f32 to vector<16xf32>
      %parallel_loop3A_1008 = arith.mulf %parallel_loop3A_1007, %parallel_loop3A_1005 : vector<16xf32>
      %parallel_loop3A_1009 = arith.subf %parallel_loop3A_1002, %parallel_loop3A_1008 : vector<16xf32>
      %parallel_loop3A_1010 = arith.mulf %parallel_loop3A_1005, %parallel_loop3A_1009 : vector<16xf32>
      %parallel_loop3A_1011 = arith.constant 1 : i32
      %parallel_loop3A_1012 = arith.constant 1 : i32
      %parallel_loop3A_1013 = arith.index_cast %parallel_loop3A_1011 : i32 to index
      %parallel_loop3A_1014 = arith.index_cast %parallel_loop3A_1012 : i32 to index
      %parallel_loop3A_1015 = arith.index_cast %parallel_loop3A_973 : i32 to index
      %parallel_loop3A_1016 = tpu.vector_load %arg8[%parallel_loop3A_1013, %parallel_loop3A_1014, %parallel_loop3A_1015] {strides = array<i32>} : memref<2x4x4000xf32, #tpu.memory_space<vmem>>, vector<16xf32>,
      %parallel_loop3A_1017 = math.absf %parallel_loop3A_1016 : vector<16xf32>
      %parallel_loop3A_1018 = arith.constant 1.000000e+00 : f32
      %parallel_loop3A_1019 = vector.broadcast %parallel_loop3A_1018 : f32 to vector<16xf32>
      %parallel_loop3A_1020 = arith.minimumf %parallel_loop3A_1017, %parallel_loop3A_1019 : vector<16xf32>
      %parallel_loop3A_1021 = arith.constant 5.000000e-01 : f32
      %parallel_loop3A_1022 = vector.broadcast %parallel_loop3A_1021 : f32 to vector<16xf32>
      %parallel_loop3A_1023 = arith.mulf %parallel_loop3A_1022, %parallel_loop3A_1020 : vector<16xf32>
      %parallel_loop3A_1024 = arith.subf %parallel_loop3A_1017, %parallel_loop3A_1023 : vector<16xf32>
      %parallel_loop3A_1025 = arith.mulf %parallel_loop3A_1020, %parallel_loop3A_1024 : vector<16xf32>
      %parallel_loop3A_1026 = arith.addf %parallel_loop3A_1010, %parallel_loop3A_1025 : vector<16xf32>
      %parallel_loop3A_1027 = arith.constant 1 : i32
      %parallel_loop3A_1028 = arith.constant 2 : i32
      %parallel_loop3A_1029 = arith.index_cast %parallel_loop3A_1027 : i32 to index
      %parallel_loop3A_1030 = arith.index_cast %parallel_loop3A_1028 : i32 to index
      %parallel_loop3A_1031 = arith.index_cast %parallel_loop3A_973 : i32 to index
      %parallel_loop3A_1032 = tpu.vector_load %arg8[%parallel_loop3A_1029, %parallel_loop3A_1030, %parallel_loop3A_1031] {strides = array<i32>} : memref<2x4x4000xf32, #tpu.memory_space<vmem>>, vector<16xf32>,
      %parallel_loop3A_1033 = math.absf %parallel_loop3A_1032 : vector<16xf32>
      %parallel_loop3A_1034 = arith.constant 1.000000e+00 : f32
      %parallel_loop3A_1035 = vector.broadcast %parallel_loop3A_1034 : f32 to vector<16xf32>
      %parallel_loop3A_1036 = arith.minimumf %parallel_loop3A_1033, %parallel_loop3A_1035 : vector<16xf32>
      %parallel_loop3A_1037 = arith.constant 5.000000e-01 : f32
      %parallel_loop3A_1038 = vector.broadcast %parallel_loop3A_1037 : f32 to vector<16xf32>
      %parallel_loop3A_1039 = arith.mulf %parallel_loop3A_1038, %parallel_loop3A_1036 : vector<16xf32>
      %parallel_loop3A_1040 = arith.subf %parallel_loop3A_1033, %parallel_loop3A_1039 : vector<16xf32>
      %parallel_loop3A_1041 = arith.mulf %parallel_loop3A_1036, %parallel_loop3A_1040 : vector<16xf32>
      %parallel_loop3A_1042 = arith.addf %parallel_loop3A_1026, %parallel_loop3A_1041 : vector<16xf32>
      %parallel_loop3A_1043 = arith.constant 1 : i32
      %parallel_loop3A_1044 = arith.constant 3 : i32
      %parallel_loop3A_1045 = arith.index_cast %parallel_loop3A_1043 : i32 to index
      %parallel_loop3A_1046 = arith.index_cast %parallel_loop3A_1044 : i32 to index
      %parallel_loop3A_1047 = arith.index_cast %parallel_loop3A_973 : i32 to index
      %parallel_loop3A_1048 = tpu.vector_load %arg8[%parallel_loop3A_1045, %parallel_loop3A_1046, %parallel_loop3A_1047] {strides = array<i32>} : memref<2x4x4000xf32, #tpu.memory_space<vmem>>, vector<16xf32>,
      %parallel_loop3A_1049 = math.absf %parallel_loop3A_1048 : vector<16xf32>
      %parallel_loop3A_1050 = arith.constant 1.000000e+00 : f32
      %parallel_loop3A_1051 = vector.broadcast %parallel_loop3A_1050 : f32 to vector<16xf32>
      %parallel_loop3A_1052 = arith.minimumf %parallel_loop3A_1049, %parallel_loop3A_1051 : vector<16xf32>
      %parallel_loop3A_1053 = arith.constant 5.000000e-01 : f32
      %parallel_loop3A_1054 = vector.broadcast %parallel_loop3A_1053 : f32 to vector<16xf32>
      %parallel_loop3A_1055 = arith.mulf %parallel_loop3A_1054, %parallel_loop3A_1052 : vector<16xf32>
      %parallel_loop3A_1056 = arith.subf %parallel_loop3A_1049, %parallel_loop3A_1055 : vector<16xf32>
      %parallel_loop3A_1057 = arith.mulf %parallel_loop3A_1052, %parallel_loop3A_1056 : vector<16xf32>
      %parallel_loop3A_1058 = arith.addf %parallel_loop3A_1042, %parallel_loop3A_1057 : vector<16xf32>
      %parallel_loop3A_1059 = arith.constant 1 : i32
      %parallel_loop3A_1060 = vector.broadcast %parallel_loop3A_1059 : i32 to vector<16xi32>
      %parallel_loop3A_1061 = arith.cmpi eq, %parallel_loop3A_977, %parallel_loop3A_1060 : vector<16xi32>
      %parallel_loop3A_1062 = arith.constant 0.000000e+00 : f32
      %parallel_loop3A_1063 = vector.broadcast %parallel_loop3A_1062 : f32 to vector<16xf32>
      %parallel_loop3A_1064 = arith.select %parallel_loop3A_1061, %parallel_loop3A_1058, %parallel_loop3A_1063 : vector<16xi1>, vector<16xf32>
      %parallel_loop3A_1065 = arith.addf %parallel_loop3A_969, %parallel_loop3A_1064 : vector<16xf32>
      scf.yield %parallel_loop3A_1065, %parallel_loop3A_986, %parallel_loop3A_995 : vector<16xf32>, vector<16xf32>, vector<16xf32>
    } {sc.loop_unroll_factor = 4 : i64, sc.parallel_access}
    %dma_start3A_680 = arith.constant 1 : i32
    %dma_start3A_681 = arith.constant 0 : i32
    %dma_start3A_682 = arith.constant 0 : i32
    %dma_start3A_683 = tpu.memref_slice %arg8[%dma_start3A_680, %dma_start3A_681, %dma_start3A_682] : memref<2x4x4000xf32, #tpu.memory_space<vmem>> -> memref<1x1x3248xf32, #tpu.memory_space<vmem>>
    %dma_start3A_684 = tpu.memref_squeeze %dma_start3A_683 : memref<1x1x3248xf32, #tpu.memory_space<vmem>> -> memref<3248xf32, #tpu.memory_space<vmem>>
    %dma_start3A_685 = tpu.memref_slice %arg2[%add3A_19] : memref<1000000xf32, #tpu.memory_space<hbm>> -> memref<3248xf32, #tpu.memory_space<hbm>>
    %dma_start3A_686 = arith.constant 0 : i32
    %dma_start3A_687 = tpu.memref_slice %arg8[%dma_start3A_680, %dma_start3A_681, %dma_start3A_686] : memref<2x4x4000xf32, #tpu.memory_space<vmem>> -> memref<1x1x3248xf32, #tpu.memory_space<vmem>>
    %dma_start3A_688 = tpu.memref_squeeze %dma_start3A_687 : memref<1x1x3248xf32, #tpu.memory_space<vmem>> -> memref<3248xf32, #tpu.memory_space<vmem>>
    %dma_start3A_689 = tpu.memref_slice %arg2[%add3A_19] : memref<1000000xf32, #tpu.memory_space<hbm>> -> memref<3248xf32, #tpu.memory_space<hbm>>
    tpu.enqueue_dma source(%dma_start3A_689 : memref<3248xf32, #tpu.memory_space<hbm>>) target(%dma_start3A_688 : memref<3248xf32, #tpu.memory_space<vmem>>) target_semaphore(%arg12 : memref<!tpu.dma_semaphore, #tpu.memory_space<semaphore_mem>>)
    %dma_start3A_690 = arith.constant 1 : i32
    %dma_start3A_691 = arith.constant 1 : i32
    %dma_start3A_692 = arith.constant 0 : i32
    %dma_start3A_693 = tpu.memref_slice %arg8[%dma_start3A_690, %dma_start3A_691, %dma_start3A_692] : memref<2x4x4000xf32, #tpu.memory_space<vmem>> -> memref<1x1x3248xf32, #tpu.memory_space<vmem>>
    %dma_start3A_694 = tpu.memref_squeeze %dma_start3A_693 : memref<1x1x3248xf32, #tpu.memory_space<vmem>> -> memref<3248xf32, #tpu.memory_space<vmem>>
    %dma_start3A_695 = tpu.memref_slice %arg3[%add3A_19] : memref<1000000xf32, #tpu.memory_space<hbm>> -> memref<3248xf32, #tpu.memory_space<hbm>>
    %dma_start3A_696 = arith.constant 0 : i32
    %dma_start3A_697 = tpu.memref_slice %arg8[%dma_start3A_690, %dma_start3A_691, %dma_start3A_696] : memref<2x4x4000xf32, #tpu.memory_space<vmem>> -> memref<1x1x3248xf32, #tpu.memory_space<vmem>>
    %dma_start3A_698 = tpu.memref_squeeze %dma_start3A_697 : memref<1x1x3248xf32, #tpu.memory_space<vmem>> -> memref<3248xf32, #tpu.memory_space<vmem>>
    %dma_start3A_699 = tpu.memref_slice %arg3[%add3A_19] : memref<1000000xf32, #tpu.memory_space<hbm>> -> memref<3248xf32, #tpu.memory_space<hbm>>
    tpu.enqueue_dma source(%dma_start3A_699 : memref<3248xf32, #tpu.memory_space<hbm>>) target(%dma_start3A_698 : memref<3248xf32, #tpu.memory_space<vmem>>) target_semaphore(%arg12 : memref<!tpu.dma_semaphore, #tpu.memory_space<semaphore_mem>>)
    %dma_start3A_700 = arith.constant 1 : i32
    %dma_start3A_701 = arith.constant 2 : i32
    %dma_start3A_702 = arith.constant 0 : i32
    %dma_start3A_703 = tpu.memref_slice %arg8[%dma_start3A_700, %dma_start3A_701, %dma_start3A_702] : memref<2x4x4000xf32, #tpu.memory_space<vmem>> -> memref<1x1x3248xf32, #tpu.memory_space<vmem>>
    %dma_start3A_704 = tpu.memref_squeeze %dma_start3A_703 : memref<1x1x3248xf32, #tpu.memory_space<vmem>> -> memref<3248xf32, #tpu.memory_space<vmem>>
    %dma_start3A_705 = tpu.memref_slice %arg4[%add3A_19] : memref<1000000xf32, #tpu.memory_space<hbm>> -> memref<3248xf32, #tpu.memory_space<hbm>>
    %dma_start3A_706 = arith.constant 0 : i32
    %dma_start3A_707 = tpu.memref_slice %arg8[%dma_start3A_700, %dma_start3A_701, %dma_start3A_706] : memref<2x4x4000xf32, #tpu.memory_space<vmem>> -> memref<1x1x3248xf32, #tpu.memory_space<vmem>>
    %dma_start3A_708 = tpu.memref_squeeze %dma_start3A_707 : memref<1x1x3248xf32, #tpu.memory_space<vmem>> -> memref<3248xf32, #tpu.memory_space<vmem>>
    %dma_start3A_709 = tpu.memref_slice %arg4[%add3A_19] : memref<1000000xf32, #tpu.memory_space<hbm>> -> memref<3248xf32, #tpu.memory_space<hbm>>
    tpu.enqueue_dma source(%dma_start3A_709 : memref<3248xf32, #tpu.memory_space<hbm>>) target(%dma_start3A_708 : memref<3248xf32, #tpu.memory_space<vmem>>) target_semaphore(%arg12 : memref<!tpu.dma_semaphore, #tpu.memory_space<semaphore_mem>>)
    %dma_start3A_710 = arith.constant 1 : i32
    %dma_start3A_711 = arith.constant 3 : i32
    %dma_start3A_712 = arith.constant 0 : i32
    %dma_start3A_713 = tpu.memref_slice %arg8[%dma_start3A_710, %dma_start3A_711, %dma_start3A_712] : memref<2x4x4000xf32, #tpu.memory_space<vmem>> -> memref<1x1x3248xf32, #tpu.memory_space<vmem>>
    %dma_start3A_714 = tpu.memref_squeeze %dma_start3A_713 : memref<1x1x3248xf32, #tpu.memory_space<vmem>> -> memref<3248xf32, #tpu.memory_space<vmem>>
    %dma_start3A_715 = tpu.memref_slice %arg5[%add3A_19] : memref<1000000xf32, #tpu.memory_space<hbm>> -> memref<3248xf32, #tpu.memory_space<hbm>>
    %dma_start3A_716 = arith.constant 0 : i32
    %dma_start3A_717 = tpu.memref_slice %arg8[%dma_start3A_710, %dma_start3A_711, %dma_start3A_716] : memref<2x4x4000xf32, #tpu.memory_space<vmem>> -> memref<1x1x3248xf32, #tpu.memory_space<vmem>>
    %dma_start3A_718 = tpu.memref_squeeze %dma_start3A_717 : memref<1x1x3248xf32, #tpu.memory_space<vmem>> -> memref<3248xf32, #tpu.memory_space<vmem>>
    %dma_start3A_719 = tpu.memref_slice %arg5[%add3A_19] : memref<1000000xf32, #tpu.memory_space<hbm>> -> memref<3248xf32, #tpu.memory_space<hbm>>
    tpu.enqueue_dma source(%dma_start3A_719 : memref<3248xf32, #tpu.memory_space<hbm>>) target(%dma_start3A_718 : memref<3248xf32, #tpu.memory_space<vmem>>) target_semaphore(%arg12 : memref<!tpu.dma_semaphore, #tpu.memory_space<semaphore_mem>>)
    %dma_start3A_720 = arith.constant 1 : i32
    %dma_start3A_721 = arith.constant 0 : i32
    %dma_start3A_722 = tpu.memref_slice %arg9[%dma_start3A_720, %dma_start3A_721] : memref<2x4000xi32, #tpu.memory_space<vmem>> -> memref<1x3248xi32, #tpu.memory_space<vmem>>
    %dma_start3A_723 = tpu.memref_squeeze %dma_start3A_722 : memref<1x3248xi32, #tpu.memory_space<vmem>> -> memref<3248xi32, #tpu.memory_space<vmem>>
    %dma_start3A_724 = tpu.memref_slice %arg6[%add3A_19] : memref<1000000xi32, #tpu.memory_space<hbm>> -> memref<3248xi32, #tpu.memory_space<hbm>>
    %dma_start3A_725 = arith.constant 0 : i32
    %dma_start3A_726 = tpu.memref_slice %arg9[%dma_start3A_720, %dma_start3A_725] : memref<2x4000xi32, #tpu.memory_space<vmem>> -> memref<1x3248xi32, #tpu.memory_space<vmem>>
    %dma_start3A_727 = tpu.memref_squeeze %dma_start3A_726 : memref<1x3248xi32, #tpu.memory_space<vmem>> -> memref<3248xi32, #tpu.memory_space<vmem>>
    %dma_start3A_728 = tpu.memref_slice %arg6[%add3A_19] : memref<1000000xi32, #tpu.memory_space<hbm>> -> memref<3248xi32, #tpu.memory_space<hbm>>
    tpu.enqueue_dma source(%dma_start3A_728 : memref<3248xi32, #tpu.memory_space<hbm>>) target(%dma_start3A_727 : memref<3248xi32, #tpu.memory_space<vmem>>) target_semaphore(%arg12 : memref<!tpu.dma_semaphore, #tpu.memory_space<semaphore_mem>>)
    %dma_wait3A_729 = arith.constant 0 : i32
    %dma_wait3A_730 = arith.constant 0 : i32
    %dma_wait3A_731 = arith.constant 0 : i32
    %dma_wait3A_732 = tpu.memref_slice %arg8[%dma_wait3A_729, %dma_wait3A_730, %dma_wait3A_731] : memref<2x4x4000xf32, #tpu.memory_space<vmem>> -> memref<1x1x4000xf32, #tpu.memory_space<vmem>>
    %dma_wait3A_733 = tpu.memref_squeeze %dma_wait3A_732 : memref<1x1x4000xf32, #tpu.memory_space<vmem>> -> memref<4000xf32, #tpu.memory_space<vmem>>
    %dma_wait3A_734 = tpu.memref_slice %arg2[%add3A_17] : memref<1000000xf32, #tpu.memory_space<hbm>> -> memref<4000xf32, #tpu.memory_space<hbm>>
    %dma_wait3A_735 = arith.constant 0 : i32
    %dma_wait3A_736 = tpu.memref_slice %arg8[%dma_wait3A_729, %dma_wait3A_730, %dma_wait3A_735] : memref<2x4x4000xf32, #tpu.memory_space<vmem>> -> memref<1x1x4000xf32, #tpu.memory_space<vmem>>
    %dma_wait3A_737 = tpu.memref_squeeze %dma_wait3A_736 : memref<1x1x4000xf32, #tpu.memory_space<vmem>> -> memref<4000xf32, #tpu.memory_space<vmem>>
    %dma_wait3A_738 = tpu.memref_slice %arg2[%add3A_17] : memref<1000000xf32, #tpu.memory_space<hbm>> -> memref<4000xf32, #tpu.memory_space<hbm>>
    tpu.wait_dma2 semaphore(%arg11 : memref<!tpu.dma_semaphore, #tpu.memory_space<semaphore_mem>>) src(%dma_wait3A_738 : memref<4000xf32, #tpu.memory_space<hbm>>) dst(%dma_wait3A_737 : memref<4000xf32, #tpu.memory_space<vmem>>)
    %dma_wait3A_739 = arith.constant 0 : i32
    %dma_wait3A_740 = arith.constant 1 : i32
    %dma_wait3A_741 = arith.constant 0 : i32
    %dma_wait3A_742 = tpu.memref_slice %arg8[%dma_wait3A_739, %dma_wait3A_740, %dma_wait3A_741] : memref<2x4x4000xf32, #tpu.memory_space<vmem>> -> memref<1x1x4000xf32, #tpu.memory_space<vmem>>
    %dma_wait3A_743 = tpu.memref_squeeze %dma_wait3A_742 : memref<1x1x4000xf32, #tpu.memory_space<vmem>> -> memref<4000xf32, #tpu.memory_space<vmem>>
    %dma_wait3A_744 = tpu.memref_slice %arg3[%add3A_17] : memref<1000000xf32, #tpu.memory_space<hbm>> -> memref<4000xf32, #tpu.memory_space<hbm>>
    %dma_wait3A_745 = arith.constant 0 : i32
    %dma_wait3A_746 = tpu.memref_slice %arg8[%dma_wait3A_739, %dma_wait3A_740, %dma_wait3A_745] : memref<2x4x4000xf32, #tpu.memory_space<vmem>> -> memref<1x1x4000xf32, #tpu.memory_space<vmem>>
    %dma_wait3A_747 = tpu.memref_squeeze %dma_wait3A_746 : memref<1x1x4000xf32, #tpu.memory_space<vmem>> -> memref<4000xf32, #tpu.memory_space<vmem>>
    %dma_wait3A_748 = tpu.memref_slice %arg3[%add3A_17] : memref<1000000xf32, #tpu.memory_space<hbm>> -> memref<4000xf32, #tpu.memory_space<hbm>>
    tpu.wait_dma2 semaphore(%arg11 : memref<!tpu.dma_semaphore, #tpu.memory_space<semaphore_mem>>) src(%dma_wait3A_748 : memref<4000xf32, #tpu.memory_space<hbm>>) dst(%dma_wait3A_747 : memref<4000xf32, #tpu.memory_space<vmem>>)
    %dma_wait3A_749 = arith.constant 0 : i32
    %dma_wait3A_750 = arith.constant 2 : i32
    %dma_wait3A_751 = arith.constant 0 : i32
    %dma_wait3A_752 = tpu.memref_slice %arg8[%dma_wait3A_749, %dma_wait3A_750, %dma_wait3A_751] : memref<2x4x4000xf32, #tpu.memory_space<vmem>> -> memref<1x1x4000xf32, #tpu.memory_space<vmem>>
    %dma_wait3A_753 = tpu.memref_squeeze %dma_wait3A_752 : memref<1x1x4000xf32, #tpu.memory_space<vmem>> -> memref<4000xf32, #tpu.memory_space<vmem>>
    %dma_wait3A_754 = tpu.memref_slice %arg4[%add3A_17] : memref<1000000xf32, #tpu.memory_space<hbm>> -> memref<4000xf32, #tpu.memory_space<hbm>>
    %dma_wait3A_755 = arith.constant 0 : i32
    %dma_wait3A_756 = tpu.memref_slice %arg8[%dma_wait3A_749, %dma_wait3A_750, %dma_wait3A_755] : memref<2x4x4000xf32, #tpu.memory_space<vmem>> -> memref<1x1x4000xf32, #tpu.memory_space<vmem>>
    %dma_wait3A_757 = tpu.memref_squeeze %dma_wait3A_756 : memref<1x1x4000xf32, #tpu.memory_space<vmem>> -> memref<4000xf32, #tpu.memory_space<vmem>>
    %dma_wait3A_758 = tpu.memref_slice %arg4[%add3A_17] : memref<1000000xf32, #tpu.memory_space<hbm>> -> memref<4000xf32, #tpu.memory_space<hbm>>
    tpu.wait_dma2 semaphore(%arg11 : memref<!tpu.dma_semaphore, #tpu.memory_space<semaphore_mem>>) src(%dma_wait3A_758 : memref<4000xf32, #tpu.memory_space<hbm>>) dst(%dma_wait3A_757 : memref<4000xf32, #tpu.memory_space<vmem>>)
    %dma_wait3A_759 = arith.constant 0 : i32
    %dma_wait3A_760 = arith.constant 3 : i32
    %dma_wait3A_761 = arith.constant 0 : i32
    %dma_wait3A_762 = tpu.memref_slice %arg8[%dma_wait3A_759, %dma_wait3A_760, %dma_wait3A_761] : memref<2x4x4000xf32, #tpu.memory_space<vmem>> -> memref<1x1x4000xf32, #tpu.memory_space<vmem>>
    %dma_wait3A_763 = tpu.memref_squeeze %dma_wait3A_762 : memref<1x1x4000xf32, #tpu.memory_space<vmem>> -> memref<4000xf32, #tpu.memory_space<vmem>>
    %dma_wait3A_764 = tpu.memref_slice %arg5[%add3A_17] : memref<1000000xf32, #tpu.memory_space<hbm>> -> memref<4000xf32, #tpu.memory_space<hbm>>
    %dma_wait3A_765 = arith.constant 0 : i32
    %dma_wait3A_766 = tpu.memref_slice %arg8[%dma_wait3A_759, %dma_wait3A_760, %dma_wait3A_765] : memref<2x4x4000xf32, #tpu.memory_space<vmem>> -> memref<1x1x4000xf32, #tpu.memory_space<vmem>>
    %dma_wait3A_767 = tpu.memref_squeeze %dma_wait3A_766 : memref<1x1x4000xf32, #tpu.memory_space<vmem>> -> memref<4000xf32, #tpu.memory_space<vmem>>
    %dma_wait3A_768 = tpu.memref_slice %arg5[%add3A_17] : memref<1000000xf32, #tpu.memory_space<hbm>> -> memref<4000xf32, #tpu.memory_space<hbm>>
    tpu.wait_dma2 semaphore(%arg11 : memref<!tpu.dma_semaphore, #tpu.memory_space<semaphore_mem>>) src(%dma_wait3A_768 : memref<4000xf32, #tpu.memory_space<hbm>>) dst(%dma_wait3A_767 : memref<4000xf32, #tpu.memory_space<vmem>>)
    %dma_wait3A_769 = arith.constant 0 : i32
    %dma_wait3A_770 = arith.constant 0 : i32
    %dma_wait3A_771 = tpu.memref_slice %arg9[%dma_wait3A_769, %dma_wait3A_770] : memref<2x4000xi32, #tpu.memory_space<vmem>> -> memref<1x4000xi32, #tpu.memory_space<vmem>>
    %dma_wait3A_772 = tpu.memref_squeeze %dma_wait3A_771 : memref<1x4000xi32, #tpu.memory_space<vmem>> -> memref<4000xi32, #tpu.memory_space<vmem>>
    %dma_wait3A_773 = tpu.memref_slice %arg6[%add3A_17] : memref<1000000xi32, #tpu.memory_space<hbm>> -> memref<4000xi32, #tpu.memory_space<hbm>>
    %dma_wait3A_774 = arith.constant 0 : i32
    %dma_wait3A_775 = tpu.memref_slice %arg9[%dma_wait3A_769, %dma_wait3A_774] : memref<2x4000xi32, #tpu.memory_space<vmem>> -> memref<1x4000xi32, #tpu.memory_space<vmem>>
    %dma_wait3A_776 = tpu.memref_squeeze %dma_wait3A_775 : memref<1x4000xi32, #tpu.memory_space<vmem>> -> memref<4000xi32, #tpu.memory_space<vmem>>
    %dma_wait3A_777 = tpu.memref_slice %arg6[%add3A_17] : memref<1000000xi32, #tpu.memory_space<hbm>> -> memref<4000xi32, #tpu.memory_space<hbm>>
    tpu.wait_dma2 semaphore(%arg11 : memref<!tpu.dma_semaphore, #tpu.memory_space<semaphore_mem>>) src(%dma_wait3A_777 : memref<4000xi32, #tpu.memory_space<hbm>>) dst(%dma_wait3A_776 : memref<4000xi32, #tpu.memory_space<vmem>>)
    %parallel_loop3A_778 = arith.constant 0 : i32
    %parallel_loop3A_779 = arith.constant 250 : i32
    %parallel_loop3A_780 = arith.constant 1 : i32
    %parallel_loop3A_781:3 = scf.for %parallel_loop3A_968 = %parallel_loop3A_778 to %parallel_loop3A_779 step %parallel_loop3A_780 iter_args(%parallel_loop3A_969 = %parallel_loop3A_679#0, %parallel_loop3A_970 = %parallel_loop3A_679#1, %parallel_loop3A_971 = %parallel_loop3A_679#2) -> (vector<16xf32>, vector<16xf32>, vector<16xf32>)  : i32 {
      %parallel_loop3A_972 = arith.constant 16 : i32
      %parallel_loop3A_973 = arith.muli %parallel_loop3A_968, %parallel_loop3A_972 : i32
      %parallel_loop3A_974 = arith.constant 0 : i32
      %parallel_loop3A_975 = arith.index_cast %parallel_loop3A_974 : i32 to index
      %parallel_loop3A_976 = arith.index_cast %parallel_loop3A_973 : i32 to index
      %parallel_loop3A_977 = tpu.vector_load %arg9[%parallel_loop3A_975, %parallel_loop3A_976] {strides = array<i32>} : memref<2x4000xi32, #tpu.memory_space<vmem>>, vector<16xi32>,
      %parallel_loop3A_978 = arith.constant -1 : i32
      %parallel_loop3A_979 = vector.broadcast %parallel_loop3A_978 : i32 to vector<16xi32>
      %parallel_loop3A_980 = arith.cmpi ne, %parallel_loop3A_977, %parallel_loop3A_979 : vector<16xi32>
      %parallel_loop3A_981 = arith.constant 1.000000e+00 : f32
      %parallel_loop3A_982 = arith.constant 0.000000e+00 : f32
      %parallel_loop3A_983 = vector.broadcast %parallel_loop3A_981 : f32 to vector<16xf32>
      %parallel_loop3A_984 = vector.broadcast %parallel_loop3A_982 : f32 to vector<16xf32>
      %parallel_loop3A_985 = arith.select %parallel_loop3A_980, %parallel_loop3A_983, %parallel_loop3A_984 : vector<16xi1>, vector<16xf32>
      %parallel_loop3A_986 = arith.addf %parallel_loop3A_970, %parallel_loop3A_985 : vector<16xf32>
      %parallel_loop3A_987 = arith.constant 1 : i32
      %parallel_loop3A_988 = vector.broadcast %parallel_loop3A_987 : i32 to vector<16xi32>
      %parallel_loop3A_989 = arith.cmpi eq, %parallel_loop3A_977, %parallel_loop3A_988 : vector<16xi32>
      %parallel_loop3A_990 = arith.constant 1.000000e+00 : f32
      %parallel_loop3A_991 = arith.constant 0.000000e+00 : f32
      %parallel_loop3A_992 = vector.broadcast %parallel_loop3A_990 : f32 to vector<16xf32>
      %parallel_loop3A_993 = vector.broadcast %parallel_loop3A_991 : f32 to vector<16xf32>
      %parallel_loop3A_994 = arith.select %parallel_loop3A_989, %parallel_loop3A_992, %parallel_loop3A_993 : vector<16xi1>, vector<16xf32>
      %parallel_loop3A_995 = arith.addf %parallel_loop3A_971, %parallel_loop3A_994 : vector<16xf32>
      %parallel_loop3A_996 = arith.constant 0 : i32
      %parallel_loop3A_997 = arith.constant 0 : i32
      %parallel_loop3A_998 = arith.index_cast %parallel_loop3A_996 : i32 to index
      %parallel_loop3A_999 = arith.index_cast %parallel_loop3A_997 : i32 to index
      %parallel_loop3A_1000 = arith.index_cast %parallel_loop3A_973 : i32 to index
      %parallel_loop3A_1001 = tpu.vector_load %arg8[%parallel_loop3A_998, %parallel_loop3A_999, %parallel_loop3A_1000] {strides = array<i32>} : memref<2x4x4000xf32, #tpu.memory_space<vmem>>, vector<16xf32>,
      %parallel_loop3A_1002 = math.absf %parallel_loop3A_1001 : vector<16xf32>
      %parallel_loop3A_1003 = arith.constant 1.000000e+00 : f32
      %parallel_loop3A_1004 = vector.broadcast %parallel_loop3A_1003 : f32 to vector<16xf32>
      %parallel_loop3A_1005 = arith.minimumf %parallel_loop3A_1002, %parallel_loop3A_1004 : vector<16xf32>
      %parallel_loop3A_1006 = arith.constant 5.000000e-01 : f32
      %parallel_loop3A_1007 = vector.broadcast %parallel_loop3A_1006 : f32 to vector<16xf32>
      %parallel_loop3A_1008 = arith.mulf %parallel_loop3A_1007, %parallel_loop3A_1005 : vector<16xf32>
      %parallel_loop3A_1009 = arith.subf %parallel_loop3A_1002, %parallel_loop3A_1008 : vector<16xf32>
      %parallel_loop3A_1010 = arith.mulf %parallel_loop3A_1005, %parallel_loop3A_1009 : vector<16xf32>
      %parallel_loop3A_1011 = arith.constant 0 : i32
      %parallel_loop3A_1012 = arith.constant 1 : i32
      %parallel_loop3A_1013 = arith.index_cast %parallel_loop3A_1011 : i32 to index
      %parallel_loop3A_1014 = arith.index_cast %parallel_loop3A_1012 : i32 to index
      %parallel_loop3A_1015 = arith.index_cast %parallel_loop3A_973 : i32 to index
      %parallel_loop3A_1016 = tpu.vector_load %arg8[%parallel_loop3A_1013, %parallel_loop3A_1014, %parallel_loop3A_1015] {strides = array<i32>} : memref<2x4x4000xf32, #tpu.memory_space<vmem>>, vector<16xf32>,
      %parallel_loop3A_1017 = math.absf %parallel_loop3A_1016 : vector<16xf32>
      %parallel_loop3A_1018 = arith.constant 1.000000e+00 : f32
      %parallel_loop3A_1019 = vector.broadcast %parallel_loop3A_1018 : f32 to vector<16xf32>
      %parallel_loop3A_1020 = arith.minimumf %parallel_loop3A_1017, %parallel_loop3A_1019 : vector<16xf32>
      %parallel_loop3A_1021 = arith.constant 5.000000e-01 : f32
      %parallel_loop3A_1022 = vector.broadcast %parallel_loop3A_1021 : f32 to vector<16xf32>
      %parallel_loop3A_1023 = arith.mulf %parallel_loop3A_1022, %parallel_loop3A_1020 : vector<16xf32>
      %parallel_loop3A_1024 = arith.subf %parallel_loop3A_1017, %parallel_loop3A_1023 : vector<16xf32>
      %parallel_loop3A_1025 = arith.mulf %parallel_loop3A_1020, %parallel_loop3A_1024 : vector<16xf32>
      %parallel_loop3A_1026 = arith.addf %parallel_loop3A_1010, %parallel_loop3A_1025 : vector<16xf32>
      %parallel_loop3A_1027 = arith.constant 0 : i32
      %parallel_loop3A_1028 = arith.constant 2 : i32
      %parallel_loop3A_1029 = arith.index_cast %parallel_loop3A_1027 : i32 to index
      %parallel_loop3A_1030 = arith.index_cast %parallel_loop3A_1028 : i32 to index
      %parallel_loop3A_1031 = arith.index_cast %parallel_loop3A_973 : i32 to index
      %parallel_loop3A_1032 = tpu.vector_load %arg8[%parallel_loop3A_1029, %parallel_loop3A_1030, %parallel_loop3A_1031] {strides = array<i32>} : memref<2x4x4000xf32, #tpu.memory_space<vmem>>, vector<16xf32>,
      %parallel_loop3A_1033 = math.absf %parallel_loop3A_1032 : vector<16xf32>
      %parallel_loop3A_1034 = arith.constant 1.000000e+00 : f32
      %parallel_loop3A_1035 = vector.broadcast %parallel_loop3A_1034 : f32 to vector<16xf32>
      %parallel_loop3A_1036 = arith.minimumf %parallel_loop3A_1033, %parallel_loop3A_1035 : vector<16xf32>
      %parallel_loop3A_1037 = arith.constant 5.000000e-01 : f32
      %parallel_loop3A_1038 = vector.broadcast %parallel_loop3A_1037 : f32 to vector<16xf32>
      %parallel_loop3A_1039 = arith.mulf %parallel_loop3A_1038, %parallel_loop3A_1036 : vector<16xf32>
      %parallel_loop3A_1040 = arith.subf %parallel_loop3A_1033, %parallel_loop3A_1039 : vector<16xf32>
      %parallel_loop3A_1041 = arith.mulf %parallel_loop3A_1036, %parallel_loop3A_1040 : vector<16xf32>
      %parallel_loop3A_1042 = arith.addf %parallel_loop3A_1026, %parallel_loop3A_1041 : vector<16xf32>
      %parallel_loop3A_1043 = arith.constant 0 : i32
      %parallel_loop3A_1044 = arith.constant 3 : i32
      %parallel_loop3A_1045 = arith.index_cast %parallel_loop3A_1043 : i32 to index
      %parallel_loop3A_1046 = arith.index_cast %parallel_loop3A_1044 : i32 to index
      %parallel_loop3A_1047 = arith.index_cast %parallel_loop3A_973 : i32 to index
      %parallel_loop3A_1048 = tpu.vector_load %arg8[%parallel_loop3A_1045, %parallel_loop3A_1046, %parallel_loop3A_1047] {strides = array<i32>} : memref<2x4x4000xf32, #tpu.memory_space<vmem>>, vector<16xf32>,
      %parallel_loop3A_1049 = math.absf %parallel_loop3A_1048 : vector<16xf32>
      %parallel_loop3A_1050 = arith.constant 1.000000e+00 : f32
      %parallel_loop3A_1051 = vector.broadcast %parallel_loop3A_1050 : f32 to vector<16xf32>
      %parallel_loop3A_1052 = arith.minimumf %parallel_loop3A_1049, %parallel_loop3A_1051 : vector<16xf32>
      %parallel_loop3A_1053 = arith.constant 5.000000e-01 : f32
      %parallel_loop3A_1054 = vector.broadcast %parallel_loop3A_1053 : f32 to vector<16xf32>
      %parallel_loop3A_1055 = arith.mulf %parallel_loop3A_1054, %parallel_loop3A_1052 : vector<16xf32>
      %parallel_loop3A_1056 = arith.subf %parallel_loop3A_1049, %parallel_loop3A_1055 : vector<16xf32>
      %parallel_loop3A_1057 = arith.mulf %parallel_loop3A_1052, %parallel_loop3A_1056 : vector<16xf32>
      %parallel_loop3A_1058 = arith.addf %parallel_loop3A_1042, %parallel_loop3A_1057 : vector<16xf32>
      %parallel_loop3A_1059 = arith.constant 1 : i32
      %parallel_loop3A_1060 = vector.broadcast %parallel_loop3A_1059 : i32 to vector<16xi32>
      %parallel_loop3A_1061 = arith.cmpi eq, %parallel_loop3A_977, %parallel_loop3A_1060 : vector<16xi32>
      %parallel_loop3A_1062 = arith.constant 0.000000e+00 : f32
      %parallel_loop3A_1063 = vector.broadcast %parallel_loop3A_1062 : f32 to vector<16xf32>
      %parallel_loop3A_1064 = arith.select %parallel_loop3A_1061, %parallel_loop3A_1058, %parallel_loop3A_1063 : vector<16xi1>, vector<16xf32>
      %parallel_loop3A_1065 = arith.addf %parallel_loop3A_969, %parallel_loop3A_1064 : vector<16xf32>
      scf.yield %parallel_loop3A_1065, %parallel_loop3A_986, %parallel_loop3A_995 : vector<16xf32>, vector<16xf32>, vector<16xf32>
    } {sc.loop_unroll_factor = 4 : i64, sc.parallel_access}
    %dma_start3A_782 = arith.constant 0 : i32
    %dma_start3A_783 = arith.constant 0 : i32
    %dma_start3A_784 = arith.constant 0 : i32
    %dma_start3A_785 = tpu.memref_slice %arg8[%dma_start3A_782, %dma_start3A_783, %dma_start3A_784] : memref<2x4x4000xf32, #tpu.memory_space<vmem>> -> memref<1x1x64xf32, #tpu.memory_space<vmem>>
    %dma_start3A_786 = tpu.memref_squeeze %dma_start3A_785 : memref<1x1x64xf32, #tpu.memory_space<vmem>> -> memref<64xf32, #tpu.memory_space<vmem>>
    %dma_start3A_787 = arith.constant 999936 : i32
    %dma_start3A_788 = tpu.memref_slice %arg2[%dma_start3A_787] : memref<1000000xf32, #tpu.memory_space<hbm>> -> memref<64xf32, #tpu.memory_space<hbm>>
    %dma_start3A_789 = arith.constant 0 : i32
    %dma_start3A_790 = tpu.memref_slice %arg8[%dma_start3A_782, %dma_start3A_783, %dma_start3A_789] : memref<2x4x4000xf32, #tpu.memory_space<vmem>> -> memref<1x1x64xf32, #tpu.memory_space<vmem>>
    %dma_start3A_791 = tpu.memref_squeeze %dma_start3A_790 : memref<1x1x64xf32, #tpu.memory_space<vmem>> -> memref<64xf32, #tpu.memory_space<vmem>>
    %dma_start3A_792 = arith.constant 999936 : i32
    %dma_start3A_793 = tpu.memref_slice %arg2[%dma_start3A_792] : memref<1000000xf32, #tpu.memory_space<hbm>> -> memref<64xf32, #tpu.memory_space<hbm>>
    tpu.enqueue_dma source(%dma_start3A_793 : memref<64xf32, #tpu.memory_space<hbm>>) target(%dma_start3A_791 : memref<64xf32, #tpu.memory_space<vmem>>) target_semaphore(%arg11 : memref<!tpu.dma_semaphore, #tpu.memory_space<semaphore_mem>>)
    %dma_start3A_794 = arith.constant 0 : i32
    %dma_start3A_795 = arith.constant 1 : i32
    %dma_start3A_796 = arith.constant 0 : i32
    %dma_start3A_797 = tpu.memref_slice %arg8[%dma_start3A_794, %dma_start3A_795, %dma_start3A_796] : memref<2x4x4000xf32, #tpu.memory_space<vmem>> -> memref<1x1x64xf32, #tpu.memory_space<vmem>>
    %dma_start3A_798 = tpu.memref_squeeze %dma_start3A_797 : memref<1x1x64xf32, #tpu.memory_space<vmem>> -> memref<64xf32, #tpu.memory_space<vmem>>
    %dma_start3A_799 = arith.constant 999936 : i32
    %dma_start3A_800 = tpu.memref_slice %arg3[%dma_start3A_799] : memref<1000000xf32, #tpu.memory_space<hbm>> -> memref<64xf32, #tpu.memory_space<hbm>>
    %dma_start3A_801 = arith.constant 0 : i32
    %dma_start3A_802 = tpu.memref_slice %arg8[%dma_start3A_794, %dma_start3A_795, %dma_start3A_801] : memref<2x4x4000xf32, #tpu.memory_space<vmem>> -> memref<1x1x64xf32, #tpu.memory_space<vmem>>
    %dma_start3A_803 = tpu.memref_squeeze %dma_start3A_802 : memref<1x1x64xf32, #tpu.memory_space<vmem>> -> memref<64xf32, #tpu.memory_space<vmem>>
    %dma_start3A_804 = arith.constant 999936 : i32
    %dma_start3A_805 = tpu.memref_slice %arg3[%dma_start3A_804] : memref<1000000xf32, #tpu.memory_space<hbm>> -> memref<64xf32, #tpu.memory_space<hbm>>
    tpu.enqueue_dma source(%dma_start3A_805 : memref<64xf32, #tpu.memory_space<hbm>>) target(%dma_start3A_803 : memref<64xf32, #tpu.memory_space<vmem>>) target_semaphore(%arg11 : memref<!tpu.dma_semaphore, #tpu.memory_space<semaphore_mem>>)
    %dma_start3A_806 = arith.constant 0 : i32
    %dma_start3A_807 = arith.constant 2 : i32
    %dma_start3A_808 = arith.constant 0 : i32
    %dma_start3A_809 = tpu.memref_slice %arg8[%dma_start3A_806, %dma_start3A_807, %dma_start3A_808] : memref<2x4x4000xf32, #tpu.memory_space<vmem>> -> memref<1x1x64xf32, #tpu.memory_space<vmem>>
    %dma_start3A_810 = tpu.memref_squeeze %dma_start3A_809 : memref<1x1x64xf32, #tpu.memory_space<vmem>> -> memref<64xf32, #tpu.memory_space<vmem>>
    %dma_start3A_811 = arith.constant 999936 : i32
    %dma_start3A_812 = tpu.memref_slice %arg4[%dma_start3A_811] : memref<1000000xf32, #tpu.memory_space<hbm>> -> memref<64xf32, #tpu.memory_space<hbm>>
    %dma_start3A_813 = arith.constant 0 : i32
    %dma_start3A_814 = tpu.memref_slice %arg8[%dma_start3A_806, %dma_start3A_807, %dma_start3A_813] : memref<2x4x4000xf32, #tpu.memory_space<vmem>> -> memref<1x1x64xf32, #tpu.memory_space<vmem>>
    %dma_start3A_815 = tpu.memref_squeeze %dma_start3A_814 : memref<1x1x64xf32, #tpu.memory_space<vmem>> -> memref<64xf32, #tpu.memory_space<vmem>>
    %dma_start3A_816 = arith.constant 999936 : i32
    %dma_start3A_817 = tpu.memref_slice %arg4[%dma_start3A_816] : memref<1000000xf32, #tpu.memory_space<hbm>> -> memref<64xf32, #tpu.memory_space<hbm>>
    tpu.enqueue_dma source(%dma_start3A_817 : memref<64xf32, #tpu.memory_space<hbm>>) target(%dma_start3A_815 : memref<64xf32, #tpu.memory_space<vmem>>) target_semaphore(%arg11 : memref<!tpu.dma_semaphore, #tpu.memory_space<semaphore_mem>>)
    %dma_start3A_818 = arith.constant 0 : i32
    %dma_start3A_819 = arith.constant 3 : i32
    %dma_start3A_820 = arith.constant 0 : i32
    %dma_start3A_821 = tpu.memref_slice %arg8[%dma_start3A_818, %dma_start3A_819, %dma_start3A_820] : memref<2x4x4000xf32, #tpu.memory_space<vmem>> -> memref<1x1x64xf32, #tpu.memory_space<vmem>>
    %dma_start3A_822 = tpu.memref_squeeze %dma_start3A_821 : memref<1x1x64xf32, #tpu.memory_space<vmem>> -> memref<64xf32, #tpu.memory_space<vmem>>
    %dma_start3A_823 = arith.constant 999936 : i32
    %dma_start3A_824 = tpu.memref_slice %arg5[%dma_start3A_823] : memref<1000000xf32, #tpu.memory_space<hbm>> -> memref<64xf32, #tpu.memory_space<hbm>>
    %dma_start3A_825 = arith.constant 0 : i32
    %dma_start3A_826 = tpu.memref_slice %arg8[%dma_start3A_818, %dma_start3A_819, %dma_start3A_825] : memref<2x4x4000xf32, #tpu.memory_space<vmem>> -> memref<1x1x64xf32, #tpu.memory_space<vmem>>
    %dma_start3A_827 = tpu.memref_squeeze %dma_start3A_826 : memref<1x1x64xf32, #tpu.memory_space<vmem>> -> memref<64xf32, #tpu.memory_space<vmem>>
    %dma_start3A_828 = arith.constant 999936 : i32
    %dma_start3A_829 = tpu.memref_slice %arg5[%dma_start3A_828] : memref<1000000xf32, #tpu.memory_space<hbm>> -> memref<64xf32, #tpu.memory_space<hbm>>
    tpu.enqueue_dma source(%dma_start3A_829 : memref<64xf32, #tpu.memory_space<hbm>>) target(%dma_start3A_827 : memref<64xf32, #tpu.memory_space<vmem>>) target_semaphore(%arg11 : memref<!tpu.dma_semaphore, #tpu.memory_space<semaphore_mem>>)
    %dma_start3A_830 = arith.constant 0 : i32
    %dma_start3A_831 = arith.constant 0 : i32
    %dma_start3A_832 = tpu.memref_slice %arg9[%dma_start3A_830, %dma_start3A_831] : memref<2x4000xi32, #tpu.memory_space<vmem>> -> memref<1x64xi32, #tpu.memory_space<vmem>>
    %dma_start3A_833 = tpu.memref_squeeze %dma_start3A_832 : memref<1x64xi32, #tpu.memory_space<vmem>> -> memref<64xi32, #tpu.memory_space<vmem>>
    %dma_start3A_834 = arith.constant 999936 : i32
    %dma_start3A_835 = tpu.memref_slice %arg6[%dma_start3A_834] : memref<1000000xi32, #tpu.memory_space<hbm>> -> memref<64xi32, #tpu.memory_space<hbm>>
    %dma_start3A_836 = arith.constant 0 : i32
    %dma_start3A_837 = tpu.memref_slice %arg9[%dma_start3A_830, %dma_start3A_836] : memref<2x4000xi32, #tpu.memory_space<vmem>> -> memref<1x64xi32, #tpu.memory_space<vmem>>
    %dma_start3A_838 = tpu.memref_squeeze %dma_start3A_837 : memref<1x64xi32, #tpu.memory_space<vmem>> -> memref<64xi32, #tpu.memory_space<vmem>>
    %dma_start3A_839 = arith.constant 999936 : i32
    %dma_start3A_840 = tpu.memref_slice %arg6[%dma_start3A_839] : memref<1000000xi32, #tpu.memory_space<hbm>> -> memref<64xi32, #tpu.memory_space<hbm>>
    tpu.enqueue_dma source(%dma_start3A_840 : memref<64xi32, #tpu.memory_space<hbm>>) target(%dma_start3A_838 : memref<64xi32, #tpu.memory_space<vmem>>) target_semaphore(%arg11 : memref<!tpu.dma_semaphore, #tpu.memory_space<semaphore_mem>>)
    %dma_wait3A_841 = arith.constant 1 : i32
    %dma_wait3A_842 = arith.constant 0 : i32
    %dma_wait3A_843 = arith.constant 0 : i32
    %dma_wait3A_844 = tpu.memref_slice %arg8[%dma_wait3A_841, %dma_wait3A_842, %dma_wait3A_843] : memref<2x4x4000xf32, #tpu.memory_space<vmem>> -> memref<1x1x3248xf32, #tpu.memory_space<vmem>>
    %dma_wait3A_845 = tpu.memref_squeeze %dma_wait3A_844 : memref<1x1x3248xf32, #tpu.memory_space<vmem>> -> memref<3248xf32, #tpu.memory_space<vmem>>
    %dma_wait3A_846 = tpu.memref_slice %arg2[%add3A_19] : memref<1000000xf32, #tpu.memory_space<hbm>> -> memref<3248xf32, #tpu.memory_space<hbm>>
    %dma_wait3A_847 = arith.constant 0 : i32
    %dma_wait3A_848 = tpu.memref_slice %arg8[%dma_wait3A_841, %dma_wait3A_842, %dma_wait3A_847] : memref<2x4x4000xf32, #tpu.memory_space<vmem>> -> memref<1x1x3248xf32, #tpu.memory_space<vmem>>
    %dma_wait3A_849 = tpu.memref_squeeze %dma_wait3A_848 : memref<1x1x3248xf32, #tpu.memory_space<vmem>> -> memref<3248xf32, #tpu.memory_space<vmem>>
    %dma_wait3A_850 = tpu.memref_slice %arg2[%add3A_19] : memref<1000000xf32, #tpu.memory_space<hbm>> -> memref<3248xf32, #tpu.memory_space<hbm>>
    tpu.wait_dma2 semaphore(%arg12 : memref<!tpu.dma_semaphore, #tpu.memory_space<semaphore_mem>>) src(%dma_wait3A_850 : memref<3248xf32, #tpu.memory_space<hbm>>) dst(%dma_wait3A_849 : memref<3248xf32, #tpu.memory_space<vmem>>)
    %dma_wait3A_851 = arith.constant 1 : i32
    %dma_wait3A_852 = arith.constant 1 : i32
    %dma_wait3A_853 = arith.constant 0 : i32
    %dma_wait3A_854 = tpu.memref_slice %arg8[%dma_wait3A_851, %dma_wait3A_852, %dma_wait3A_853] : memref<2x4x4000xf32, #tpu.memory_space<vmem>> -> memref<1x1x3248xf32, #tpu.memory_space<vmem>>
    %dma_wait3A_855 = tpu.memref_squeeze %dma_wait3A_854 : memref<1x1x3248xf32, #tpu.memory_space<vmem>> -> memref<3248xf32, #tpu.memory_space<vmem>>
    %dma_wait3A_856 = tpu.memref_slice %arg3[%add3A_19] : memref<1000000xf32, #tpu.memory_space<hbm>> -> memref<3248xf32, #tpu.memory_space<hbm>>
    %dma_wait3A_857 = arith.constant 0 : i32
    %dma_wait3A_858 = tpu.memref_slice %arg8[%dma_wait3A_851, %dma_wait3A_852, %dma_wait3A_857] : memref<2x4x4000xf32, #tpu.memory_space<vmem>> -> memref<1x1x3248xf32, #tpu.memory_space<vmem>>
    %dma_wait3A_859 = tpu.memref_squeeze %dma_wait3A_858 : memref<1x1x3248xf32, #tpu.memory_space<vmem>> -> memref<3248xf32, #tpu.memory_space<vmem>>
    %dma_wait3A_860 = tpu.memref_slice %arg3[%add3A_19] : memref<1000000xf32, #tpu.memory_space<hbm>> -> memref<3248xf32, #tpu.memory_space<hbm>>
    tpu.wait_dma2 semaphore(%arg12 : memref<!tpu.dma_semaphore, #tpu.memory_space<semaphore_mem>>) src(%dma_wait3A_860 : memref<3248xf32, #tpu.memory_space<hbm>>) dst(%dma_wait3A_859 : memref<3248xf32, #tpu.memory_space<vmem>>)
    %dma_wait3A_861 = arith.constant 1 : i32
    %dma_wait3A_862 = arith.constant 2 : i32
    %dma_wait3A_863 = arith.constant 0 : i32
    %dma_wait3A_864 = tpu.memref_slice %arg8[%dma_wait3A_861, %dma_wait3A_862, %dma_wait3A_863] : memref<2x4x4000xf32, #tpu.memory_space<vmem>> -> memref<1x1x3248xf32, #tpu.memory_space<vmem>>
    %dma_wait3A_865 = tpu.memref_squeeze %dma_wait3A_864 : memref<1x1x3248xf32, #tpu.memory_space<vmem>> -> memref<3248xf32, #tpu.memory_space<vmem>>
    %dma_wait3A_866 = tpu.memref_slice %arg4[%add3A_19] : memref<1000000xf32, #tpu.memory_space<hbm>> -> memref<3248xf32, #tpu.memory_space<hbm>>
    %dma_wait3A_867 = arith.constant 0 : i32
    %dma_wait3A_868 = tpu.memref_slice %arg8[%dma_wait3A_861, %dma_wait3A_862, %dma_wait3A_867] : memref<2x4x4000xf32, #tpu.memory_space<vmem>> -> memref<1x1x3248xf32, #tpu.memory_space<vmem>>
    %dma_wait3A_869 = tpu.memref_squeeze %dma_wait3A_868 : memref<1x1x3248xf32, #tpu.memory_space<vmem>> -> memref<3248xf32, #tpu.memory_space<vmem>>
    %dma_wait3A_870 = tpu.memref_slice %arg4[%add3A_19] : memref<1000000xf32, #tpu.memory_space<hbm>> -> memref<3248xf32, #tpu.memory_space<hbm>>
    tpu.wait_dma2 semaphore(%arg12 : memref<!tpu.dma_semaphore, #tpu.memory_space<semaphore_mem>>) src(%dma_wait3A_870 : memref<3248xf32, #tpu.memory_space<hbm>>) dst(%dma_wait3A_869 : memref<3248xf32, #tpu.memory_space<vmem>>)
    %dma_wait3A_871 = arith.constant 1 : i32
    %dma_wait3A_872 = arith.constant 3 : i32
    %dma_wait3A_873 = arith.constant 0 : i32
    %dma_wait3A_874 = tpu.memref_slice %arg8[%dma_wait3A_871, %dma_wait3A_872, %dma_wait3A_873] : memref<2x4x4000xf32, #tpu.memory_space<vmem>> -> memref<1x1x3248xf32, #tpu.memory_space<vmem>>
    %dma_wait3A_875 = tpu.memref_squeeze %dma_wait3A_874 : memref<1x1x3248xf32, #tpu.memory_space<vmem>> -> memref<3248xf32, #tpu.memory_space<vmem>>
    %dma_wait3A_876 = tpu.memref_slice %arg5[%add3A_19] : memref<1000000xf32, #tpu.memory_space<hbm>> -> memref<3248xf32, #tpu.memory_space<hbm>>
    %dma_wait3A_877 = arith.constant 0 : i32
    %dma_wait3A_878 = tpu.memref_slice %arg8[%dma_wait3A_871, %dma_wait3A_872, %dma_wait3A_877] : memref<2x4x4000xf32, #tpu.memory_space<vmem>> -> memref<1x1x3248xf32, #tpu.memory_space<vmem>>
    %dma_wait3A_879 = tpu.memref_squeeze %dma_wait3A_878 : memref<1x1x3248xf32, #tpu.memory_space<vmem>> -> memref<3248xf32, #tpu.memory_space<vmem>>
    %dma_wait3A_880 = tpu.memref_slice %arg5[%add3A_19] : memref<1000000xf32, #tpu.memory_space<hbm>> -> memref<3248xf32, #tpu.memory_space<hbm>>
    tpu.wait_dma2 semaphore(%arg12 : memref<!tpu.dma_semaphore, #tpu.memory_space<semaphore_mem>>) src(%dma_wait3A_880 : memref<3248xf32, #tpu.memory_space<hbm>>) dst(%dma_wait3A_879 : memref<3248xf32, #tpu.memory_space<vmem>>)
    %dma_wait3A_881 = arith.constant 1 : i32
    %dma_wait3A_882 = arith.constant 0 : i32
    %dma_wait3A_883 = tpu.memref_slice %arg9[%dma_wait3A_881, %dma_wait3A_882] : memref<2x4000xi32, #tpu.memory_space<vmem>> -> memref<1x3248xi32, #tpu.memory_space<vmem>>
    %dma_wait3A_884 = tpu.memref_squeeze %dma_wait3A_883 : memref<1x3248xi32, #tpu.memory_space<vmem>> -> memref<3248xi32, #tpu.memory_space<vmem>>
    %dma_wait3A_885 = tpu.memref_slice %arg6[%add3A_19] : memref<1000000xi32, #tpu.memory_space<hbm>> -> memref<3248xi32, #tpu.memory_space<hbm>>
    %dma_wait3A_886 = arith.constant 0 : i32
    %dma_wait3A_887 = tpu.memref_slice %arg9[%dma_wait3A_881, %dma_wait3A_886] : memref<2x4000xi32, #tpu.memory_space<vmem>> -> memref<1x3248xi32, #tpu.memory_space<vmem>>
    %dma_wait3A_888 = tpu.memref_squeeze %dma_wait3A_887 : memref<1x3248xi32, #tpu.memory_space<vmem>> -> memref<3248xi32, #tpu.memory_space<vmem>>
    %dma_wait3A_889 = tpu.memref_slice %arg6[%add3A_19] : memref<1000000xi32, #tpu.memory_space<hbm>> -> memref<3248xi32, #tpu.memory_space<hbm>>
    tpu.wait_dma2 semaphore(%arg12 : memref<!tpu.dma_semaphore, #tpu.memory_space<semaphore_mem>>) src(%dma_wait3A_889 : memref<3248xi32, #tpu.memory_space<hbm>>) dst(%dma_wait3A_888 : memref<3248xi32, #tpu.memory_space<vmem>>)
    %parallel_loop3A_890 = arith.constant 0 : i32
    %parallel_loop3A_891 = arith.constant 203 : i32
    %parallel_loop3A_892 = arith.constant 1 : i32
    %parallel_loop3A_893:3 = scf.for %parallel_loop3A_968 = %parallel_loop3A_890 to %parallel_loop3A_891 step %parallel_loop3A_892 iter_args(%parallel_loop3A_969 = %parallel_loop3A_781#0, %parallel_loop3A_970 = %parallel_loop3A_781#1, %parallel_loop3A_971 = %parallel_loop3A_781#2) -> (vector<16xf32>, vector<16xf32>, vector<16xf32>)  : i32 {
      %parallel_loop3A_972 = arith.constant 16 : i32
      %parallel_loop3A_973 = arith.muli %parallel_loop3A_968, %parallel_loop3A_972 : i32
      %parallel_loop3A_974 = arith.constant 1 : i32
      %parallel_loop3A_975 = arith.index_cast %parallel_loop3A_974 : i32 to index
      %parallel_loop3A_976 = arith.index_cast %parallel_loop3A_973 : i32 to index
      %parallel_loop3A_977 = tpu.vector_load %arg9[%parallel_loop3A_975, %parallel_loop3A_976] {strides = array<i32>} : memref<2x4000xi32, #tpu.memory_space<vmem>>, vector<16xi32>,
      %parallel_loop3A_978 = arith.constant -1 : i32
      %parallel_loop3A_979 = vector.broadcast %parallel_loop3A_978 : i32 to vector<16xi32>
      %parallel_loop3A_980 = arith.cmpi ne, %parallel_loop3A_977, %parallel_loop3A_979 : vector<16xi32>
      %parallel_loop3A_981 = arith.constant 1.000000e+00 : f32
      %parallel_loop3A_982 = arith.constant 0.000000e+00 : f32
      %parallel_loop3A_983 = vector.broadcast %parallel_loop3A_981 : f32 to vector<16xf32>
      %parallel_loop3A_984 = vector.broadcast %parallel_loop3A_982 : f32 to vector<16xf32>
      %parallel_loop3A_985 = arith.select %parallel_loop3A_980, %parallel_loop3A_983, %parallel_loop3A_984 : vector<16xi1>, vector<16xf32>
      %parallel_loop3A_986 = arith.addf %parallel_loop3A_970, %parallel_loop3A_985 : vector<16xf32>
      %parallel_loop3A_987 = arith.constant 1 : i32
      %parallel_loop3A_988 = vector.broadcast %parallel_loop3A_987 : i32 to vector<16xi32>
      %parallel_loop3A_989 = arith.cmpi eq, %parallel_loop3A_977, %parallel_loop3A_988 : vector<16xi32>
      %parallel_loop3A_990 = arith.constant 1.000000e+00 : f32
      %parallel_loop3A_991 = arith.constant 0.000000e+00 : f32
      %parallel_loop3A_992 = vector.broadcast %parallel_loop3A_990 : f32 to vector<16xf32>
      %parallel_loop3A_993 = vector.broadcast %parallel_loop3A_991 : f32 to vector<16xf32>
      %parallel_loop3A_994 = arith.select %parallel_loop3A_989, %parallel_loop3A_992, %parallel_loop3A_993 : vector<16xi1>, vector<16xf32>
      %parallel_loop3A_995 = arith.addf %parallel_loop3A_971, %parallel_loop3A_994 : vector<16xf32>
      %parallel_loop3A_996 = arith.constant 1 : i32
      %parallel_loop3A_997 = arith.constant 0 : i32
      %parallel_loop3A_998 = arith.index_cast %parallel_loop3A_996 : i32 to index
      %parallel_loop3A_999 = arith.index_cast %parallel_loop3A_997 : i32 to index
      %parallel_loop3A_1000 = arith.index_cast %parallel_loop3A_973 : i32 to index
      %parallel_loop3A_1001 = tpu.vector_load %arg8[%parallel_loop3A_998, %parallel_loop3A_999, %parallel_loop3A_1000] {strides = array<i32>} : memref<2x4x4000xf32, #tpu.memory_space<vmem>>, vector<16xf32>,
      %parallel_loop3A_1002 = math.absf %parallel_loop3A_1001 : vector<16xf32>
      %parallel_loop3A_1003 = arith.constant 1.000000e+00 : f32
      %parallel_loop3A_1004 = vector.broadcast %parallel_loop3A_1003 : f32 to vector<16xf32>
      %parallel_loop3A_1005 = arith.minimumf %parallel_loop3A_1002, %parallel_loop3A_1004 : vector<16xf32>
      %parallel_loop3A_1006 = arith.constant 5.000000e-01 : f32
      %parallel_loop3A_1007 = vector.broadcast %parallel_loop3A_1006 : f32 to vector<16xf32>
      %parallel_loop3A_1008 = arith.mulf %parallel_loop3A_1007, %parallel_loop3A_1005 : vector<16xf32>
      %parallel_loop3A_1009 = arith.subf %parallel_loop3A_1002, %parallel_loop3A_1008 : vector<16xf32>
      %parallel_loop3A_1010 = arith.mulf %parallel_loop3A_1005, %parallel_loop3A_1009 : vector<16xf32>
      %parallel_loop3A_1011 = arith.constant 1 : i32
      %parallel_loop3A_1012 = arith.constant 1 : i32
      %parallel_loop3A_1013 = arith.index_cast %parallel_loop3A_1011 : i32 to index
      %parallel_loop3A_1014 = arith.index_cast %parallel_loop3A_1012 : i32 to index
      %parallel_loop3A_1015 = arith.index_cast %parallel_loop3A_973 : i32 to index
      %parallel_loop3A_1016 = tpu.vector_load %arg8[%parallel_loop3A_1013, %parallel_loop3A_1014, %parallel_loop3A_1015] {strides = array<i32>} : memref<2x4x4000xf32, #tpu.memory_space<vmem>>, vector<16xf32>,
      %parallel_loop3A_1017 = math.absf %parallel_loop3A_1016 : vector<16xf32>
      %parallel_loop3A_1018 = arith.constant 1.000000e+00 : f32
      %parallel_loop3A_1019 = vector.broadcast %parallel_loop3A_1018 : f32 to vector<16xf32>
      %parallel_loop3A_1020 = arith.minimumf %parallel_loop3A_1017, %parallel_loop3A_1019 : vector<16xf32>
      %parallel_loop3A_1021 = arith.constant 5.000000e-01 : f32
      %parallel_loop3A_1022 = vector.broadcast %parallel_loop3A_1021 : f32 to vector<16xf32>
      %parallel_loop3A_1023 = arith.mulf %parallel_loop3A_1022, %parallel_loop3A_1020 : vector<16xf32>
      %parallel_loop3A_1024 = arith.subf %parallel_loop3A_1017, %parallel_loop3A_1023 : vector<16xf32>
      %parallel_loop3A_1025 = arith.mulf %parallel_loop3A_1020, %parallel_loop3A_1024 : vector<16xf32>
      %parallel_loop3A_1026 = arith.addf %parallel_loop3A_1010, %parallel_loop3A_1025 : vector<16xf32>
      %parallel_loop3A_1027 = arith.constant 1 : i32
      %parallel_loop3A_1028 = arith.constant 2 : i32
      %parallel_loop3A_1029 = arith.index_cast %parallel_loop3A_1027 : i32 to index
      %parallel_loop3A_1030 = arith.index_cast %parallel_loop3A_1028 : i32 to index
      %parallel_loop3A_1031 = arith.index_cast %parallel_loop3A_973 : i32 to index
      %parallel_loop3A_1032 = tpu.vector_load %arg8[%parallel_loop3A_1029, %parallel_loop3A_1030, %parallel_loop3A_1031] {strides = array<i32>} : memref<2x4x4000xf32, #tpu.memory_space<vmem>>, vector<16xf32>,
      %parallel_loop3A_1033 = math.absf %parallel_loop3A_1032 : vector<16xf32>
      %parallel_loop3A_1034 = arith.constant 1.000000e+00 : f32
      %parallel_loop3A_1035 = vector.broadcast %parallel_loop3A_1034 : f32 to vector<16xf32>
      %parallel_loop3A_1036 = arith.minimumf %parallel_loop3A_1033, %parallel_loop3A_1035 : vector<16xf32>
      %parallel_loop3A_1037 = arith.constant 5.000000e-01 : f32
      %parallel_loop3A_1038 = vector.broadcast %parallel_loop3A_1037 : f32 to vector<16xf32>
      %parallel_loop3A_1039 = arith.mulf %parallel_loop3A_1038, %parallel_loop3A_1036 : vector<16xf32>
      %parallel_loop3A_1040 = arith.subf %parallel_loop3A_1033, %parallel_loop3A_1039 : vector<16xf32>
      %parallel_loop3A_1041 = arith.mulf %parallel_loop3A_1036, %parallel_loop3A_1040 : vector<16xf32>
      %parallel_loop3A_1042 = arith.addf %parallel_loop3A_1026, %parallel_loop3A_1041 : vector<16xf32>
      %parallel_loop3A_1043 = arith.constant 1 : i32
      %parallel_loop3A_1044 = arith.constant 3 : i32
      %parallel_loop3A_1045 = arith.index_cast %parallel_loop3A_1043 : i32 to index
      %parallel_loop3A_1046 = arith.index_cast %parallel_loop3A_1044 : i32 to index
      %parallel_loop3A_1047 = arith.index_cast %parallel_loop3A_973 : i32 to index
      %parallel_loop3A_1048 = tpu.vector_load %arg8[%parallel_loop3A_1045, %parallel_loop3A_1046, %parallel_loop3A_1047] {strides = array<i32>} : memref<2x4x4000xf32, #tpu.memory_space<vmem>>, vector<16xf32>,
      %parallel_loop3A_1049 = math.absf %parallel_loop3A_1048 : vector<16xf32>
      %parallel_loop3A_1050 = arith.constant 1.000000e+00 : f32
      %parallel_loop3A_1051 = vector.broadcast %parallel_loop3A_1050 : f32 to vector<16xf32>
      %parallel_loop3A_1052 = arith.minimumf %parallel_loop3A_1049, %parallel_loop3A_1051 : vector<16xf32>
      %parallel_loop3A_1053 = arith.constant 5.000000e-01 : f32
      %parallel_loop3A_1054 = vector.broadcast %parallel_loop3A_1053 : f32 to vector<16xf32>
      %parallel_loop3A_1055 = arith.mulf %parallel_loop3A_1054, %parallel_loop3A_1052 : vector<16xf32>
      %parallel_loop3A_1056 = arith.subf %parallel_loop3A_1049, %parallel_loop3A_1055 : vector<16xf32>
      %parallel_loop3A_1057 = arith.mulf %parallel_loop3A_1052, %parallel_loop3A_1056 : vector<16xf32>
      %parallel_loop3A_1058 = arith.addf %parallel_loop3A_1042, %parallel_loop3A_1057 : vector<16xf32>
      %parallel_loop3A_1059 = arith.constant 1 : i32
      %parallel_loop3A_1060 = vector.broadcast %parallel_loop3A_1059 : i32 to vector<16xi32>
      %parallel_loop3A_1061 = arith.cmpi eq, %parallel_loop3A_977, %parallel_loop3A_1060 : vector<16xi32>
      %parallel_loop3A_1062 = arith.constant 0.000000e+00 : f32
      %parallel_loop3A_1063 = vector.broadcast %parallel_loop3A_1062 : f32 to vector<16xf32>
      %parallel_loop3A_1064 = arith.select %parallel_loop3A_1061, %parallel_loop3A_1058, %parallel_loop3A_1063 : vector<16xi1>, vector<16xf32>
      %parallel_loop3A_1065 = arith.addf %parallel_loop3A_969, %parallel_loop3A_1064 : vector<16xf32>
      scf.yield %parallel_loop3A_1065, %parallel_loop3A_986, %parallel_loop3A_995 : vector<16xf32>, vector<16xf32>, vector<16xf32>
    } {sc.loop_unroll_factor = 4 : i64, sc.parallel_access}
    %dma_wait3A_894 = arith.constant 0 : i32
    %dma_wait3A_895 = arith.constant 0 : i32
    %dma_wait3A_896 = arith.constant 0 : i32
    %dma_wait3A_897 = tpu.memref_slice %arg8[%dma_wait3A_894, %dma_wait3A_895, %dma_wait3A_896] : memref<2x4x4000xf32, #tpu.memory_space<vmem>> -> memref<1x1x64xf32, #tpu.memory_space<vmem>>
    %dma_wait3A_898 = tpu.memref_squeeze %dma_wait3A_897 : memref<1x1x64xf32, #tpu.memory_space<vmem>> -> memref<64xf32, #tpu.memory_space<vmem>>
    %dma_wait3A_899 = arith.constant 999936 : i32
    %dma_wait3A_900 = tpu.memref_slice %arg2[%dma_wait3A_899] : memref<1000000xf32, #tpu.memory_space<hbm>> -> memref<64xf32, #tpu.memory_space<hbm>>
    %dma_wait3A_901 = arith.constant 0 : i32
    %dma_wait3A_902 = tpu.memref_slice %arg8[%dma_wait3A_894, %dma_wait3A_895, %dma_wait3A_901] : memref<2x4x4000xf32, #tpu.memory_space<vmem>> -> memref<1x1x64xf32, #tpu.memory_space<vmem>>
    %dma_wait3A_903 = tpu.memref_squeeze %dma_wait3A_902 : memref<1x1x64xf32, #tpu.memory_space<vmem>> -> memref<64xf32, #tpu.memory_space<vmem>>
    %dma_wait3A_904 = arith.constant 999936 : i32
    %dma_wait3A_905 = tpu.memref_slice %arg2[%dma_wait3A_904] : memref<1000000xf32, #tpu.memory_space<hbm>> -> memref<64xf32, #tpu.memory_space<hbm>>
    tpu.wait_dma2 semaphore(%arg11 : memref<!tpu.dma_semaphore, #tpu.memory_space<semaphore_mem>>) src(%dma_wait3A_905 : memref<64xf32, #tpu.memory_space<hbm>>) dst(%dma_wait3A_903 : memref<64xf32, #tpu.memory_space<vmem>>)
    %dma_wait3A_906 = arith.constant 0 : i32
    %dma_wait3A_907 = arith.constant 1 : i32
    %dma_wait3A_908 = arith.constant 0 : i32
    %dma_wait3A_909 = tpu.memref_slice %arg8[%dma_wait3A_906, %dma_wait3A_907, %dma_wait3A_908] : memref<2x4x4000xf32, #tpu.memory_space<vmem>> -> memref<1x1x64xf32, #tpu.memory_space<vmem>>
    %dma_wait3A_910 = tpu.memref_squeeze %dma_wait3A_909 : memref<1x1x64xf32, #tpu.memory_space<vmem>> -> memref<64xf32, #tpu.memory_space<vmem>>
    %dma_wait3A_911 = arith.constant 999936 : i32
    %dma_wait3A_912 = tpu.memref_slice %arg3[%dma_wait3A_911] : memref<1000000xf32, #tpu.memory_space<hbm>> -> memref<64xf32, #tpu.memory_space<hbm>>
    %dma_wait3A_913 = arith.constant 0 : i32
    %dma_wait3A_914 = tpu.memref_slice %arg8[%dma_wait3A_906, %dma_wait3A_907, %dma_wait3A_913] : memref<2x4x4000xf32, #tpu.memory_space<vmem>> -> memref<1x1x64xf32, #tpu.memory_space<vmem>>
    %dma_wait3A_915 = tpu.memref_squeeze %dma_wait3A_914 : memref<1x1x64xf32, #tpu.memory_space<vmem>> -> memref<64xf32, #tpu.memory_space<vmem>>
    %dma_wait3A_916 = arith.constant 999936 : i32
    %dma_wait3A_917 = tpu.memref_slice %arg3[%dma_wait3A_916] : memref<1000000xf32, #tpu.memory_space<hbm>> -> memref<64xf32, #tpu.memory_space<hbm>>
    tpu.wait_dma2 semaphore(%arg11 : memref<!tpu.dma_semaphore, #tpu.memory_space<semaphore_mem>>) src(%dma_wait3A_917 : memref<64xf32, #tpu.memory_space<hbm>>) dst(%dma_wait3A_915 : memref<64xf32, #tpu.memory_space<vmem>>)
    %dma_wait3A_918 = arith.constant 0 : i32
    %dma_wait3A_919 = arith.constant 2 : i32
    %dma_wait3A_920 = arith.constant 0 : i32
    %dma_wait3A_921 = tpu.memref_slice %arg8[%dma_wait3A_918, %dma_wait3A_919, %dma_wait3A_920] : memref<2x4x4000xf32, #tpu.memory_space<vmem>> -> memref<1x1x64xf32, #tpu.memory_space<vmem>>
    %dma_wait3A_922 = tpu.memref_squeeze %dma_wait3A_921 : memref<1x1x64xf32, #tpu.memory_space<vmem>> -> memref<64xf32, #tpu.memory_space<vmem>>
    %dma_wait3A_923 = arith.constant 999936 : i32
    %dma_wait3A_924 = tpu.memref_slice %arg4[%dma_wait3A_923] : memref<1000000xf32, #tpu.memory_space<hbm>> -> memref<64xf32, #tpu.memory_space<hbm>>
    %dma_wait3A_925 = arith.constant 0 : i32
    %dma_wait3A_926 = tpu.memref_slice %arg8[%dma_wait3A_918, %dma_wait3A_919, %dma_wait3A_925] : memref<2x4x4000xf32, #tpu.memory_space<vmem>> -> memref<1x1x64xf32, #tpu.memory_space<vmem>>
    %dma_wait3A_927 = tpu.memref_squeeze %dma_wait3A_926 : memref<1x1x64xf32, #tpu.memory_space<vmem>> -> memref<64xf32, #tpu.memory_space<vmem>>
    %dma_wait3A_928 = arith.constant 999936 : i32
    %dma_wait3A_929 = tpu.memref_slice %arg4[%dma_wait3A_928] : memref<1000000xf32, #tpu.memory_space<hbm>> -> memref<64xf32, #tpu.memory_space<hbm>>
    tpu.wait_dma2 semaphore(%arg11 : memref<!tpu.dma_semaphore, #tpu.memory_space<semaphore_mem>>) src(%dma_wait3A_929 : memref<64xf32, #tpu.memory_space<hbm>>) dst(%dma_wait3A_927 : memref<64xf32, #tpu.memory_space<vmem>>)
    %dma_wait3A_930 = arith.constant 0 : i32
    %dma_wait3A_931 = arith.constant 3 : i32
    %dma_wait3A_932 = arith.constant 0 : i32
    %dma_wait3A_933 = tpu.memref_slice %arg8[%dma_wait3A_930, %dma_wait3A_931, %dma_wait3A_932] : memref<2x4x4000xf32, #tpu.memory_space<vmem>> -> memref<1x1x64xf32, #tpu.memory_space<vmem>>
    %dma_wait3A_934 = tpu.memref_squeeze %dma_wait3A_933 : memref<1x1x64xf32, #tpu.memory_space<vmem>> -> memref<64xf32, #tpu.memory_space<vmem>>
    %dma_wait3A_935 = arith.constant 999936 : i32
    %dma_wait3A_936 = tpu.memref_slice %arg5[%dma_wait3A_935] : memref<1000000xf32, #tpu.memory_space<hbm>> -> memref<64xf32, #tpu.memory_space<hbm>>
    %dma_wait3A_937 = arith.constant 0 : i32
    %dma_wait3A_938 = tpu.memref_slice %arg8[%dma_wait3A_930, %dma_wait3A_931, %dma_wait3A_937] : memref<2x4x4000xf32, #tpu.memory_space<vmem>> -> memref<1x1x64xf32, #tpu.memory_space<vmem>>
    %dma_wait3A_939 = tpu.memref_squeeze %dma_wait3A_938 : memref<1x1x64xf32, #tpu.memory_space<vmem>> -> memref<64xf32, #tpu.memory_space<vmem>>
    %dma_wait3A_940 = arith.constant 999936 : i32
    %dma_wait3A_941 = tpu.memref_slice %arg5[%dma_wait3A_940] : memref<1000000xf32, #tpu.memory_space<hbm>> -> memref<64xf32, #tpu.memory_space<hbm>>
    tpu.wait_dma2 semaphore(%arg11 : memref<!tpu.dma_semaphore, #tpu.memory_space<semaphore_mem>>) src(%dma_wait3A_941 : memref<64xf32, #tpu.memory_space<hbm>>) dst(%dma_wait3A_939 : memref<64xf32, #tpu.memory_space<vmem>>)
    %dma_wait3A_942 = arith.constant 0 : i32
    %dma_wait3A_943 = arith.constant 0 : i32
    %dma_wait3A_944 = tpu.memref_slice %arg9[%dma_wait3A_942, %dma_wait3A_943] : memref<2x4000xi32, #tpu.memory_space<vmem>> -> memref<1x64xi32, #tpu.memory_space<vmem>>
    %dma_wait3A_945 = tpu.memref_squeeze %dma_wait3A_944 : memref<1x64xi32, #tpu.memory_space<vmem>> -> memref<64xi32, #tpu.memory_space<vmem>>
    %dma_wait3A_946 = arith.constant 999936 : i32
    %dma_wait3A_947 = tpu.memref_slice %arg6[%dma_wait3A_946] : memref<1000000xi32, #tpu.memory_space<hbm>> -> memref<64xi32, #tpu.memory_space<hbm>>
    %dma_wait3A_948 = arith.constant 0 : i32
    %dma_wait3A_949 = tpu.memref_slice %arg9[%dma_wait3A_942, %dma_wait3A_948] : memref<2x4000xi32, #tpu.memory_space<vmem>> -> memref<1x64xi32, #tpu.memory_space<vmem>>
    %dma_wait3A_950 = tpu.memref_squeeze %dma_wait3A_949 : memref<1x64xi32, #tpu.memory_space<vmem>> -> memref<64xi32, #tpu.memory_space<vmem>>
    %dma_wait3A_951 = arith.constant 999936 : i32
    %dma_wait3A_952 = tpu.memref_slice %arg6[%dma_wait3A_951] : memref<1000000xi32, #tpu.memory_space<hbm>> -> memref<64xi32, #tpu.memory_space<hbm>>
    tpu.wait_dma2 semaphore(%arg11 : memref<!tpu.dma_semaphore, #tpu.memory_space<semaphore_mem>>) src(%dma_wait3A_952 : memref<64xi32, #tpu.memory_space<hbm>>) dst(%dma_wait3A_950 : memref<64xi32, #tpu.memory_space<vmem>>)
    %parallel_loop3A_953 = arith.constant 0 : i32
    %parallel_loop3A_954 = arith.constant 4 : i32
    %parallel_loop3A_955 = arith.constant 1 : i32
    %parallel_loop3A_956:3 = scf.for %parallel_loop3A_968 = %parallel_loop3A_953 to %parallel_loop3A_954 step %parallel_loop3A_955 iter_args(%parallel_loop3A_969 = %parallel_loop3A_893#0, %parallel_loop3A_970 = %parallel_loop3A_893#1, %parallel_loop3A_971 = %parallel_loop3A_893#2) -> (vector<16xf32>, vector<16xf32>, vector<16xf32>)  : i32 {
      %parallel_loop3A_972 = arith.constant 16 : i32
      %parallel_loop3A_973 = arith.muli %parallel_loop3A_968, %parallel_loop3A_972 : i32
      %parallel_loop3A_974 = arith.constant 0 : i32
      %parallel_loop3A_975 = arith.index_cast %parallel_loop3A_974 : i32 to index
      %parallel_loop3A_976 = arith.index_cast %parallel_loop3A_973 : i32 to index
      %parallel_loop3A_977 = tpu.vector_load %arg9[%parallel_loop3A_975, %parallel_loop3A_976] {strides = array<i32>} : memref<2x4000xi32, #tpu.memory_space<vmem>>, vector<16xi32>,
      %parallel_loop3A_978 = arith.constant -1 : i32
      %parallel_loop3A_979 = vector.broadcast %parallel_loop3A_978 : i32 to vector<16xi32>
      %parallel_loop3A_980 = arith.cmpi ne, %parallel_loop3A_977, %parallel_loop3A_979 : vector<16xi32>
      %parallel_loop3A_981 = arith.constant 0.000000e+00 : f32
      %parallel_loop3A_982 = vector.broadcast %select_n3A : f32 to vector<16xf32>
      %parallel_loop3A_983 = vector.broadcast %parallel_loop3A_981 : f32 to vector<16xf32>
      %parallel_loop3A_984 = arith.select %parallel_loop3A_980, %parallel_loop3A_982, %parallel_loop3A_983 : vector<16xi1>, vector<16xf32>
      %parallel_loop3A_985 = arith.addf %parallel_loop3A_970, %parallel_loop3A_984 : vector<16xf32>
      %parallel_loop3A_986 = arith.constant 1 : i32
      %parallel_loop3A_987 = vector.broadcast %parallel_loop3A_986 : i32 to vector<16xi32>
      %parallel_loop3A_988 = arith.cmpi eq, %parallel_loop3A_977, %parallel_loop3A_987 : vector<16xi32>
      %parallel_loop3A_989 = arith.constant 0.000000e+00 : f32
      %parallel_loop3A_990 = vector.broadcast %select_n3A : f32 to vector<16xf32>
      %parallel_loop3A_991 = vector.broadcast %parallel_loop3A_989 : f32 to vector<16xf32>
      %parallel_loop3A_992 = arith.select %parallel_loop3A_988, %parallel_loop3A_990, %parallel_loop3A_991 : vector<16xi1>, vector<16xf32>
      %parallel_loop3A_993 = arith.addf %parallel_loop3A_971, %parallel_loop3A_992 : vector<16xf32>
      %parallel_loop3A_994 = arith.constant 0 : i32
      %parallel_loop3A_995 = arith.constant 0 : i32
      %parallel_loop3A_996 = arith.index_cast %parallel_loop3A_994 : i32 to index
      %parallel_loop3A_997 = arith.index_cast %parallel_loop3A_995 : i32 to index
      %parallel_loop3A_998 = arith.index_cast %parallel_loop3A_973 : i32 to index
      %parallel_loop3A_999 = tpu.vector_load %arg8[%parallel_loop3A_996, %parallel_loop3A_997, %parallel_loop3A_998] {strides = array<i32>} : memref<2x4x4000xf32, #tpu.memory_space<vmem>>, vector<16xf32>,
      %parallel_loop3A_1000 = math.absf %parallel_loop3A_999 : vector<16xf32>
      %parallel_loop3A_1001 = arith.constant 1.000000e+00 : f32
      %parallel_loop3A_1002 = vector.broadcast %parallel_loop3A_1001 : f32 to vector<16xf32>
      %parallel_loop3A_1003 = arith.minimumf %parallel_loop3A_1000, %parallel_loop3A_1002 : vector<16xf32>
      %parallel_loop3A_1004 = arith.constant 5.000000e-01 : f32
      %parallel_loop3A_1005 = vector.broadcast %parallel_loop3A_1004 : f32 to vector<16xf32>
      %parallel_loop3A_1006 = arith.mulf %parallel_loop3A_1005, %parallel_loop3A_1003 : vector<16xf32>
      %parallel_loop3A_1007 = arith.subf %parallel_loop3A_1000, %parallel_loop3A_1006 : vector<16xf32>
      %parallel_loop3A_1008 = arith.mulf %parallel_loop3A_1003, %parallel_loop3A_1007 : vector<16xf32>
      %parallel_loop3A_1009 = arith.constant 0 : i32
      %parallel_loop3A_1010 = arith.constant 1 : i32
      %parallel_loop3A_1011 = arith.index_cast %parallel_loop3A_1009 : i32 to index
      %parallel_loop3A_1012 = arith.index_cast %parallel_loop3A_1010 : i32 to index
      %parallel_loop3A_1013 = arith.index_cast %parallel_loop3A_973 : i32 to index
      %parallel_loop3A_1014 = tpu.vector_load %arg8[%parallel_loop3A_1011, %parallel_loop3A_1012, %parallel_loop3A_1013] {strides = array<i32>} : memref<2x4x4000xf32, #tpu.memory_space<vmem>>, vector<16xf32>,
      %parallel_loop3A_1015 = math.absf %parallel_loop3A_1014 : vector<16xf32>
      %parallel_loop3A_1016 = arith.constant 1.000000e+00 : f32
      %parallel_loop3A_1017 = vector.broadcast %parallel_loop3A_1016 : f32 to vector<16xf32>
      %parallel_loop3A_1018 = arith.minimumf %parallel_loop3A_1015, %parallel_loop3A_1017 : vector<16xf32>
      %parallel_loop3A_1019 = arith.constant 5.000000e-01 : f32
      %parallel_loop3A_1020 = vector.broadcast %parallel_loop3A_1019 : f32 to vector<16xf32>
      %parallel_loop3A_1021 = arith.mulf %parallel_loop3A_1020, %parallel_loop3A_1018 : vector<16xf32>
      %parallel_loop3A_1022 = arith.subf %parallel_loop3A_1015, %parallel_loop3A_1021 : vector<16xf32>
      %parallel_loop3A_1023 = arith.mulf %parallel_loop3A_1018, %parallel_loop3A_1022 : vector<16xf32>
      %parallel_loop3A_1024 = arith.addf %parallel_loop3A_1008, %parallel_loop3A_1023 : vector<16xf32>
      %parallel_loop3A_1025 = arith.constant 0 : i32
      %parallel_loop3A_1026 = arith.constant 2 : i32
      %parallel_loop3A_1027 = arith.index_cast %parallel_loop3A_1025 : i32 to index
      %parallel_loop3A_1028 = arith.index_cast %parallel_loop3A_1026 : i32 to index
      %parallel_loop3A_1029 = arith.index_cast %parallel_loop3A_973 : i32 to index
      %parallel_loop3A_1030 = tpu.vector_load %arg8[%parallel_loop3A_1027, %parallel_loop3A_1028, %parallel_loop3A_1029] {strides = array<i32>} : memref<2x4x4000xf32, #tpu.memory_space<vmem>>, vector<16xf32>,
      %parallel_loop3A_1031 = math.absf %parallel_loop3A_1030 : vector<16xf32>
      %parallel_loop3A_1032 = arith.constant 1.000000e+00 : f32
      %parallel_loop3A_1033 = vector.broadcast %parallel_loop3A_1032 : f32 to vector<16xf32>
      %parallel_loop3A_1034 = arith.minimumf %parallel_loop3A_1031, %parallel_loop3A_1033 : vector<16xf32>
      %parallel_loop3A_1035 = arith.constant 5.000000e-01 : f32
      %parallel_loop3A_1036 = vector.broadcast %parallel_loop3A_1035 : f32 to vector<16xf32>
      %parallel_loop3A_1037 = arith.mulf %parallel_loop3A_1036, %parallel_loop3A_1034 : vector<16xf32>
      %parallel_loop3A_1038 = arith.subf %parallel_loop3A_1031, %parallel_loop3A_1037 : vector<16xf32>
      %parallel_loop3A_1039 = arith.mulf %parallel_loop3A_1034, %parallel_loop3A_1038 : vector<16xf32>
      %parallel_loop3A_1040 = arith.addf %parallel_loop3A_1024, %parallel_loop3A_1039 : vector<16xf32>
      %parallel_loop3A_1041 = arith.constant 0 : i32
      %parallel_loop3A_1042 = arith.constant 3 : i32
      %parallel_loop3A_1043 = arith.index_cast %parallel_loop3A_1041 : i32 to index
      %parallel_loop3A_1044 = arith.index_cast %parallel_loop3A_1042 : i32 to index
      %parallel_loop3A_1045 = arith.index_cast %parallel_loop3A_973 : i32 to index
      %parallel_loop3A_1046 = tpu.vector_load %arg8[%parallel_loop3A_1043, %parallel_loop3A_1044, %parallel_loop3A_1045] {strides = array<i32>} : memref<2x4x4000xf32, #tpu.memory_space<vmem>>, vector<16xf32>,
      %parallel_loop3A_1047 = math.absf %parallel_loop3A_1046 : vector<16xf32>
      %parallel_loop3A_1048 = arith.constant 1.000000e+00 : f32
      %parallel_loop3A_1049 = vector.broadcast %parallel_loop3A_1048 : f32 to vector<16xf32>
      %parallel_loop3A_1050 = arith.minimumf %parallel_loop3A_1047, %parallel_loop3A_1049 : vector<16xf32>
      %parallel_loop3A_1051 = arith.constant 5.000000e-01 : f32
      %parallel_loop3A_1052 = vector.broadcast %parallel_loop3A_1051 : f32 to vector<16xf32>
      %parallel_loop3A_1053 = arith.mulf %parallel_loop3A_1052, %parallel_loop3A_1050 : vector<16xf32>
      %parallel_loop3A_1054 = arith.subf %parallel_loop3A_1047, %parallel_loop3A_1053 : vector<16xf32>
      %parallel_loop3A_1055 = arith.mulf %parallel_loop3A_1050, %parallel_loop3A_1054 : vector<16xf32>
      %parallel_loop3A_1056 = arith.addf %parallel_loop3A_1040, %parallel_loop3A_1055 : vector<16xf32>
      %parallel_loop3A_1057 = vector.broadcast %select_n3A : f32 to vector<16xf32>
      %parallel_loop3A_1058 = arith.mulf %parallel_loop3A_1056, %parallel_loop3A_1057 : vector<16xf32>
      %parallel_loop3A_1059 = arith.constant 1 : i32
      %parallel_loop3A_1060 = vector.broadcast %parallel_loop3A_1059 : i32 to vector<16xi32>
      %parallel_loop3A_1061 = arith.cmpi eq, %parallel_loop3A_977, %parallel_loop3A_1060 : vector<16xi32>
      %parallel_loop3A_1062 = arith.constant 0.000000e+00 : f32
      %parallel_loop3A_1063 = vector.broadcast %parallel_loop3A_1062 : f32 to vector<16xf32>
      %parallel_loop3A_1064 = arith.select %parallel_loop3A_1061, %parallel_loop3A_1058, %parallel_loop3A_1063 : vector<16xi1>, vector<16xf32>
      %parallel_loop3A_1065 = arith.addf %parallel_loop3A_969, %parallel_loop3A_1064 : vector<16xf32>
      scf.yield %parallel_loop3A_1065, %parallel_loop3A_985, %parallel_loop3A_993 : vector<16xf32>, vector<16xf32>, vector<16xf32>
    } {sc.loop_unroll_factor = 4 : i64, sc.parallel_access}
    %swap3A = arith.constant 0 : i32
    %swap3A_957 = arith.index_cast %swap3A : i32 to index
    %swap3A_958 = arith.constant 0 : index
    %swap3A_959 = tpu.vector_load %arg10[%swap3A_957, %swap3A_958] {strides = array<i32>} : memref<3x16xf32, #tpu.memory_space<vmem>>, vector<16xf32>,
    tpu.vector_store %arg10[%swap3A_957, %swap3A_958], %parallel_loop3A_956#0 {strides = array<i32>} : memref<3x16xf32, #tpu.memory_space<vmem>>, vector<16xf32>,
    %swap3A_960 = arith.constant 1 : i32
    %swap3A_961 = arith.index_cast %swap3A_960 : i32 to index
    %swap3A_962 = arith.constant 0 : index
    %swap3A_963 = tpu.vector_load %arg10[%swap3A_961, %swap3A_962] {strides = array<i32>} : memref<3x16xf32, #tpu.memory_space<vmem>>, vector<16xf32>,
    tpu.vector_store %arg10[%swap3A_961, %swap3A_962], %parallel_loop3A_956#1 {strides = array<i32>} : memref<3x16xf32, #tpu.memory_space<vmem>>, vector<16xf32>,
    %swap3A_964 = arith.constant 2 : i32
    %swap3A_965 = arith.index_cast %swap3A_964 : i32 to index
    %swap3A_966 = arith.constant 0 : index
    %swap3A_967 = tpu.vector_load %arg10[%swap3A_965, %swap3A_966] {strides = array<i32>} : memref<3x16xf32, #tpu.memory_space<vmem>>, vector<16xf32>,
    tpu.vector_store %arg10[%swap3A_965, %swap3A_966], %parallel_loop3A_956#2 {strides = array<i32>} : memref<3x16xf32, #tpu.memory_space<vmem>>, vector<16xf32>,
    "tpu.region"() ({
      %run_scoped3A = tpu.sem_alloc : memref<!tpu.dma_semaphore, #tpu.memory_space<semaphore_mem>>
      %dma_start3A_968 = arith.constant 0 : i32
      %dma_start3A_969 = arith.constant 0 : i32
      %dma_start3A_970 = tpu.memref_slice %arg7[%add3A, %dma_start3A_968, %dma_start3A_969] : memref<32x3x16xf32, #tpu.memory_space<hbm>> -> memref<1x3x16xf32, #tpu.memory_space<hbm>>
      %dma_start3A_971 = tpu.memref_squeeze %dma_start3A_970 : memref<1x3x16xf32, #tpu.memory_space<hbm>> -> memref<3x16xf32, #tpu.memory_space<hbm>>
      %dma_start3A_972 = arith.constant 0 : i32
      %dma_start3A_973 = arith.constant 0 : i32
      %dma_start3A_974 = tpu.memref_slice %arg7[%add3A, %dma_start3A_972, %dma_start3A_973] : memref<32x3x16xf32, #tpu.memory_space<hbm>> -> memref<1x3x16xf32, #tpu.memory_space<hbm>>
      %dma_start3A_975 = tpu.memref_squeeze %dma_start3A_974 : memref<1x3x16xf32, #tpu.memory_space<hbm>> -> memref<3x16xf32, #tpu.memory_space<hbm>>
      tpu.enqueue_dma source(%arg10 : memref<3x16xf32, #tpu.memory_space<vmem>>) target(%dma_start3A_975 : memref<3x16xf32, #tpu.memory_space<hbm>>) target_semaphore(%run_scoped3A : memref<!tpu.dma_semaphore, #tpu.memory_space<semaphore_mem>>)
      %dma_wait3A_976 = arith.constant 0 : i32
      %dma_wait3A_977 = arith.constant 0 : i32
      %dma_wait3A_978 = tpu.memref_slice %arg7[%add3A, %dma_wait3A_976, %dma_wait3A_977] : memref<32x3x16xf32, #tpu.memory_space<hbm>> -> memref<1x3x16xf32, #tpu.memory_space<hbm>>
      %dma_wait3A_979 = tpu.memref_squeeze %dma_wait3A_978 : memref<1x3x16xf32, #tpu.memory_space<hbm>> -> memref<3x16xf32, #tpu.memory_space<hbm>>
      %dma_wait3A_980 = arith.constant 0 : i32
      %dma_wait3A_981 = arith.constant 0 : i32
      %dma_wait3A_982 = tpu.memref_slice %arg7[%add3A, %dma_wait3A_980, %dma_wait3A_981] : memref<32x3x16xf32, #tpu.memory_space<hbm>> -> memref<1x3x16xf32, #tpu.memory_space<hbm>>
      %dma_wait3A_983 = tpu.memref_squeeze %dma_wait3A_982 : memref<1x3x16xf32, #tpu.memory_space<hbm>> -> memref<3x16xf32, #tpu.memory_space<hbm>>
      tpu.wait_dma2 semaphore(%run_scoped3A : memref<!tpu.dma_semaphore, #tpu.memory_space<semaphore_mem>>) src(%arg10 : memref<3x16xf32, #tpu.memory_space<vmem>>) dst(%dma_wait3A_983 : memref<3x16xf32, #tpu.memory_space<hbm>>)
      tpu.yield
    }) : () -> ()
    return
  }
}

module attributes {stable_mosaic.version = 14 : i64} {
  func.func @_combine_body(%arg0: memref<32x3x16xf32, #tpu.memory_space<vmem>>, %arg1: memref<1x1xf32, #tpu.memory_space<smem>>) attributes {dimension_semantics = [], scalar_prefetch = 0 : i64, scratch_operands = 0 : i64, tpu.core_type = #tpu.core_type<tc>} {
    %get3A = arith.constant 0 : index
    %get3A_0 = arith.constant 0 : index
    %get3A_1 = arith.constant 0 : index
    %get3A_2 = vector.load %arg0[%get3A, %get3A_0, %get3A_1] : memref<32x3x16xf32, #tpu.memory_space<vmem>>, vector<32x3x16xf32>
    %slice3A = vector.extract_strided_slice %get3A_2 {offsets = [0, 0, 0], sizes = [32, 1, 16], strides = [1, 1, 1]} : vector<32x3x16xf32> to vector<32x1x16xf32>
    %squeeze3A = vector.shape_cast %slice3A : vector<32x1x16xf32> to vector<32x16xf32>
    %reduce_sum3A = vector.shape_cast %squeeze3A : vector<32x16xf32> to vector<1x32x16xf32>
    %reduce_sum3A_3 = arith.constant dense<0.000000e+00> : vector<1xf32>
    %reduce_sum3A_4 = vector.multi_reduction <add>, %reduce_sum3A, %reduce_sum3A_3 [1, 2] : vector<1x32x16xf32> to vector<1xf32>
    %reduce_sum3A_5 = vector.shape_cast %reduce_sum3A_4 : vector<1xf32> to vector<1x1x1xf32>
    %reduce_sum3A_6 = vector.extract %reduce_sum3A_5[0, 0, 0] : f32 from vector<1x1x1xf32>
    %slice3A_7 = vector.extract_strided_slice %get3A_2 {offsets = [0, 1, 0], sizes = [32, 1, 16], strides = [1, 1, 1]} : vector<32x3x16xf32> to vector<32x1x16xf32>
    %squeeze3A_8 = vector.shape_cast %slice3A_7 : vector<32x1x16xf32> to vector<32x16xf32>
    %reduce_sum3A_9 = vector.shape_cast %squeeze3A_8 : vector<32x16xf32> to vector<1x32x16xf32>
    %reduce_sum3A_10 = arith.constant dense<0.000000e+00> : vector<1xf32>
    %reduce_sum3A_11 = vector.multi_reduction <add>, %reduce_sum3A_9, %reduce_sum3A_10 [1, 2] : vector<1x32x16xf32> to vector<1xf32>
    %reduce_sum3A_12 = vector.shape_cast %reduce_sum3A_11 : vector<1xf32> to vector<1x1x1xf32>
    %reduce_sum3A_13 = vector.extract %reduce_sum3A_12[0, 0, 0] : f32 from vector<1x1x1xf32>
    %slice3A_14 = vector.extract_strided_slice %get3A_2 {offsets = [0, 2, 0], sizes = [32, 1, 16], strides = [1, 1, 1]} : vector<32x3x16xf32> to vector<32x1x16xf32>
    %squeeze3A_15 = vector.shape_cast %slice3A_14 : vector<32x1x16xf32> to vector<32x16xf32>
    %reduce_sum3A_16 = vector.shape_cast %squeeze3A_15 : vector<32x16xf32> to vector<1x32x16xf32>
    %reduce_sum3A_17 = arith.constant dense<0.000000e+00> : vector<1xf32>
    %reduce_sum3A_18 = vector.multi_reduction <add>, %reduce_sum3A_16, %reduce_sum3A_17 [1, 2] : vector<1x32x16xf32> to vector<1xf32>
    %reduce_sum3A_19 = vector.shape_cast %reduce_sum3A_18 : vector<1xf32> to vector<1x1x1xf32>
    %reduce_sum3A_20 = vector.extract %reduce_sum3A_19[0, 0, 0] : f32 from vector<1x1x1xf32>
    %mul3A = arith.constant 1.000000e-07 : f32
    %mul3A_21 = arith.mulf %mul3A, %reduce_sum3A_13 : f32
    %add3A = arith.addf %mul3A_21, %reduce_sum3A_20 : f32
    %div3A = arith.divf %reduce_sum3A_6, %add3A : f32
    %swap3A = arith.constant 0 : index
    %swap3A_22 = arith.constant 0 : index
    %swap3A_23 = memref.load %arg1[%swap3A, %swap3A_22] : memref<1x1xf32, #tpu.memory_space<smem>>
    memref.store %div3A, %arg1[%swap3A, %swap3A_22] : memref<1x1xf32, #tpu.memory_space<smem>>
    return
  }
}

</mosaic_0001>

<sc_bundles>
// kernel: kernel.4.cloned.1.call-start
scs
__scs_entry_jumppad:
0x0: {  	(pc) =	sbr.rel $0x88, $3  }
0x1: {  	(tag) =	ssettag $0x0;
	lr =	simm.s32 $0x1  }
0x2: {  	[smem:$0x3F9E] =	sst lr;
	_ =	strace $0xD0000000  }
0x3: {  	_ = 	snop  }
0x4: {  	_ = 	snop  }
0x5: {  	_ = 	snop  }
0x6: {  	_ = 	snop  }
0x7: {  	_ = 	snop  }
__scs_overlays_trampoline_lowered:
0x8: {  	[smem:$0x3FAD] =	sst s0  }
0x9: {  	[smem:$0x3FAE] =	sst s1  }
0xa: {  	[smem:$0x3FAF] =	sst s2  }
0xb: {  	[smem:$0x3FB0] =	sst s3  }
0xc: {  	[smem:$0x3FB1] =	sst s4  }
0xd: {  	[smem:$0x3FB2] =	sst s5  }
0xe: {  	[smem:$0x3FB3] =	sst s6  }
0xf: {  	[smem:$0x3FB4] =	sst s7  }
0x10: {  	[smem:$0x3FB5] =	sst s8  }
0x11: {  	[smem:$0x3FB6] =	sst s9;
	s0 =	simm.s32 @!p0 $0x0  }
0x12: {  	s1 =	sld [smem:$0x3F9C];
	s0 =	simm.s32 @p0 $0x1  }
0x13: {  	[smem:$0x3FB7] =	sst s0;
	s0 =	simm.s32 @!p1 $0x0  }
0x14: {  	s2 =	sld [smem:$0x3F9B];
	s0 =	simm.s32 @p1 $0x1  }
0x15: {  	[smem:$0x3FB8] =	sst s0;
	s0 =	simm.s32 @!p2 $0x0  }
0x16: {  	s3 =	sld [smem:$0x3FDB];
	s0 =	simm.s32 @p2 $0x1  }
0x17: {  	s4 =	simm.s32 $0x1BF5;
	[smem:$0x3FBA] =	sst s0  }
0x18: {  	s0 =	sld [smem:$0x3F9D];
	_ =	swait.ge [sflag:s4], $0x0  }
0x19: {  	s7 =	sld [smem:$0x3F9E]  }
0x1a: {  	s8 =	sadd.s32 $0xFFFFE003, lr  }
0x1b: {  	s9 =	sadd.s32 $0xFFFFFEF7, lr;
	s5 =	simm.s32 $0xFFFFFFFF;
	p2 =	slt.u32 s8, $0xFFFFF086  }
0x1c: {  	p1 =	slt.u32 s9, $0xF7A;
	s5 =	simm.s32 @!p2 $0x0  }
0x1d: {  	s5 =	simm.s32 @p1 $0x1;
	p0 =	seq.s32 s7, s2  }
0x1e: {  	s7 =	smul.u32 @!p0 $0xF7A, s2;
	p2 =	seq.s32 @!p0 s5, $0x0  }
0x1f: {  	s9 =	smul.u32 $0xF7A, s1;
	s8 =	simm.s32 @!p0 $0x1BF5;
	p2 =	por !p2, p0  }
0x20: {  	[sflag:s8] =	ssyncset.s32 @!p0 $0xFFFFF086;
	s6 =	sadd.s32 @!p0 s3, s7;
	s7 =	simm.s32 @!p0 $0x108  }
0x21: {  	s3 =	sadd.s32 s3, s9;
	s6 =	sadd.s32 @!p0 $0x88, s6;
	s7 =	simm.s32 @p2 $0x1082  }
0x22: {  	[simem:s7], [sflag:s8] =	dma.local @!p0 [hbm:s6], $0xF7A  }
0x23: {  	s9 =	sor.u32 $0xD0000000, s2;
	s6 =	simm.s32 $0x108;
	_ =	swait.ge @!p0 [sflag:s8], $0x0  }
0x24: {  	s3 =	sadd.s32 $0x88, s3;
	s6 =	simm.s32 @!p1 $0x1082;
	[sflag:s4] =	ssyncset.s32 $0xFFFFF086  }
0x25: {  	[simem:s6], [sflag:s4] =	dma.local [hbm:s3], $0xF7A  }
0x26: {  	[smem:$0x3F9E] =	sst s1;
	(tag) =	ssettag s2;
	_ =	strace s9  }
0x27: {  	s1 =	sld [smem:$0x3FAE]  }
0x28: {  	s2 =	sld [smem:$0x3FAF]  }
0x29: {  	s4 =	sld [smem:$0x3FB1]  }
0x2a: {  	p0 =	seq.s32 s5, $0x0;
	s5 =	sld [smem:$0x3FB2]  }
0x2b: {  	s6 =	sld [smem:$0x3FB3]  }
0x2c: {  	s7 =	sld [smem:$0x3FB4]  }
0x2d: {  	s3 =	simm.s32 $0x108;
	s8 =	sld [smem:$0x3FB5]  }
0x2e: {  	s3 =	simm.s32 @!p0 $0x1082;
	s9 =	sld [smem:$0x3FB6]  }
0x2f: {  	lr =	sadd.s32 s0, s3;
	s0 =	sld [smem:$0x3FAD]  }
0x30: {  	s3 =	sld [smem:$0x3FB0]  }
0x31: {  	[smem:$0x3FB9] =	sst s10  }
0x32: {  	s10 =	sld [smem:$0x3FB7];
	_ =	sdelay $0x3  }
0x33: {  	p0 =	seq.s32 s10, $0x1;
	s10 =	sld [smem:$0x3FB9];
	_ =	sdelay $0x3  }
0x34: {  	[smem:$0x3FB9] =	sst s10  }
0x35: {  	s10 =	sld [smem:$0x3FB8];
	_ =	sdelay $0x3  }
0x36: {  	p1 =	seq.s32 s10, $0x1;
	s10 =	sld [smem:$0x3FB9];
	_ =	sdelay $0x3  }
0x37: {  	[smem:$0x3FB9] =	sst s10  }
0x38: {  	s10 =	sld [smem:$0x3FBA]  }
0x39: {  	_ = 	snop;
	(pc) =	sbr.ind lr, $3  }
0x3a: {  	_ = 	snop  }
0x3b: {  	_ = 	snop  }
0x3c: {  	p2 =	seq.s32 s10, $0x1;
	s10 =	sld [smem:$0x3FB9]  }
0x3d: {  	_ =	shalt  }
0x3e: {  	_ =	shalt  }
0x3f: {  	_ =	shalt  }
0x40: {  	_ =	shalt  }
0x41: {  	_ =	shalt  }
0x42: {  	_ =	shalt  }
0x43: {  	_ =	shalt  }
0x44: {  	_ =	shalt  }
0x45: {  	_ =	shalt  }
0x46: {  	_ =	shalt  }
0x47: {  	_ =	shalt  }
0x48: {  	_ =	shalt  }
0x49: {  	_ =	shalt  }
0x4a: {  	_ =	shalt  }
0x4b: {  	_ =	shalt  }
0x4c: {  	_ =	shalt  }
0x4d: {  	_ =	shalt  }
0x4e: {  	_ =	shalt  }
0x4f: {  	_ =	shalt  }
0x50: {  	_ =	shalt  }
0x51: {  	_ =	shalt  }
0x52: {  	_ =	shalt  }
0x53: {  	_ =	shalt  }
0x54: {  	_ =	shalt  }
0x55: {  	_ =	shalt  }
0x56: {  	_ =	shalt  }
0x57: {  	_ =	shalt  }
0x58: {  	_ =	shalt  }
0x59: {  	_ =	shalt  }
0x5a: {  	_ =	shalt  }
0x5b: {  	_ =	shalt  }
0x5c: {  	_ =	shalt  }
0x5d: {  	_ =	shalt  }
0x5e: {  	_ =	shalt  }
0x5f: {  	_ =	shalt  }
0x60: {  	_ =	shalt  }
0x61: {  	_ =	shalt  }
0x62: {  	_ =	shalt  }
0x63: {  	_ =	shalt  }
0x64: {  	_ =	shalt  }
0x65: {  	_ =	shalt  }
0x66: {  	_ =	shalt  }
0x67: {  	_ =	shalt  }
0x68: {  	_ =	shalt  }
0x69: {  	_ =	shalt  }
0x6a: {  	_ =	shalt  }
0x6b: {  	_ =	shalt  }
0x6c: {  	_ =	shalt  }
0x6d: {  	_ =	shalt  }
0x6e: {  	_ =	shalt  }
0x6f: {  	_ =	shalt  }
0x70: {  	_ =	shalt  }
0x71: {  	_ =	shalt  }
0x72: {  	_ =	shalt  }
0x73: {  	_ =	shalt  }
0x74: {  	_ =	shalt  }
0x75: {  	_ =	shalt  }
0x76: {  	_ =	shalt  }
0x77: {  	_ =	shalt  }
0x78: {  	_ =	shalt  }
0x79: {  	_ =	shalt  }
0x7a: {  	_ =	shalt  }
0x7b: {  	_ =	shalt  }
0x7c: {  	_ =	shalt  }
0x7d: {  	_ =	shalt  }
0x7e: {  	_ =	shalt  }
0x7f: {  	_ =	shalt  }
0x80: {  	_ =	shalt  }
0x81: {  	_ =	shalt  }
0x82: {  	_ =	shalt  }
0x83: {  	_ =	shalt  }
0x84: {  	_ =	shalt  }
0x85: {  	_ =	shalt  }
0x86: {  	_ =	shalt  }
0x87: {  	_ =	shalt  }
.Lfunc_end0:
.L_simem_size_0:
called_computation_lowered:
.L_overlay_start_0:
0x88: {  	s2 =	sld [smem:$0x3FD9]  }
0x89: {  	s3 =	sld [smem:$0x3FFE];
	_ =	sdelay $0x1  }
0x8a: {  	s1 =	srdreg.scid  }
0x8b: {  	s0 =	sand.u32 $0x1, s1  }
0x8c: {  	s17 =	sshll.u32 s0, $0xA;
	s2 =	sadd.s32 s3, s2  }
0x8d: {  	s2 =	sadd.s32 s2, s17  }
0x8e: {  	[smem:$0x3FC5] =	sst s2  }
0x8f: {  	_ = 	snop  }
0x90: {  	s2 =	sld [smem:$0x3FC7];
	(tm) =	ssettm $0x1  }
0x91: {  	s18 =	sld [smem:$0x3FFB];
	_ =	sdelay $0x3  }
0x92: {  	_ =	strace s18  }
0x93: {  	s3 =	sld [smem:$0x3FFC];
	_ =	sdelay $0x3  }
0x94: {  	_ =	strace s3  }
0x95: {  	s3 =	sld [smem:$0x3FFD];
	_ =	sdelay $0x3  }
0x96: {  	_ =	strace s3  }
0x97: {  	_ =	strace $0x8FFFFFFF  }
0x98: {  	s19 =	sld [smem:$0x3FDB];
	_ =	sdelay $0x1  }
0x99: {  	s4 =	simm.s32 $_scs_section_size  }
0x9a: {  	s5 =	simm.s32 $_size__tile_overlayer_lowered;
	s6 =	simm.s32 $_tile_overlayer_lowered  }
0x9b: {  	s22 =	simm.s32 $0x1BFF;
	s21 =	sshll.u32 s6, $0x1;
	s3 =	sadd.s32 s4, s19  }
0x9c: {  	s7 =	simm.s32 $0x0;
	s20 =	sshll.u32 s5, $0x1;
	s5 =	sadd.s32 s21, s3  }
0x9d: {  	[timem:s7], [sflag:s22] =	dma.local [hbm:s5], s20  }
0x9e: {  	_ =	swait.ge [sflag:s22], s20  }
0x9f: {  	s4 =	ssub.s32 $0x0, s20;
	[sflag:s22] =	ssyncset.done $0x0  }
0xa0: {  	[sflag:s22] =	ssyncadd.s32 s4;
	_ =	sdelay $0x1  }
0xa1: {  	s23 =	simm.s32 $0x1B8B  }
0xa2: {  	_ =	swait.ge [sflag:s23], $0x1  }
0xa3: {  	[sflag:s23] =	ssyncset.done $0x0  }
0xa4: {  	s25 =	simm.s32 $0x1B8E;
	s24 =	sld [smem:$0x3FFE];
	[sflag:s23] =	ssyncadd.s32 $0xFFFFFFFF  }
0xa5: {  	s26 =	simm.s32 $execute0_lowered;
	[smem:$0x3FD2] =	sst s25  }
0xa6: {  	s5 =	sshll.u32 s26, $0x1;
	_ =	strace $0x80000046;
	[dreg:$0x1] =	wrdreg $0xFFFFFFFF  }
0xa7: {  	s28 =	simm.s32 $_size_execute0_lowered;
	s3 =	sadd.s32 s3, s5;
	[dreg:$0x0] =	wrdreg $0x0  }
0xa8: {  	s5 =	sshll.u32 s28, $0x1;
	[dreg:$0x2] =	wrdreg s3  }
0xa9: {  	[dreg:$0x3] =	wrdreg s5  }
0xaa: {  	[dreg:$0x4] =	wrdreg $0xC0  }
0xab: {  	_ =	task [dreg:s7], $0x5FFFF  }
0xac: {  	[dreg:$0x1] =	wrdreg $0xFFFFFFFF  }
0xad: {  	[dreg:$0x0] =	wrdreg $0x60  }
0xae: {  	[dreg:$0x2] =	wrdreg s24  }
0xaf: {  	[dreg:$0x3] =	wrdreg s2  }
0xb0: {  	[dreg:$0x4] =	wrdreg $0x9  }
0xb1: {  	_ =	task.clear_ibuf [dreg:s7], $0x5FFFF;
	_ =	strace $0x90000046  }
0xb2: {  	s29 =	simm.s32 $0x9;
	_ =	strace $0x80000048  }
0xb3: {  	_ =	swait.ge [sflag:s29], $0x1  }
0xb4: {  	[sflag:s29] =	ssyncadd.s32 $0xFFFFFFFF  }
0xb5: {  	_ =	strace $0x90000048  }
0xb6: {  	_ =	sfence  }
0xb7: {  	s30 =	sld [smem:$0x0];
	_ =	sdelay $0x2  }
0xb8: {  	s31 =	sshll.u32 s1, $0xD;
	s1 =	sshrl.u32 s1, $0x2  }
0xb9: {  	s3 =	sand.u32 $0x4000, s31;
	s1 =	sadd.s32 s1, s30  }
0xba: {  	s0 =	sor.u32 s3, s0;
	s1 =	sshll.u32 s1, $0x11  }
0xbb: {  	s0 =	sor.u32 s1, s0  }
0xbc: {  	s0 =	sadd.s32 $0x8F2B, s0  }
0xbd: {  	[sflag:s0] =	ssyncadd.remote.s32 $0x1  }
0xbe: {  	_ =	sfence.sel $0xFFFF  }
0xbf: {  	[dreg:$0x0] =	wrdreg $0xFFFFFFFF;
	(pc) =	sbr.abs _section_cstart, $3  }
0xc0: {  	[dreg:$0x1] =	wrdreg $0xFFFFFFFF  }
0xc1: {  	_ =	task.clear_ibuf [dreg:s7], $0x2FFFF;
	_ =	strace $0x9FFFFFFF  }
0xc2: {  	(tm) =	ssettm $0x7FFFFFFF  }
0xc3: {  	_ =	shalt  }
tec
execute0_lowered:
.L_overlay_start_1:
0x0: {  	(tag) =	ssettag $0x1  }
0x1: {  	s2 =	srdreg.scid;
	s4 =	stileid.u32  }
0x2: {  	s3 =	sand.u32 $0x1, s2;
	s4 =	sshll.u32 s4, $0x1  }
0x3: {  	s4 =	sor.u32 s3, s4  }
0x4: {  	s0 =	rddreg [dreg:$0x0];
	s7 =	smul.u32 $0x7A10, s4  }
0x5: {  	s1 =	rddreg [dreg:$0x1];
	s2 =	simm.s32 $0x0  }
0x6: {  	s6 =	sadd.s32 $0x5BE00, s0;
	s9 =	sadd.s32 $0x3D400, s0;
	s7 =	sshrl.u32 s7, $0x3  }
0x7: {  	s10 =	sadd.s32 $0x1EA00, s0;
	[smem:$0x7FF] =	sst s2;
	s21 =	sadd.s32 $0x1F4, s7  }
0x8: {  	s8 =	ssub.s32 $0x2, s3;
	s5 =	smul.u32 $0x6, s4;
	s22 =	sadd.s32 s6, s21  }
0x9: {  	_ =	strace $0x80000047;
	s23 =	sadd.s32 s9, s21;
	[dreg:$0x3] =	wrdreg s22  }
0xa: {  	s11 =	sshrl.u32 s8, $0x1;
	s24 =	sadd.s32 s10, s21;
	[dreg:$0x4] =	wrdreg s23  }
0xb: {  	p0 =	seq.s32 s4, $0x1F;
	s26 =	sadd.s32 s0, s21;
	[dreg:$0x5] =	wrdreg s24  }
0xc: {  	s25 =	sadd.s32 $0x3E8, s7;
	s4 =	sadd.s32 s1, s21;
	[dreg:$0x6] =	wrdreg s26  }
0xd: {  	s19 =	ssub.s32 s8, s11;
	s11 =	sadd.s32 s6, s25;
	[dreg:$0x7] =	wrdreg s4  }
0xe: {  	s12 =	sadd.s32 s9, s25;
	[dreg:$0x8] =	wrdreg s11  }
0xf: {  	s13 =	sadd.s32 s10, s25;
	[dreg:$0x9] =	wrdreg s12  }
0x10: {  	s15 =	sadd.s32 s0, s25;
	[dreg:$0xa] =	wrdreg s13  }
0x11: {  	s14 =	sadd.s32 $0x5DC, s7;
	s8 =	sadd.s32 s1, s25;
	[dreg:$0xb] =	wrdreg s15  }
0x12: {  	s16 =	sadd.s32 s6, s14;
	[dreg:$0xc] =	wrdreg s8  }
0x13: {  	s17 =	sadd.s32 s9, s14;
	[dreg:$0xd] =	wrdreg s16  }
0x14: {  	s18 =	sadd.s32 s10, s14;
	[dreg:$0xe] =	wrdreg s17  }
0x15: {  	s21 =	sadd.s32 s0, s14;
	[dreg:$0xf] =	wrdreg s18  }
0x16: {  	s20 =	sadd.s32 $0x7D0, s7;
	[dreg:$0x10] =	wrdreg s21;
	s4 =	sadd.s32 s1, s14  }
0x17: {  	s22 =	sadd.s32 s6, s20;
	[dreg:$0x11] =	wrdreg s4  }
0x18: {  	s23 =	sadd.s32 s9, s20;
	[dreg:$0x12] =	wrdreg s22  }
0x19: {  	s24 =	sadd.s32 s10, s20;
	[dreg:$0x13] =	wrdreg s23  }
0x1a: {  	s26 =	sadd.s32 s0, s20;
	[dreg:$0x14] =	wrdreg s24  }
0x1b: {  	s25 =	sadd.s32 $0x9C4, s7;
	s8 =	sadd.s32 s1, s20;
	[dreg:$0x15] =	wrdreg s26  }
0x1c: {  	s28 =	simm.s32 $0x8CA0;
	s12 =	sadd.s32 s6, s25;
	[dreg:$0x16] =	wrdreg s8  }
0x1d: {  	s29 =	simm.s32 $0x1;
	s13 =	sadd.s32 s9, s25;
	[dreg:$0x17] =	wrdreg s12  }
0x1e: {  	s30 =	simm.s32 $0x1F40;
	s14 =	sadd.s32 s10, s25;
	[dreg:$0x18] =	wrdreg s13  }
0x1f: {  	s31 =	simm.s32 $0x2;
	s15 =	sadd.s32 s0, s25;
	[dreg:$0x19] =	wrdreg s14  }
0x20: {  	s3 =	simm.f32 $1.000000000e+00;
	s16 =	sadd.s32 s6, s7;
	[dreg:$0x1a] =	wrdreg s15  }
0x21: {  	s3 =	simm.s32 @!p0 $0x0;
	s17 =	sadd.s32 s9, s7;
	[dreg:$0x1c] =	wrdreg s16  }
0x22: {  	s5 =	sadd.s32 s5, s0;
	s18 =	sadd.s32 s10, s7;
	[dreg:$0x1d] =	wrdreg s17  }
0x23: {  	s19 =	smax.u32 s19, $0x1;
	s20 =	sadd.s32 s0, s7;
	[dreg:$0x1e] =	wrdreg s18  }
0x24: {  	s21 =	sadd.s32 $0xBB8, s7;
	s4 =	sadd.s32 s1, s25;
	[dreg:$0x1f] =	wrdreg s20  }
0x25: {  	s22 =	sadd.s32 s1, s7;
	s12 =	sadd.s32 $0xDAC, s7;
	s23 =	sadd.s32 s6, s21  }
0x26: {  	s24 =	sadd.s32 s9, s21;
	s25 =	sadd.s32 s10, s21;
	[dreg:$0x1b] =	wrdreg s4  }
0x27: {  	s26 =	sadd.s32 s0, s21;
	s7 =	sadd.s32 s1, s21;
	[smem:$0x7F9] =	sst s22  }
0x28: {  	s13 =	sadd.s32 $0x7A640, s0;
	s14 =	sadd.s32 $0x5BC40, s0;
	[smem:$0x7FA] =	sst s23  }
0x29: {  	s15 =	sadd.s32 $0x3D240, s0;
	s16 =	sadd.s32 $0x1E840, s0;
	[smem:$0x7FB] =	sst s24  }
0x2a: {  	s17 =	sadd.s32 $0x1E840, s1;
	s18 =	sadd.s32 $0x7A800, s5;
	[smem:$0x7FC] =	sst s25  }
0x2b: {  	s20 =	simm.s32 $0xFA0;
	s21 =	simm.s32 $0x2EE0;
	[smem:$0x7FD] =	sst s26  }
0x2c: {  	s8 =	sadd.s32 s6, s12;
	s9 =	sadd.s32 s9, s12;
	s10 =	sadd.s32 s10, s12  }
0x2d: {  	s11 =	sadd.s32 s0, s12;
	s12 =	sadd.s32 s1, s12;
	s22 =	simm.s32 $0x7D00  }
0x2e: {  	s23 =	simm.s32 $0x3E80;
	s24 =	simm.s32 $0x4E20;
	s25 =	simm.s32 $0x5DC0  }
0x2f: {  	v1 =	vimm.f32 $1.000000000e+00;
	v2 =	vimm.f32 $0.0e+00;
	v0 =	vmov s3;
	s26 =	simm.s32 $0x6D60;
	s1 =	simm.s32 $0x3;
	s0 =	simm.s32 $0x0  }
.LBB2_1:
0x30: {  	s3 =	rddreg [dreg:$0x1c]  }
0x31: {  	s6 =	rddreg [dreg:$0x1d]  }
0x32: {  	[tilespmem:s2], [sflag:$0x1] =	stream.linear.gather [hbm4b:s3+s2], $0xFA0, $0x38;
	[tilespmem:$0x9C70] =	vst v63  }
0x33: {  	s4 =	rddreg [dreg:$0x1e]  }
0x34: {  	[tilespmem:s20], [sflag:$0x1] =	stream.linear.gather [hbm4b:s6+s2], $0xFA0, $0x38;
	[tilespmem:$0x9C70] =	vst v63  }
0x35: {  	s5 =	rddreg [dreg:$0x1f]  }
0x36: {  	[tilespmem:s30], [sflag:$0x1] =	stream.linear.gather [hbm4b:s4+s2], $0xFA0, $0x38;
	[tilespmem:$0x9C70] =	vst v63  }
0x37: {  	s6 =	sld [smem:$0x7F9]  }
0x38: {  	[tilespmem:s21], [sflag:$0x1] =	stream.linear.gather [hbm4b:s5+s2], $0xFA0, $0x38;
	[tilespmem:$0x9C70] =	vst v63  }
0x39: {  	_ = 	snop  }
0x3a: {  	[tilespmem:s22], [sflag:$0x1] =	stream.linear.gather [hbm4b:s6+s2], $0xFA0, $0x38;
	[tilespmem:$0x9C70] =	vst v63  }
0x3b: {  	s4 =	rddreg [dreg:$0x3]  }
0x3c: {  	[tilespmem:s23], [sflag:$0x2] =	stream.linear.gather [hbm4b:s4+s2], $0xFA0, $0x38;
	[tilespmem:$0x9C70] =	vst v63  }
0x3d: {  	s5 =	rddreg [dreg:$0x4]  }
0x3e: {  	[tilespmem:s24], [sflag:$0x2] =	stream.linear.gather [hbm4b:s5+s2], $0xFA0, $0x38;
	[tilespmem:$0x9C70] =	vst v63  }
0x3f: {  	s6 =	rddreg [dreg:$0x5]  }
0x40: {  	[tilespmem:s25], [sflag:$0x2] =	stream.linear.gather [hbm4b:s6+s2], $0xFA0, $0x38;
	[tilespmem:$0x9C70] =	vst v63  }
0x41: {  	s4 =	rddreg [dreg:$0x6]  }
0x42: {  	[tilespmem:s26], [sflag:$0x2] =	stream.linear.gather [hbm4b:s4+s2], $0xFA0, $0x38;
	[tilespmem:$0x9C70] =	vst v63  }
0x43: {  	s5 =	rddreg [dreg:$0x7]  }
0x44: {  	[tilespmem:s28], [sflag:$0x2] =	stream.linear.gather [hbm4b:s5+s2], $0xFA0, $0x38;
	[tilespmem:$0x9C70] =	vst v63  }
0x45: {  	_ =	swait.ge [sflag:s29], $0xFA0  }
0x46: {  	[sflag:s29] =	ssyncset.done $0x0  }
0x47: {  	[sflag:s29] =	ssyncadd.s32 $0xFFFFF060  }
0x48: {  	_ =	swait.ge [sflag:s29], $0xFA0  }
0x49: {  	[sflag:s29] =	ssyncset.done $0x0  }
0x4a: {  	[sflag:s29] =	ssyncadd.s32 $0xFFFFF060  }
0x4b: {  	_ =	swait.ge [sflag:s29], $0xFA0  }
0x4c: {  	[sflag:s29] =	ssyncset.done $0x0  }
0x4d: {  	[sflag:s29] =	ssyncadd.s32 $0xFFFFF060  }
0x4e: {  	_ =	swait.ge [sflag:s29], $0xFA0  }
0x4f: {  	[sflag:s29] =	ssyncset.done $0x0  }
0x50: {  	[sflag:s29] =	ssyncadd.s32 $0xFFFFF060  }
0x51: {  	_ =	swait.ge [sflag:s29], $0xFA0  }
0x52: {  	[sflag:s29] =	ssyncset.done $0x0  }
0x53: {  	s6 =	simm.s32 $0x7D20;
	[sflag:s29] =	ssyncadd.s32 $0xFFFFF060  }
0x54: {  	v3 =	vld [tilespmem:s6+$0x10]  }
0x55: {  	v4 =	vld [tilespmem:s6+$0x0]  }
0x56: {  	v5 =	vld [tilespmem:s6+$0xFFFFFFF0]  }
0x57: {  	v6 =	vld [tilespmem:s6+$0xFFFFFFE0]  }
0x58: {  	v7 =	vld [tilespmem:s30+$0xFD0]  }
0x59: {  	v8 =	vld [tilespmem:s30+$0xFC0]  }
0x5a: {  	v9 =	vld [tilespmem:s30+$0x30]  }
0x5b: {  	v10 =	vld [tilespmem:s30+$0xFB0]  }
0x5c: {  	v11 =	vld [tilespmem:s30+$0x20]  }
0x5d: {  	v12 =	vld [tilespmem:s30+$0xFFFFE0F0]  }
0x5e: {  	v13 =	vld [tilespmem:s30+$0xFFFFF090]  }
0x5f: {  	v14 =	vld [tilespmem:s30+$0xFA0]  }
0x60: {  	v15 =	vld [tilespmem:s30+$0x10]  }
0x61: {  	v16 =	vld [tilespmem:s30+$0xFFFFE0E0]  }
0x62: {  	v17 =	vld [tilespmem:s30+$0xFFFFF080];
	vm1 =	veq.s32 v3, $0xFFFFFFFF;
	vm0 =	veq.s32 v3, $0x1  }
0x63: {  	v18 =	vld [tilespmem:s30+$0x0];
	vm5 =	veq.s32 v5, $0xFFFFFFFF;
	vm6 =	veq.s32 v4, $0xFFFFFFFF;
	vm2 =	veq.s32 v4, $0x1  }
0x64: {  	v19 =	vld [tilespmem:s30+$0xFFFFE0D0];
	vm7 =	veq.s32 v6, $0xFFFFFFFF;
	vm4 =	veq.s32 v6, $0x1;
	vm3 =	veq.s32 v5, $0x1  }
0x65: {  	v23 =	vand.u32 $0x7FFFFFFF, v8;
	v29 =	vand.u32 $0x7FFFFFFF, v9;
	v27 =	vand.u32 $0x7FFFFFFF, v7  }
0x66: {  	v10 =	vand.u32 $0x7FFFFFFF, v10;
	v9 =	vand.u32 $0x7FFFFFFF, v11;
	v11 =	vand.u32 $0x7FFFFFFF, v12  }
0x67: {  	v12 =	vand.u32 $0x7FFFFFFF, v14;
	v32 =	vand.u32 $0x7FFFFFFF, v15;
	v34 =	vand.u32 $0x7FFFFFFF, v13  }
0x68: {  	v35 =	vand.u32 $0x7FFFFFFF, v18;
	v36 =	vand.u32 $0x7FFFFFFF, v16;
	v15 =	vand.u32 $0x7FFFFFFF, v17  }
0x69: {  	v43 =	vand.u32 $0x7FFFFFFF, v19;
	v8 =	vsel vm7, $0x0, v1;
	v6 =	vsel vm4, $0x3F800000, v2  }
0x6a: {  	v13 =	vmin.f32 v23, $1.000000000e+00;
	v44 =	vmin.f32 v29, $1.000000000e+00;
	v7 =	vmin.f32 v27, $1.000000000e+00  }
0x6b: {  	v14 =	vmin.f32 v10, $1.000000000e+00;
	v16 =	vmin.f32 v9, $1.000000000e+00;
	v45 =	vmin.f32 v11, $1.000000000e+00  }
0x6c: {  	v22 =	vmin.f32 v12, $1.000000000e+00;
	v18 =	vmin.f32 v32, $1.000000000e+00;
	v46 =	vmin.f32 v34, $1.000000000e+00  }
0x6d: {  	v20 =	vmin.f32 v36, $1.000000000e+00;
	v19 =	vmul.f32 $5.000000000e-01, v7;
	v37 =	vmul.f32 $5.000000000e-01, v13  }
0x6e: {  	v21 =	vmin.f32 v15, $1.000000000e+00;
	v38 =	vmul.f32 $5.000000000e-01, v44;
	v40 =	vmul.f32 $5.000000000e-01, v14  }
0x6f: {  	v26 =	vmin.f32 v35, $1.000000000e+00;
	v24 =	vmul.f32 $5.000000000e-01, v16;
	v41 =	vmul.f32 $5.000000000e-01, v45  }
0x70: {  	v3 =	vld [tilespmem:s30+$0xFFFFF070];
	v25 =	vmin.f32 v43, $1.000000000e+00;
	v47 =	vmul.f32 $5.000000000e-01, v46;
	v48 =	vmul.f32 $5.000000000e-01, v22  }
0x71: {  	v4 =	vld [tilespmem:s30+$0xFFFFE0C0];
	v49 =	vmul.f32 $5.000000000e-01, v18;
	v23 =	vsub.f32 v23, v37;
	v19 =	vsub.f32 v27, v19  }
0x72: {  	v5 =	vld [tilespmem:s30+$0xFFFFF060];
	v50 =	vmul.f32 $5.000000000e-01, v20;
	v27 =	vsub.f32 v10, v40;
	v10 =	vsub.f32 v29, v38  }
0x73: {  	v51 =	vmul.f32 $5.000000000e-01, v26;
	v11 =	vsub.f32 v11, v41;
	v47 =	vsub.f32 v34, v47  }
0x74: {  	v30 =	vmul.f32 $5.000000000e-01, v21;
	v37 =	vsub.f32 v12, v48;
	v32 =	vsub.f32 v32, v49  }
0x75: {  	v52 =	vmul.f32 $5.000000000e-01, v25;
	v38 =	vsub.f32 v35, v51;
	v36 =	vsub.f32 v36, v50  }
0x76: {  	v12 =	vimm.f32 $0.0e+00;
	v39 =	vand.u32 $0x7FFFFFFF, v4;
	v17 =	vand.u32 $0x7FFFFFFF, v3  }
0x77: {  	v42 =	vand.u32 $0x7FFFFFFF, v5;
	v4 =	vsel vm5, $0x0, v1;
	v3 =	vsel vm6, $0x0, v1  }
0x78: {  	v5 =	vsel vm3, $0x3F800000, v2;
	v31 =	vmin.f32 v39, $1.000000000e+00;
	v33 =	vmin.f32 v42, $1.000000000e+00  }
0x79: {  	v28 =	vmin.f32 v17, $1.000000000e+00;
	v29 =	vmul.f32 $5.000000000e-01, v31;
	v63 =	vmul.f32 $5.000000000e-01, v33  }
0x7a: {  	v34 =	vmul.f32 v11, v45;
	v35 =	vmul.f32 v47, v46;
	v11 =	vimm.f32 $0.0e+00  }
0x7b: {  	v40 =	vmul.f32 $5.000000000e-01, v28;
	v41 =	vsub.f32 v39, v29;
	v42 =	vsub.f32 v42, v63  }
0x7c: {  	s3 =	simm.s32 $0x0;
	s4 =	simm.s32 $0x7D60;
	s5 =	simm.s32 $0x1F40;
	v29 =	vmul.f32 v10, v44;
	v39 =	vsub.f32 v43, v52;
	v10 =	vimm.f32 $0.0e+00  }
.LBB2_2:
0x7d: {  	v43 =	vld [tilespmem:s4+$0x10];
	v31 =	vmul.f32 v41, v31;
	v33 =	vmul.f32 v42, v33;
	v17 =	vsub.f32 v17, v40  }
0x7e: {  	v26 =	vmul.f32 v38, v26;
	v22 =	vmul.f32 v37, v22;
	v15 =	vsub.f32 v15, v30;
	v40 =	vld [tilespmem:s4+$0x0]  }
0x7f: {  	v25 =	vmul.f32 v39, v25;
	v30 =	vld [tilespmem:s4+$0xFFFFFFF0];
	v31 =	vadd.f32 v33, v31;
	v17 =	vmul.f32 v17, v28  }
0x80: {  	v20 =	vmul.f32 v36, v20;
	v9 =	vsub.f32 v9, v24;
	s5 =	sadd.s32 $0x40, s5;
	v15 =	vmul.f32 v15, v21;
	v28 =	vld [tilespmem:s4+$0xFFFFFFE0]  }
0x81: {  	v18 =	vmul.f32 v32, v18;
	v21 =	vld [tilespmem:s5+$0xFD0];
	v24 =	vadd.f32 v26, v31;
	v17 =	vadd.f32 v17, v25  }
0x82: {  	v9 =	vmul.f32 v9, v16;
	v16 =	vadd.f32 v35, v34;
	v15 =	vadd.f32 v15, v20;
	v25 =	vld [tilespmem:s5+$0xFC0]  }
0x83: {  	v14 =	vmul.f32 v27, v14;
	v20 =	vld [tilespmem:s5+$0x30];
	v22 =	vadd.f32 v22, v24;
	v17 =	vadd.f32 v18, v17  }
0x84: {  	v13 =	vmul.f32 v23, v13;
	v9 =	vadd.f32 v9, v15;
	v15 =	vadd.f32 v29, v16;
	v18 =	vld [tilespmem:s5+$0xFB0]  }
0x85: {  	v8 =	vadd.f32 v8, v12;
	v16 =	vld [tilespmem:s5+$0x20];
	v12 =	vnsel vm4, $0x0, v22;
	v14 =	vadd.f32 v14, v17  }
0x86: {  	v6 =	vadd.f32 v6, v10;
	v7 =	vmul.f32 v19, v7;
	v17 =	vld [tilespmem:s5+$0xFFFFE0F0];
	v10 =	vadd.f32 v12, v11  }
0x87: {  	v4 =	vadd.f32 v4, v8;
	v9 =	vadd.f32 v13, v9;
	v19 =	vld [tilespmem:s5+$0xFFFFF090];
	v8 =	vnsel vm3, $0x0, v14  }
0x88: {  	v5 =	vadd.f32 v5, v6;
	v13 =	vld [tilespmem:s5+$0xFA0];
	v6 =	vadd.f32 v8, v10;
	v8 =	vsel vm2, $0x3F800000, v2  }
0x89: {  	v3 =	vadd.f32 v3, v4;
	v7 =	vadd.f32 v7, v15;
	v4 =	vnsel vm2, $0x0, v9;
	v14 =	vld [tilespmem:s5+$0x10]  }
0x8a: {  	v5 =	vadd.f32 v8, v5;
	v15 =	vld [tilespmem:s5+$0xFFFFE0E0];
	v4 =	vadd.f32 v4, v6;
	v6 =	vsel vm1, $0x0, v1  }
0x8b: {  	v8 =	vld [tilespmem:s5+$0xFFFFF080];
	v12 =	vadd.f32 v6, v3;
	v3 =	vsel vm0, $0x3F800000, v2;
	v6 =	vnsel vm0, $0x0, v7  }
0x8c: {  	v7 =	vld [tilespmem:s5+$0x0];
	v10 =	vadd.f32 v3, v5;
	v11 =	vadd.f32 v6, v4  }
0x8d: {  	vm1 =	veq.s32 v43, $0xFFFFFFFF;
	vm0 =	veq.s32 v43, $0x1;
	v3 =	vld [tilespmem:s5+$0xFFFFE0D0]  }
0x8e: {  	vm6 =	veq.s32 v40, $0xFFFFFFFF;
	vm5 =	veq.s32 v30, $0xFFFFFFFF;
	vm2 =	veq.s32 v40, $0x1;
	v4 =	vld [tilespmem:s5+$0xFFFFF070]  }
0x8f: {  	vm7 =	veq.s32 v28, $0xFFFFFFFF;
	vm4 =	veq.s32 v28, $0x1;
	vm3 =	veq.s32 v30, $0x1;
	v5 =	vld [tilespmem:s5+$0xFFFFE0C0]  }
0x90: {  	v27 =	vand.u32 $0x7FFFFFFF, v21;
	v23 =	vand.u32 $0x7FFFFFFF, v25;
	v29 =	vand.u32 $0x7FFFFFFF, v20;
	v6 =	vld [tilespmem:s5+$0xFFFFF060]  }
0x91: {  	v32 =	vand.u32 $0x7FFFFFFF, v18;
	v9 =	vand.u32 $0x7FFFFFFF, v16;
	v34 =	vand.u32 $0x7FFFFFFF, v17  }
0x92: {  	v37 =	vand.u32 $0x7FFFFFFF, v19;
	v35 =	vand.u32 $0x7FFFFFFF, v13;
	v36 =	vand.u32 $0x7FFFFFFF, v14  }
0x93: {  	v39 =	vand.u32 $0x7FFFFFFF, v15;
	v15 =	vand.u32 $0x7FFFFFFF, v8;
	v38 =	vand.u32 $0x7FFFFFFF, v7  }
0x94: {  	v43 =	vand.u32 $0x7FFFFFFF, v3;
	v17 =	vand.u32 $0x7FFFFFFF, v4;
	v41 =	vand.u32 $0x7FFFFFFF, v5  }
0x95: {  	v3 =	vsel vm6, $0x0, v1;
	v4 =	vsel vm5, $0x0, v1;
	v42 =	vand.u32 $0x7FFFFFFF, v6  }
0x96: {  	v8 =	vsel vm7, $0x0, v1;
	v5 =	vsel vm3, $0x3F800000, v2;
	v6 =	vsel vm4, $0x3F800000, v2  }
0x97: {  	v44 =	vmin.f32 v29, $1.000000000e+00;
	v13 =	vmin.f32 v23, $1.000000000e+00;
	v7 =	vmin.f32 v27, $1.000000000e+00  }
0x98: {  	v16 =	vmin.f32 v9, $1.000000000e+00;
	v45 =	vmin.f32 v34, $1.000000000e+00;
	v14 =	vmin.f32 v32, $1.000000000e+00  }
0x99: {  	v46 =	vmin.f32 v37, $1.000000000e+00;
	v22 =	vmin.f32 v35, $1.000000000e+00;
	v18 =	vmin.f32 v36, $1.000000000e+00  }
0x9a: {  	v20 =	vmin.f32 v39, $1.000000000e+00;
	v21 =	vmin.f32 v15, $1.000000000e+00;
	v19 =	vmul.f32 $5.000000000e-01, v7  }
0x9b: {  	v47 =	vmul.f32 $5.000000000e-01, v44;
	v40 =	vmul.f32 $5.000000000e-01, v13;
	v26 =	vmin.f32 v38, $1.000000000e+00  }
0x9c: {  	s3 =	sadd.s32 $0x4, s3;
	v24 =	vmul.f32 $5.000000000e-01, v16;
	v48 =	vmul.f32 $5.000000000e-01, v14;
	v25 =	vmin.f32 v43, $1.000000000e+00  }
0x9d: {  	p0 =	slt.u32 s3, $0xF4;
	v49 =	vmul.f32 $5.000000000e-01, v45;
	v50 =	vmul.f32 $5.000000000e-01, v46;
	v28 =	vmin.f32 v17, $1.000000000e+00  }
0x9e: {  	v51 =	vmul.f32 $5.000000000e-01, v22;
	v52 =	vmul.f32 $5.000000000e-01, v18;
	v31 =	vmin.f32 v41, $1.000000000e+00  }
0x9f: {  	v53 =	vmul.f32 $5.000000000e-01, v20;
	v30 =	vmul.f32 $5.000000000e-01, v21;
	v33 =	vmin.f32 v42, $1.000000000e+00  }
0xa0: {  	v23 =	vsub.f32 v23, v40;
	v54 =	vmul.f32 $5.000000000e-01, v26;
	v19 =	vsub.f32 v27, v19  }
0xa1: {  	v29 =	vsub.f32 v29, v47;
	v55 =	vmul.f32 $5.000000000e-01, v25;
	v27 =	vsub.f32 v32, v48  }
.Ltmp0:
0xa2: {  	v34 =	vsub.f32 v34, v49;
	v48 =	vsub.f32 v37, v50;
	v47 =	vmul.f32 $5.000000000e-01, v31;
	(pc) =	sbr.rel @p0 .LBB2_2-.Ltmp0, $4  }
0xa3: {  	v37 =	vsub.f32 v35, v51;
	v32 =	vsub.f32 v36, v52;
	v49 =	vmul.f32 $5.000000000e-01, v33  }
0xa4: {  	v36 =	vsub.f32 v39, v53;
	v38 =	vsub.f32 v38, v54;
	v40 =	vmul.f32 $5.000000000e-01, v28  }
0xa5: {  	v29 =	vmul.f32 v29, v44;
	v41 =	vsub.f32 v41, v47;
	v42 =	vsub.f32 v42, v49  }
0xa6: {  	s4 =	sadd.s32 $0x40, s4;
	v34 =	vmul.f32 v34, v45;
	v39 =	vsub.f32 v43, v55;
	v35 =	vmul.f32 v48, v46  }
0xa7: {  	v31 =	vmul.f32 v41, v31;
	v33 =	vmul.f32 v42, v33;
	v17 =	vsub.f32 v17, v40  }
0xa8: {  	v26 =	vmul.f32 v38, v26;
	v22 =	vmul.f32 v37, v22;
	v15 =	vsub.f32 v15, v30  }
0xa9: {  	v25 =	vmul.f32 v39, v25;
	v55 =	vadd.f32 v33, v31;
	v17 =	vmul.f32 v17, v28  }
0xaa: {  	v20 =	vmul.f32 v36, v20;
	v9 =	vsub.f32 v9, v24;
	v15 =	vmul.f32 v15, v21  }
0xab: {  	v18 =	vmul.f32 v32, v18;
	v56 =	vadd.f32 v26, v55;
	v17 =	vadd.f32 v17, v25  }
0xac: {  	v14 =	vmul.f32 v27, v14;
	v8 =	vadd.f32 v8, v12;
	v15 =	vadd.f32 v15, v20  }
0xad: {  	v9 =	vmul.f32 v9, v16;
	v58 =	vadd.f32 v22, v56;
	v17 =	vadd.f32 v18, v17  }
0xae: {  	v13 =	vmul.f32 v23, v13;
	v6 =	vadd.f32 v6, v10;
	v57 =	vadd.f32 v35, v34  }
0xaf: {  	v9 =	vadd.f32 v9, v15;
	v60 =	vnsel vm4, $0x0, v58;
	v14 =	vadd.f32 v14, v17  }
0xb0: {  	v7 =	vmul.f32 v19, v7;
	v4 =	vadd.f32 v4, v8;
	v61 =	vadd.f32 v60, v11  }
0xb1: {  	v59 =	vadd.f32 v29, v57;
	v9 =	vadd.f32 v13, v9;
	v62 =	vnsel vm3, $0x0, v14  }
0xb2: {  	v63 =	vsel vm2, $0x3F800000, v2;
	v5 =	vadd.f32 v5, v6;
	v6 =	vadd.f32 v62, v61  }
0xb3: {  	v3 =	vadd.f32 v3, v4;
	v7 =	vadd.f32 v7, v59;
	v4 =	vnsel vm2, $0x0, v9  }
0xb4: {  	v5 =	vadd.f32 v63, v5;
	v6 =	vadd.f32 v4, v6;
	v4 =	vsel vm1, $0x0, v1  }
0xb5: {  	v7 =	vnsel vm0, $0x0, v7;
	v3 =	vadd.f32 v4, v3;
	v4 =	vsel vm0, $0x3F800000, v2  }
0xb6: {  	s3 =	simm.s32 $0x0;
	v4 =	vadd.f32 v4, v5;
	v5 =	vadd.f32 v7, v6  }
.LBB2_4:
0xb7: {  	s4 =	sshra.s32 s3, $0x2  }
0xb8: {  	v6 =	vld [tilespmem:s4+$0xF80]  }
0xb9: {  	v7 =	vld [tilespmem:s4+$0x1F20]  }
0xba: {  	v8 =	vld [tilespmem:s4+$0x2EC0]  }
0xbb: {  	v9 =	vld [tilespmem:s4+$0x3E60];
	_ =	sdelay $0x2  }
0xbc: {  	v6 =	vand.u32 $0x7FFFFFFF, v6;
	v7 =	vand.u32 $0x7FFFFFFF, v7  }
0xbd: {  	v8 =	vand.u32 $0x7FFFFFFF, v8;
	v10 =	vmin.f32 v6, $1.000000000e+00;
	v12 =	vmin.f32 v7, $1.000000000e+00  }
0xbe: {  	v9 =	vand.u32 $0x7FFFFFFF, v9;
	v11 =	vmul.f32 $5.000000000e-01, v10;
	v13 =	vmul.f32 $5.000000000e-01, v12  }
0xbf: {  	v58 =	vmin.f32 v8, $1.000000000e+00;
	v60 =	vmin.f32 v9, $1.000000000e+00  }
0xc0: {  	v59 =	vmul.f32 $5.000000000e-01, v58;
	v6 =	vsub.f32 v6, v11;
	v7 =	vsub.f32 v7, v13  }
0xc1: {  	v61 =	vmul.f32 $5.000000000e-01, v60  }
0xc2: {  	v8 =	vsub.f32 v8, v59;
	v6 =	vmul.f32 v6, v10;
	v7 =	vmul.f32 v7, v12  }
0xc3: {  	v62 =	vld [tilespmem:s4+$0x8C80]  }
0xc4: {  	v63 =	vsub.f32 v9, v61;
	v6 =	vadd.f32 v7, v6;
	v7 =	vmul.f32 v8, v58;
	_ =	sdelay $0x1  }
0xc5: {  	p0 =	sne.s32 s3, $0x40;
	v6 =	vadd.f32 v7, v6;
	v7 =	vmul.f32 v63, v60  }
.Ltmp1:
0xc6: {  	_ = 	snop;
	(pc) =	sbr.rel @p0 .LBB2_4-.Ltmp1, $4  }
0xc7: {  	vm0 =	veq.s32 v62, $0xFFFFFFFF;
	v6 =	vadd.f32 v7, v6  }
0xc8: {  	vm15 =	veq.s32 v62, $0x1;
	v7 =	vsel vm0, $0x0, v1  }
0xc9: {  	v3 =	vadd.f32 v7, v3;
	v7 =	vsel vm15, $0x3F800000, v2;
	v6 =	vnsel vm15, $0x0, v6  }
0xca: {  	s3 =	sadd.s32 $0x40, s3;
	v4 =	vadd.f32 v7, v4;
	v5 =	vadd.f32 v6, v5  }
0xcb: {  	s3 =	simm.s32 $0x0;
	s4 =	rddreg [dreg:$0x8]  }
0xcc: {  	[tilespmem:s3], [sflag:$0x1] =	stream.linear.gather [hbm4b:s4+s3], $0xFA0, $0x38;
	[tilespmem:$0x9C70] =	vst v63  }
0xcd: {  	s6 =	rddreg [dreg:$0x9]  }
0xce: {  	[tilespmem:s20], [sflag:$0x1] =	stream.linear.gather [hbm4b:s6+s3], $0xFA0, $0x38;
	[tilespmem:$0x9C70] =	vst v63  }
0xcf: {  	s5 =	rddreg [dreg:$0xa]  }
0xd0: {  	[tilespmem:s30], [sflag:$0x1] =	stream.linear.gather [hbm4b:s5+s3], $0xFA0, $0x38;
	[tilespmem:$0x9C70] =	vst v63  }
0xd1: {  	s6 =	rddreg [dreg:$0xb]  }
0xd2: {  	[tilespmem:s21], [sflag:$0x1] =	stream.linear.gather [hbm4b:s6+s3], $0xFA0, $0x38;
	[tilespmem:$0x9C70] =	vst v63  }
0xd3: {  	s5 =	rddreg [dreg:$0xc]  }
0xd4: {  	[tilespmem:s22], [sflag:$0x1] =	stream.linear.gather [hbm4b:s5+s3], $0xFA0, $0x38;
	[tilespmem:$0x9C70] =	vst v63  }
0xd5: {  	_ =	swait.ge [sflag:s31], $0xFA0  }
0xd6: {  	[sflag:s31] =	ssyncset.done $0x0  }
0xd7: {  	[sflag:s31] =	ssyncadd.s32 $0xFFFFF060  }
0xd8: {  	_ =	swait.ge [sflag:s31], $0xFA0  }
0xd9: {  	[sflag:s31] =	ssyncset.done $0x0  }
0xda: {  	[sflag:s31] =	ssyncadd.s32 $0xFFFFF060  }
0xdb: {  	_ =	swait.ge [sflag:s31], $0xFA0  }
0xdc: {  	[sflag:s31] =	ssyncset.done $0x0  }
0xdd: {  	[sflag:s31] =	ssyncadd.s32 $0xFFFFF060  }
0xde: {  	_ =	swait.ge [sflag:s31], $0xFA0  }
0xdf: {  	[sflag:s31] =	ssyncset.done $0x0  }
0xe0: {  	[sflag:s31] =	ssyncadd.s32 $0xFFFFF060  }
0xe1: {  	_ =	swait.ge [sflag:s31], $0xFA0  }
0xe2: {  	[sflag:s31] =	ssyncset.done $0x0  }
0xe3: {  	s6 =	simm.s32 $0x0;
	[sflag:s31] =	ssyncadd.s32 $0xFFFFF060  }
0xe4: {  	v6 =	vld [tilespmem:s6+$0x8CD0]  }
0xe5: {  	v7 =	vld [tilespmem:s6+$0x8CC0]  }
0xe6: {  	v8 =	vld [tilespmem:s6+$0x8CB0]  }
0xe7: {  	v9 =	vld [tilespmem:s6+$0x8CA0]  }
0xe8: {  	v10 =	vld [tilespmem:s6+$0x6D90]  }
0xe9: {  	v11 =	vld [tilespmem:s6+$0x6D80]  }
0xea: {  	v12 =	vld [tilespmem:s6+$0x5DF0]  }
0xeb: {  	v13 =	vld [tilespmem:s6+$0x6D70]  }
0xec: {  	v14 =	vld [tilespmem:s6+$0x5DE0]  }
0xed: {  	v15 =	vld [tilespmem:s6+$0x3EB0]  }
0xee: {  	v16 =	vld [tilespmem:s6+$0x4E50]  }
0xef: {  	v17 =	vld [tilespmem:s6+$0x6D60]  }
0xf0: {  	v18 =	vld [tilespmem:s6+$0x5DD0]  }
0xf1: {  	v19 =	vld [tilespmem:s6+$0x3EA0]  }
0xf2: {  	v20 =	vld [tilespmem:s6+$0x4E40];
	vm1 =	veq.s32 v6, $0xFFFFFFFF;
	vm0 =	veq.s32 v6, $0x1  }
0xf3: {  	v21 =	vld [tilespmem:s6+$0x5DC0];
	vm5 =	veq.s32 v8, $0xFFFFFFFF;
	vm6 =	veq.s32 v7, $0xFFFFFFFF;
	vm2 =	veq.s32 v7, $0x1  }
0xf4: {  	v22 =	vld [tilespmem:s6+$0x3E90];
	vm7 =	veq.s32 v9, $0xFFFFFFFF;
	vm4 =	veq.s32 v9, $0x1;
	vm3 =	veq.s32 v8, $0x1  }
0xf5: {  	v24 =	vand.u32 $0x7FFFFFFF, v11;
	v32 =	vand.u32 $0x7FFFFFFF, v12;
	v30 =	vand.u32 $0x7FFFFFFF, v10  }
0xf6: {  	v35 =	vand.u32 $0x7FFFFFFF, v13;
	v12 =	vand.u32 $0x7FFFFFFF, v14;
	v37 =	vand.u32 $0x7FFFFFFF, v15  }
0xf7: {  	v38 =	vand.u32 $0x7FFFFFFF, v17;
	v40 =	vand.u32 $0x7FFFFFFF, v18;
	v42 =	vand.u32 $0x7FFFFFFF, v16  }
0xf8: {  	v43 =	vand.u32 $0x7FFFFFFF, v21;
	v44 =	vand.u32 $0x7FFFFFFF, v19;
	v15 =	vand.u32 $0x7FFFFFFF, v20  }
0xf9: {  	v19 =	vand.u32 $0x7FFFFFFF, v22;
	v11 =	vsel vm7, $0x0, v1;
	v9 =	vsel vm4, $0x3F800000, v2  }
0xfa: {  	v13 =	vmin.f32 v24, $1.000000000e+00;
	v47 =	vmin.f32 v32, $1.000000000e+00;
	v10 =	vmin.f32 v30, $1.000000000e+00  }
0xfb: {  	v14 =	vmin.f32 v35, $1.000000000e+00;
	v16 =	vmin.f32 v12, $1.000000000e+00;
	v26 =	vmin.f32 v37, $1.000000000e+00  }
0xfc: {  	v23 =	vmin.f32 v38, $1.000000000e+00;
	v18 =	vmin.f32 v40, $1.000000000e+00;
	v29 =	vmin.f32 v42, $1.000000000e+00  }
0xfd: {  	v21 =	vmin.f32 v44, $1.000000000e+00;
	v20 =	vmul.f32 $5.000000000e-01, v10;
	v39 =	vmul.f32 $5.000000000e-01, v13  }
0xfe: {  	v22 =	vmin.f32 v15, $1.000000000e+00;
	v41 =	vmul.f32 $5.000000000e-01, v47;
	v48 =	vmul.f32 $5.000000000e-01, v14  }
0xff: {  	v6 =	vld [tilespmem:s6+$0x4E30];
	v28 =	vmin.f32 v43, $1.000000000e+00;
	v25 =	vmul.f32 $5.000000000e-01, v16;
	v49 =	vmul.f32 $5.000000000e-01, v26  }
0x100: {  	v7 =	vld [tilespmem:s6+$0x3E80];
	v27 =	vmin.f32 v19, $1.000000000e+00;
	v50 =	vmul.f32 $5.000000000e-01, v29;
	v51 =	vmul.f32 $5.000000000e-01, v23  }
0x101: {  	v8 =	vld [tilespmem:s6+$0x4E20];
	v52 =	vmul.f32 $5.000000000e-01, v18;
	v24 =	vsub.f32 v24, v39;
	v20 =	vsub.f32 v30, v20  }
0x102: {  	v53 =	vmul.f32 $5.000000000e-01, v21;
	v30 =	vsub.f32 v35, v48;
	v32 =	vsub.f32 v32, v41  }
0x103: {  	v54 =	vmul.f32 $5.000000000e-01, v28;
	v41 =	vsub.f32 v37, v49;
	v42 =	vsub.f32 v42, v50  }
0x104: {  	v33 =	vmul.f32 $5.000000000e-01, v22;
	v38 =	vsub.f32 v38, v51;
	v35 =	vsub.f32 v40, v52  }
0x105: {  	v39 =	vmul.f32 $5.000000000e-01, v27;
	v40 =	vsub.f32 v43, v54;
	v37 =	vsub.f32 v44, v53  }
0x106: {  	v45 =	vand.u32 $0x7FFFFFFF, v7;
	v17 =	vand.u32 $0x7FFFFFFF, v6;
	v46 =	vand.u32 $0x7FFFFFFF, v8  }
0x107: {  	v7 =	vsel vm5, $0x0, v1;
	v34 =	vmin.f32 v45, $1.000000000e+00;
	v36 =	vmin.f32 v46, $1.000000000e+00  }
0x108: {  	v6 =	vsel vm6, $0x0, v1;
	v62 =	vmul.f32 $5.000000000e-01, v34;
	v63 =	vmul.f32 $5.000000000e-01, v36  }
0x109: {  	v8 =	vsel vm3, $0x3F800000, v2;
	v31 =	vmin.f32 v17, $1.000000000e+00;
	v32 =	vmul.f32 v32, v47  }
0x10a: {  	s4 =	simm.s32 $0x0;
	s5 =	simm.s32 $0x100;
	v43 =	vmul.f32 $5.000000000e-01, v31;
	v44 =	vsub.f32 v45, v62;
	v45 =	vsub.f32 v46, v63  }
.LBB2_6:
0x10b: {  	s6 =	sshra.s32 s5, $0x2;
	v19 =	vsub.f32 v19, v39;
	v26 =	vmul.f32 v41, v26;
	v29 =	vmul.f32 v42, v29  }
0x10c: {  	v17 =	vsub.f32 v17, v43;
	v39 =	vld [tilespmem:s6+$0x8CD0];
	v34 =	vmul.f32 v44, v34;
	v36 =	vmul.f32 v45, v36  }
0x10d: {  	v28 =	vmul.f32 v40, v28;
	v23 =	vmul.f32 v38, v23;
	v15 =	vsub.f32 v15, v33;
	v41 =	vld [tilespmem:s6+$0x8CC0]  }
0x10e: {  	v19 =	vmul.f32 v19, v27;
	v17 =	vmul.f32 v17, v31;
	v33 =	vld [tilespmem:s6+$0x8CB0];
	v34 =	vadd.f32 v36, v34  }
0x10f: {  	v21 =	vmul.f32 v37, v21;
	v12 =	vsub.f32 v12, v25;
	v15 =	vmul.f32 v15, v22;
	v27 =	vld [tilespmem:s6+$0x8CA0]  }
0x110: {  	v18 =	vmul.f32 v35, v18;
	v17 =	vadd.f32 v17, v19;
	v22 =	vld [tilespmem:s6+$0x6D90];
	v25 =	vadd.f32 v28, v34  }
0x111: {  	v12 =	vmul.f32 v12, v16;
	v16 =	vadd.f32 v29, v26;
	v15 =	vadd.f32 v15, v21;
	v19 =	vld [tilespmem:s6+$0x6D80]  }
0x112: {  	v14 =	vmul.f32 v30, v14;
	v17 =	vadd.f32 v18, v17;
	v21 =	vld [tilespmem:s6+$0x5DF0];
	v23 =	vadd.f32 v23, v25  }
0x113: {  	v13 =	vmul.f32 v24, v13;
	v12 =	vadd.f32 v12, v15;
	v15 =	vadd.f32 v32, v16;
	v18 =	vld [tilespmem:s6+$0x6D70]  }
0x114: {  	v3 =	vadd.f32 v11, v3;
	v14 =	vadd.f32 v14, v17;
	v16 =	vld [tilespmem:s6+$0x5DE0];
	v11 =	vnsel vm4, $0x0, v23  }
0x115: {  	v4 =	vadd.f32 v9, v4;
	v9 =	vmul.f32 v20, v10;
	v17 =	vld [tilespmem:s6+$0x3EB0];
	v5 =	vadd.f32 v11, v5  }
0x116: {  	v3 =	vadd.f32 v7, v3;
	v7 =	vnsel vm3, $0x0, v14;
	v11 =	vadd.f32 v13, v12;
	v10 =	vld [tilespmem:s6+$0x4E50]  }
0x117: {  	v4 =	vadd.f32 v8, v4;
	v13 =	vld [tilespmem:s6+$0x6D60];
	v5 =	vadd.f32 v7, v5;
	v7 =	vsel vm2, $0x3F800000, v2  }
0x118: {  	v3 =	vadd.f32 v6, v3;
	v9 =	vadd.f32 v9, v15;
	v6 =	vnsel vm2, $0x0, v11;
	v8 =	vld [tilespmem:s6+$0x5DD0]  }
0x119: {  	v4 =	vadd.f32 v7, v4;
	v11 =	vld [tilespmem:s6+$0x3EA0];
	v5 =	vadd.f32 v6, v5;
	v6 =	vsel vm1, $0x0, v1  }
0x11a: {  	v9 =	vnsel vm0, $0x0, v9;
	v7 =	vld [tilespmem:s6+$0x4E40];
	v3 =	vadd.f32 v6, v3;
	v6 =	vsel vm0, $0x3F800000, v2  }
0x11b: {  	v14 =	vld [tilespmem:s6+$0x5DC0];
	v4 =	vadd.f32 v6, v4;
	v5 =	vadd.f32 v9, v5  }
0x11c: {  	vm1 =	veq.s32 v39, $0xFFFFFFFF;
	vm0 =	veq.s32 v39, $0x1;
	v6 =	vld [tilespmem:s6+$0x3E90]  }
0x11d: {  	vm6 =	veq.s32 v41, $0xFFFFFFFF;
	vm5 =	veq.s32 v33, $0xFFFFFFFF;
	vm2 =	veq.s32 v41, $0x1;
	v9 =	vld [tilespmem:s6+$0x4E30]  }
0x11e: {  	vm7 =	veq.s32 v27, $0xFFFFFFFF;
	vm4 =	veq.s32 v27, $0x1;
	vm3 =	veq.s32 v33, $0x1;
	v20 =	vld [tilespmem:s6+$0x3E80]  }
0x11f: {  	v30 =	vand.u32 $0x7FFFFFFF, v22;
	v24 =	vand.u32 $0x7FFFFFFF, v19;
	v32 =	vand.u32 $0x7FFFFFFF, v21;
	v23 =	vld [tilespmem:s6+$0x4E20]  }
0x120: {  	v35 =	vand.u32 $0x7FFFFFFF, v18;
	v12 =	vand.u32 $0x7FFFFFFF, v16;
	v37 =	vand.u32 $0x7FFFFFFF, v17  }
0x121: {  	v42 =	vand.u32 $0x7FFFFFFF, v10;
	v38 =	vand.u32 $0x7FFFFFFF, v13;
	v40 =	vand.u32 $0x7FFFFFFF, v8  }
0x122: {  	v44 =	vand.u32 $0x7FFFFFFF, v11;
	v15 =	vand.u32 $0x7FFFFFFF, v7;
	v43 =	vand.u32 $0x7FFFFFFF, v14  }
0x123: {  	v19 =	vand.u32 $0x7FFFFFFF, v6;
	v17 =	vand.u32 $0x7FFFFFFF, v9;
	v45 =	vand.u32 $0x7FFFFFFF, v20  }
0x124: {  	v7 =	vsel vm5, $0x0, v1;
	v6 =	vsel vm6, $0x0, v1;
	v46 =	vand.u32 $0x7FFFFFFF, v23  }
0x125: {  	v8 =	vsel vm3, $0x3F800000, v2;
	v11 =	vsel vm7, $0x0, v1;
	v9 =	vsel vm4, $0x3F800000, v2  }
0x126: {  	v47 =	vmin.f32 v32, $1.000000000e+00;
	v10 =	vmin.f32 v30, $1.000000000e+00;
	v13 =	vmin.f32 v24, $1.000000000e+00  }
0x127: {  	v16 =	vmin.f32 v12, $1.000000000e+00;
	v26 =	vmin.f32 v37, $1.000000000e+00;
	v14 =	vmin.f32 v35, $1.000000000e+00  }
0x128: {  	v29 =	vmin.f32 v42, $1.000000000e+00;
	v18 =	vmin.f32 v40, $1.000000000e+00;
	v23 =	vmin.f32 v38, $1.000000000e+00  }
0x129: {  	v21 =	vmin.f32 v44, $1.000000000e+00;
	v22 =	vmin.f32 v15, $1.000000000e+00;
	v20 =	vmul.f32 $5.000000000e-01, v10  }
0x12a: {  	s4 =	sadd.s32 $0x4, s4;
	v41 =	vmul.f32 $5.000000000e-01, v47;
	v39 =	vmul.f32 $5.000000000e-01, v13;
	v28 =	vmin.f32 v43, $1.000000000e+00  }
0x12b: {  	p0 =	slt.u32 s4, $0xF4;
	v25 =	vmul.f32 $5.000000000e-01, v16;
	v48 =	vmul.f32 $5.000000000e-01, v14;
	v27 =	vmin.f32 v19, $1.000000000e+00  }
0x12c: {  	v49 =	vmul.f32 $5.000000000e-01, v26;
	v50 =	vmul.f32 $5.000000000e-01, v29;
	v31 =	vmin.f32 v17, $1.000000000e+00  }
0x12d: {  	v52 =	vmul.f32 $5.000000000e-01, v18;
	v34 =	vmin.f32 v45, $1.000000000e+00;
	v51 =	vmul.f32 $5.000000000e-01, v23  }
0x12e: {  	v53 =	vmul.f32 $5.000000000e-01, v21;
	v33 =	vmul.f32 $5.000000000e-01, v22;
	v36 =	vmin.f32 v46, $1.000000000e+00  }
0x12f: {  	v24 =	vsub.f32 v24, v39;
	v54 =	vmul.f32 $5.000000000e-01, v28;
	v20 =	vsub.f32 v30, v20  }
.Ltmp2:
0x130: {  	v32 =	vsub.f32 v32, v41;
	v39 =	vmul.f32 $5.000000000e-01, v27;
	v30 =	vsub.f32 v35, v48;
	(pc) =	sbr.rel @p0 .LBB2_6-.Ltmp2, $4  }
0x131: {  	v41 =	vsub.f32 v37, v49;
	v42 =	vsub.f32 v42, v50;
	v48 =	vmul.f32 $5.000000000e-01, v34  }
0x132: {  	v35 =	vsub.f32 v40, v52;
	v49 =	vmul.f32 $5.000000000e-01, v36;
	v38 =	vsub.f32 v38, v51  }
0x133: {  	v37 =	vsub.f32 v44, v53;
	v40 =	vsub.f32 v43, v54;
	v43 =	vmul.f32 $5.000000000e-01, v31  }
0x134: {  	s5 =	sadd.s32 $0x100, s5;
	v32 =	vmul.f32 v32, v47;
	v44 =	vsub.f32 v45, v48;
	v45 =	vsub.f32 v46, v49  }
0x135: {  	v26 =	vmul.f32 v41, v26  }
0x136: {  	v19 =	vsub.f32 v19, v39;
	v29 =	vmul.f32 v42, v29;
	v28 =	vmul.f32 v40, v28  }
0x137: {  	v17 =	vsub.f32 v17, v43;
	v34 =	vmul.f32 v44, v34;
	v36 =	vmul.f32 v45, v36  }
0x138: {  	v23 =	vmul.f32 v38, v23;
	v15 =	vsub.f32 v15, v33;
	v21 =	vmul.f32 v37, v21  }
0x139: {  	v19 =	vmul.f32 v19, v27;
	v17 =	vmul.f32 v17, v31;
	v55 =	vadd.f32 v36, v34  }
0x13a: {  	v12 =	vsub.f32 v12, v25;
	v3 =	vadd.f32 v11, v3;
	v15 =	vmul.f32 v15, v22  }
0x13b: {  	v18 =	vmul.f32 v35, v18;
	v17 =	vadd.f32 v17, v19;
	v56 =	vadd.f32 v28, v55  }
0x13c: {  	v14 =	vmul.f32 v30, v14;
	v4 =	vadd.f32 v9, v4;
	v15 =	vadd.f32 v15, v21  }
0x13d: {  	v12 =	vmul.f32 v12, v16;
	v17 =	vadd.f32 v18, v17;
	v58 =	vadd.f32 v23, v56  }
0x13e: {  	v13 =	vmul.f32 v24, v13;
	v57 =	vadd.f32 v29, v26;
	v3 =	vadd.f32 v7, v3  }
0x13f: {  	v12 =	vadd.f32 v12, v15;
	v14 =	vadd.f32 v14, v17;
	v60 =	vnsel vm4, $0x0, v58  }
0x140: {  	v61 =	vmul.f32 v20, v10;
	v4 =	vadd.f32 v8, v4;
	v5 =	vadd.f32 v60, v5  }
0x141: {  	v59 =	vadd.f32 v32, v57;
	v62 =	vadd.f32 v13, v12;
	v7 =	vnsel vm3, $0x0, v14  }
0x142: {  	v3 =	vadd.f32 v6, v3;
	v5 =	vadd.f32 v7, v5  }
0x143: {  	v63 =	vadd.f32 v61, v59;
	v6 =	vnsel vm2, $0x0, v62;
	v7 =	vsel vm2, $0x3F800000, v2  }
0x144: {  	v4 =	vadd.f32 v7, v4;
	v5 =	vadd.f32 v6, v5;
	v6 =	vsel vm1, $0x0, v1  }
0x145: {  	v7 =	vnsel vm0, $0x0, v63;
	v3 =	vadd.f32 v6, v3;
	v6 =	vsel vm0, $0x3F800000, v2  }
0x146: {  	v4 =	vadd.f32 v6, v4;
	v5 =	vadd.f32 v7, v5  }
.LBB2_8:
0x147: {  	s4 =	sshra.s32 s3, $0x2  }
0x148: {  	v6 =	vld [tilespmem:s4+$0x4E00]  }
0x149: {  	v7 =	vld [tilespmem:s4+$0x5DA0]  }
0x14a: {  	v8 =	vld [tilespmem:s4+$0x6D40]  }
0x14b: {  	v9 =	vld [tilespmem:s4+$0x7CE0];
	_ =	sdelay $0x2  }
0x14c: {  	v6 =	vand.u32 $0x7FFFFFFF, v6;
	v7 =	vand.u32 $0x7FFFFFFF, v7  }
0x14d: {  	v8 =	vand.u32 $0x7FFFFFFF, v8;
	v10 =	vmin.f32 v6, $1.000000000e+00;
	v12 =	vmin.f32 v7, $1.000000000e+00  }
0x14e: {  	v9 =	vand.u32 $0x7FFFFFFF, v9;
	v11 =	vmul.f32 $5.000000000e-01, v10;
	v13 =	vmul.f32 $5.000000000e-01, v12  }
0x14f: {  	v58 =	vmin.f32 v8, $1.000000000e+00;
	v60 =	vmin.f32 v9, $1.000000000e+00  }
0x150: {  	v59 =	vmul.f32 $5.000000000e-01, v58;
	v6 =	vsub.f32 v6, v11;
	v7 =	vsub.f32 v7, v13  }
0x151: {  	v61 =	vmul.f32 $5.000000000e-01, v60  }
0x152: {  	v8 =	vsub.f32 v8, v59;
	v6 =	vmul.f32 v6, v10;
	v7 =	vmul.f32 v7, v12  }
0x153: {  	v62 =	vld [tilespmem:s4+$0x9C20]  }
0x154: {  	v63 =	vsub.f32 v9, v61;
	v6 =	vadd.f32 v7, v6;
	v7 =	vmul.f32 v8, v58;
	_ =	sdelay $0x1  }
0x155: {  	p0 =	sne.s32 s3, $0x40;
	v6 =	vadd.f32 v7, v6;
	v7 =	vmul.f32 v63, v60  }
.Ltmp3:
0x156: {  	_ = 	snop;
	(pc) =	sbr.rel @p0 .LBB2_8-.Ltmp3, $4  }
0x157: {  	vm0 =	veq.s32 v62, $0xFFFFFFFF;
	v6 =	vadd.f32 v7, v6  }
0x158: {  	vm15 =	veq.s32 v62, $0x1;
	v7 =	vsel vm0, $0x0, v1  }
0x159: {  	v3 =	vadd.f32 v7, v3;
	v7 =	vsel vm15, $0x3F800000, v2;
	v6 =	vnsel vm15, $0x0, v6  }
0x15a: {  	s3 =	sadd.s32 $0x40, s3;
	v4 =	vadd.f32 v7, v4;
	v5 =	vadd.f32 v6, v5  }
0x15b: {  	s3 =	rddreg [dreg:$0xd]  }
0x15c: {  	[tilespmem:s23], [sflag:$0x2] =	stream.linear.gather [hbm4b:s3+s2], $0xFA0, $0x38;
	[tilespmem:$0x9C70] =	vst v63  }
0x15d: {  	s6 =	rddreg [dreg:$0xe]  }
0x15e: {  	[tilespmem:s24], [sflag:$0x2] =	stream.linear.gather [hbm4b:s6+s2], $0xFA0, $0x38;
	[tilespmem:$0x9C70] =	vst v63  }
0x15f: {  	s4 =	rddreg [dreg:$0xf]  }
0x160: {  	[tilespmem:s25], [sflag:$0x2] =	stream.linear.gather [hbm4b:s4+s2], $0xFA0, $0x38;
	[tilespmem:$0x9C70] =	vst v63  }
0x161: {  	s5 =	rddreg [dreg:$0x10]  }
0x162: {  	[tilespmem:s26], [sflag:$0x2] =	stream.linear.gather [hbm4b:s5+s2], $0xFA0, $0x38;
	[tilespmem:$0x9C70] =	vst v63  }
0x163: {  	s6 =	rddreg [dreg:$0x11]  }
0x164: {  	[tilespmem:s28], [sflag:$0x2] =	stream.linear.gather [hbm4b:s6+s2], $0xFA0, $0x38;
	[tilespmem:$0x9C70] =	vst v63  }
0x165: {  	_ =	swait.ge [sflag:s29], $0xFA0  }
0x166: {  	[sflag:s29] =	ssyncset.done $0x0  }
0x167: {  	[sflag:s29] =	ssyncadd.s32 $0xFFFFF060  }
0x168: {  	_ =	swait.ge [sflag:s29], $0xFA0  }
0x169: {  	[sflag:s29] =	ssyncset.done $0x0  }
0x16a: {  	[sflag:s29] =	ssyncadd.s32 $0xFFFFF060  }
0x16b: {  	_ =	swait.ge [sflag:s29], $0xFA0  }
0x16c: {  	[sflag:s29] =	ssyncset.done $0x0  }
0x16d: {  	[sflag:s29] =	ssyncadd.s32 $0xFFFFF060  }
0x16e: {  	_ =	swait.ge [sflag:s29], $0xFA0  }
0x16f: {  	[sflag:s29] =	ssyncset.done $0x0  }
0x170: {  	[sflag:s29] =	ssyncadd.s32 $0xFFFFF060  }
0x171: {  	_ =	swait.ge [sflag:s29], $0xFA0  }
0x172: {  	[sflag:s29] =	ssyncset.done $0x0  }
0x173: {  	s4 =	simm.s32 $0x7D20;
	[sflag:s29] =	ssyncadd.s32 $0xFFFFF060  }
0x174: {  	v6 =	vld [tilespmem:s4+$0x10]  }
0x175: {  	v7 =	vld [tilespmem:s4+$0x0]  }
0x176: {  	v8 =	vld [tilespmem:s4+$0xFFFFFFF0]  }
0x177: {  	s3 =	simm.s32 $0x1F40;
	v9 =	vld [tilespmem:s4+$0xFFFFFFE0]  }
0x178: {  	v10 =	vld [tilespmem:s3+$0xFD0]  }
0x179: {  	v11 =	vld [tilespmem:s3+$0xFC0]  }
0x17a: {  	v12 =	vld [tilespmem:s3+$0x30]  }
0x17b: {  	v13 =	vld [tilespmem:s3+$0xFB0]  }
0x17c: {  	v14 =	vld [tilespmem:s3+$0x20]  }
0x17d: {  	v15 =	vld [tilespmem:s3+$0xFFFFE0F0]  }
0x17e: {  	v16 =	vld [tilespmem:s3+$0xFFFFF090]  }
0x17f: {  	v17 =	vld [tilespmem:s3+$0xFA0]  }
0x180: {  	v18 =	vld [tilespmem:s3+$0x10]  }
0x181: {  	v19 =	vld [tilespmem:s3+$0xFFFFE0E0]  }
0x182: {  	v20 =	vld [tilespmem:s3+$0xFFFFF080];
	vm1 =	veq.s32 v6, $0xFFFFFFFF;
	vm0 =	veq.s32 v6, $0x1  }
0x183: {  	v21 =	vld [tilespmem:s3+$0x0];
	vm5 =	veq.s32 v8, $0xFFFFFFFF;
	vm6 =	veq.s32 v7, $0xFFFFFFFF;
	vm2 =	veq.s32 v7, $0x1  }
0x184: {  	v22 =	vld [tilespmem:s3+$0xFFFFE0D0];
	vm7 =	veq.s32 v9, $0xFFFFFFFF;
	vm4 =	veq.s32 v9, $0x1;
	vm3 =	veq.s32 v8, $0x1  }
0x185: {  	v23 =	vand.u32 $0x7FFFFFFF, v11;
	v29 =	vand.u32 $0x7FFFFFFF, v12;
	v27 =	vand.u32 $0x7FFFFFFF, v10  }
0x186: {  	v32 =	vand.u32 $0x7FFFFFFF, v13;
	v12 =	vand.u32 $0x7FFFFFFF, v14;
	v34 =	vand.u32 $0x7FFFFFFF, v15  }
0x187: {  	v35 =	vand.u32 $0x7FFFFFFF, v17;
	v36 =	vand.u32 $0x7FFFFFFF, v18;
	v37 =	vand.u32 $0x7FFFFFFF, v16  }
0x188: {  	v38 =	vand.u32 $0x7FFFFFFF, v21;
	v39 =	vand.u32 $0x7FFFFFFF, v19;
	v15 =	vand.u32 $0x7FFFFFFF, v20  }
0x189: {  	v43 =	vand.u32 $0x7FFFFFFF, v22;
	v11 =	vsel vm7, $0x0, v1;
	v9 =	vsel vm4, $0x3F800000, v2  }
0x18a: {  	v13 =	vmin.f32 v23, $1.000000000e+00;
	v44 =	vmin.f32 v29, $1.000000000e+00;
	v10 =	vmin.f32 v27, $1.000000000e+00  }
0x18b: {  	v14 =	vmin.f32 v32, $1.000000000e+00;
	v16 =	vmin.f32 v12, $1.000000000e+00;
	v45 =	vmin.f32 v34, $1.000000000e+00  }
0x18c: {  	v22 =	vmin.f32 v35, $1.000000000e+00;
	v18 =	vmin.f32 v36, $1.000000000e+00;
	v46 =	vmin.f32 v37, $1.000000000e+00  }
0x18d: {  	v20 =	vmin.f32 v39, $1.000000000e+00;
	v19 =	vmul.f32 $5.000000000e-01, v10;
	v40 =	vmul.f32 $5.000000000e-01, v13  }
0x18e: {  	v21 =	vmin.f32 v15, $1.000000000e+00;
	v47 =	vmul.f32 $5.000000000e-01, v44;
	v48 =	vmul.f32 $5.000000000e-01, v14  }
0x18f: {  	v26 =	vmin.f32 v38, $1.000000000e+00;
	v24 =	vmul.f32 $5.000000000e-01, v16;
	v49 =	vmul.f32 $5.000000000e-01, v45  }
0x190: {  	v7 =	vld [tilespmem:s3+$0xFFFFE0C0];
	v25 =	vmin.f32 v43, $1.000000000e+00;
	v50 =	vmul.f32 $5.000000000e-01, v46;
	v51 =	vmul.f32 $5.000000000e-01, v22  }
0x191: {  	v8 =	vld [tilespmem:s3+$0xFFFFF060];
	v52 =	vmul.f32 $5.000000000e-01, v18;
	v23 =	vsub.f32 v23, v40;
	v19 =	vsub.f32 v27, v19  }
0x192: {  	v6 =	vld [tilespmem:s3+$0xFFFFF070];
	v53 =	vmul.f32 $5.000000000e-01, v20;
	v27 =	vsub.f32 v32, v48;
	v29 =	vsub.f32 v29, v47  }
0x193: {  	v54 =	vmul.f32 $5.000000000e-01, v26;
	v34 =	vsub.f32 v34, v49;
	v62 =	vsub.f32 v37, v50  }
0x194: {  	v55 =	vmul.f32 $5.000000000e-01, v25;
	v37 =	vsub.f32 v35, v51;
	v32 =	vsub.f32 v36, v52  }
0x195: {  	v30 =	vmul.f32 $5.000000000e-01, v21;
	v38 =	vsub.f32 v38, v54;
	v36 =	vsub.f32 v39, v53  }
0x196: {  	v39 =	vsub.f32 v43, v55;
	v41 =	vand.u32 $0x7FFFFFFF, v7;
	v42 =	vand.u32 $0x7FFFFFFF, v8  }
0x197: {  	v17 =	vand.u32 $0x7FFFFFFF, v6;
	v31 =	vmin.f32 v41, $1.000000000e+00;
	v33 =	vmin.f32 v42, $1.000000000e+00  }
0x198: {  	v7 =	vsel vm5, $0x0, v1;
	v61 =	vmul.f32 $5.000000000e-01, v31;
	v63 =	vmul.f32 $5.000000000e-01, v33  }
0x199: {  	v6 =	vsel vm6, $0x0, v1;
	v28 =	vmin.f32 v17, $1.000000000e+00;
	v29 =	vmul.f32 v29, v44  }
0x19a: {  	v40 =	vmul.f32 $5.000000000e-01, v28;
	v41 =	vsub.f32 v41, v61;
	v42 =	vsub.f32 v42, v63  }
0x19b: {  	s5 =	simm.s32 $0x7D60;
	s4 =	simm.s32 $0x0;
	v8 =	vsel vm3, $0x3F800000, v2;
	v34 =	vmul.f32 v34, v45;
	v35 =	vmul.f32 v62, v46  }
.LBB2_10:
0x19c: {  	v43 =	vld [tilespmem:s5+$0x10];
	v31 =	vmul.f32 v41, v31;
	v33 =	vmul.f32 v42, v33;
	v17 =	vsub.f32 v17, v40  }
0x19d: {  	v26 =	vmul.f32 v38, v26;
	v22 =	vmul.f32 v37, v22;
	v15 =	vsub.f32 v15, v30;
	v40 =	vld [tilespmem:s5+$0x0]  }
0x19e: {  	v25 =	vmul.f32 v39, v25;
	v30 =	vld [tilespmem:s5+$0xFFFFFFF0];
	v31 =	vadd.f32 v33, v31;
	v17 =	vmul.f32 v17, v28  }
0x19f: {  	v20 =	vmul.f32 v36, v20;
	v12 =	vsub.f32 v12, v24;
	s3 =	sadd.s32 $0x40, s3;
	v15 =	vmul.f32 v15, v21;
	v28 =	vld [tilespmem:s5+$0xFFFFFFE0]  }
0x1a0: {  	v18 =	vmul.f32 v32, v18;
	v21 =	vld [tilespmem:s3+$0xFD0];
	v24 =	vadd.f32 v26, v31;
	v17 =	vadd.f32 v17, v25  }
0x1a1: {  	v12 =	vmul.f32 v12, v16;
	v16 =	vadd.f32 v35, v34;
	v15 =	vadd.f32 v15, v20;
	v25 =	vld [tilespmem:s3+$0xFC0]  }
0x1a2: {  	v14 =	vmul.f32 v27, v14;
	v20 =	vld [tilespmem:s3+$0x30];
	v22 =	vadd.f32 v22, v24;
	v17 =	vadd.f32 v18, v17  }
0x1a3: {  	v13 =	vmul.f32 v23, v13;
	v12 =	vadd.f32 v12, v15;
	v15 =	vadd.f32 v29, v16;
	v18 =	vld [tilespmem:s3+$0xFB0]  }
0x1a4: {  	v3 =	vadd.f32 v11, v3;
	v16 =	vld [tilespmem:s3+$0x20];
	v11 =	vnsel vm4, $0x0, v22;
	v14 =	vadd.f32 v14, v17  }
0x1a5: {  	v4 =	vadd.f32 v9, v4;
	v9 =	vmul.f32 v19, v10;
	v17 =	vld [tilespmem:s3+$0xFFFFE0F0];
	v5 =	vadd.f32 v11, v5  }
0x1a6: {  	v3 =	vadd.f32 v7, v3;
	v11 =	vadd.f32 v13, v12;
	v10 =	vld [tilespmem:s3+$0xFFFFF090];
	v7 =	vnsel vm3, $0x0, v14  }
0x1a7: {  	v4 =	vadd.f32 v8, v4;
	v13 =	vld [tilespmem:s3+$0xFA0];
	v5 =	vadd.f32 v7, v5;
	v7 =	vsel vm2, $0x3F800000, v2  }
0x1a8: {  	v3 =	vadd.f32 v6, v3;
	v9 =	vadd.f32 v9, v15;
	v6 =	vnsel vm2, $0x0, v11;
	v8 =	vld [tilespmem:s3+$0x10]  }
0x1a9: {  	v4 =	vadd.f32 v7, v4;
	v11 =	vld [tilespmem:s3+$0xFFFFE0E0];
	v5 =	vadd.f32 v6, v5;
	v6 =	vsel vm1, $0x0, v1  }
0x1aa: {  	v9 =	vnsel vm0, $0x0, v9;
	v7 =	vld [tilespmem:s3+$0xFFFFF080];
	v3 =	vadd.f32 v6, v3;
	v6 =	vsel vm0, $0x3F800000, v2  }
0x1ab: {  	v14 =	vld [tilespmem:s3+$0x0];
	v4 =	vadd.f32 v6, v4;
	v5 =	vadd.f32 v9, v5  }
0x1ac: {  	vm1 =	veq.s32 v43, $0xFFFFFFFF;
	vm0 =	veq.s32 v43, $0x1;
	v6 =	vld [tilespmem:s3+$0xFFFFE0D0]  }
0x1ad: {  	vm6 =	veq.s32 v40, $0xFFFFFFFF;
	vm5 =	veq.s32 v30, $0xFFFFFFFF;
	vm2 =	veq.s32 v40, $0x1;
	v9 =	vld [tilespmem:s3+$0xFFFFF070]  }
0x1ae: {  	vm7 =	veq.s32 v28, $0xFFFFFFFF;
	vm4 =	veq.s32 v28, $0x1;
	vm3 =	veq.s32 v30, $0x1;
	v19 =	vld [tilespmem:s3+$0xFFFFE0C0]  }
0x1af: {  	v27 =	vand.u32 $0x7FFFFFFF, v21;
	v23 =	vand.u32 $0x7FFFFFFF, v25;
	v29 =	vand.u32 $0x7FFFFFFF, v20;
	v22 =	vld [tilespmem:s3+$0xFFFFF060]  }
0x1b0: {  	v32 =	vand.u32 $0x7FFFFFFF, v18;
	v12 =	vand.u32 $0x7FFFFFFF, v16;
	v34 =	vand.u32 $0x7FFFFFFF, v17  }
0x1b1: {  	v37 =	vand.u32 $0x7FFFFFFF, v10;
	v35 =	vand.u32 $0x7FFFFFFF, v13;
	v36 =	vand.u32 $0x7FFFFFFF, v8  }
0x1b2: {  	v39 =	vand.u32 $0x7FFFFFFF, v11;
	v15 =	vand.u32 $0x7FFFFFFF, v7;
	v38 =	vand.u32 $0x7FFFFFFF, v14  }
0x1b3: {  	v43 =	vand.u32 $0x7FFFFFFF, v6;
	v17 =	vand.u32 $0x7FFFFFFF, v9;
	v41 =	vand.u32 $0x7FFFFFFF, v19  }
0x1b4: {  	v7 =	vsel vm5, $0x0, v1;
	v6 =	vsel vm6, $0x0, v1;
	v42 =	vand.u32 $0x7FFFFFFF, v22  }
0x1b5: {  	v8 =	vsel vm3, $0x3F800000, v2;
	v11 =	vsel vm7, $0x0, v1;
	v9 =	vsel vm4, $0x3F800000, v2  }
0x1b6: {  	v44 =	vmin.f32 v29, $1.000000000e+00;
	v10 =	vmin.f32 v27, $1.000000000e+00;
	v13 =	vmin.f32 v23, $1.000000000e+00  }
0x1b7: {  	v16 =	vmin.f32 v12, $1.000000000e+00;
	v45 =	vmin.f32 v34, $1.000000000e+00;
	v14 =	vmin.f32 v32, $1.000000000e+00  }
0x1b8: {  	v46 =	vmin.f32 v37, $1.000000000e+00;
	v18 =	vmin.f32 v36, $1.000000000e+00;
	v22 =	vmin.f32 v35, $1.000000000e+00  }
0x1b9: {  	v20 =	vmin.f32 v39, $1.000000000e+00;
	v21 =	vmin.f32 v15, $1.000000000e+00;
	v19 =	vmul.f32 $5.000000000e-01, v10  }
0x1ba: {  	v47 =	vmul.f32 $5.000000000e-01, v44;
	v40 =	vmul.f32 $5.000000000e-01, v13;
	v26 =	vmin.f32 v38, $1.000000000e+00  }
0x1bb: {  	s4 =	sadd.s32 $0x4, s4;
	v24 =	vmul.f32 $5.000000000e-01, v16;
	v48 =	vmul.f32 $5.000000000e-01, v14;
	v25 =	vmin.f32 v43, $1.000000000e+00  }
0x1bc: {  	p0 =	slt.u32 s4, $0xF4;
	v49 =	vmul.f32 $5.000000000e-01, v45;
	v50 =	vmul.f32 $5.000000000e-01, v46;
	v28 =	vmin.f32 v17, $1.000000000e+00  }
0x1bd: {  	v52 =	vmul.f32 $5.000000000e-01, v18;
	v31 =	vmin.f32 v41, $1.000000000e+00;
	v51 =	vmul.f32 $5.000000000e-01, v22  }
0x1be: {  	v53 =	vmul.f32 $5.000000000e-01, v20;
	v30 =	vmul.f32 $5.000000000e-01, v21;
	v33 =	vmin.f32 v42, $1.000000000e+00  }
0x1bf: {  	v23 =	vsub.f32 v23, v40;
	v54 =	vmul.f32 $5.000000000e-01, v26;
	v19 =	vsub.f32 v27, v19  }
0x1c0: {  	v29 =	vsub.f32 v29, v47;
	v55 =	vmul.f32 $5.000000000e-01, v25;
	v27 =	vsub.f32 v32, v48  }
.Ltmp4:
0x1c1: {  	v34 =	vsub.f32 v34, v49;
	v47 =	vmul.f32 $5.000000000e-01, v31;
	v48 =	vsub.f32 v37, v50;
	(pc) =	sbr.rel @p0 .LBB2_10-.Ltmp4, $4  }
0x1c2: {  	v32 =	vsub.f32 v36, v52;
	v49 =	vmul.f32 $5.000000000e-01, v33;
	v37 =	vsub.f32 v35, v51  }
0x1c3: {  	v38 =	vsub.f32 v38, v54;
	v40 =	vmul.f32 $5.000000000e-01, v28;
	v36 =	vsub.f32 v39, v53  }
0x1c4: {  	v29 =	vmul.f32 v29, v44;
	v41 =	vsub.f32 v41, v47;
	v42 =	vsub.f32 v42, v49  }
0x1c5: {  	s5 =	sadd.s32 $0x40, s5;
	v34 =	vmul.f32 v34, v45;
	v39 =	vsub.f32 v43, v55;
	v35 =	vmul.f32 v48, v46  }
0x1c6: {  	v31 =	vmul.f32 v41, v31  }
0x1c7: {  	v33 =	vmul.f32 v42, v33;
	v17 =	vsub.f32 v17, v40;
	v26 =	vmul.f32 v38, v26  }
0x1c8: {  	v22 =	vmul.f32 v37, v22;
	v15 =	vsub.f32 v15, v30;
	v20 =	vmul.f32 v36, v20  }
0x1c9: {  	v25 =	vmul.f32 v39, v25;
	v55 =	vadd.f32 v33, v31;
	v17 =	vmul.f32 v17, v28  }
0x1ca: {  	v12 =	vsub.f32 v12, v24;
	v3 =	vadd.f32 v11, v3;
	v15 =	vmul.f32 v15, v21  }
0x1cb: {  	v18 =	vmul.f32 v32, v18;
	v56 =	vadd.f32 v26, v55;
	v17 =	vadd.f32 v17, v25  }
0x1cc: {  	v14 =	vmul.f32 v27, v14;
	v4 =	vadd.f32 v9, v4;
	v15 =	vadd.f32 v15, v20  }
0x1cd: {  	v12 =	vmul.f32 v12, v16;
	v58 =	vadd.f32 v22, v56;
	v17 =	vadd.f32 v18, v17  }
0x1ce: {  	v13 =	vmul.f32 v23, v13;
	v57 =	vadd.f32 v35, v34;
	v3 =	vadd.f32 v7, v3  }
0x1cf: {  	v12 =	vadd.f32 v12, v15;
	v60 =	vnsel vm4, $0x0, v58;
	v14 =	vadd.f32 v14, v17  }
0x1d0: {  	v61 =	vmul.f32 v19, v10;
	v4 =	vadd.f32 v8, v4;
	v5 =	vadd.f32 v60, v5  }
0x1d1: {  	v59 =	vadd.f32 v29, v57;
	v62 =	vadd.f32 v13, v12;
	v7 =	vnsel vm3, $0x0, v14  }
0x1d2: {  	v3 =	vadd.f32 v6, v3;
	v5 =	vadd.f32 v7, v5  }
0x1d3: {  	v63 =	vadd.f32 v61, v59;
	v6 =	vnsel vm2, $0x0, v62;
	v7 =	vsel vm2, $0x3F800000, v2  }
0x1d4: {  	v4 =	vadd.f32 v7, v4;
	v5 =	vadd.f32 v6, v5;
	v6 =	vsel vm1, $0x0, v1  }
0x1d5: {  	v7 =	vnsel vm0, $0x0, v63;
	v3 =	vadd.f32 v6, v3;
	v6 =	vsel vm0, $0x3F800000, v2  }
0x1d6: {  	s3 =	simm.s32 $0x0;
	v4 =	vadd.f32 v6, v4;
	v5 =	vadd.f32 v7, v5  }
.LBB2_12:
0x1d7: {  	s4 =	sshra.s32 s3, $0x2  }
0x1d8: {  	v6 =	vld [tilespmem:s4+$0xF80]  }
0x1d9: {  	v7 =	vld [tilespmem:s4+$0x1F20]  }
0x1da: {  	v8 =	vld [tilespmem:s4+$0x2EC0]  }
0x1db: {  	v9 =	vld [tilespmem:s4+$0x3E60];
	_ =	sdelay $0x2  }
0x1dc: {  	v6 =	vand.u32 $0x7FFFFFFF, v6;
	v7 =	vand.u32 $0x7FFFFFFF, v7  }
0x1dd: {  	v8 =	vand.u32 $0x7FFFFFFF, v8;
	v10 =	vmin.f32 v6, $1.000000000e+00;
	v12 =	vmin.f32 v7, $1.000000000e+00  }
0x1de: {  	v9 =	vand.u32 $0x7FFFFFFF, v9;
	v11 =	vmul.f32 $5.000000000e-01, v10;
	v13 =	vmul.f32 $5.000000000e-01, v12  }
0x1df: {  	v58 =	vmin.f32 v8, $1.000000000e+00;
	v60 =	vmin.f32 v9, $1.000000000e+00  }
0x1e0: {  	v59 =	vmul.f32 $5.000000000e-01, v58;
	v6 =	vsub.f32 v6, v11;
	v7 =	vsub.f32 v7, v13  }
0x1e1: {  	v61 =	vmul.f32 $5.000000000e-01, v60  }
0x1e2: {  	v8 =	vsub.f32 v8, v59;
	v6 =	vmul.f32 v6, v10;
	v7 =	vmul.f32 v7, v12  }
0x1e3: {  	v62 =	vld [tilespmem:s4+$0x8C80]  }
0x1e4: {  	v63 =	vsub.f32 v9, v61;
	v6 =	vadd.f32 v7, v6;
	v7 =	vmul.f32 v8, v58;
	_ =	sdelay $0x1  }
0x1e5: {  	p0 =	sne.s32 s3, $0x40;
	v6 =	vadd.f32 v7, v6;
	v7 =	vmul.f32 v63, v60  }
.Ltmp5:
0x1e6: {  	_ = 	snop;
	(pc) =	sbr.rel @p0 .LBB2_12-.Ltmp5, $4  }
0x1e7: {  	vm0 =	veq.s32 v62, $0xFFFFFFFF;
	v6 =	vadd.f32 v7, v6  }
0x1e8: {  	vm15 =	veq.s32 v62, $0x1;
	v7 =	vsel vm0, $0x0, v1  }
0x1e9: {  	v3 =	vadd.f32 v7, v3;
	v7 =	vsel vm15, $0x3F800000, v2;
	v6 =	vnsel vm15, $0x0, v6  }
0x1ea: {  	s3 =	sadd.s32 $0x40, s3;
	v4 =	vadd.f32 v7, v4;
	v5 =	vadd.f32 v6, v5  }
0x1eb: {  	s3 =	simm.s32 $0x0;
	s4 =	rddreg [dreg:$0x12]  }
0x1ec: {  	[tilespmem:s3], [sflag:$0x1] =	stream.linear.gather [hbm4b:s4+s3], $0xFA0, $0x38;
	[tilespmem:$0x9C70] =	vst v63  }
0x1ed: {  	s6 =	rddreg [dreg:$0x13]  }
0x1ee: {  	[tilespmem:s20], [sflag:$0x1] =	stream.linear.gather [hbm4b:s6+s3], $0xFA0, $0x38;
	[tilespmem:$0x9C70] =	vst v63  }
0x1ef: {  	s5 =	rddreg [dreg:$0x14]  }
0x1f0: {  	[tilespmem:s30], [sflag:$0x1] =	stream.linear.gather [hbm4b:s5+s3], $0xFA0, $0x38;
	[tilespmem:$0x9C70] =	vst v63  }
0x1f1: {  	s6 =	rddreg [dreg:$0x15]  }
0x1f2: {  	[tilespmem:s21], [sflag:$0x1] =	stream.linear.gather [hbm4b:s6+s3], $0xFA0, $0x38;
	[tilespmem:$0x9C70] =	vst v63  }
0x1f3: {  	s5 =	rddreg [dreg:$0x16]  }
0x1f4: {  	[tilespmem:s22], [sflag:$0x1] =	stream.linear.gather [hbm4b:s5+s3], $0xFA0, $0x38;
	[tilespmem:$0x9C70] =	vst v63  }
0x1f5: {  	_ =	swait.ge [sflag:s31], $0xFA0  }
0x1f6: {  	[sflag:s31] =	ssyncset.done $0x0  }
0x1f7: {  	[sflag:s31] =	ssyncadd.s32 $0xFFFFF060  }
0x1f8: {  	_ =	swait.ge [sflag:s31], $0xFA0  }
0x1f9: {  	[sflag:s31] =	ssyncset.done $0x0  }
0x1fa: {  	[sflag:s31] =	ssyncadd.s32 $0xFFFFF060  }
0x1fb: {  	_ =	swait.ge [sflag:s31], $0xFA0  }
0x1fc: {  	[sflag:s31] =	ssyncset.done $0x0  }
0x1fd: {  	[sflag:s31] =	ssyncadd.s32 $0xFFFFF060  }
0x1fe: {  	_ =	swait.ge [sflag:s31], $0xFA0  }
0x1ff: {  	[sflag:s31] =	ssyncset.done $0x0  }
0x200: {  	[sflag:s31] =	ssyncadd.s32 $0xFFFFF060  }
0x201: {  	_ =	swait.ge [sflag:s31], $0xFA0  }
0x202: {  	[sflag:s31] =	ssyncset.done $0x0  }
0x203: {  	s6 =	simm.s32 $0x0;
	[sflag:s31] =	ssyncadd.s32 $0xFFFFF060  }
0x204: {  	v6 =	vld [tilespmem:s6+$0x8CD0]  }
0x205: {  	v7 =	vld [tilespmem:s6+$0x8CC0]  }
0x206: {  	v8 =	vld [tilespmem:s6+$0x8CB0]  }
0x207: {  	v9 =	vld [tilespmem:s6+$0x8CA0]  }
0x208: {  	v10 =	vld [tilespmem:s6+$0x6D90]  }
0x209: {  	v11 =	vld [tilespmem:s6+$0x6D80]  }
0x20a: {  	v12 =	vld [tilespmem:s6+$0x5DF0]  }
0x20b: {  	v13 =	vld [tilespmem:s6+$0x6D70]  }
0x20c: {  	v14 =	vld [tilespmem:s6+$0x5DE0]  }
0x20d: {  	v15 =	vld [tilespmem:s6+$0x3EB0]  }
0x20e: {  	v16 =	vld [tilespmem:s6+$0x4E50]  }
0x20f: {  	v17 =	vld [tilespmem:s6+$0x6D60]  }
0x210: {  	v18 =	vld [tilespmem:s6+$0x5DD0]  }
0x211: {  	v19 =	vld [tilespmem:s6+$0x3EA0]  }
0x212: {  	v20 =	vld [tilespmem:s6+$0x4E40];
	vm1 =	veq.s32 v6, $0xFFFFFFFF;
	vm0 =	veq.s32 v6, $0x1  }
0x213: {  	v21 =	vld [tilespmem:s6+$0x5DC0];
	vm5 =	veq.s32 v8, $0xFFFFFFFF;
	vm6 =	veq.s32 v7, $0xFFFFFFFF;
	vm2 =	veq.s32 v7, $0x1  }
0x214: {  	v22 =	vld [tilespmem:s6+$0x3E90];
	vm7 =	veq.s32 v9, $0xFFFFFFFF;
	vm4 =	veq.s32 v9, $0x1;
	vm3 =	veq.s32 v8, $0x1  }
0x215: {  	v24 =	vand.u32 $0x7FFFFFFF, v11;
	v32 =	vand.u32 $0x7FFFFFFF, v12;
	v30 =	vand.u32 $0x7FFFFFFF, v10  }
0x216: {  	v35 =	vand.u32 $0x7FFFFFFF, v13;
	v12 =	vand.u32 $0x7FFFFFFF, v14;
	v37 =	vand.u32 $0x7FFFFFFF, v15  }
0x217: {  	v38 =	vand.u32 $0x7FFFFFFF, v17;
	v40 =	vand.u32 $0x7FFFFFFF, v18;
	v42 =	vand.u32 $0x7FFFFFFF, v16  }
0x218: {  	v43 =	vand.u32 $0x7FFFFFFF, v21;
	v44 =	vand.u32 $0x7FFFFFFF, v19;
	v15 =	vand.u32 $0x7FFFFFFF, v20  }
0x219: {  	v19 =	vand.u32 $0x7FFFFFFF, v22;
	v11 =	vsel vm7, $0x0, v1;
	v9 =	vsel vm4, $0x3F800000, v2  }
0x21a: {  	v13 =	vmin.f32 v24, $1.000000000e+00;
	v47 =	vmin.f32 v32, $1.000000000e+00;
	v10 =	vmin.f32 v30, $1.000000000e+00  }
0x21b: {  	v14 =	vmin.f32 v35, $1.000000000e+00;
	v16 =	vmin.f32 v12, $1.000000000e+00;
	v26 =	vmin.f32 v37, $1.000000000e+00  }
0x21c: {  	v23 =	vmin.f32 v38, $1.000000000e+00;
	v18 =	vmin.f32 v40, $1.000000000e+00;
	v29 =	vmin.f32 v42, $1.000000000e+00  }
0x21d: {  	v21 =	vmin.f32 v44, $1.000000000e+00;
	v20 =	vmul.f32 $5.000000000e-01, v10;
	v39 =	vmul.f32 $5.000000000e-01, v13  }
0x21e: {  	v22 =	vmin.f32 v15, $1.000000000e+00;
	v41 =	vmul.f32 $5.000000000e-01, v47;
	v48 =	vmul.f32 $5.000000000e-01, v14  }
0x21f: {  	v6 =	vld [tilespmem:s6+$0x4E30];
	v28 =	vmin.f32 v43, $1.000000000e+00;
	v25 =	vmul.f32 $5.000000000e-01, v16;
	v49 =	vmul.f32 $5.000000000e-01, v26  }
0x220: {  	v7 =	vld [tilespmem:s6+$0x3E80];
	v27 =	vmin.f32 v19, $1.000000000e+00;
	v50 =	vmul.f32 $5.000000000e-01, v29;
	v51 =	vmul.f32 $5.000000000e-01, v23  }
0x221: {  	v8 =	vld [tilespmem:s6+$0x4E20];
	v52 =	vmul.f32 $5.000000000e-01, v18;
	v24 =	vsub.f32 v24, v39;
	v20 =	vsub.f32 v30, v20  }
0x222: {  	v53 =	vmul.f32 $5.000000000e-01, v21;
	v30 =	vsub.f32 v35, v48;
	v32 =	vsub.f32 v32, v41  }
0x223: {  	v54 =	vmul.f32 $5.000000000e-01, v28;
	v41 =	vsub.f32 v37, v49;
	v42 =	vsub.f32 v42, v50  }
0x224: {  	v33 =	vmul.f32 $5.000000000e-01, v22;
	v38 =	vsub.f32 v38, v51;
	v35 =	vsub.f32 v40, v52  }
0x225: {  	v39 =	vmul.f32 $5.000000000e-01, v27;
	v40 =	vsub.f32 v43, v54;
	v37 =	vsub.f32 v44, v53  }
0x226: {  	v45 =	vand.u32 $0x7FFFFFFF, v7;
	v17 =	vand.u32 $0x7FFFFFFF, v6;
	v46 =	vand.u32 $0x7FFFFFFF, v8  }
0x227: {  	v7 =	vsel vm5, $0x0, v1;
	v34 =	vmin.f32 v45, $1.000000000e+00;
	v36 =	vmin.f32 v46, $1.000000000e+00  }
0x228: {  	v6 =	vsel vm6, $0x0, v1;
	v62 =	vmul.f32 $5.000000000e-01, v34;
	v63 =	vmul.f32 $5.000000000e-01, v36  }
0x229: {  	v8 =	vsel vm3, $0x3F800000, v2;
	v31 =	vmin.f32 v17, $1.000000000e+00;
	v32 =	vmul.f32 v32, v47  }
0x22a: {  	s4 =	simm.s32 $0x0;
	s5 =	simm.s32 $0x100;
	v43 =	vmul.f32 $5.000000000e-01, v31;
	v44 =	vsub.f32 v45, v62;
	v45 =	vsub.f32 v46, v63  }
.LBB2_14:
0x22b: {  	s6 =	sshra.s32 s5, $0x2;
	v19 =	vsub.f32 v19, v39;
	v26 =	vmul.f32 v41, v26;
	v29 =	vmul.f32 v42, v29  }
0x22c: {  	v17 =	vsub.f32 v17, v43;
	v39 =	vld [tilespmem:s6+$0x8CD0];
	v34 =	vmul.f32 v44, v34;
	v36 =	vmul.f32 v45, v36  }
0x22d: {  	v28 =	vmul.f32 v40, v28;
	v23 =	vmul.f32 v38, v23;
	v15 =	vsub.f32 v15, v33;
	v41 =	vld [tilespmem:s6+$0x8CC0]  }
0x22e: {  	v19 =	vmul.f32 v19, v27;
	v17 =	vmul.f32 v17, v31;
	v33 =	vld [tilespmem:s6+$0x8CB0];
	v34 =	vadd.f32 v36, v34  }
0x22f: {  	v21 =	vmul.f32 v37, v21;
	v12 =	vsub.f32 v12, v25;
	v15 =	vmul.f32 v15, v22;
	v27 =	vld [tilespmem:s6+$0x8CA0]  }
0x230: {  	v18 =	vmul.f32 v35, v18;
	v17 =	vadd.f32 v17, v19;
	v22 =	vld [tilespmem:s6+$0x6D90];
	v25 =	vadd.f32 v28, v34  }
0x231: {  	v12 =	vmul.f32 v12, v16;
	v16 =	vadd.f32 v29, v26;
	v15 =	vadd.f32 v15, v21;
	v19 =	vld [tilespmem:s6+$0x6D80]  }
0x232: {  	v14 =	vmul.f32 v30, v14;
	v17 =	vadd.f32 v18, v17;
	v21 =	vld [tilespmem:s6+$0x5DF0];
	v23 =	vadd.f32 v23, v25  }
0x233: {  	v13 =	vmul.f32 v24, v13;
	v12 =	vadd.f32 v12, v15;
	v15 =	vadd.f32 v32, v16;
	v18 =	vld [tilespmem:s6+$0x6D70]  }
0x234: {  	v3 =	vadd.f32 v11, v3;
	v14 =	vadd.f32 v14, v17;
	v16 =	vld [tilespmem:s6+$0x5DE0];
	v11 =	vnsel vm4, $0x0, v23  }
0x235: {  	v4 =	vadd.f32 v9, v4;
	v9 =	vmul.f32 v20, v10;
	v17 =	vld [tilespmem:s6+$0x3EB0];
	v5 =	vadd.f32 v11, v5  }
0x236: {  	v3 =	vadd.f32 v7, v3;
	v7 =	vnsel vm3, $0x0, v14;
	v11 =	vadd.f32 v13, v12;
	v10 =	vld [tilespmem:s6+$0x4E50]  }
0x237: {  	v4 =	vadd.f32 v8, v4;
	v13 =	vld [tilespmem:s6+$0x6D60];
	v5 =	vadd.f32 v7, v5;
	v7 =	vsel vm2, $0x3F800000, v2  }
0x238: {  	v3 =	vadd.f32 v6, v3;
	v9 =	vadd.f32 v9, v15;
	v6 =	vnsel vm2, $0x0, v11;
	v8 =	vld [tilespmem:s6+$0x5DD0]  }
0x239: {  	v4 =	vadd.f32 v7, v4;
	v11 =	vld [tilespmem:s6+$0x3EA0];
	v5 =	vadd.f32 v6, v5;
	v6 =	vsel vm1, $0x0, v1  }
0x23a: {  	v9 =	vnsel vm0, $0x0, v9;
	v7 =	vld [tilespmem:s6+$0x4E40];
	v3 =	vadd.f32 v6, v3;
	v6 =	vsel vm0, $0x3F800000, v2  }
0x23b: {  	v14 =	vld [tilespmem:s6+$0x5DC0];
	v4 =	vadd.f32 v6, v4;
	v5 =	vadd.f32 v9, v5  }
0x23c: {  	vm1 =	veq.s32 v39, $0xFFFFFFFF;
	vm0 =	veq.s32 v39, $0x1;
	v6 =	vld [tilespmem:s6+$0x3E90]  }
0x23d: {  	vm6 =	veq.s32 v41, $0xFFFFFFFF;
	vm5 =	veq.s32 v33, $0xFFFFFFFF;
	vm2 =	veq.s32 v41, $0x1;
	v9 =	vld [tilespmem:s6+$0x4E30]  }
0x23e: {  	vm7 =	veq.s32 v27, $0xFFFFFFFF;
	vm4 =	veq.s32 v27, $0x1;
	vm3 =	veq.s32 v33, $0x1;
	v20 =	vld [tilespmem:s6+$0x3E80]  }
0x23f: {  	v30 =	vand.u32 $0x7FFFFFFF, v22;
	v24 =	vand.u32 $0x7FFFFFFF, v19;
	v32 =	vand.u32 $0x7FFFFFFF, v21;
	v23 =	vld [tilespmem:s6+$0x4E20]  }
0x240: {  	v35 =	vand.u32 $0x7FFFFFFF, v18;
	v12 =	vand.u32 $0x7FFFFFFF, v16;
	v37 =	vand.u32 $0x7FFFFFFF, v17  }
0x241: {  	v42 =	vand.u32 $0x7FFFFFFF, v10;
	v38 =	vand.u32 $0x7FFFFFFF, v13;
	v40 =	vand.u32 $0x7FFFFFFF, v8  }
0x242: {  	v44 =	vand.u32 $0x7FFFFFFF, v11;
	v15 =	vand.u32 $0x7FFFFFFF, v7;
	v43 =	vand.u32 $0x7FFFFFFF, v14  }
0x243: {  	v19 =	vand.u32 $0x7FFFFFFF, v6;
	v17 =	vand.u32 $0x7FFFFFFF, v9;
	v45 =	vand.u32 $0x7FFFFFFF, v20  }
0x244: {  	v7 =	vsel vm5, $0x0, v1;
	v6 =	vsel vm6, $0x0, v1;
	v46 =	vand.u32 $0x7FFFFFFF, v23  }
0x245: {  	v8 =	vsel vm3, $0x3F800000, v2;
	v11 =	vsel vm7, $0x0, v1;
	v9 =	vsel vm4, $0x3F800000, v2  }
0x246: {  	v47 =	vmin.f32 v32, $1.000000000e+00;
	v10 =	vmin.f32 v30, $1.000000000e+00;
	v13 =	vmin.f32 v24, $1.000000000e+00  }
0x247: {  	v16 =	vmin.f32 v12, $1.000000000e+00;
	v26 =	vmin.f32 v37, $1.000000000e+00;
	v14 =	vmin.f32 v35, $1.000000000e+00  }
0x248: {  	v29 =	vmin.f32 v42, $1.000000000e+00;
	v18 =	vmin.f32 v40, $1.000000000e+00;
	v23 =	vmin.f32 v38, $1.000000000e+00  }
0x249: {  	v21 =	vmin.f32 v44, $1.000000000e+00;
	v22 =	vmin.f32 v15, $1.000000000e+00;
	v20 =	vmul.f32 $5.000000000e-01, v10  }
0x24a: {  	s4 =	sadd.s32 $0x4, s4;
	v41 =	vmul.f32 $5.000000000e-01, v47;
	v39 =	vmul.f32 $5.000000000e-01, v13;
	v28 =	vmin.f32 v43, $1.000000000e+00  }
0x24b: {  	p0 =	slt.u32 s4, $0xF4;
	v25 =	vmul.f32 $5.000000000e-01, v16;
	v48 =	vmul.f32 $5.000000000e-01, v14;
	v27 =	vmin.f32 v19, $1.000000000e+00  }
0x24c: {  	v49 =	vmul.f32 $5.000000000e-01, v26;
	v50 =	vmul.f32 $5.000000000e-01, v29;
	v31 =	vmin.f32 v17, $1.000000000e+00  }
0x24d: {  	v52 =	vmul.f32 $5.000000000e-01, v18;
	v34 =	vmin.f32 v45, $1.000000000e+00;
	v51 =	vmul.f32 $5.000000000e-01, v23  }
0x24e: {  	v53 =	vmul.f32 $5.000000000e-01, v21;
	v33 =	vmul.f32 $5.000000000e-01, v22;
	v36 =	vmin.f32 v46, $1.000000000e+00  }
0x24f: {  	v24 =	vsub.f32 v24, v39;
	v54 =	vmul.f32 $5.000000000e-01, v28;
	v20 =	vsub.f32 v30, v20  }
.Ltmp6:
0x250: {  	v32 =	vsub.f32 v32, v41;
	v39 =	vmul.f32 $5.000000000e-01, v27;
	v30 =	vsub.f32 v35, v48;
	(pc) =	sbr.rel @p0 .LBB2_14-.Ltmp6, $4  }
0x251: {  	v41 =	vsub.f32 v37, v49;
	v42 =	vsub.f32 v42, v50;
	v48 =	vmul.f32 $5.000000000e-01, v34  }
0x252: {  	v35 =	vsub.f32 v40, v52;
	v49 =	vmul.f32 $5.000000000e-01, v36;
	v38 =	vsub.f32 v38, v51  }
0x253: {  	v37 =	vsub.f32 v44, v53;
	v40 =	vsub.f32 v43, v54;
	v43 =	vmul.f32 $5.000000000e-01, v31  }
0x254: {  	s5 =	sadd.s32 $0x100, s5;
	v32 =	vmul.f32 v32, v47;
	v44 =	vsub.f32 v45, v48;
	v45 =	vsub.f32 v46, v49  }
0x255: {  	v26 =	vmul.f32 v41, v26  }
0x256: {  	v19 =	vsub.f32 v19, v39;
	v29 =	vmul.f32 v42, v29;
	v28 =	vmul.f32 v40, v28  }
0x257: {  	v17 =	vsub.f32 v17, v43;
	v34 =	vmul.f32 v44, v34;
	v36 =	vmul.f32 v45, v36  }
0x258: {  	v23 =	vmul.f32 v38, v23;
	v15 =	vsub.f32 v15, v33;
	v21 =	vmul.f32 v37, v21  }
0x259: {  	v19 =	vmul.f32 v19, v27;
	v17 =	vmul.f32 v17, v31;
	v55 =	vadd.f32 v36, v34  }
0x25a: {  	v12 =	vsub.f32 v12, v25;
	v3 =	vadd.f32 v11, v3;
	v15 =	vmul.f32 v15, v22  }
0x25b: {  	v18 =	vmul.f32 v35, v18;
	v17 =	vadd.f32 v17, v19;
	v56 =	vadd.f32 v28, v55  }
0x25c: {  	v14 =	vmul.f32 v30, v14;
	v4 =	vadd.f32 v9, v4;
	v15 =	vadd.f32 v15, v21  }
0x25d: {  	v12 =	vmul.f32 v12, v16;
	v17 =	vadd.f32 v18, v17;
	v58 =	vadd.f32 v23, v56  }
0x25e: {  	v13 =	vmul.f32 v24, v13;
	v57 =	vadd.f32 v29, v26;
	v3 =	vadd.f32 v7, v3  }
0x25f: {  	v12 =	vadd.f32 v12, v15;
	v14 =	vadd.f32 v14, v17;
	v60 =	vnsel vm4, $0x0, v58  }
0x260: {  	v61 =	vmul.f32 v20, v10;
	v4 =	vadd.f32 v8, v4;
	v5 =	vadd.f32 v60, v5  }
0x261: {  	v59 =	vadd.f32 v32, v57;
	v62 =	vadd.f32 v13, v12;
	v7 =	vnsel vm3, $0x0, v14  }
0x262: {  	v3 =	vadd.f32 v6, v3;
	v5 =	vadd.f32 v7, v5  }
0x263: {  	v63 =	vadd.f32 v61, v59;
	v6 =	vnsel vm2, $0x0, v62;
	v7 =	vsel vm2, $0x3F800000, v2  }
0x264: {  	v4 =	vadd.f32 v7, v4;
	v5 =	vadd.f32 v6, v5;
	v6 =	vsel vm1, $0x0, v1  }
0x265: {  	v7 =	vnsel vm0, $0x0, v63;
	v3 =	vadd.f32 v6, v3;
	v6 =	vsel vm0, $0x3F800000, v2  }
0x266: {  	v4 =	vadd.f32 v6, v4;
	v5 =	vadd.f32 v7, v5  }
.LBB2_16:
0x267: {  	s4 =	sshra.s32 s3, $0x2  }
0x268: {  	v6 =	vld [tilespmem:s4+$0x4E00]  }
0x269: {  	v7 =	vld [tilespmem:s4+$0x5DA0]  }
0x26a: {  	v8 =	vld [tilespmem:s4+$0x6D40]  }
0x26b: {  	v9 =	vld [tilespmem:s4+$0x7CE0];
	_ =	sdelay $0x2  }
0x26c: {  	v6 =	vand.u32 $0x7FFFFFFF, v6;
	v7 =	vand.u32 $0x7FFFFFFF, v7  }
0x26d: {  	v8 =	vand.u32 $0x7FFFFFFF, v8;
	v10 =	vmin.f32 v6, $1.000000000e+00;
	v12 =	vmin.f32 v7, $1.000000000e+00  }
0x26e: {  	v9 =	vand.u32 $0x7FFFFFFF, v9;
	v11 =	vmul.f32 $5.000000000e-01, v10;
	v13 =	vmul.f32 $5.000000000e-01, v12  }
0x26f: {  	v58 =	vmin.f32 v8, $1.000000000e+00;
	v60 =	vmin.f32 v9, $1.000000000e+00  }
0x270: {  	v59 =	vmul.f32 $5.000000000e-01, v58;
	v6 =	vsub.f32 v6, v11;
	v7 =	vsub.f32 v7, v13  }
0x271: {  	v61 =	vmul.f32 $5.000000000e-01, v60  }
0x272: {  	v8 =	vsub.f32 v8, v59;
	v6 =	vmul.f32 v6, v10;
	v7 =	vmul.f32 v7, v12  }
0x273: {  	v62 =	vld [tilespmem:s4+$0x9C20]  }
0x274: {  	v63 =	vsub.f32 v9, v61;
	v6 =	vadd.f32 v7, v6;
	v7 =	vmul.f32 v8, v58;
	_ =	sdelay $0x1  }
0x275: {  	p0 =	sne.s32 s3, $0x40;
	v6 =	vadd.f32 v7, v6;
	v7 =	vmul.f32 v63, v60  }
.Ltmp7:
0x276: {  	_ = 	snop;
	(pc) =	sbr.rel @p0 .LBB2_16-.Ltmp7, $4  }
0x277: {  	vm0 =	veq.s32 v62, $0xFFFFFFFF;
	v6 =	vadd.f32 v7, v6  }
0x278: {  	vm15 =	veq.s32 v62, $0x1;
	v7 =	vsel vm0, $0x0, v1  }
0x279: {  	v3 =	vadd.f32 v7, v3;
	v7 =	vsel vm15, $0x3F800000, v2;
	v6 =	vnsel vm15, $0x0, v6  }
0x27a: {  	s3 =	sadd.s32 $0x40, s3;
	v4 =	vadd.f32 v7, v4;
	v5 =	vadd.f32 v6, v5  }
0x27b: {  	s3 =	rddreg [dreg:$0x17]  }
0x27c: {  	[tilespmem:s23], [sflag:$0x2] =	stream.linear.gather [hbm4b:s3+s2], $0xFA0, $0x38;
	[tilespmem:$0x9C70] =	vst v63  }
0x27d: {  	s6 =	rddreg [dreg:$0x18]  }
0x27e: {  	[tilespmem:s24], [sflag:$0x2] =	stream.linear.gather [hbm4b:s6+s2], $0xFA0, $0x38;
	[tilespmem:$0x9C70] =	vst v63  }
0x27f: {  	s4 =	rddreg [dreg:$0x19]  }
0x280: {  	[tilespmem:s25], [sflag:$0x2] =	stream.linear.gather [hbm4b:s4+s2], $0xFA0, $0x38;
	[tilespmem:$0x9C70] =	vst v63  }
0x281: {  	s5 =	rddreg [dreg:$0x1a]  }
0x282: {  	[tilespmem:s26], [sflag:$0x2] =	stream.linear.gather [hbm4b:s5+s2], $0xFA0, $0x38;
	[tilespmem:$0x9C70] =	vst v63  }
0x283: {  	s6 =	rddreg [dreg:$0x1b]  }
0x284: {  	[tilespmem:s28], [sflag:$0x2] =	stream.linear.gather [hbm4b:s6+s2], $0xFA0, $0x38;
	[tilespmem:$0x9C70] =	vst v63  }
0x285: {  	_ =	swait.ge [sflag:s29], $0xFA0  }
0x286: {  	[sflag:s29] =	ssyncset.done $0x0  }
0x287: {  	[sflag:s29] =	ssyncadd.s32 $0xFFFFF060  }
0x288: {  	_ =	swait.ge [sflag:s29], $0xFA0  }
0x289: {  	[sflag:s29] =	ssyncset.done $0x0  }
0x28a: {  	[sflag:s29] =	ssyncadd.s32 $0xFFFFF060  }
0x28b: {  	_ =	swait.ge [sflag:s29], $0xFA0  }
0x28c: {  	[sflag:s29] =	ssyncset.done $0x0  }
0x28d: {  	[sflag:s29] =	ssyncadd.s32 $0xFFFFF060  }
0x28e: {  	_ =	swait.ge [sflag:s29], $0xFA0  }
0x28f: {  	[sflag:s29] =	ssyncset.done $0x0  }
0x290: {  	[sflag:s29] =	ssyncadd.s32 $0xFFFFF060  }
0x291: {  	_ =	swait.ge [sflag:s29], $0xFA0  }
0x292: {  	[sflag:s29] =	ssyncset.done $0x0  }
0x293: {  	s4 =	simm.s32 $0x7D20;
	[sflag:s29] =	ssyncadd.s32 $0xFFFFF060  }
0x294: {  	v6 =	vld [tilespmem:s4+$0x10]  }
0x295: {  	v7 =	vld [tilespmem:s4+$0x0]  }
0x296: {  	v8 =	vld [tilespmem:s4+$0xFFFFFFF0]  }
0x297: {  	s3 =	simm.s32 $0x1F40;
	v9 =	vld [tilespmem:s4+$0xFFFFFFE0]  }
0x298: {  	v10 =	vld [tilespmem:s3+$0xFD0]  }
0x299: {  	v11 =	vld [tilespmem:s3+$0xFC0]  }
0x29a: {  	v12 =	vld [tilespmem:s3+$0x30]  }
0x29b: {  	v13 =	vld [tilespmem:s3+$0xFB0]  }
0x29c: {  	v14 =	vld [tilespmem:s3+$0x20]  }
0x29d: {  	v15 =	vld [tilespmem:s3+$0xFFFFE0F0]  }
0x29e: {  	v16 =	vld [tilespmem:s3+$0xFFFFF090]  }
0x29f: {  	v17 =	vld [tilespmem:s3+$0xFA0]  }
0x2a0: {  	v18 =	vld [tilespmem:s3+$0x10]  }
0x2a1: {  	v19 =	vld [tilespmem:s3+$0xFFFFE0E0]  }
0x2a2: {  	v20 =	vld [tilespmem:s3+$0xFFFFF080];
	vm1 =	veq.s32 v6, $0xFFFFFFFF;
	vm0 =	veq.s32 v6, $0x1  }
0x2a3: {  	v21 =	vld [tilespmem:s3+$0x0];
	vm5 =	veq.s32 v8, $0xFFFFFFFF;
	vm6 =	veq.s32 v7, $0xFFFFFFFF;
	vm2 =	veq.s32 v7, $0x1  }
0x2a4: {  	v22 =	vld [tilespmem:s3+$0xFFFFE0D0];
	vm7 =	veq.s32 v9, $0xFFFFFFFF;
	vm4 =	veq.s32 v9, $0x1;
	vm3 =	veq.s32 v8, $0x1  }
0x2a5: {  	v23 =	vand.u32 $0x7FFFFFFF, v11;
	v29 =	vand.u32 $0x7FFFFFFF, v12;
	v27 =	vand.u32 $0x7FFFFFFF, v10  }
0x2a6: {  	v32 =	vand.u32 $0x7FFFFFFF, v13;
	v12 =	vand.u32 $0x7FFFFFFF, v14;
	v34 =	vand.u32 $0x7FFFFFFF, v15  }
0x2a7: {  	v35 =	vand.u32 $0x7FFFFFFF, v17;
	v36 =	vand.u32 $0x7FFFFFFF, v18;
	v37 =	vand.u32 $0x7FFFFFFF, v16  }
0x2a8: {  	v38 =	vand.u32 $0x7FFFFFFF, v21;
	v39 =	vand.u32 $0x7FFFFFFF, v19;
	v15 =	vand.u32 $0x7FFFFFFF, v20  }
0x2a9: {  	v43 =	vand.u32 $0x7FFFFFFF, v22;
	v11 =	vsel vm7, $0x0, v1;
	v9 =	vsel vm4, $0x3F800000, v2  }
0x2aa: {  	v13 =	vmin.f32 v23, $1.000000000e+00;
	v44 =	vmin.f32 v29, $1.000000000e+00;
	v10 =	vmin.f32 v27, $1.000000000e+00  }
0x2ab: {  	v14 =	vmin.f32 v32, $1.000000000e+00;
	v16 =	vmin.f32 v12, $1.000000000e+00;
	v45 =	vmin.f32 v34, $1.000000000e+00  }
0x2ac: {  	v22 =	vmin.f32 v35, $1.000000000e+00;
	v18 =	vmin.f32 v36, $1.000000000e+00;
	v46 =	vmin.f32 v37, $1.000000000e+00  }
0x2ad: {  	v20 =	vmin.f32 v39, $1.000000000e+00;
	v19 =	vmul.f32 $5.000000000e-01, v10;
	v40 =	vmul.f32 $5.000000000e-01, v13  }
0x2ae: {  	v21 =	vmin.f32 v15, $1.000000000e+00;
	v47 =	vmul.f32 $5.000000000e-01, v44;
	v48 =	vmul.f32 $5.000000000e-01, v14  }
0x2af: {  	v26 =	vmin.f32 v38, $1.000000000e+00;
	v24 =	vmul.f32 $5.000000000e-01, v16;
	v49 =	vmul.f32 $5.000000000e-01, v45  }
0x2b0: {  	v7 =	vld [tilespmem:s3+$0xFFFFE0C0];
	v25 =	vmin.f32 v43, $1.000000000e+00;
	v50 =	vmul.f32 $5.000000000e-01, v46;
	v51 =	vmul.f32 $5.000000000e-01, v22  }
0x2b1: {  	v8 =	vld [tilespmem:s3+$0xFFFFF060];
	v52 =	vmul.f32 $5.000000000e-01, v18;
	v23 =	vsub.f32 v23, v40;
	v19 =	vsub.f32 v27, v19  }
0x2b2: {  	v6 =	vld [tilespmem:s3+$0xFFFFF070];
	v53 =	vmul.f32 $5.000000000e-01, v20;
	v27 =	vsub.f32 v32, v48;
	v29 =	vsub.f32 v29, v47  }
0x2b3: {  	v54 =	vmul.f32 $5.000000000e-01, v26;
	v34 =	vsub.f32 v34, v49;
	v62 =	vsub.f32 v37, v50  }
0x2b4: {  	v55 =	vmul.f32 $5.000000000e-01, v25;
	v37 =	vsub.f32 v35, v51;
	v32 =	vsub.f32 v36, v52  }
0x2b5: {  	v30 =	vmul.f32 $5.000000000e-01, v21;
	v38 =	vsub.f32 v38, v54;
	v36 =	vsub.f32 v39, v53  }
0x2b6: {  	v39 =	vsub.f32 v43, v55;
	v41 =	vand.u32 $0x7FFFFFFF, v7;
	v42 =	vand.u32 $0x7FFFFFFF, v8  }
0x2b7: {  	v17 =	vand.u32 $0x7FFFFFFF, v6;
	v31 =	vmin.f32 v41, $1.000000000e+00;
	v33 =	vmin.f32 v42, $1.000000000e+00  }
0x2b8: {  	v7 =	vsel vm5, $0x0, v1;
	v61 =	vmul.f32 $5.000000000e-01, v31;
	v63 =	vmul.f32 $5.000000000e-01, v33  }
0x2b9: {  	v6 =	vsel vm6, $0x0, v1;
	v28 =	vmin.f32 v17, $1.000000000e+00;
	v29 =	vmul.f32 v29, v44  }
0x2ba: {  	v40 =	vmul.f32 $5.000000000e-01, v28;
	v41 =	vsub.f32 v41, v61;
	v42 =	vsub.f32 v42, v63  }
0x2bb: {  	s5 =	simm.s32 $0x7D60;
	s4 =	simm.s32 $0x0;
	v8 =	vsel vm3, $0x3F800000, v2;
	v34 =	vmul.f32 v34, v45;
	v35 =	vmul.f32 v62, v46  }
.LBB2_18:
0x2bc: {  	v43 =	vld [tilespmem:s5+$0x10];
	v31 =	vmul.f32 v41, v31;
	v33 =	vmul.f32 v42, v33;
	v17 =	vsub.f32 v17, v40  }
0x2bd: {  	v26 =	vmul.f32 v38, v26;
	v22 =	vmul.f32 v37, v22;
	v15 =	vsub.f32 v15, v30;
	v40 =	vld [tilespmem:s5+$0x0]  }
0x2be: {  	v25 =	vmul.f32 v39, v25;
	v30 =	vld [tilespmem:s5+$0xFFFFFFF0];
	v31 =	vadd.f32 v33, v31;
	v17 =	vmul.f32 v17, v28  }
0x2bf: {  	v20 =	vmul.f32 v36, v20;
	v12 =	vsub.f32 v12, v24;
	s3 =	sadd.s32 $0x40, s3;
	v15 =	vmul.f32 v15, v21;
	v28 =	vld [tilespmem:s5+$0xFFFFFFE0]  }
0x2c0: {  	v18 =	vmul.f32 v32, v18;
	v21 =	vld [tilespmem:s3+$0xFD0];
	v24 =	vadd.f32 v26, v31;
	v17 =	vadd.f32 v17, v25  }
0x2c1: {  	v12 =	vmul.f32 v12, v16;
	v16 =	vadd.f32 v35, v34;
	v15 =	vadd.f32 v15, v20;
	v25 =	vld [tilespmem:s3+$0xFC0]  }
0x2c2: {  	v14 =	vmul.f32 v27, v14;
	v20 =	vld [tilespmem:s3+$0x30];
	v22 =	vadd.f32 v22, v24;
	v17 =	vadd.f32 v18, v17  }
0x2c3: {  	v13 =	vmul.f32 v23, v13;
	v12 =	vadd.f32 v12, v15;
	v15 =	vadd.f32 v29, v16;
	v18 =	vld [tilespmem:s3+$0xFB0]  }
0x2c4: {  	v3 =	vadd.f32 v11, v3;
	v16 =	vld [tilespmem:s3+$0x20];
	v11 =	vnsel vm4, $0x0, v22;
	v14 =	vadd.f32 v14, v17  }
0x2c5: {  	v4 =	vadd.f32 v9, v4;
	v9 =	vmul.f32 v19, v10;
	v17 =	vld [tilespmem:s3+$0xFFFFE0F0];
	v5 =	vadd.f32 v11, v5  }
0x2c6: {  	v3 =	vadd.f32 v7, v3;
	v11 =	vadd.f32 v13, v12;
	v10 =	vld [tilespmem:s3+$0xFFFFF090];
	v7 =	vnsel vm3, $0x0, v14  }
0x2c7: {  	v4 =	vadd.f32 v8, v4;
	v13 =	vld [tilespmem:s3+$0xFA0];
	v5 =	vadd.f32 v7, v5;
	v7 =	vsel vm2, $0x3F800000, v2  }
0x2c8: {  	v3 =	vadd.f32 v6, v3;
	v9 =	vadd.f32 v9, v15;
	v6 =	vnsel vm2, $0x0, v11;
	v8 =	vld [tilespmem:s3+$0x10]  }
0x2c9: {  	v4 =	vadd.f32 v7, v4;
	v11 =	vld [tilespmem:s3+$0xFFFFE0E0];
	v5 =	vadd.f32 v6, v5;
	v6 =	vsel vm1, $0x0, v1  }
0x2ca: {  	v9 =	vnsel vm0, $0x0, v9;
	v7 =	vld [tilespmem:s3+$0xFFFFF080];
	v3 =	vadd.f32 v6, v3;
	v6 =	vsel vm0, $0x3F800000, v2  }
0x2cb: {  	v14 =	vld [tilespmem:s3+$0x0];
	v4 =	vadd.f32 v6, v4;
	v5 =	vadd.f32 v9, v5  }
0x2cc: {  	vm1 =	veq.s32 v43, $0xFFFFFFFF;
	vm0 =	veq.s32 v43, $0x1;
	v6 =	vld [tilespmem:s3+$0xFFFFE0D0]  }
0x2cd: {  	vm6 =	veq.s32 v40, $0xFFFFFFFF;
	vm5 =	veq.s32 v30, $0xFFFFFFFF;
	vm2 =	veq.s32 v40, $0x1;
	v9 =	vld [tilespmem:s3+$0xFFFFF070]  }
0x2ce: {  	vm7 =	veq.s32 v28, $0xFFFFFFFF;
	vm4 =	veq.s32 v28, $0x1;
	vm3 =	veq.s32 v30, $0x1;
	v19 =	vld [tilespmem:s3+$0xFFFFE0C0]  }
0x2cf: {  	v27 =	vand.u32 $0x7FFFFFFF, v21;
	v23 =	vand.u32 $0x7FFFFFFF, v25;
	v29 =	vand.u32 $0x7FFFFFFF, v20;
	v22 =	vld [tilespmem:s3+$0xFFFFF060]  }
0x2d0: {  	v32 =	vand.u32 $0x7FFFFFFF, v18;
	v12 =	vand.u32 $0x7FFFFFFF, v16;
	v34 =	vand.u32 $0x7FFFFFFF, v17  }
0x2d1: {  	v37 =	vand.u32 $0x7FFFFFFF, v10;
	v35 =	vand.u32 $0x7FFFFFFF, v13;
	v36 =	vand.u32 $0x7FFFFFFF, v8  }
0x2d2: {  	v39 =	vand.u32 $0x7FFFFFFF, v11;
	v15 =	vand.u32 $0x7FFFFFFF, v7;
	v38 =	vand.u32 $0x7FFFFFFF, v14  }
0x2d3: {  	v43 =	vand.u32 $0x7FFFFFFF, v6;
	v17 =	vand.u32 $0x7FFFFFFF, v9;
	v41 =	vand.u32 $0x7FFFFFFF, v19  }
0x2d4: {  	v7 =	vsel vm5, $0x0, v1;
	v6 =	vsel vm6, $0x0, v1;
	v42 =	vand.u32 $0x7FFFFFFF, v22  }
0x2d5: {  	v8 =	vsel vm3, $0x3F800000, v2;
	v11 =	vsel vm7, $0x0, v1;
	v9 =	vsel vm4, $0x3F800000, v2  }
0x2d6: {  	v44 =	vmin.f32 v29, $1.000000000e+00;
	v10 =	vmin.f32 v27, $1.000000000e+00;
	v13 =	vmin.f32 v23, $1.000000000e+00  }
0x2d7: {  	v16 =	vmin.f32 v12, $1.000000000e+00;
	v45 =	vmin.f32 v34, $1.000000000e+00;
	v14 =	vmin.f32 v32, $1.000000000e+00  }
0x2d8: {  	v46 =	vmin.f32 v37, $1.000000000e+00;
	v18 =	vmin.f32 v36, $1.000000000e+00;
	v22 =	vmin.f32 v35, $1.000000000e+00  }
0x2d9: {  	v20 =	vmin.f32 v39, $1.000000000e+00;
	v21 =	vmin.f32 v15, $1.000000000e+00;
	v19 =	vmul.f32 $5.000000000e-01, v10  }
0x2da: {  	v47 =	vmul.f32 $5.000000000e-01, v44;
	v40 =	vmul.f32 $5.000000000e-01, v13;
	v26 =	vmin.f32 v38, $1.000000000e+00  }
0x2db: {  	s4 =	sadd.s32 $0x4, s4;
	v24 =	vmul.f32 $5.000000000e-01, v16;
	v48 =	vmul.f32 $5.000000000e-01, v14;
	v25 =	vmin.f32 v43, $1.000000000e+00  }
0x2dc: {  	p0 =	slt.u32 s4, $0xF4;
	v49 =	vmul.f32 $5.000000000e-01, v45;
	v50 =	vmul.f32 $5.000000000e-01, v46;
	v28 =	vmin.f32 v17, $1.000000000e+00  }
0x2dd: {  	v52 =	vmul.f32 $5.000000000e-01, v18;
	v31 =	vmin.f32 v41, $1.000000000e+00;
	v51 =	vmul.f32 $5.000000000e-01, v22  }
0x2de: {  	v53 =	vmul.f32 $5.000000000e-01, v20;
	v30 =	vmul.f32 $5.000000000e-01, v21;
	v33 =	vmin.f32 v42, $1.000000000e+00  }
0x2df: {  	v23 =	vsub.f32 v23, v40;
	v54 =	vmul.f32 $5.000000000e-01, v26;
	v19 =	vsub.f32 v27, v19  }
0x2e0: {  	v29 =	vsub.f32 v29, v47;
	v55 =	vmul.f32 $5.000000000e-01, v25;
	v27 =	vsub.f32 v32, v48  }
.Ltmp8:
0x2e1: {  	v34 =	vsub.f32 v34, v49;
	v47 =	vmul.f32 $5.000000000e-01, v31;
	v48 =	vsub.f32 v37, v50;
	(pc) =	sbr.rel @p0 .LBB2_18-.Ltmp8, $4  }
0x2e2: {  	v32 =	vsub.f32 v36, v52;
	v49 =	vmul.f32 $5.000000000e-01, v33;
	v37 =	vsub.f32 v35, v51  }
0x2e3: {  	v38 =	vsub.f32 v38, v54;
	v40 =	vmul.f32 $5.000000000e-01, v28;
	v36 =	vsub.f32 v39, v53  }
0x2e4: {  	v29 =	vmul.f32 v29, v44;
	v41 =	vsub.f32 v41, v47;
	v42 =	vsub.f32 v42, v49  }
0x2e5: {  	s5 =	sadd.s32 $0x40, s5;
	v34 =	vmul.f32 v34, v45;
	v39 =	vsub.f32 v43, v55;
	v35 =	vmul.f32 v48, v46  }
0x2e6: {  	v31 =	vmul.f32 v41, v31  }
0x2e7: {  	v33 =	vmul.f32 v42, v33;
	v17 =	vsub.f32 v17, v40;
	v26 =	vmul.f32 v38, v26  }
0x2e8: {  	v22 =	vmul.f32 v37, v22;
	v15 =	vsub.f32 v15, v30;
	v20 =	vmul.f32 v36, v20  }
0x2e9: {  	v25 =	vmul.f32 v39, v25;
	v55 =	vadd.f32 v33, v31;
	v17 =	vmul.f32 v17, v28  }
0x2ea: {  	v12 =	vsub.f32 v12, v24;
	v3 =	vadd.f32 v11, v3;
	v15 =	vmul.f32 v15, v21  }
0x2eb: {  	v18 =	vmul.f32 v32, v18;
	v56 =	vadd.f32 v26, v55;
	v17 =	vadd.f32 v17, v25  }
0x2ec: {  	v14 =	vmul.f32 v27, v14;
	v4 =	vadd.f32 v9, v4;
	v15 =	vadd.f32 v15, v20  }
0x2ed: {  	v12 =	vmul.f32 v12, v16;
	v58 =	vadd.f32 v22, v56;
	v17 =	vadd.f32 v18, v17  }
0x2ee: {  	v13 =	vmul.f32 v23, v13;
	v57 =	vadd.f32 v35, v34;
	v3 =	vadd.f32 v7, v3  }
0x2ef: {  	v12 =	vadd.f32 v12, v15;
	v60 =	vnsel vm4, $0x0, v58;
	v14 =	vadd.f32 v14, v17  }
0x2f0: {  	v61 =	vmul.f32 v19, v10;
	v4 =	vadd.f32 v8, v4;
	v5 =	vadd.f32 v60, v5  }
0x2f1: {  	v59 =	vadd.f32 v29, v57;
	v62 =	vadd.f32 v13, v12;
	v7 =	vnsel vm3, $0x0, v14  }
0x2f2: {  	v3 =	vadd.f32 v6, v3;
	v5 =	vadd.f32 v7, v5  }
0x2f3: {  	v63 =	vadd.f32 v61, v59;
	v6 =	vnsel vm2, $0x0, v62;
	v7 =	vsel vm2, $0x3F800000, v2  }
0x2f4: {  	v4 =	vadd.f32 v7, v4;
	v5 =	vadd.f32 v6, v5;
	v6 =	vsel vm1, $0x0, v1  }
0x2f5: {  	v7 =	vnsel vm0, $0x0, v63;
	v3 =	vadd.f32 v6, v3;
	v6 =	vsel vm0, $0x3F800000, v2  }
0x2f6: {  	s3 =	simm.s32 $0x0;
	v4 =	vadd.f32 v6, v4;
	v5 =	vadd.f32 v7, v5  }
.LBB2_20:
0x2f7: {  	s4 =	sshra.s32 s3, $0x2  }
0x2f8: {  	v6 =	vld [tilespmem:s4+$0xF80]  }
0x2f9: {  	v7 =	vld [tilespmem:s4+$0x1F20]  }
0x2fa: {  	v8 =	vld [tilespmem:s4+$0x2EC0]  }
0x2fb: {  	v9 =	vld [tilespmem:s4+$0x3E60];
	_ =	sdelay $0x2  }
0x2fc: {  	v6 =	vand.u32 $0x7FFFFFFF, v6;
	v7 =	vand.u32 $0x7FFFFFFF, v7  }
0x2fd: {  	v8 =	vand.u32 $0x7FFFFFFF, v8;
	v10 =	vmin.f32 v6, $1.000000000e+00;
	v12 =	vmin.f32 v7, $1.000000000e+00  }
0x2fe: {  	v9 =	vand.u32 $0x7FFFFFFF, v9;
	v11 =	vmul.f32 $5.000000000e-01, v10;
	v13 =	vmul.f32 $5.000000000e-01, v12  }
0x2ff: {  	v58 =	vmin.f32 v8, $1.000000000e+00;
	v60 =	vmin.f32 v9, $1.000000000e+00  }
0x300: {  	v59 =	vmul.f32 $5.000000000e-01, v58;
	v6 =	vsub.f32 v6, v11;
	v7 =	vsub.f32 v7, v13  }
0x301: {  	v61 =	vmul.f32 $5.000000000e-01, v60  }
0x302: {  	v8 =	vsub.f32 v8, v59;
	v6 =	vmul.f32 v6, v10;
	v7 =	vmul.f32 v7, v12  }
0x303: {  	v62 =	vld [tilespmem:s4+$0x8C80]  }
0x304: {  	v63 =	vsub.f32 v9, v61;
	v6 =	vadd.f32 v7, v6;
	v7 =	vmul.f32 v8, v58;
	_ =	sdelay $0x1  }
0x305: {  	p0 =	sne.s32 s3, $0x40;
	v6 =	vadd.f32 v7, v6;
	v7 =	vmul.f32 v63, v60  }
.Ltmp9:
0x306: {  	_ = 	snop;
	(pc) =	sbr.rel @p0 .LBB2_20-.Ltmp9, $4  }
0x307: {  	vm0 =	veq.s32 v62, $0xFFFFFFFF;
	v6 =	vadd.f32 v7, v6  }
0x308: {  	vm15 =	veq.s32 v62, $0x1;
	v7 =	vsel vm0, $0x0, v1  }
0x309: {  	v3 =	vadd.f32 v7, v3;
	v7 =	vsel vm15, $0x3F800000, v2;
	v6 =	vnsel vm15, $0x0, v6  }
0x30a: {  	s3 =	sadd.s32 $0x40, s3;
	v4 =	vadd.f32 v7, v4;
	v5 =	vadd.f32 v6, v5  }
0x30b: {  	s4 =	sld [smem:$0x7FA];
	_ =	sdelay $0x1  }
0x30c: {  	s3 =	simm.s32 $0x0;
	s5 =	sld [smem:$0x7FB]  }
0x30d: {  	[tilespmem:s3], [sflag:$0x1] =	stream.linear.gather [hbm4b:s4+s3], $0xFA0, $0x38;
	[tilespmem:$0x9C70] =	vst v63  }
0x30e: {  	s6 =	sld [smem:$0x7FC]  }
0x30f: {  	[tilespmem:s20], [sflag:$0x1] =	stream.linear.gather [hbm4b:s5+s3], $0xFA0, $0x38;
	[tilespmem:$0x9C70] =	vst v63  }
0x310: {  	s5 =	sld [smem:$0x7FD]  }
0x311: {  	[tilespmem:s30], [sflag:$0x1] =	stream.linear.gather [hbm4b:s6+s3], $0xFA0, $0x38;
	[tilespmem:$0x9C70] =	vst v63  }
0x312: {  	_ = 	snop  }
0x313: {  	[tilespmem:s21], [sflag:$0x1] =	stream.linear.gather [hbm4b:s5+s3], $0xFA0, $0x38;
	[tilespmem:$0x9C70] =	vst v63  }
0x314: {  	_ = 	snop  }
0x315: {  	[tilespmem:s22], [sflag:$0x1] =	stream.linear.gather [hbm4b:s7+s3], $0xFA0, $0x38;
	[tilespmem:$0x9C70] =	vst v63  }
0x316: {  	_ =	swait.ge [sflag:s31], $0xFA0  }
0x317: {  	[sflag:s31] =	ssyncset.done $0x0  }
0x318: {  	[sflag:s31] =	ssyncadd.s32 $0xFFFFF060  }
0x319: {  	_ =	swait.ge [sflag:s31], $0xFA0  }
0x31a: {  	[sflag:s31] =	ssyncset.done $0x0  }
0x31b: {  	[sflag:s31] =	ssyncadd.s32 $0xFFFFF060  }
0x31c: {  	_ =	swait.ge [sflag:s31], $0xFA0  }
0x31d: {  	[sflag:s31] =	ssyncset.done $0x0  }
0x31e: {  	[sflag:s31] =	ssyncadd.s32 $0xFFFFF060  }
0x31f: {  	_ =	swait.ge [sflag:s31], $0xFA0  }
0x320: {  	[sflag:s31] =	ssyncset.done $0x0  }
0x321: {  	[sflag:s31] =	ssyncadd.s32 $0xFFFFF060  }
0x322: {  	_ =	swait.ge [sflag:s31], $0xFA0  }
0x323: {  	[sflag:s31] =	ssyncset.done $0x0  }
0x324: {  	s6 =	simm.s32 $0x0;
	[sflag:s31] =	ssyncadd.s32 $0xFFFFF060  }
0x325: {  	v6 =	vld [tilespmem:s6+$0x8CD0]  }
0x326: {  	v7 =	vld [tilespmem:s6+$0x8CC0]  }
0x327: {  	v8 =	vld [tilespmem:s6+$0x8CB0]  }
0x328: {  	v9 =	vld [tilespmem:s6+$0x8CA0]  }
0x329: {  	v10 =	vld [tilespmem:s6+$0x6D90]  }
0x32a: {  	v11 =	vld [tilespmem:s6+$0x6D80]  }
0x32b: {  	v12 =	vld [tilespmem:s6+$0x5DF0]  }
0x32c: {  	v13 =	vld [tilespmem:s6+$0x6D70]  }
0x32d: {  	v14 =	vld [tilespmem:s6+$0x5DE0]  }
0x32e: {  	v15 =	vld [tilespmem:s6+$0x3EB0]  }
0x32f: {  	v16 =	vld [tilespmem:s6+$0x4E50]  }
0x330: {  	v17 =	vld [tilespmem:s6+$0x6D60]  }
0x331: {  	v18 =	vld [tilespmem:s6+$0x5DD0]  }
0x332: {  	v19 =	vld [tilespmem:s6+$0x3EA0]  }
0x333: {  	v20 =	vld [tilespmem:s6+$0x4E40];
	vm1 =	veq.s32 v6, $0xFFFFFFFF;
	vm0 =	veq.s32 v6, $0x1  }
0x334: {  	v21 =	vld [tilespmem:s6+$0x5DC0];
	vm5 =	veq.s32 v8, $0xFFFFFFFF;
	vm6 =	veq.s32 v7, $0xFFFFFFFF;
	vm2 =	veq.s32 v7, $0x1  }
0x335: {  	v22 =	vld [tilespmem:s6+$0x3E90];
	vm7 =	veq.s32 v9, $0xFFFFFFFF;
	vm4 =	veq.s32 v9, $0x1;
	vm3 =	veq.s32 v8, $0x1  }
0x336: {  	v24 =	vand.u32 $0x7FFFFFFF, v11;
	v32 =	vand.u32 $0x7FFFFFFF, v12;
	v30 =	vand.u32 $0x7FFFFFFF, v10  }
0x337: {  	v35 =	vand.u32 $0x7FFFFFFF, v13;
	v12 =	vand.u32 $0x7FFFFFFF, v14;
	v37 =	vand.u32 $0x7FFFFFFF, v15  }
0x338: {  	v38 =	vand.u32 $0x7FFFFFFF, v17;
	v40 =	vand.u32 $0x7FFFFFFF, v18;
	v42 =	vand.u32 $0x7FFFFFFF, v16  }
0x339: {  	v43 =	vand.u32 $0x7FFFFFFF, v21;
	v44 =	vand.u32 $0x7FFFFFFF, v19;
	v15 =	vand.u32 $0x7FFFFFFF, v20  }
0x33a: {  	v19 =	vand.u32 $0x7FFFFFFF, v22;
	v11 =	vsel vm7, $0x0, v1;
	v9 =	vsel vm4, $0x3F800000, v2  }
0x33b: {  	v13 =	vmin.f32 v24, $1.000000000e+00;
	v47 =	vmin.f32 v32, $1.000000000e+00;
	v10 =	vmin.f32 v30, $1.000000000e+00  }
0x33c: {  	v14 =	vmin.f32 v35, $1.000000000e+00;
	v16 =	vmin.f32 v12, $1.000000000e+00;
	v26 =	vmin.f32 v37, $1.000000000e+00  }
0x33d: {  	v23 =	vmin.f32 v38, $1.000000000e+00;
	v18 =	vmin.f32 v40, $1.000000000e+00;
	v29 =	vmin.f32 v42, $1.000000000e+00  }
0x33e: {  	v21 =	vmin.f32 v44, $1.000000000e+00;
	v20 =	vmul.f32 $5.000000000e-01, v10;
	v39 =	vmul.f32 $5.000000000e-01, v13  }
0x33f: {  	v22 =	vmin.f32 v15, $1.000000000e+00;
	v41 =	vmul.f32 $5.000000000e-01, v47;
	v48 =	vmul.f32 $5.000000000e-01, v14  }
0x340: {  	v6 =	vld [tilespmem:s6+$0x4E30];
	v28 =	vmin.f32 v43, $1.000000000e+00;
	v25 =	vmul.f32 $5.000000000e-01, v16;
	v49 =	vmul.f32 $5.000000000e-01, v26  }
0x341: {  	v7 =	vld [tilespmem:s6+$0x3E80];
	v27 =	vmin.f32 v19, $1.000000000e+00;
	v50 =	vmul.f32 $5.000000000e-01, v29;
	v51 =	vmul.f32 $5.000000000e-01, v23  }
0x342: {  	v8 =	vld [tilespmem:s6+$0x4E20];
	v52 =	vmul.f32 $5.000000000e-01, v18;
	v24 =	vsub.f32 v24, v39;
	v20 =	vsub.f32 v30, v20  }
0x343: {  	v53 =	vmul.f32 $5.000000000e-01, v21;
	v30 =	vsub.f32 v35, v48;
	v32 =	vsub.f32 v32, v41  }
0x344: {  	v54 =	vmul.f32 $5.000000000e-01, v28;
	v41 =	vsub.f32 v37, v49;
	v42 =	vsub.f32 v42, v50  }
0x345: {  	v33 =	vmul.f32 $5.000000000e-01, v22;
	v38 =	vsub.f32 v38, v51;
	v35 =	vsub.f32 v40, v52  }
0x346: {  	v39 =	vmul.f32 $5.000000000e-01, v27;
	v40 =	vsub.f32 v43, v54;
	v37 =	vsub.f32 v44, v53  }
0x347: {  	v45 =	vand.u32 $0x7FFFFFFF, v7;
	v17 =	vand.u32 $0x7FFFFFFF, v6;
	v46 =	vand.u32 $0x7FFFFFFF, v8  }
0x348: {  	v7 =	vsel vm5, $0x0, v1;
	v34 =	vmin.f32 v45, $1.000000000e+00;
	v36 =	vmin.f32 v46, $1.000000000e+00  }
0x349: {  	v6 =	vsel vm6, $0x0, v1;
	v62 =	vmul.f32 $5.000000000e-01, v34;
	v63 =	vmul.f32 $5.000000000e-01, v36  }
0x34a: {  	v8 =	vsel vm3, $0x3F800000, v2;
	v31 =	vmin.f32 v17, $1.000000000e+00;
	v32 =	vmul.f32 v32, v47  }
0x34b: {  	s4 =	simm.s32 $0x0;
	s5 =	simm.s32 $0x100;
	v43 =	vmul.f32 $5.000000000e-01, v31;
	v44 =	vsub.f32 v45, v62;
	v45 =	vsub.f32 v46, v63  }
.LBB2_22:
0x34c: {  	s6 =	sshra.s32 s5, $0x2;
	v19 =	vsub.f32 v19, v39;
	v26 =	vmul.f32 v41, v26;
	v29 =	vmul.f32 v42, v29  }
0x34d: {  	v17 =	vsub.f32 v17, v43;
	v39 =	vld [tilespmem:s6+$0x8CD0];
	v34 =	vmul.f32 v44, v34;
	v36 =	vmul.f32 v45, v36  }
0x34e: {  	v28 =	vmul.f32 v40, v28;
	v23 =	vmul.f32 v38, v23;
	v15 =	vsub.f32 v15, v33;
	v41 =	vld [tilespmem:s6+$0x8CC0]  }
0x34f: {  	v19 =	vmul.f32 v19, v27;
	v17 =	vmul.f32 v17, v31;
	v33 =	vld [tilespmem:s6+$0x8CB0];
	v34 =	vadd.f32 v36, v34  }
0x350: {  	v21 =	vmul.f32 v37, v21;
	v12 =	vsub.f32 v12, v25;
	v15 =	vmul.f32 v15, v22;
	v27 =	vld [tilespmem:s6+$0x8CA0]  }
0x351: {  	v18 =	vmul.f32 v35, v18;
	v17 =	vadd.f32 v17, v19;
	v22 =	vld [tilespmem:s6+$0x6D90];
	v25 =	vadd.f32 v28, v34  }
0x352: {  	v12 =	vmul.f32 v12, v16;
	v16 =	vadd.f32 v29, v26;
	v15 =	vadd.f32 v15, v21;
	v19 =	vld [tilespmem:s6+$0x6D80]  }
0x353: {  	v14 =	vmul.f32 v30, v14;
	v17 =	vadd.f32 v18, v17;
	v21 =	vld [tilespmem:s6+$0x5DF0];
	v23 =	vadd.f32 v23, v25  }
0x354: {  	v13 =	vmul.f32 v24, v13;
	v12 =	vadd.f32 v12, v15;
	v15 =	vadd.f32 v32, v16;
	v18 =	vld [tilespmem:s6+$0x6D70]  }
0x355: {  	v3 =	vadd.f32 v11, v3;
	v14 =	vadd.f32 v14, v17;
	v16 =	vld [tilespmem:s6+$0x5DE0];
	v11 =	vnsel vm4, $0x0, v23  }
0x356: {  	v4 =	vadd.f32 v9, v4;
	v9 =	vmul.f32 v20, v10;
	v17 =	vld [tilespmem:s6+$0x3EB0];
	v5 =	vadd.f32 v11, v5  }
0x357: {  	v3 =	vadd.f32 v7, v3;
	v7 =	vnsel vm3, $0x0, v14;
	v11 =	vadd.f32 v13, v12;
	v10 =	vld [tilespmem:s6+$0x4E50]  }
0x358: {  	v4 =	vadd.f32 v8, v4;
	v13 =	vld [tilespmem:s6+$0x6D60];
	v5 =	vadd.f32 v7, v5;
	v7 =	vsel vm2, $0x3F800000, v2  }
0x359: {  	v3 =	vadd.f32 v6, v3;
	v9 =	vadd.f32 v9, v15;
	v6 =	vnsel vm2, $0x0, v11;
	v8 =	vld [tilespmem:s6+$0x5DD0]  }
0x35a: {  	v4 =	vadd.f32 v7, v4;
	v11 =	vld [tilespmem:s6+$0x3EA0];
	v5 =	vadd.f32 v6, v5;
	v6 =	vsel vm1, $0x0, v1  }
0x35b: {  	v9 =	vnsel vm0, $0x0, v9;
	v7 =	vld [tilespmem:s6+$0x4E40];
	v3 =	vadd.f32 v6, v3;
	v6 =	vsel vm0, $0x3F800000, v2  }
0x35c: {  	v14 =	vld [tilespmem:s6+$0x5DC0];
	v4 =	vadd.f32 v6, v4;
	v5 =	vadd.f32 v9, v5  }
0x35d: {  	vm1 =	veq.s32 v39, $0xFFFFFFFF;
	vm0 =	veq.s32 v39, $0x1;
	v6 =	vld [tilespmem:s6+$0x3E90]  }
0x35e: {  	vm6 =	veq.s32 v41, $0xFFFFFFFF;
	vm5 =	veq.s32 v33, $0xFFFFFFFF;
	vm2 =	veq.s32 v41, $0x1;
	v9 =	vld [tilespmem:s6+$0x4E30]  }
0x35f: {  	vm7 =	veq.s32 v27, $0xFFFFFFFF;
	vm4 =	veq.s32 v27, $0x1;
	vm3 =	veq.s32 v33, $0x1;
	v20 =	vld [tilespmem:s6+$0x3E80]  }
0x360: {  	v30 =	vand.u32 $0x7FFFFFFF, v22;
	v24 =	vand.u32 $0x7FFFFFFF, v19;
	v32 =	vand.u32 $0x7FFFFFFF, v21;
	v23 =	vld [tilespmem:s6+$0x4E20]  }
0x361: {  	v35 =	vand.u32 $0x7FFFFFFF, v18;
	v12 =	vand.u32 $0x7FFFFFFF, v16;
	v37 =	vand.u32 $0x7FFFFFFF, v17  }
0x362: {  	v42 =	vand.u32 $0x7FFFFFFF, v10;
	v38 =	vand.u32 $0x7FFFFFFF, v13;
	v40 =	vand.u32 $0x7FFFFFFF, v8  }
0x363: {  	v44 =	vand.u32 $0x7FFFFFFF, v11;
	v15 =	vand.u32 $0x7FFFFFFF, v7;
	v43 =	vand.u32 $0x7FFFFFFF, v14  }
0x364: {  	v19 =	vand.u32 $0x7FFFFFFF, v6;
	v17 =	vand.u32 $0x7FFFFFFF, v9;
	v45 =	vand.u32 $0x7FFFFFFF, v20  }
0x365: {  	v7 =	vsel vm5, $0x0, v1;
	v6 =	vsel vm6, $0x0, v1;
	v46 =	vand.u32 $0x7FFFFFFF, v23  }
0x366: {  	v8 =	vsel vm3, $0x3F800000, v2;
	v11 =	vsel vm7, $0x0, v1;
	v9 =	vsel vm4, $0x3F800000, v2  }
0x367: {  	v47 =	vmin.f32 v32, $1.000000000e+00;
	v10 =	vmin.f32 v30, $1.000000000e+00;
	v13 =	vmin.f32 v24, $1.000000000e+00  }
0x368: {  	v16 =	vmin.f32 v12, $1.000000000e+00;
	v26 =	vmin.f32 v37, $1.000000000e+00;
	v14 =	vmin.f32 v35, $1.000000000e+00  }
0x369: {  	v29 =	vmin.f32 v42, $1.000000000e+00;
	v18 =	vmin.f32 v40, $1.000000000e+00;
	v23 =	vmin.f32 v38, $1.000000000e+00  }
0x36a: {  	v21 =	vmin.f32 v44, $1.000000000e+00;
	v22 =	vmin.f32 v15, $1.000000000e+00;
	v20 =	vmul.f32 $5.000000000e-01, v10  }
0x36b: {  	s4 =	sadd.s32 $0x4, s4;
	v41 =	vmul.f32 $5.000000000e-01, v47;
	v39 =	vmul.f32 $5.000000000e-01, v13;
	v28 =	vmin.f32 v43, $1.000000000e+00  }
0x36c: {  	p0 =	slt.u32 s4, $0xF4;
	v25 =	vmul.f32 $5.000000000e-01, v16;
	v48 =	vmul.f32 $5.000000000e-01, v14;
	v27 =	vmin.f32 v19, $1.000000000e+00  }
0x36d: {  	v49 =	vmul.f32 $5.000000000e-01, v26;
	v50 =	vmul.f32 $5.000000000e-01, v29;
	v31 =	vmin.f32 v17, $1.000000000e+00  }
0x36e: {  	v52 =	vmul.f32 $5.000000000e-01, v18;
	v34 =	vmin.f32 v45, $1.000000000e+00;
	v51 =	vmul.f32 $5.000000000e-01, v23  }
0x36f: {  	v53 =	vmul.f32 $5.000000000e-01, v21;
	v33 =	vmul.f32 $5.000000000e-01, v22;
	v36 =	vmin.f32 v46, $1.000000000e+00  }
0x370: {  	v24 =	vsub.f32 v24, v39;
	v54 =	vmul.f32 $5.000000000e-01, v28;
	v20 =	vsub.f32 v30, v20  }
.Ltmp10:
0x371: {  	v32 =	vsub.f32 v32, v41;
	v39 =	vmul.f32 $5.000000000e-01, v27;
	v30 =	vsub.f32 v35, v48;
	(pc) =	sbr.rel @p0 .LBB2_22-.Ltmp10, $4  }
0x372: {  	v41 =	vsub.f32 v37, v49;
	v42 =	vsub.f32 v42, v50;
	v48 =	vmul.f32 $5.000000000e-01, v34  }
0x373: {  	v35 =	vsub.f32 v40, v52;
	v49 =	vmul.f32 $5.000000000e-01, v36;
	v38 =	vsub.f32 v38, v51  }
0x374: {  	v37 =	vsub.f32 v44, v53;
	v40 =	vsub.f32 v43, v54;
	v43 =	vmul.f32 $5.000000000e-01, v31  }
0x375: {  	s5 =	sadd.s32 $0x100, s5;
	v32 =	vmul.f32 v32, v47;
	v44 =	vsub.f32 v45, v48;
	v45 =	vsub.f32 v46, v49  }
0x376: {  	v26 =	vmul.f32 v41, v26  }
0x377: {  	v19 =	vsub.f32 v19, v39;
	v29 =	vmul.f32 v42, v29;
	v28 =	vmul.f32 v40, v28  }
0x378: {  	v17 =	vsub.f32 v17, v43;
	v34 =	vmul.f32 v44, v34;
	v36 =	vmul.f32 v45, v36  }
0x379: {  	v23 =	vmul.f32 v38, v23;
	v15 =	vsub.f32 v15, v33;
	v21 =	vmul.f32 v37, v21  }
0x37a: {  	v19 =	vmul.f32 v19, v27;
	v17 =	vmul.f32 v17, v31;
	v55 =	vadd.f32 v36, v34  }
0x37b: {  	v12 =	vsub.f32 v12, v25;
	v3 =	vadd.f32 v11, v3;
	v15 =	vmul.f32 v15, v22  }
0x37c: {  	v18 =	vmul.f32 v35, v18;
	v17 =	vadd.f32 v17, v19;
	v56 =	vadd.f32 v28, v55  }
0x37d: {  	v14 =	vmul.f32 v30, v14;
	v4 =	vadd.f32 v9, v4;
	v15 =	vadd.f32 v15, v21  }
0x37e: {  	v12 =	vmul.f32 v12, v16;
	v17 =	vadd.f32 v18, v17;
	v58 =	vadd.f32 v23, v56  }
0x37f: {  	v13 =	vmul.f32 v24, v13;
	v57 =	vadd.f32 v29, v26;
	v3 =	vadd.f32 v7, v3  }
0x380: {  	v12 =	vadd.f32 v12, v15;
	v14 =	vadd.f32 v14, v17;
	v60 =	vnsel vm4, $0x0, v58  }
0x381: {  	v61 =	vmul.f32 v20, v10;
	v4 =	vadd.f32 v8, v4;
	v5 =	vadd.f32 v60, v5  }
0x382: {  	v59 =	vadd.f32 v32, v57;
	v62 =	vadd.f32 v13, v12;
	v7 =	vnsel vm3, $0x0, v14  }
0x383: {  	v3 =	vadd.f32 v6, v3;
	v5 =	vadd.f32 v7, v5  }
0x384: {  	v63 =	vadd.f32 v61, v59;
	v6 =	vnsel vm2, $0x0, v62;
	v7 =	vsel vm2, $0x3F800000, v2  }
0x385: {  	v4 =	vadd.f32 v7, v4;
	v5 =	vadd.f32 v6, v5;
	v6 =	vsel vm1, $0x0, v1  }
0x386: {  	v7 =	vnsel vm0, $0x0, v63;
	v3 =	vadd.f32 v6, v3;
	v6 =	vsel vm0, $0x3F800000, v2  }
0x387: {  	v4 =	vadd.f32 v6, v4;
	v5 =	vadd.f32 v7, v5  }
.LBB2_24:
0x388: {  	s4 =	sshra.s32 s3, $0x2  }
0x389: {  	v6 =	vld [tilespmem:s4+$0x4E00]  }
0x38a: {  	v7 =	vld [tilespmem:s4+$0x5DA0]  }
0x38b: {  	v8 =	vld [tilespmem:s4+$0x6D40]  }
0x38c: {  	v9 =	vld [tilespmem:s4+$0x7CE0];
	_ =	sdelay $0x2  }
0x38d: {  	v6 =	vand.u32 $0x7FFFFFFF, v6;
	v7 =	vand.u32 $0x7FFFFFFF, v7  }
0x38e: {  	v8 =	vand.u32 $0x7FFFFFFF, v8;
	v10 =	vmin.f32 v6, $1.000000000e+00;
	v12 =	vmin.f32 v7, $1.000000000e+00  }
0x38f: {  	v9 =	vand.u32 $0x7FFFFFFF, v9;
	v11 =	vmul.f32 $5.000000000e-01, v10;
	v13 =	vmul.f32 $5.000000000e-01, v12  }
0x390: {  	v58 =	vmin.f32 v8, $1.000000000e+00;
	v60 =	vmin.f32 v9, $1.000000000e+00  }
0x391: {  	v59 =	vmul.f32 $5.000000000e-01, v58;
	v6 =	vsub.f32 v6, v11;
	v7 =	vsub.f32 v7, v13  }
0x392: {  	v61 =	vmul.f32 $5.000000000e-01, v60  }
0x393: {  	v8 =	vsub.f32 v8, v59;
	v6 =	vmul.f32 v6, v10;
	v7 =	vmul.f32 v7, v12  }
0x394: {  	v62 =	vld [tilespmem:s4+$0x9C20]  }
0x395: {  	v63 =	vsub.f32 v9, v61;
	v6 =	vadd.f32 v7, v6;
	v7 =	vmul.f32 v8, v58;
	_ =	sdelay $0x1  }
0x396: {  	p0 =	sne.s32 s3, $0x40;
	v6 =	vadd.f32 v7, v6;
	v7 =	vmul.f32 v63, v60  }
.Ltmp11:
0x397: {  	_ = 	snop;
	(pc) =	sbr.rel @p0 .LBB2_24-.Ltmp11, $4  }
0x398: {  	vm0 =	veq.s32 v62, $0xFFFFFFFF;
	v6 =	vadd.f32 v7, v6  }
0x399: {  	vm15 =	veq.s32 v62, $0x1;
	v7 =	vsel vm0, $0x0, v1  }
0x39a: {  	v3 =	vadd.f32 v7, v3;
	v7 =	vsel vm15, $0x3F800000, v2;
	v6 =	vnsel vm15, $0x0, v6  }
0x39b: {  	s3 =	sadd.s32 $0x40, s3;
	v4 =	vadd.f32 v7, v4;
	v5 =	vadd.f32 v6, v5  }
0x39c: {  	[tilespmem:s23], [sflag:$0x2] =	stream.linear.gather [hbm4b:s8+s2], $0xCB0, $0x38;
	[tilespmem:$0x9C70] =	vst v63  }
0x39d: {  	_ = 	snop  }
0x39e: {  	[tilespmem:s24], [sflag:$0x2] =	stream.linear.gather [hbm4b:s9+s2], $0xCB0, $0x38;
	[tilespmem:$0x9C70] =	vst v63  }
0x39f: {  	_ = 	snop  }
0x3a0: {  	[tilespmem:s25], [sflag:$0x2] =	stream.linear.gather [hbm4b:s10+s2], $0xCB0, $0x38;
	[tilespmem:$0x9C70] =	vst v63  }
0x3a1: {  	_ = 	snop  }
0x3a2: {  	[tilespmem:s26], [sflag:$0x2] =	stream.linear.gather [hbm4b:s11+s2], $0xCB0, $0x38;
	[tilespmem:$0x9C70] =	vst v63  }
0x3a3: {  	_ = 	snop  }
0x3a4: {  	[tilespmem:s28], [sflag:$0x2] =	stream.linear.gather [hbm4b:s12+s2], $0xCB0, $0x38;
	[tilespmem:$0x9C70] =	vst v63  }
0x3a5: {  	_ =	swait.ge [sflag:s29], $0xFA0  }
0x3a6: {  	[sflag:s29] =	ssyncset.done $0x0  }
0x3a7: {  	[sflag:s29] =	ssyncadd.s32 $0xFFFFF060  }
0x3a8: {  	_ =	swait.ge [sflag:s29], $0xFA0  }
0x3a9: {  	[sflag:s29] =	ssyncset.done $0x0  }
0x3aa: {  	[sflag:s29] =	ssyncadd.s32 $0xFFFFF060  }
0x3ab: {  	_ =	swait.ge [sflag:s29], $0xFA0  }
0x3ac: {  	[sflag:s29] =	ssyncset.done $0x0  }
0x3ad: {  	[sflag:s29] =	ssyncadd.s32 $0xFFFFF060  }
0x3ae: {  	_ =	swait.ge [sflag:s29], $0xFA0  }
0x3af: {  	[sflag:s29] =	ssyncset.done $0x0  }
0x3b0: {  	[sflag:s29] =	ssyncadd.s32 $0xFFFFF060  }
0x3b1: {  	_ =	swait.ge [sflag:s29], $0xFA0  }
0x3b2: {  	[sflag:s29] =	ssyncset.done $0x0  }
0x3b3: {  	s4 =	simm.s32 $0x7D20;
	[sflag:s29] =	ssyncadd.s32 $0xFFFFF060  }
0x3b4: {  	v6 =	vld [tilespmem:s4+$0x10]  }
0x3b5: {  	v7 =	vld [tilespmem:s4+$0x0]  }
0x3b6: {  	v8 =	vld [tilespmem:s4+$0xFFFFFFF0]  }
0x3b7: {  	s3 =	simm.s32 $0x1F40;
	v9 =	vld [tilespmem:s4+$0xFFFFFFE0]  }
0x3b8: {  	v10 =	vld [tilespmem:s3+$0xFD0]  }
0x3b9: {  	v11 =	vld [tilespmem:s3+$0xFC0]  }
0x3ba: {  	v12 =	vld [tilespmem:s3+$0x30]  }
0x3bb: {  	v13 =	vld [tilespmem:s3+$0xFB0]  }
0x3bc: {  	v14 =	vld [tilespmem:s3+$0x20]  }
0x3bd: {  	v15 =	vld [tilespmem:s3+$0xFFFFE0F0]  }
0x3be: {  	v16 =	vld [tilespmem:s3+$0xFFFFF090]  }
0x3bf: {  	v17 =	vld [tilespmem:s3+$0xFA0]  }
0x3c0: {  	v18 =	vld [tilespmem:s3+$0x10]  }
0x3c1: {  	v19 =	vld [tilespmem:s3+$0xFFFFE0E0]  }
0x3c2: {  	v20 =	vld [tilespmem:s3+$0xFFFFF080];
	vm1 =	veq.s32 v6, $0xFFFFFFFF;
	vm0 =	veq.s32 v6, $0x1  }
0x3c3: {  	v21 =	vld [tilespmem:s3+$0x0];
	vm5 =	veq.s32 v8, $0xFFFFFFFF;
	vm6 =	veq.s32 v7, $0xFFFFFFFF;
	vm2 =	veq.s32 v7, $0x1  }
0x3c4: {  	v22 =	vld [tilespmem:s3+$0xFFFFE0D0];
	vm7 =	veq.s32 v9, $0xFFFFFFFF;
	vm4 =	veq.s32 v9, $0x1;
	vm3 =	veq.s32 v8, $0x1  }
0x3c5: {  	v23 =	vand.u32 $0x7FFFFFFF, v11;
	v29 =	vand.u32 $0x7FFFFFFF, v12;
	v27 =	vand.u32 $0x7FFFFFFF, v10  }
0x3c6: {  	v32 =	vand.u32 $0x7FFFFFFF, v13;
	v12 =	vand.u32 $0x7FFFFFFF, v14;
	v34 =	vand.u32 $0x7FFFFFFF, v15  }
0x3c7: {  	v35 =	vand.u32 $0x7FFFFFFF, v17;
	v36 =	vand.u32 $0x7FFFFFFF, v18;
	v37 =	vand.u32 $0x7FFFFFFF, v16  }
0x3c8: {  	v38 =	vand.u32 $0x7FFFFFFF, v21;
	v39 =	vand.u32 $0x7FFFFFFF, v19;
	v15 =	vand.u32 $0x7FFFFFFF, v20  }
0x3c9: {  	v43 =	vand.u32 $0x7FFFFFFF, v22;
	v11 =	vsel vm7, $0x0, v1;
	v9 =	vsel vm4, $0x3F800000, v2  }
0x3ca: {  	v13 =	vmin.f32 v23, $1.000000000e+00;
	v44 =	vmin.f32 v29, $1.000000000e+00;
	v10 =	vmin.f32 v27, $1.000000000e+00  }
0x3cb: {  	v14 =	vmin.f32 v32, $1.000000000e+00;
	v16 =	vmin.f32 v12, $1.000000000e+00;
	v45 =	vmin.f32 v34, $1.000000000e+00  }
0x3cc: {  	v22 =	vmin.f32 v35, $1.000000000e+00;
	v18 =	vmin.f32 v36, $1.000000000e+00;
	v46 =	vmin.f32 v37, $1.000000000e+00  }
0x3cd: {  	v20 =	vmin.f32 v39, $1.000000000e+00;
	v19 =	vmul.f32 $5.000000000e-01, v10;
	v40 =	vmul.f32 $5.000000000e-01, v13  }
0x3ce: {  	v21 =	vmin.f32 v15, $1.000000000e+00;
	v47 =	vmul.f32 $5.000000000e-01, v44;
	v48 =	vmul.f32 $5.000000000e-01, v14  }
0x3cf: {  	v26 =	vmin.f32 v38, $1.000000000e+00;
	v24 =	vmul.f32 $5.000000000e-01, v16;
	v49 =	vmul.f32 $5.000000000e-01, v45  }
0x3d0: {  	v7 =	vld [tilespmem:s3+$0xFFFFE0C0];
	v25 =	vmin.f32 v43, $1.000000000e+00;
	v50 =	vmul.f32 $5.000000000e-01, v46;
	v51 =	vmul.f32 $5.000000000e-01, v22  }
0x3d1: {  	v8 =	vld [tilespmem:s3+$0xFFFFF060];
	v52 =	vmul.f32 $5.000000000e-01, v18;
	v23 =	vsub.f32 v23, v40;
	v19 =	vsub.f32 v27, v19  }
0x3d2: {  	v6 =	vld [tilespmem:s3+$0xFFFFF070];
	v53 =	vmul.f32 $5.000000000e-01, v20;
	v27 =	vsub.f32 v32, v48;
	v29 =	vsub.f32 v29, v47  }
0x3d3: {  	v54 =	vmul.f32 $5.000000000e-01, v26;
	v34 =	vsub.f32 v34, v49;
	v62 =	vsub.f32 v37, v50  }
0x3d4: {  	v55 =	vmul.f32 $5.000000000e-01, v25;
	v37 =	vsub.f32 v35, v51;
	v32 =	vsub.f32 v36, v52  }
0x3d5: {  	v30 =	vmul.f32 $5.000000000e-01, v21;
	v38 =	vsub.f32 v38, v54;
	v36 =	vsub.f32 v39, v53  }
0x3d6: {  	v39 =	vsub.f32 v43, v55;
	v41 =	vand.u32 $0x7FFFFFFF, v7;
	v42 =	vand.u32 $0x7FFFFFFF, v8  }
0x3d7: {  	v17 =	vand.u32 $0x7FFFFFFF, v6;
	v31 =	vmin.f32 v41, $1.000000000e+00;
	v33 =	vmin.f32 v42, $1.000000000e+00  }
0x3d8: {  	v7 =	vsel vm5, $0x0, v1;
	v61 =	vmul.f32 $5.000000000e-01, v31;
	v63 =	vmul.f32 $5.000000000e-01, v33  }
0x3d9: {  	v6 =	vsel vm6, $0x0, v1;
	v28 =	vmin.f32 v17, $1.000000000e+00;
	v29 =	vmul.f32 v29, v44  }
0x3da: {  	v40 =	vmul.f32 $5.000000000e-01, v28;
	v41 =	vsub.f32 v41, v61;
	v42 =	vsub.f32 v42, v63  }
0x3db: {  	s5 =	simm.s32 $0x7D60;
	s4 =	simm.s32 $0x0;
	v8 =	vsel vm3, $0x3F800000, v2;
	v34 =	vmul.f32 v34, v45;
	v35 =	vmul.f32 v62, v46  }
.LBB2_26:
0x3dc: {  	v43 =	vld [tilespmem:s5+$0x10];
	v31 =	vmul.f32 v41, v31;
	v33 =	vmul.f32 v42, v33;
	v17 =	vsub.f32 v17, v40  }
0x3dd: {  	v26 =	vmul.f32 v38, v26;
	v22 =	vmul.f32 v37, v22;
	v15 =	vsub.f32 v15, v30;
	v40 =	vld [tilespmem:s5+$0x0]  }
0x3de: {  	v25 =	vmul.f32 v39, v25;
	v30 =	vld [tilespmem:s5+$0xFFFFFFF0];
	v31 =	vadd.f32 v33, v31;
	v17 =	vmul.f32 v17, v28  }
0x3df: {  	v20 =	vmul.f32 v36, v20;
	v12 =	vsub.f32 v12, v24;
	s3 =	sadd.s32 $0x40, s3;
	v15 =	vmul.f32 v15, v21;
	v28 =	vld [tilespmem:s5+$0xFFFFFFE0]  }
0x3e0: {  	v18 =	vmul.f32 v32, v18;
	v21 =	vld [tilespmem:s3+$0xFD0];
	v24 =	vadd.f32 v26, v31;
	v17 =	vadd.f32 v17, v25  }
0x3e1: {  	v12 =	vmul.f32 v12, v16;
	v16 =	vadd.f32 v35, v34;
	v15 =	vadd.f32 v15, v20;
	v25 =	vld [tilespmem:s3+$0xFC0]  }
0x3e2: {  	v14 =	vmul.f32 v27, v14;
	v20 =	vld [tilespmem:s3+$0x30];
	v22 =	vadd.f32 v22, v24;
	v17 =	vadd.f32 v18, v17  }
0x3e3: {  	v13 =	vmul.f32 v23, v13;
	v12 =	vadd.f32 v12, v15;
	v15 =	vadd.f32 v29, v16;
	v18 =	vld [tilespmem:s3+$0xFB0]  }
0x3e4: {  	v3 =	vadd.f32 v11, v3;
	v16 =	vld [tilespmem:s3+$0x20];
	v11 =	vnsel vm4, $0x0, v22;
	v14 =	vadd.f32 v14, v17  }
0x3e5: {  	v4 =	vadd.f32 v9, v4;
	v9 =	vmul.f32 v19, v10;
	v17 =	vld [tilespmem:s3+$0xFFFFE0F0];
	v5 =	vadd.f32 v11, v5  }
0x3e6: {  	v3 =	vadd.f32 v7, v3;
	v11 =	vadd.f32 v13, v12;
	v10 =	vld [tilespmem:s3+$0xFFFFF090];
	v7 =	vnsel vm3, $0x0, v14  }
0x3e7: {  	v4 =	vadd.f32 v8, v4;
	v13 =	vld [tilespmem:s3+$0xFA0];
	v5 =	vadd.f32 v7, v5;
	v7 =	vsel vm2, $0x3F800000, v2  }
0x3e8: {  	v3 =	vadd.f32 v6, v3;
	v9 =	vadd.f32 v9, v15;
	v6 =	vnsel vm2, $0x0, v11;
	v8 =	vld [tilespmem:s3+$0x10]  }
0x3e9: {  	v4 =	vadd.f32 v7, v4;
	v11 =	vld [tilespmem:s3+$0xFFFFE0E0];
	v5 =	vadd.f32 v6, v5;
	v6 =	vsel vm1, $0x0, v1  }
0x3ea: {  	v9 =	vnsel vm0, $0x0, v9;
	v7 =	vld [tilespmem:s3+$0xFFFFF080];
	v3 =	vadd.f32 v6, v3;
	v6 =	vsel vm0, $0x3F800000, v2  }
0x3eb: {  	v14 =	vld [tilespmem:s3+$0x0];
	v4 =	vadd.f32 v6, v4;
	v5 =	vadd.f32 v9, v5  }
0x3ec: {  	vm1 =	veq.s32 v43, $0xFFFFFFFF;
	vm0 =	veq.s32 v43, $0x1;
	v6 =	vld [tilespmem:s3+$0xFFFFE0D0]  }
0x3ed: {  	vm6 =	veq.s32 v40, $0xFFFFFFFF;
	vm5 =	veq.s32 v30, $0xFFFFFFFF;
	vm2 =	veq.s32 v40, $0x1;
	v9 =	vld [tilespmem:s3+$0xFFFFF070]  }
0x3ee: {  	vm7 =	veq.s32 v28, $0xFFFFFFFF;
	vm4 =	veq.s32 v28, $0x1;
	vm3 =	veq.s32 v30, $0x1;
	v19 =	vld [tilespmem:s3+$0xFFFFE0C0]  }
0x3ef: {  	v27 =	vand.u32 $0x7FFFFFFF, v21;
	v23 =	vand.u32 $0x7FFFFFFF, v25;
	v29 =	vand.u32 $0x7FFFFFFF, v20;
	v22 =	vld [tilespmem:s3+$0xFFFFF060]  }
0x3f0: {  	v32 =	vand.u32 $0x7FFFFFFF, v18;
	v12 =	vand.u32 $0x7FFFFFFF, v16;
	v34 =	vand.u32 $0x7FFFFFFF, v17  }
0x3f1: {  	v37 =	vand.u32 $0x7FFFFFFF, v10;
	v35 =	vand.u32 $0x7FFFFFFF, v13;
	v36 =	vand.u32 $0x7FFFFFFF, v8  }
0x3f2: {  	v39 =	vand.u32 $0x7FFFFFFF, v11;
	v15 =	vand.u32 $0x7FFFFFFF, v7;
	v38 =	vand.u32 $0x7FFFFFFF, v14  }
0x3f3: {  	v43 =	vand.u32 $0x7FFFFFFF, v6;
	v17 =	vand.u32 $0x7FFFFFFF, v9;
	v41 =	vand.u32 $0x7FFFFFFF, v19  }
0x3f4: {  	v7 =	vsel vm5, $0x0, v1;
	v6 =	vsel vm6, $0x0, v1;
	v42 =	vand.u32 $0x7FFFFFFF, v22  }
0x3f5: {  	v8 =	vsel vm3, $0x3F800000, v2;
	v11 =	vsel vm7, $0x0, v1;
	v9 =	vsel vm4, $0x3F800000, v2  }
0x3f6: {  	v44 =	vmin.f32 v29, $1.000000000e+00;
	v10 =	vmin.f32 v27, $1.000000000e+00;
	v13 =	vmin.f32 v23, $1.000000000e+00  }
0x3f7: {  	v16 =	vmin.f32 v12, $1.000000000e+00;
	v45 =	vmin.f32 v34, $1.000000000e+00;
	v14 =	vmin.f32 v32, $1.000000000e+00  }
0x3f8: {  	v46 =	vmin.f32 v37, $1.000000000e+00;
	v18 =	vmin.f32 v36, $1.000000000e+00;
	v22 =	vmin.f32 v35, $1.000000000e+00  }
0x3f9: {  	v20 =	vmin.f32 v39, $1.000000000e+00;
	v21 =	vmin.f32 v15, $1.000000000e+00;
	v19 =	vmul.f32 $5.000000000e-01, v10  }
0x3fa: {  	v47 =	vmul.f32 $5.000000000e-01, v44;
	v40 =	vmul.f32 $5.000000000e-01, v13;
	v26 =	vmin.f32 v38, $1.000000000e+00  }
0x3fb: {  	s4 =	sadd.s32 $0x4, s4;
	v24 =	vmul.f32 $5.000000000e-01, v16;
	v48 =	vmul.f32 $5.000000000e-01, v14;
	v25 =	vmin.f32 v43, $1.000000000e+00  }
0x3fc: {  	p0 =	slt.u32 s4, $0xF4;
	v49 =	vmul.f32 $5.000000000e-01, v45;
	v50 =	vmul.f32 $5.000000000e-01, v46;
	v28 =	vmin.f32 v17, $1.000000000e+00  }
0x3fd: {  	v52 =	vmul.f32 $5.000000000e-01, v18;
	v31 =	vmin.f32 v41, $1.000000000e+00;
	v51 =	vmul.f32 $5.000000000e-01, v22  }
0x3fe: {  	v53 =	vmul.f32 $5.000000000e-01, v20;
	v30 =	vmul.f32 $5.000000000e-01, v21;
	v33 =	vmin.f32 v42, $1.000000000e+00  }
0x3ff: {  	v23 =	vsub.f32 v23, v40;
	v54 =	vmul.f32 $5.000000000e-01, v26;
	v19 =	vsub.f32 v27, v19  }
0x400: {  	v29 =	vsub.f32 v29, v47;
	v55 =	vmul.f32 $5.000000000e-01, v25;
	v27 =	vsub.f32 v32, v48  }
.Ltmp12:
0x401: {  	v34 =	vsub.f32 v34, v49;
	v47 =	vmul.f32 $5.000000000e-01, v31;
	v48 =	vsub.f32 v37, v50;
	(pc) =	sbr.rel @p0 .LBB2_26-.Ltmp12, $4  }
0x402: {  	v32 =	vsub.f32 v36, v52;
	v49 =	vmul.f32 $5.000000000e-01, v33;
	v37 =	vsub.f32 v35, v51  }
0x403: {  	v38 =	vsub.f32 v38, v54;
	v40 =	vmul.f32 $5.000000000e-01, v28;
	v36 =	vsub.f32 v39, v53  }
0x404: {  	v29 =	vmul.f32 v29, v44;
	v41 =	vsub.f32 v41, v47;
	v42 =	vsub.f32 v42, v49  }
0x405: {  	s5 =	sadd.s32 $0x40, s5;
	v34 =	vmul.f32 v34, v45;
	v39 =	vsub.f32 v43, v55;
	v35 =	vmul.f32 v48, v46  }
0x406: {  	v31 =	vmul.f32 v41, v31  }
0x407: {  	v33 =	vmul.f32 v42, v33;
	v17 =	vsub.f32 v17, v40;
	v26 =	vmul.f32 v38, v26  }
0x408: {  	v22 =	vmul.f32 v37, v22;
	v15 =	vsub.f32 v15, v30;
	v20 =	vmul.f32 v36, v20  }
0x409: {  	v25 =	vmul.f32 v39, v25;
	v55 =	vadd.f32 v33, v31;
	v17 =	vmul.f32 v17, v28  }
0x40a: {  	v12 =	vsub.f32 v12, v24;
	v3 =	vadd.f32 v11, v3;
	v15 =	vmul.f32 v15, v21  }
0x40b: {  	v18 =	vmul.f32 v32, v18;
	v56 =	vadd.f32 v26, v55;
	v17 =	vadd.f32 v17, v25  }
0x40c: {  	v14 =	vmul.f32 v27, v14;
	v4 =	vadd.f32 v9, v4;
	v15 =	vadd.f32 v15, v20  }
0x40d: {  	v12 =	vmul.f32 v12, v16;
	v58 =	vadd.f32 v22, v56;
	v17 =	vadd.f32 v18, v17  }
0x40e: {  	v13 =	vmul.f32 v23, v13;
	v57 =	vadd.f32 v35, v34;
	v3 =	vadd.f32 v7, v3  }
0x40f: {  	v12 =	vadd.f32 v12, v15;
	v60 =	vnsel vm4, $0x0, v58;
	v14 =	vadd.f32 v14, v17  }
0x410: {  	v61 =	vmul.f32 v19, v10;
	v4 =	vadd.f32 v8, v4;
	v5 =	vadd.f32 v60, v5  }
0x411: {  	v59 =	vadd.f32 v29, v57;
	v62 =	vadd.f32 v13, v12;
	v7 =	vnsel vm3, $0x0, v14  }
0x412: {  	v3 =	vadd.f32 v6, v3;
	v5 =	vadd.f32 v7, v5  }
0x413: {  	v63 =	vadd.f32 v61, v59;
	v6 =	vnsel vm2, $0x0, v62;
	v7 =	vsel vm2, $0x3F800000, v2  }
0x414: {  	v4 =	vadd.f32 v7, v4;
	v5 =	vadd.f32 v6, v5;
	v6 =	vsel vm1, $0x0, v1  }
0x415: {  	v7 =	vnsel vm0, $0x0, v63;
	v3 =	vadd.f32 v6, v3;
	v6 =	vsel vm0, $0x3F800000, v2  }
0x416: {  	s3 =	simm.s32 $0x0;
	v4 =	vadd.f32 v6, v4;
	v5 =	vadd.f32 v7, v5  }
.LBB2_28:
0x417: {  	s4 =	sshra.s32 s3, $0x2  }
0x418: {  	v6 =	vld [tilespmem:s4+$0xF80]  }
0x419: {  	v7 =	vld [tilespmem:s4+$0x1F20]  }
0x41a: {  	v8 =	vld [tilespmem:s4+$0x2EC0]  }
0x41b: {  	v9 =	vld [tilespmem:s4+$0x3E60];
	_ =	sdelay $0x2  }
0x41c: {  	v6 =	vand.u32 $0x7FFFFFFF, v6;
	v7 =	vand.u32 $0x7FFFFFFF, v7  }
0x41d: {  	v8 =	vand.u32 $0x7FFFFFFF, v8;
	v10 =	vmin.f32 v6, $1.000000000e+00;
	v12 =	vmin.f32 v7, $1.000000000e+00  }
0x41e: {  	v9 =	vand.u32 $0x7FFFFFFF, v9;
	v11 =	vmul.f32 $5.000000000e-01, v10;
	v13 =	vmul.f32 $5.000000000e-01, v12  }
0x41f: {  	v58 =	vmin.f32 v8, $1.000000000e+00;
	v60 =	vmin.f32 v9, $1.000000000e+00  }
0x420: {  	v59 =	vmul.f32 $5.000000000e-01, v58;
	v6 =	vsub.f32 v6, v11;
	v7 =	vsub.f32 v7, v13  }
0x421: {  	v61 =	vmul.f32 $5.000000000e-01, v60  }
0x422: {  	v8 =	vsub.f32 v8, v59;
	v6 =	vmul.f32 v6, v10;
	v7 =	vmul.f32 v7, v12  }
0x423: {  	v62 =	vld [tilespmem:s4+$0x8C80]  }
0x424: {  	v63 =	vsub.f32 v9, v61;
	v6 =	vadd.f32 v7, v6;
	v7 =	vmul.f32 v8, v58;
	_ =	sdelay $0x1  }
0x425: {  	p0 =	sne.s32 s3, $0x40;
	v6 =	vadd.f32 v7, v6;
	v7 =	vmul.f32 v63, v60  }
.Ltmp13:
0x426: {  	_ = 	snop;
	(pc) =	sbr.rel @p0 .LBB2_28-.Ltmp13, $4  }
0x427: {  	vm0 =	veq.s32 v62, $0xFFFFFFFF;
	v6 =	vadd.f32 v7, v6  }
0x428: {  	vm15 =	veq.s32 v62, $0x1;
	v7 =	vsel vm0, $0x0, v1  }
0x429: {  	v3 =	vadd.f32 v7, v3;
	v7 =	vsel vm15, $0x3F800000, v2;
	v6 =	vnsel vm15, $0x0, v6  }
0x42a: {  	s3 =	sadd.s32 $0x40, s3;
	v4 =	vadd.f32 v7, v4;
	v5 =	vadd.f32 v6, v5  }
0x42b: {  	s3 =	simm.s32 $0x0  }
0x42c: {  	[tilespmem:s3], [sflag:$0x1] =	stream.linear.gather [hbm4b:s13+s3], $0x40, $0x38;
	[tilespmem:$0x9C70] =	vst v63  }
0x42d: {  	_ = 	snop  }
0x42e: {  	[tilespmem:s20], [sflag:$0x1] =	stream.linear.gather [hbm4b:s14+s3], $0x40, $0x38;
	[tilespmem:$0x9C70] =	vst v63  }
0x42f: {  	_ = 	snop  }
0x430: {  	[tilespmem:s30], [sflag:$0x1] =	stream.linear.gather [hbm4b:s15+s3], $0x40, $0x38;
	[tilespmem:$0x9C70] =	vst v63  }
0x431: {  	_ = 	snop  }
0x432: {  	[tilespmem:s21], [sflag:$0x1] =	stream.linear.gather [hbm4b:s16+s3], $0x40, $0x38;
	[tilespmem:$0x9C70] =	vst v63  }
0x433: {  	_ = 	snop  }
0x434: {  	[tilespmem:s22], [sflag:$0x1] =	stream.linear.gather [hbm4b:s17+s3], $0x40, $0x38;
	[tilespmem:$0x9C70] =	vst v63  }
0x435: {  	_ =	swait.ge [sflag:s31], $0xCB0  }
0x436: {  	[sflag:s31] =	ssyncset.done $0x0  }
0x437: {  	[sflag:s31] =	ssyncadd.s32 $0xFFFFF350  }
0x438: {  	_ =	swait.ge [sflag:s31], $0xCB0  }
0x439: {  	[sflag:s31] =	ssyncset.done $0x0  }
0x43a: {  	[sflag:s31] =	ssyncadd.s32 $0xFFFFF350  }
0x43b: {  	_ =	swait.ge [sflag:s31], $0xCB0  }
0x43c: {  	[sflag:s31] =	ssyncset.done $0x0  }
0x43d: {  	[sflag:s31] =	ssyncadd.s32 $0xFFFFF350  }
0x43e: {  	_ =	swait.ge [sflag:s31], $0xCB0  }
0x43f: {  	[sflag:s31] =	ssyncset.done $0x0  }
0x440: {  	[sflag:s31] =	ssyncadd.s32 $0xFFFFF350  }
0x441: {  	_ =	swait.ge [sflag:s31], $0xCB0  }
0x442: {  	[sflag:s31] =	ssyncset.done $0x0  }
0x443: {  	s4 =	simm.s32 $0x0;
	[sflag:s31] =	ssyncadd.s32 $0xFFFFF350  }
0x444: {  	v6 =	vld [tilespmem:s4+$0x8CD0]  }
0x445: {  	v7 =	vld [tilespmem:s4+$0x8CC0]  }
0x446: {  	v8 =	vld [tilespmem:s4+$0x8CB0]  }
0x447: {  	v9 =	vld [tilespmem:s4+$0x8CA0]  }
0x448: {  	v10 =	vld [tilespmem:s4+$0x6D90]  }
0x449: {  	v11 =	vld [tilespmem:s4+$0x6D80]  }
0x44a: {  	v12 =	vld [tilespmem:s4+$0x5DF0]  }
0x44b: {  	v13 =	vld [tilespmem:s4+$0x6D70]  }
0x44c: {  	v14 =	vld [tilespmem:s4+$0x5DE0]  }
0x44d: {  	v15 =	vld [tilespmem:s4+$0x3EB0]  }
0x44e: {  	v16 =	vld [tilespmem:s4+$0x4E50]  }
0x44f: {  	v17 =	vld [tilespmem:s4+$0x6D60]  }
0x450: {  	v18 =	vld [tilespmem:s4+$0x5DD0]  }
0x451: {  	v19 =	vld [tilespmem:s4+$0x3EA0]  }
0x452: {  	v20 =	vld [tilespmem:s4+$0x4E40];
	vm1 =	veq.s32 v6, $0xFFFFFFFF;
	vm0 =	veq.s32 v6, $0x1  }
0x453: {  	v21 =	vld [tilespmem:s4+$0x5DC0];
	vm5 =	veq.s32 v8, $0xFFFFFFFF;
	vm6 =	veq.s32 v7, $0xFFFFFFFF;
	vm2 =	veq.s32 v7, $0x1  }
0x454: {  	v22 =	vld [tilespmem:s4+$0x3E90];
	vm7 =	veq.s32 v9, $0xFFFFFFFF;
	vm4 =	veq.s32 v9, $0x1;
	vm3 =	veq.s32 v8, $0x1  }
0x455: {  	v24 =	vand.u32 $0x7FFFFFFF, v11;
	v32 =	vand.u32 $0x7FFFFFFF, v12;
	v30 =	vand.u32 $0x7FFFFFFF, v10  }
0x456: {  	v35 =	vand.u32 $0x7FFFFFFF, v13;
	v12 =	vand.u32 $0x7FFFFFFF, v14;
	v37 =	vand.u32 $0x7FFFFFFF, v15  }
0x457: {  	v38 =	vand.u32 $0x7FFFFFFF, v17;
	v40 =	vand.u32 $0x7FFFFFFF, v18;
	v42 =	vand.u32 $0x7FFFFFFF, v16  }
0x458: {  	v43 =	vand.u32 $0x7FFFFFFF, v21;
	v44 =	vand.u32 $0x7FFFFFFF, v19;
	v15 =	vand.u32 $0x7FFFFFFF, v20  }
0x459: {  	v19 =	vand.u32 $0x7FFFFFFF, v22;
	v11 =	vsel vm7, $0x0, v1;
	v9 =	vsel vm4, $0x3F800000, v2  }
0x45a: {  	v13 =	vmin.f32 v24, $1.000000000e+00;
	v47 =	vmin.f32 v32, $1.000000000e+00;
	v10 =	vmin.f32 v30, $1.000000000e+00  }
0x45b: {  	v14 =	vmin.f32 v35, $1.000000000e+00;
	v16 =	vmin.f32 v12, $1.000000000e+00;
	v26 =	vmin.f32 v37, $1.000000000e+00  }
0x45c: {  	v23 =	vmin.f32 v38, $1.000000000e+00;
	v18 =	vmin.f32 v40, $1.000000000e+00;
	v29 =	vmin.f32 v42, $1.000000000e+00  }
0x45d: {  	v21 =	vmin.f32 v44, $1.000000000e+00;
	v20 =	vmul.f32 $5.000000000e-01, v10;
	v39 =	vmul.f32 $5.000000000e-01, v13  }
0x45e: {  	v22 =	vmin.f32 v15, $1.000000000e+00;
	v41 =	vmul.f32 $5.000000000e-01, v47;
	v48 =	vmul.f32 $5.000000000e-01, v14  }
0x45f: {  	v6 =	vld [tilespmem:s4+$0x4E30];
	v28 =	vmin.f32 v43, $1.000000000e+00;
	v25 =	vmul.f32 $5.000000000e-01, v16;
	v49 =	vmul.f32 $5.000000000e-01, v26  }
0x460: {  	v7 =	vld [tilespmem:s4+$0x3E80];
	v27 =	vmin.f32 v19, $1.000000000e+00;
	v50 =	vmul.f32 $5.000000000e-01, v29;
	v51 =	vmul.f32 $5.000000000e-01, v23  }
0x461: {  	v8 =	vld [tilespmem:s4+$0x4E20];
	v52 =	vmul.f32 $5.000000000e-01, v18;
	v24 =	vsub.f32 v24, v39;
	v20 =	vsub.f32 v30, v20  }
0x462: {  	v53 =	vmul.f32 $5.000000000e-01, v21;
	v30 =	vsub.f32 v35, v48;
	v32 =	vsub.f32 v32, v41  }
0x463: {  	v54 =	vmul.f32 $5.000000000e-01, v28;
	v41 =	vsub.f32 v37, v49;
	v42 =	vsub.f32 v42, v50  }
0x464: {  	v33 =	vmul.f32 $5.000000000e-01, v22;
	v38 =	vsub.f32 v38, v51;
	v35 =	vsub.f32 v40, v52  }
0x465: {  	v39 =	vmul.f32 $5.000000000e-01, v27;
	v40 =	vsub.f32 v43, v54;
	v37 =	vsub.f32 v44, v53  }
0x466: {  	v45 =	vand.u32 $0x7FFFFFFF, v7;
	v17 =	vand.u32 $0x7FFFFFFF, v6;
	v46 =	vand.u32 $0x7FFFFFFF, v8  }
0x467: {  	v7 =	vsel vm5, $0x0, v1;
	v34 =	vmin.f32 v45, $1.000000000e+00;
	v36 =	vmin.f32 v46, $1.000000000e+00  }
0x468: {  	v6 =	vsel vm6, $0x0, v1;
	v62 =	vmul.f32 $5.000000000e-01, v34;
	v63 =	vmul.f32 $5.000000000e-01, v36  }
0x469: {  	v8 =	vsel vm3, $0x3F800000, v2;
	v31 =	vmin.f32 v17, $1.000000000e+00;
	v32 =	vmul.f32 v32, v47  }
0x46a: {  	s5 =	simm.s32 $0x100;
	s4 =	simm.s32 $0x0;
	v43 =	vmul.f32 $5.000000000e-01, v31;
	v44 =	vsub.f32 v45, v62;
	v45 =	vsub.f32 v46, v63  }
.LBB2_30:
0x46b: {  	s6 =	sshra.s32 s5, $0x2;
	v19 =	vsub.f32 v19, v39;
	v26 =	vmul.f32 v41, v26;
	v29 =	vmul.f32 v42, v29  }
0x46c: {  	v17 =	vsub.f32 v17, v43;
	v39 =	vld [tilespmem:s6+$0x8CD0];
	v34 =	vmul.f32 v44, v34;
	v36 =	vmul.f32 v45, v36  }
0x46d: {  	v28 =	vmul.f32 v40, v28;
	v23 =	vmul.f32 v38, v23;
	v15 =	vsub.f32 v15, v33;
	v41 =	vld [tilespmem:s6+$0x8CC0]  }
0x46e: {  	v19 =	vmul.f32 v19, v27;
	v17 =	vmul.f32 v17, v31;
	v33 =	vld [tilespmem:s6+$0x8CB0];
	v34 =	vadd.f32 v36, v34  }
0x46f: {  	v21 =	vmul.f32 v37, v21;
	v12 =	vsub.f32 v12, v25;
	v15 =	vmul.f32 v15, v22;
	v27 =	vld [tilespmem:s6+$0x8CA0]  }
0x470: {  	v18 =	vmul.f32 v35, v18;
	v17 =	vadd.f32 v17, v19;
	v22 =	vld [tilespmem:s6+$0x6D90];
	v25 =	vadd.f32 v28, v34  }
0x471: {  	v12 =	vmul.f32 v12, v16;
	v16 =	vadd.f32 v29, v26;
	v15 =	vadd.f32 v15, v21;
	v19 =	vld [tilespmem:s6+$0x6D80]  }
0x472: {  	v14 =	vmul.f32 v30, v14;
	v17 =	vadd.f32 v18, v17;
	v21 =	vld [tilespmem:s6+$0x5DF0];
	v23 =	vadd.f32 v23, v25  }
0x473: {  	v13 =	vmul.f32 v24, v13;
	v12 =	vadd.f32 v12, v15;
	v15 =	vadd.f32 v32, v16;
	v18 =	vld [tilespmem:s6+$0x6D70]  }
0x474: {  	v3 =	vadd.f32 v11, v3;
	v14 =	vadd.f32 v14, v17;
	v16 =	vld [tilespmem:s6+$0x5DE0];
	v11 =	vnsel vm4, $0x0, v23  }
0x475: {  	v4 =	vadd.f32 v9, v4;
	v9 =	vmul.f32 v20, v10;
	v17 =	vld [tilespmem:s6+$0x3EB0];
	v5 =	vadd.f32 v11, v5  }
0x476: {  	v3 =	vadd.f32 v7, v3;
	v7 =	vnsel vm3, $0x0, v14;
	v11 =	vadd.f32 v13, v12;
	v10 =	vld [tilespmem:s6+$0x4E50]  }
0x477: {  	v4 =	vadd.f32 v8, v4;
	v13 =	vld [tilespmem:s6+$0x6D60];
	v5 =	vadd.f32 v7, v5;
	v7 =	vsel vm2, $0x3F800000, v2  }
0x478: {  	v3 =	vadd.f32 v6, v3;
	v9 =	vadd.f32 v9, v15;
	v6 =	vnsel vm2, $0x0, v11;
	v8 =	vld [tilespmem:s6+$0x5DD0]  }
0x479: {  	v4 =	vadd.f32 v7, v4;
	v11 =	vld [tilespmem:s6+$0x3EA0];
	v5 =	vadd.f32 v6, v5;
	v6 =	vsel vm1, $0x0, v1  }
0x47a: {  	v9 =	vnsel vm0, $0x0, v9;
	v7 =	vld [tilespmem:s6+$0x4E40];
	v3 =	vadd.f32 v6, v3;
	v6 =	vsel vm0, $0x3F800000, v2  }
0x47b: {  	v14 =	vld [tilespmem:s6+$0x5DC0];
	v4 =	vadd.f32 v6, v4;
	v5 =	vadd.f32 v9, v5  }
0x47c: {  	vm1 =	veq.s32 v39, $0xFFFFFFFF;
	vm0 =	veq.s32 v39, $0x1;
	v6 =	vld [tilespmem:s6+$0x3E90]  }
0x47d: {  	vm6 =	veq.s32 v41, $0xFFFFFFFF;
	vm5 =	veq.s32 v33, $0xFFFFFFFF;
	vm2 =	veq.s32 v41, $0x1;
	v9 =	vld [tilespmem:s6+$0x4E30]  }
0x47e: {  	vm7 =	veq.s32 v27, $0xFFFFFFFF;
	vm4 =	veq.s32 v27, $0x1;
	vm3 =	veq.s32 v33, $0x1;
	v20 =	vld [tilespmem:s6+$0x3E80]  }
0x47f: {  	v30 =	vand.u32 $0x7FFFFFFF, v22;
	v24 =	vand.u32 $0x7FFFFFFF, v19;
	v32 =	vand.u32 $0x7FFFFFFF, v21;
	v23 =	vld [tilespmem:s6+$0x4E20]  }
0x480: {  	v35 =	vand.u32 $0x7FFFFFFF, v18;
	v12 =	vand.u32 $0x7FFFFFFF, v16;
	v37 =	vand.u32 $0x7FFFFFFF, v17  }
0x481: {  	v42 =	vand.u32 $0x7FFFFFFF, v10;
	v38 =	vand.u32 $0x7FFFFFFF, v13;
	v40 =	vand.u32 $0x7FFFFFFF, v8  }
0x482: {  	v44 =	vand.u32 $0x7FFFFFFF, v11;
	v15 =	vand.u32 $0x7FFFFFFF, v7;
	v43 =	vand.u32 $0x7FFFFFFF, v14  }
0x483: {  	v19 =	vand.u32 $0x7FFFFFFF, v6;
	v17 =	vand.u32 $0x7FFFFFFF, v9;
	v45 =	vand.u32 $0x7FFFFFFF, v20  }
0x484: {  	v7 =	vsel vm5, $0x0, v1;
	v6 =	vsel vm6, $0x0, v1;
	v46 =	vand.u32 $0x7FFFFFFF, v23  }
0x485: {  	v8 =	vsel vm3, $0x3F800000, v2;
	v11 =	vsel vm7, $0x0, v1;
	v9 =	vsel vm4, $0x3F800000, v2  }
0x486: {  	v47 =	vmin.f32 v32, $1.000000000e+00;
	v10 =	vmin.f32 v30, $1.000000000e+00;
	v13 =	vmin.f32 v24, $1.000000000e+00  }
0x487: {  	v16 =	vmin.f32 v12, $1.000000000e+00;
	v26 =	vmin.f32 v37, $1.000000000e+00;
	v14 =	vmin.f32 v35, $1.000000000e+00  }
0x488: {  	v29 =	vmin.f32 v42, $1.000000000e+00;
	v18 =	vmin.f32 v40, $1.000000000e+00;
	v23 =	vmin.f32 v38, $1.000000000e+00  }
0x489: {  	v21 =	vmin.f32 v44, $1.000000000e+00;
	v22 =	vmin.f32 v15, $1.000000000e+00;
	v20 =	vmul.f32 $5.000000000e-01, v10  }
0x48a: {  	s4 =	sadd.s32 $0x4, s4;
	v41 =	vmul.f32 $5.000000000e-01, v47;
	v39 =	vmul.f32 $5.000000000e-01, v13;
	v28 =	vmin.f32 v43, $1.000000000e+00  }
0x48b: {  	p0 =	slt.u32 s4, $0xC4;
	v25 =	vmul.f32 $5.000000000e-01, v16;
	v48 =	vmul.f32 $5.000000000e-01, v14;
	v27 =	vmin.f32 v19, $1.000000000e+00  }
0x48c: {  	v49 =	vmul.f32 $5.000000000e-01, v26;
	v50 =	vmul.f32 $5.000000000e-01, v29;
	v31 =	vmin.f32 v17, $1.000000000e+00  }
0x48d: {  	v52 =	vmul.f32 $5.000000000e-01, v18;
	v34 =	vmin.f32 v45, $1.000000000e+00;
	v51 =	vmul.f32 $5.000000000e-01, v23  }
0x48e: {  	v53 =	vmul.f32 $5.000000000e-01, v21;
	v33 =	vmul.f32 $5.000000000e-01, v22;
	v36 =	vmin.f32 v46, $1.000000000e+00  }
0x48f: {  	v24 =	vsub.f32 v24, v39;
	v54 =	vmul.f32 $5.000000000e-01, v28;
	v20 =	vsub.f32 v30, v20  }
.Ltmp14:
0x490: {  	v32 =	vsub.f32 v32, v41;
	v39 =	vmul.f32 $5.000000000e-01, v27;
	v30 =	vsub.f32 v35, v48;
	(pc) =	sbr.rel @p0 .LBB2_30-.Ltmp14, $4  }
0x491: {  	v41 =	vsub.f32 v37, v49;
	v42 =	vsub.f32 v42, v50;
	v48 =	vmul.f32 $5.000000000e-01, v34  }
0x492: {  	v35 =	vsub.f32 v40, v52;
	v49 =	vmul.f32 $5.000000000e-01, v36;
	v38 =	vsub.f32 v38, v51  }
0x493: {  	v37 =	vsub.f32 v44, v53;
	v40 =	vsub.f32 v43, v54;
	v43 =	vmul.f32 $5.000000000e-01, v31  }
0x494: {  	s5 =	sadd.s32 $0x100, s5;
	v32 =	vmul.f32 v32, v47;
	v44 =	vsub.f32 v45, v48;
	v45 =	vsub.f32 v46, v49  }
0x495: {  	v26 =	vmul.f32 v41, v26  }
0x496: {  	v19 =	vsub.f32 v19, v39;
	v29 =	vmul.f32 v42, v29;
	v28 =	vmul.f32 v40, v28  }
0x497: {  	v17 =	vsub.f32 v17, v43;
	v34 =	vmul.f32 v44, v34;
	v36 =	vmul.f32 v45, v36  }
0x498: {  	v23 =	vmul.f32 v38, v23;
	v15 =	vsub.f32 v15, v33;
	v21 =	vmul.f32 v37, v21  }
0x499: {  	v19 =	vmul.f32 v19, v27;
	v17 =	vmul.f32 v17, v31;
	v55 =	vadd.f32 v36, v34  }
0x49a: {  	v12 =	vsub.f32 v12, v25;
	v3 =	vadd.f32 v11, v3;
	v15 =	vmul.f32 v15, v22  }
0x49b: {  	v18 =	vmul.f32 v35, v18;
	v17 =	vadd.f32 v17, v19;
	v56 =	vadd.f32 v28, v55  }
0x49c: {  	v14 =	vmul.f32 v30, v14;
	v4 =	vadd.f32 v9, v4;
	v15 =	vadd.f32 v15, v21  }
0x49d: {  	v12 =	vmul.f32 v12, v16;
	v17 =	vadd.f32 v18, v17;
	v58 =	vadd.f32 v23, v56  }
0x49e: {  	v13 =	vmul.f32 v24, v13;
	v57 =	vadd.f32 v29, v26;
	v3 =	vadd.f32 v7, v3  }
0x49f: {  	v12 =	vadd.f32 v12, v15;
	v14 =	vadd.f32 v14, v17;
	v60 =	vnsel vm4, $0x0, v58  }
0x4a0: {  	v61 =	vmul.f32 v20, v10;
	v4 =	vadd.f32 v8, v4;
	v5 =	vadd.f32 v60, v5  }
0x4a1: {  	v59 =	vadd.f32 v32, v57;
	v62 =	vadd.f32 v13, v12;
	v7 =	vnsel vm3, $0x0, v14  }
0x4a2: {  	v3 =	vadd.f32 v6, v3;
	v5 =	vadd.f32 v7, v5  }
0x4a3: {  	v63 =	vadd.f32 v61, v59;
	v6 =	vnsel vm2, $0x0, v62;
	v7 =	vsel vm2, $0x3F800000, v2  }
0x4a4: {  	v4 =	vadd.f32 v7, v4;
	v6 =	vadd.f32 v6, v5;
	v5 =	vsel vm1, $0x0, v1  }
0x4a5: {  	v7 =	vnsel vm0, $0x0, v63;
	v5 =	vadd.f32 v5, v3;
	v3 =	vsel vm0, $0x3F800000, v2  }
0x4a6: {  	v4 =	vadd.f32 v3, v4;
	v3 =	vadd.f32 v7, v6  }
.LBB2_32:
0x4a7: {  	s4 =	sshra.s32 s3, $0x2  }
0x4a8: {  	v6 =	vld [tilespmem:s4+$0x4B00]  }
0x4a9: {  	v7 =	vld [tilespmem:s4+$0x5AA0]  }
0x4aa: {  	v8 =	vld [tilespmem:s4+$0x6A40]  }
0x4ab: {  	v9 =	vld [tilespmem:s4+$0x79E0];
	_ =	sdelay $0x2  }
0x4ac: {  	v6 =	vand.u32 $0x7FFFFFFF, v6;
	v7 =	vand.u32 $0x7FFFFFFF, v7  }
0x4ad: {  	v8 =	vand.u32 $0x7FFFFFFF, v8;
	v10 =	vmin.f32 v6, $1.000000000e+00;
	v12 =	vmin.f32 v7, $1.000000000e+00  }
0x4ae: {  	v9 =	vand.u32 $0x7FFFFFFF, v9;
	v11 =	vmul.f32 $5.000000000e-01, v10;
	v13 =	vmul.f32 $5.000000000e-01, v12  }
0x4af: {  	v58 =	vmin.f32 v8, $1.000000000e+00;
	v60 =	vmin.f32 v9, $1.000000000e+00  }
0x4b0: {  	v59 =	vmul.f32 $5.000000000e-01, v58;
	v6 =	vsub.f32 v6, v11;
	v7 =	vsub.f32 v7, v13  }
0x4b1: {  	v61 =	vmul.f32 $5.000000000e-01, v60  }
0x4b2: {  	v8 =	vsub.f32 v8, v59;
	v6 =	vmul.f32 v6, v10;
	v7 =	vmul.f32 v7, v12  }
0x4b3: {  	v62 =	vld [tilespmem:s4+$0x9920]  }
0x4b4: {  	v63 =	vsub.f32 v9, v61;
	v6 =	vadd.f32 v7, v6;
	v7 =	vmul.f32 v8, v58;
	_ =	sdelay $0x1  }
0x4b5: {  	p0 =	sne.s32 s3, $0x80;
	v6 =	vadd.f32 v7, v6;
	v7 =	vmul.f32 v63, v60  }
.Ltmp15:
0x4b6: {  	_ = 	snop;
	(pc) =	sbr.rel @p0 .LBB2_32-.Ltmp15, $4  }
0x4b7: {  	vm0 =	veq.s32 v62, $0xFFFFFFFF;
	v6 =	vadd.f32 v7, v6  }
0x4b8: {  	vm15 =	veq.s32 v62, $0x1;
	v7 =	vsel vm0, $0x0, v1  }
0x4b9: {  	v5 =	vadd.f32 v7, v5;
	v7 =	vsel vm15, $0x3F800000, v2;
	v6 =	vnsel vm15, $0x0, v6  }
0x4ba: {  	s3 =	sadd.s32 $0x40, s3;
	v4 =	vadd.f32 v7, v4;
	v3 =	vadd.f32 v6, v3  }
0x4bb: {  	_ =	swait.ge [sflag:s29], $0x40  }
0x4bc: {  	[sflag:s29] =	ssyncset.done $0x0  }
0x4bd: {  	[sflag:s29] =	ssyncadd.s32 $0xFFFFFFC0  }
0x4be: {  	_ =	swait.ge [sflag:s29], $0x40  }
0x4bf: {  	[sflag:s29] =	ssyncset.done $0x0  }
0x4c0: {  	[sflag:s29] =	ssyncadd.s32 $0xFFFFFFC0  }
0x4c1: {  	_ =	swait.ge [sflag:s29], $0x40  }
0x4c2: {  	[sflag:s29] =	ssyncset.done $0x0  }
0x4c3: {  	[sflag:s29] =	ssyncadd.s32 $0xFFFFFFC0  }
0x4c4: {  	_ =	swait.ge [sflag:s29], $0x40  }
0x4c5: {  	[sflag:s29] =	ssyncset.done $0x0  }
0x4c6: {  	[sflag:s29] =	ssyncadd.s32 $0xFFFFFFC0  }
0x4c7: {  	_ =	swait.ge [sflag:s29], $0x40  }
0x4c8: {  	[sflag:s29] =	ssyncset.done $0x0  }
0x4c9: {  	[sflag:s29] =	ssyncadd.s32 $0xFFFFFFC0  }
0x4ca: {  	v6 =	vld [tilespmem:$0x0]  }
0x4cb: {  	v7 =	vld [tilespmem:$0xFA0]  }
0x4cc: {  	v8 =	vld [tilespmem:$0x1F40]  }
0x4cd: {  	v10 =	vld [tilespmem:$0x2EE0]  }
0x4ce: {  	v14 =	vld [tilespmem:$0x7D00]  }
0x4cf: {  	v15 =	vld [tilespmem:$0x10]  }
0x4d0: {  	v47 =	vld [tilespmem:$0xFB0]  }
0x4d1: {  	v54 =	vld [tilespmem:$0x1F50]  }
0x4d2: {  	v18 =	vld [tilespmem:$0xFC0]  }
0x4d3: {  	v63 =	vld [tilespmem:$0x1F60]  }
0x4d4: {  	v30 =	vld [tilespmem:$0xFD0]  }
0x4d5: {  	v39 =	vld [tilespmem:$0x2F10]  }
0x4d6: {  	v6 =	vand.u32 $0x7FFFFFFF, v6;
	v7 =	vand.u32 $0x7FFFFFFF, v7  }
0x4d7: {  	v8 =	vand.u32 $0x7FFFFFFF, v8;
	v46 =	vand.u32 $0x7FFFFFFF, v10;
	vm0 =	veq.s32 v14, $0xFFFFFFFF  }
0x4d8: {  	v52 =	vand.u32 $0x7FFFFFFF, v15;
	v53 =	vand.u32 $0x7FFFFFFF, v47;
	vm10 =	veq.s32 v14, $0x1  }
0x4d9: {  	v10 =	vand.u32 $0x7FFFFFFF, v54;
	v62 =	vand.u32 $0x7FFFFFFF, v18;
	v31 =	vand.u32 $0x7FFFFFFF, v63  }
0x4da: {  	v38 =	vand.u32 $0x7FFFFFFF, v30;
	v47 =	vand.u32 $0x7FFFFFFF, v39;
	v9 =	vmin.f32 v6, $1.000000000e+00  }
0x4db: {  	v12 =	vmin.f32 v7, $1.000000000e+00;
	v44 =	vmin.f32 v8, $1.000000000e+00;
	v48 =	vmin.f32 v46, $1.000000000e+00  }
0x4dc: {  	v55 =	vmin.f32 v52, $1.000000000e+00;
	v56 =	vmin.f32 v53, $1.000000000e+00;
	v58 =	vsel vm0, $0x0, v0  }
0x4dd: {  	v14 =	vnsel vm10, $0x0, v0;
	v60 =	vmin.f32 v10, $1.000000000e+00;
	v25 =	vmin.f32 v62, $1.000000000e+00  }
0x4de: {  	v15 =	vmin.f32 v31, $1.000000000e+00;
	v11 =	vmul.f32 $5.000000000e-01, v9;
	v13 =	vmul.f32 $5.000000000e-01, v12  }
0x4df: {  	v57 =	vld [tilespmem:$0x20];
	v41 =	vmin.f32 v38, $1.000000000e+00;
	v45 =	vmul.f32 $5.000000000e-01, v44;
	v49 =	vmul.f32 $5.000000000e-01, v48  }
0x4e0: {  	v32 =	vld [tilespmem:$0x2F00];
	v16 =	vmul.f32 $5.000000000e-01, v55;
	v17 =	vmul.f32 $5.000000000e-01, v56;
	v5 =	vadd.f32 v58, v5  }
0x4e1: {  	v4 =	vadd.f32 v14, v4;
	v61 =	vmul.f32 $5.000000000e-01, v60;
	v20 =	vmul.f32 $5.000000000e-01, v25  }
0x4e2: {  	v35 =	vmul.f32 $5.000000000e-01, v15;
	v6 =	vsub.f32 v6, v11;
	v7 =	vsub.f32 v7, v13  }
0x4e3: {  	v29 =	vld [tilespmem:$0x30];
	v43 =	vmul.f32 $5.000000000e-01, v41;
	v8 =	vsub.f32 v8, v45;
	v51 =	vsub.f32 v46, v49  }
0x4e4: {  	v13 =	vand.u32 $0x7FFFFFFF, v57;
	v27 =	vsub.f32 v10, v61;
	v14 =	vsub.f32 v62, v20  }
0x4e5: {  	v58 =	vld [tilespmem:$0x7D30];
	v11 =	vand.u32 $0x7FFFFFFF, v32;
	v49 =	vmin.f32 v47, $1.000000000e+00;
	v24 =	vmin.f32 v13, $1.000000000e+00  }
0x4e6: {  	v42 =	vmin.f32 v11, $1.000000000e+00;
	v6 =	vmul.f32 v6, v9;
	v7 =	vmul.f32 v7, v12  }
0x4e7: {  	v33 =	vld [tilespmem:$0x1F70];
	v50 =	vmul.f32 v8, v44;
	v8 =	vmul.f32 v51, v48;
	v9 =	vsub.f32 v53, v17  }
0x4e8: {  	v19 =	vmul.f32 $5.000000000e-01, v24;
	v14 =	vmul.f32 v14, v25;
	v12 =	vand.u32 $0x7FFFFFFF, v29  }
0x4e9: {  	v45 =	vld [tilespmem:$0x7D10];
	v21 =	vmul.f32 $5.000000000e-01, v42;
	v51 =	vmul.f32 $5.000000000e-01, v49;
	v37 =	vmin.f32 v12, $1.000000000e+00  }
0x4ea: {  	vm14 =	veq.s32 v58, $0x1;
	vm15 =	veq.s32 v58, $0xFFFFFFFF;
	v6 =	vadd.f32 v7, v6  }
0x4eb: {  	v59 =	vld [tilespmem:$0x2EF0];
	v7 =	vsub.f32 v52, v16;
	v9 =	vmul.f32 v9, v56;
	v13 =	vsub.f32 v13, v19  }
0x4ec: {  	v40 =	vmul.f32 $5.000000000e-01, v37;
	v16 =	vand.u32 $0x7FFFFFFF, v33;
	v11 =	vsub.f32 v11, v21  }
0x4ed: {  	v54 =	vsub.f32 v47, v51;
	v62 =	vsel vm15, $0x0, v0;
	v44 =	vmin.f32 v16, $1.000000000e+00  }
0x4ee: {  	vm11 =	veq.s32 v45, $0xFFFFFFFF;
	vm1 =	veq.s32 v45, $0x1;
	v6 =	vadd.f32 v50, v6  }
0x4ef: {  	v7 =	vmul.f32 v7, v55;
	v13 =	vmul.f32 v13, v24;
	v12 =	vsub.f32 v12, v40  }
0x4f0: {  	v46 =	vmul.f32 $5.000000000e-01, v44;
	v6 =	vadd.f32 v8, v6;
	v8 =	vand.u32 $0x7FFFFFFF, v59  }
0x4f1: {  	v7 =	vadd.f32 v9, v7;
	v9 =	vmul.f32 v27, v60;
	v26 =	vmin.f32 v8, $1.000000000e+00  }
0x4f2: {  	v50 =	vmul.f32 v11, v42;
	v36 =	vadd.f32 v14, v13;
	v28 =	vmul.f32 $5.000000000e-01, v26  }
0x4f3: {  	v56 =	vsel vm11, $0x0, v0;
	v13 =	vsub.f32 v38, v43;
	v34 =	vadd.f32 v9, v7  }
0x4f4: {  	v55 =	vld [tilespmem:$0x7D20];
	v6 =	vmul.f32 v6, v0;
	v7 =	vsub.f32 v31, v35;
	v8 =	vsub.f32 v8, v28  }
0x4f5: {  	v10 =	vmul.f32 v12, v37;
	v48 =	vsub.f32 v16, v46;
	v13 =	vmul.f32 v13, v41  }
0x4f6: {  	v6 =	vnsel vm10, $0x0, v6;
	v7 =	vmul.f32 v7, v15;
	v8 =	vmul.f32 v8, v26  }
0x4f7: {  	v57 =	vnsel vm1, $0x0, v0;
	v52 =	vadd.f32 v13, v10;
	v3 =	vadd.f32 v6, v3  }
0x4f8: {  	v53 =	vmul.f32 v48, v44;
	v7 =	vadd.f32 v7, v36;
	v6 =	vadd.f32 v8, v34  }
0x4f9: {  	v5 =	vadd.f32 v56, v5;
	v9 =	vmul.f32 v54, v49;
	vm12 =	veq.s32 v55, $0xFFFFFFFF  }
0x4fa: {  	v7 =	vadd.f32 v50, v7;
	v8 =	vadd.f32 v53, v52;
	v6 =	vmul.f32 v6, v0  }
0x4fb: {  	v4 =	vadd.f32 v57, v4;
	vm13 =	veq.s32 v55, $0x1;
	v59 =	vsel vm12, $0x0, v0  }
0x4fc: {  	v8 =	vadd.f32 v9, v8;
	v7 =	vmul.f32 v7, v0;
	v6 =	vnsel vm1, $0x0, v6  }
0x4fd: {  	v60 =	vnsel vm13, $0x0, v0;
	v5 =	vadd.f32 v59, v5;
	v3 =	vadd.f32 v6, v3  }
0x4fe: {  	v4 =	vadd.f32 v60, v4;
	v7 =	vnsel vm13, $0x0, v7;
	v8 =	vmul.f32 v8, v0  }
0x4ff: {  	v63 =	vnsel vm14, $0x0, v0;
	v5 =	vadd.f32 v62, v5;
	v3 =	vadd.f32 v7, v3  }
0x500: {  	v4 =	vadd.f32 v63, v4;
	v61 =	vnsel vm14, $0x0, v8  }
0x501: {  	s0 =	sadd.s32 $0x1, s0;
	[tilespmem:$0x9C50] =	vst v5;
	v3 =	vadd.f32 v61, v3  }
0x502: {  	p0 =	sne.s32 s0, s19;
	[tilespmem:$0x9C60] =	vst v4  }
.Ltmp16:
0x503: {  	s3 =	simm.s32 $0x9C40;
	[tilespmem:$0x9C40] =	vst v3;
	(pc) =	sbr.rel @p0 .LBB2_1-.Ltmp16, $4  }
0x504: {  	[hbm4b:s18+s2] =	stream.linear.scatter [tilespmem:s3], [sflag:$0x3], $0x30, $0x38;
	[tilespmem:$0x9C70] =	vst v63  }
0x505: {  	_ =	swait.ge [sflag:s1], $0x30  }
0x506: {  	[sflag:s1] =	ssyncset.done $0x0  }
0x507: {  	[sflag:s1] =	ssyncadd.s32 $0xFFFFFFD0  }
0x508: {  	_ =	sfence.sel $0x180000  }
0x509: {  	[bflag:$0x0] =	sbarrier.arrive $0xFFFF  }
0x50a: {  	_ =	strace $0x90000047  }
0x50b: {  	s0 =	stileid.u32;
	[bflag:$0x2] =	sbarrier.arrive $0xFFFF  }
0x50c: {  	p0 =	sne.s32 s0, $0x0;
	s0 =	rddreg [dreg:$0x2]  }
0x50d: {  	s0 =	sadd.s32 @!p0 $0x100000, s0  }
0x50e: {  	[sflag:s0] =	ssyncadd.tile.s32 @!p0 $0x1;
	_ =	shalt  }
.Lfunc_end2:
_tile_overlayer_lowered:
.L_overlay_start_2:
0x50f: {  	(tag) =	ssettag $0x2  }
0x510: {  	s0 =	rddreg [dreg:$0x0];
	s2 =	stileid.u32  }
0x511: {  	s1 =	rddreg [dreg:$0x1];
	p0 =	sne.s32 s2, $0x0  }
0x512: {  	s3 =	rddreg [dreg:$0x2];
	[bflag:$0x3] =	sbarrier.arrive $0xFFFF;
	s2 =	simm.s32 @!p0 $0x1C03  }
0x513: {  	[timem:s3], [sflag:s2] =	dma.local @!p0 [hbm:s0], s1  }
0x514: {  	s0 =	simm.s32 @!p0 $0x3  }
0x515: {  	_ =	swait.ge @!p0 [sflag:s0], s1  }
0x516: {  	s1 =	ssub.s32 @!p0 $0x0, s1;
	[sflag:s0] =	ssyncset.done @!p0 $0x0  }
0x517: {  	[sflag:s0] =	ssyncadd.s32 @!p0 s1  }
0x518: {  	[bflag:$0x3] =	sbarrier.arrive $0xFFFF  }
0x519: {  	_ =	shalt  }

</sc_bundles>
